<compile_context>
chip_gen: v7x
topology: tpu7x:2x2x1
jax: 0.10.2.dev20260603
libtpu: 0.0.44.dev20260713+nightly
codegen_flags: <defaults>
</compile_context>

<pallas_src>
import functools

import jax
import jax.numpy as jnp
from jax import lax
from jax.experimental import pallas as pl
from jax.experimental.pallas import tpu as pltpu
from jax.experimental.pallas import tpu_sc as plsc

N = 50000
E = 800000
EMB = 64
B = 64
NUM_LAYERS = 3
MAX_DEPTH = 20
EPS = 1e-5

HALF = 32
CHUNK = 128
NS = 16
E_PAD = 800768
E_SUB = E_PAD // NS
NCHUNKS = E_SUB // CHUNK
N_PAD = 51200
ROWS_SUB = N_PAD // NS
NROWCP = ROWS_SUB // CHUNK


def _edge_sc_call(hxr, row2f, colf, ebnf):
    mesh = plsc.VectorSubcoreMesh(core_axis_name="c", subcore_axis_name="s")

    @functools.partial(
        pl.kernel,
        mesh=mesh,
        compiler_params=pltpu.CompilerParams(use_tc_tiling_on_sc=False),
        out_type=jax.ShapeDtypeStruct((2 * N_PAD, HALF), jnp.float32),
        scratch_types=[
            pltpu.VMEM((1, CHUNK), jnp.int32),
            pltpu.VMEM((1, CHUNK), jnp.int32),
            pltpu.VMEM((CHUNK, HALF), jnp.float32),
            pltpu.VMEM((CHUNK, EMB), jnp.float32),
            pltpu.VMEM((CHUNK, HALF), jnp.float32),
            pltpu.VMEM_SHARED((N_PAD, HALF), jnp.float32),
            pltpu.SemaphoreType.DMA,
            pltpu.SemaphoreType.DMA,
        ],
    )
    def ek(hxr_h, row2_h, col_h, ebn_h, out_h,
           idxg, idxs, rows_v, eb_v, zb_v, acc, sem, sem2):
        c = lax.axis_index("c")
        s = lax.axis_index("s")
        zero16 = jnp.zeros((16,), jnp.float32)

        @pl.loop(0, CHUNK)
        def _zb(i):
            zb_v[i, pl.ds(0, 16)] = zero16
            zb_v[i, pl.ds(16, 16)] = zero16

        base0 = s * ROWS_SUB

        @pl.loop(0, NROWCP)
        def _za(i):
            pltpu.sync_copy(zb_v, acc.at[pl.ds(base0 + i * CHUNK, CHUNK)])

        plsc.subcore_barrier()

        ebase = s * E_SUB

        @pl.loop(0, E_SUB)
        def _edges(e):
            j = e // CHUNK
            within = e % CHUNK

            @pl.when(within == 0)
            def _fetch():
                off = ebase + j * CHUNK
                cp_col = pltpu.async_copy(col_h.at[pl.ds(off, CHUNK)],
                                          idxs.at[0], sem2)
                cp_eb = pltpu.async_copy(
                    ebn_h.at[pl.ds(c * E_PAD + off, CHUNK)], eb_v, sem2)
                pltpu.sync_copy(row2_h.at[pl.ds(c * E_PAD + off, CHUNK)],
                                idxg.at[0])
                cp_g = pltpu.async_copy(hxr_h.at[idxg.at[0]], rows_v, sem)
                cp_g.wait()
                cp_col.wait()
                cp_eb.wait()

            for half in range(2):
                sl = pl.ds(half * 16, 16)
                nsl = pl.ds(HALF + half * 16, 16)
                rows_v[within, sl] = (
                    jnp.maximum(rows_v[within, sl] + eb_v[within, sl], 0.0)
                    * eb_v[within, nsl])

            @pl.when(within == CHUNK - 1)
            def _scat():
                pltpu.sync_copy(rows_v, acc.at[idxs.at[0]], add=True)

        plsc.subcore_barrier()

        @pl.loop(0, NROWCP)
        def _wb(i):
            off = base0 + i * CHUNK
            pltpu.sync_copy(acc.at[pl.ds(off, CHUNK)],
                            out_h.at[pl.ds(c * N_PAD + off, CHUNK)])

    return ek(hxr, row2f, colf, ebnf)


def _batchnorm(h, gamma, beta):
    mean = h.mean(axis=0)
    var = ((h - mean) ** 2).mean(axis=0)
    return (h - mean) / jnp.sqrt(var + EPS) * gamma + beta


def kernel(edge_attr, params, x, node_depth, edge_index, batch):
    row, col = edge_index[0], edge_index[1]

    deg = jax.ops.segment_sum(jnp.ones((E,), jnp.float32), row,
                              num_segments=N) + 1.0
    dis = deg ** -0.5
    norm = dis[row] * dis[col]

    rowp = jnp.pad(row, (0, E_PAD - E)).astype(jnp.int32)
    row2f = jnp.concatenate([2 * rowp, 2 * rowp + 1])
    colf = jnp.pad(col, (0, E_PAD - E),
                   constant_values=N_PAD - 1).astype(jnp.int32)
    normp = jnp.pad(norm, (0, E_PAD - E))
    nbf = jnp.broadcast_to(normp[:, None], (E_PAD, HALF))
    nb2 = jnp.concatenate([nbf, nbf], axis=0)

    depth = jnp.minimum(node_depth, MAX_DEPTH)
    h = (params['type_emb'][x[:, 0]]
         + params['attr_emb'][x[:, 1]]
         + params['depth_emb'][depth])
    vn = params['vn_emb'][jnp.zeros((B,), dtype=jnp.int32)]

    for layer in range(NUM_LAYERS):
        p = params['convs'][layer]
        h = h + vn[batch]
        hx = h @ p['lin_W'] + p['lin_b']

        ee = edge_attr @ p['edge_W'] + p['edge_b']
        eep = jnp.pad(ee, ((0, E_PAD - E), (0, 0)))
        eef = jnp.concatenate([eep[:, :HALF], eep[:, HALF:]], axis=0)
        ebnf = jnp.concatenate([eef, nb2], axis=1)
        hxr = hx.reshape(2 * N, HALF)

        out2 = _edge_sc_call(hxr, row2f, colf, ebnf)
        agg = jnp.concatenate([out2[:N], out2[N_PAD:N_PAD + N]], axis=1)

        h = agg + jax.nn.relu(hx + p['bias']) / deg[:, None]
        h = _batchnorm(h, params['bn_gamma'][layer], params['bn_beta'][layer])
        if layer == NUM_LAYERS - 1:
            break
        h = jax.nn.relu(h)
        vn = vn + jax.ops.segment_sum(h, batch, num_segments=B)
        mp = params['mlps'][layer]
        v = vn @ mp['W1'] + mp['b1']
        v = _batchnorm(v, mp['g1'], mp['bt1'])
        v = jax.nn.relu(v)
        vn = v @ mp['W2'] + mp['b2']
    return h

# --- scband reference (transcript-rebuilt; emitter-appended) ---
"""Pipeline reference for scband-virtual-node-encoder-64201171140702 (READ-ONLY COPY).

The authoritative reference and input builder live on the scoring server;
editing this copy changes nothing except your own understanding.
"""

import jax, jax.numpy as jnp
import numpy as np

N = 50000
E = 800000
EMB = 64
B = 64
NUM_LAYERS = 3
NUM_TYPES = 100
NUM_ATTR = 10000
MAX_DEPTH = 20
EPS = 1e-5


def setup_inputs(seed: int = 0):
    key = jax.random.key(seed)
    ks = jax.random.split(key, 40)
    x = jax.random.randint(ks[0], (N, 2), 0, NUM_TYPES)
    node_depth = jax.random.randint(ks[1], (N,), 0, 30)
    edge_index = jax.random.randint(ks[2], (2, E), 0, N)
    edge_attr = jax.random.normal(ks[3], (E, 2), dtype=jnp.float32)
    batch = jnp.sort(jax.random.randint(ks[4], (N,), 0, B))

    def nrm(k, shape, scale=0.05):
        return jax.random.normal(k, shape, dtype=jnp.float32) * scale

    params = {
        'type_emb': nrm(ks[5], (NUM_TYPES, EMB)),
        'attr_emb': nrm(ks[6], (NUM_ATTR, EMB)),
        'depth_emb': nrm(ks[7], (MAX_DEPTH + 1, EMB)),
        'vn_emb': jnp.zeros((1, EMB), jnp.float32),
        'convs': [], 'bn_gamma': [], 'bn_beta': [], 'mlps': [],
    }
    ki = 8
    for _ in range(NUM_LAYERS):
        params['convs'].append({
            'lin_W': nrm(ks[ki], (EMB, EMB)),
            'lin_b': jnp.zeros((EMB,), jnp.float32),
            'edge_W': nrm(ks[ki + 1], (2, EMB)),
            'edge_b': jnp.zeros((EMB,), jnp.float32),
            'bias': nrm(ks[ki + 2], (EMB,)),
        })
        params['bn_gamma'].append(jnp.ones((EMB,), jnp.float32))
        params['bn_beta'].append(jnp.zeros((EMB,), jnp.float32))
        ki += 3
    for _ in range(NUM_LAYERS - 1):
        params['mlps'].append({
            'W1': nrm(ks[ki], (EMB, 2 * EMB)),
            'b1': jnp.zeros((2 * EMB,), jnp.float32),
            'g1': jnp.ones((2 * EMB,), jnp.float32),
            'bt1': jnp.zeros((2 * EMB,), jnp.float32),
            'W2': nrm(ks[ki + 1], (2 * EMB, EMB)),
            'b2': jnp.zeros((EMB,), jnp.float32),
        })
        ki += 2
    return {'edge_attr': edge_attr, 'params': params, 'x': x,
            'node_depth': node_depth, 'edge_index': edge_index, 'batch': batch}


def _batchnorm(h, gamma, beta):
    mean = h.mean(axis=0)
    var = ((h - mean) ** 2).mean(axis=0)
    return (h - mean) / jnp.sqrt(var + EPS) * gamma + beta


def _gcn_conv(h, edge_index, edge_attr, p):
    hx = h @ p['lin_W'] + p['lin_b']
    ee = edge_attr @ p['edge_W'] + p['edge_b']
    row, col = edge_index[0], edge_index[1]
    deg = jax.ops.segment_sum(jnp.ones((E,), hx.dtype), row, num_segments=N) + 1.0
    dis = deg ** -0.5
    dis = jnp.where(jnp.isinf(dis), 0.0, dis)
    norm = dis[row] * dis[col]
    msg = norm[:, None] * jax.nn.relu(hx[row] + ee)
    out = jax.ops.segment_sum(msg, col, num_segments=N)
    out = out + jax.nn.relu(hx + p['bias']) / deg[:, None]
    return out


def reference(edge_attr, params, x, node_depth, edge_index, batch):
    depth = jnp.minimum(node_depth, MAX_DEPTH)
    h = (params['type_emb'][x[:, 0]]
         + params['attr_emb'][x[:, 1]]
         + params['depth_emb'][depth])
    vn = params['vn_emb'][jnp.zeros((B,), dtype=jnp.int32)]
    for layer in range(NUM_LAYERS):
        h = h + vn[batch]
        h = _gcn_conv(h, edge_index, edge_attr, params['convs'][layer])
        h = _batchnorm(h, params['bn_gamma'][layer], params['bn_beta'][layer])
        if layer == NUM_LAYERS - 1:
            break
        h = jax.nn.relu(h)
        vn = vn + jax.ops.segment_sum(h, batch, num_segments=B)
        mp = params['mlps'][layer]
        v = vn @ mp['W1'] + mp['b1']
        v = _batchnorm(v, mp['g1'], mp['bt1'])
        v = jax.nn.relu(v)
        vn = v @ mp['W2'] + mp['b2']
    return h

if __name__ == "__main__":
    import jax
    _d = setup_inputs()
    print(jax.jit(kernel)(*tuple(_d.values())))

</pallas_src>

<mosaic_0001>
#map = affine_map<(d0, d1) -> (0, 0)>
#map1 = affine_map<(d0, d1) -> (0)>
module attributes {stable_mosaic.version = 14 : i64} {
  func.func @ek(%arg0: i32, %arg1: i32, %arg2: memref<100000x32xf32, #tpu.memory_space<hbm>>, %arg3: memref<1601536xi32, #tpu.memory_space<hbm>>, %arg4: memref<800768xi32, #tpu.memory_space<hbm>>, %arg5: memref<1601536x64xf32, #tpu.memory_space<hbm>>, %arg6: memref<102400x32xf32, #tpu.memory_space<hbm>>, %arg7: memref<1x128xi32, #tpu.memory_space<vmem>>, %arg8: memref<1x128xi32, #tpu.memory_space<vmem>>, %arg9: memref<128x32xf32, #tpu.memory_space<vmem>>, %arg10: memref<128x64xf32, #tpu.memory_space<vmem>>, %arg11: memref<128x32xf32, #tpu.memory_space<vmem>>, %arg12: memref<51200x32xf32, #tpu.memory_space<vmem_shared>>, %arg13: memref<!tpu.dma_semaphore, #tpu.memory_space<semaphore_mem>>, %arg14: memref<!tpu.dma_semaphore, #tpu.memory_space<semaphore_mem>>) attributes {dimension_semantics = [#tpu.dimension_semantics<core_parallel>, #tpu.dimension_semantics<subcore_parallel>], iteration_bounds = array<i64: 2, 16>, scalar_prefetch = 0 : i64, scratch_operands = 8 : i64, tpu.core_type = #tpu.core_type<sc_vector_subcore>, window_params = [{transform_indices = #map}, {transform_indices = #map1}, {transform_indices = #map1}, {transform_indices = #map}, {transform_indices = #map}]} {
    %broadcast_in_dim3A = arith.constant 0.000000e+00 : f32
    %broadcast_in_dim3A_0 = vector.broadcast %broadcast_in_dim3A : f32 to vector<16xf32>
    %scan3A = arith.constant 0 : i32
    %scan3A_1 = arith.constant 128 : i32
    %scan3A_2 = arith.addi %scan3A, %scan3A_1 : i32
    %scan3A_3 = arith.constant 1 : i32
    scf.for %scan3A_24 = %scan3A to %scan3A_2 step %scan3A_3  : i32 {
      %mul3A_25 = arith.constant 1 : i32
      %mul3A_26 = arith.muli %scan3A_24, %mul3A_25 : i32
      %add3A = arith.constant 0 : i32
      %add3A_27 = arith.addi %add3A, %mul3A_26 : i32
      %swap3A = arith.index_cast %add3A_27 : i32 to index
      %swap3A_28 = arith.constant 0 : index
      %swap3A_29 = tpu.vector_load %arg11[%swap3A, %swap3A_28] {strides = array<i32>} : memref<128x32xf32, #tpu.memory_space<vmem>>, vector<1x16xf32>,
      %swap3A_30 = vector.shape_cast %swap3A_29 : vector<1x16xf32> to vector<16xf32>
      %swap3A_31 = vector.shape_cast %broadcast_in_dim3A_0 : vector<16xf32> to vector<1x16xf32>
      tpu.vector_store %arg11[%swap3A, %swap3A_28], %swap3A_31 {strides = array<i32>} : memref<128x32xf32, #tpu.memory_space<vmem>>, vector<1x16xf32>,
      %swap3A_32 = arith.index_cast %add3A_27 : i32 to index
      %swap3A_33 = arith.constant 16 : index
      %swap3A_34 = tpu.vector_load %arg11[%swap3A_32, %swap3A_33] {strides = array<i32>} : memref<128x32xf32, #tpu.memory_space<vmem>>, vector<1x16xf32>,
      %swap3A_35 = vector.shape_cast %swap3A_34 : vector<1x16xf32> to vector<16xf32>
      %swap3A_36 = vector.shape_cast %broadcast_in_dim3A_0 : vector<16xf32> to vector<1x16xf32>
      tpu.vector_store %arg11[%swap3A_32, %swap3A_33], %swap3A_36 {strides = array<i32>} : memref<128x32xf32, #tpu.memory_space<vmem>>, vector<1x16xf32>,
    }
    %scan3A_4 = arith.constant 128 : i32
    %mul3A = arith.constant 3200 : i32
    %mul3A_5 = arith.muli %arg1, %mul3A : i32
    %scan3A_6 = arith.constant 0 : i32
    %scan3A_7 = arith.constant 25 : i32
    %scan3A_8 = arith.addi %scan3A_6, %scan3A_7 : i32
    %scan3A_9 = arith.constant 1 : i32
    scf.for %scan3A_24 = %scan3A_6 to %scan3A_8 step %scan3A_9  : i32 {
      %mul3A_25 = arith.constant 1 : i32
      %mul3A_26 = arith.muli %scan3A_24, %mul3A_25 : i32
      %add3A = arith.constant 0 : i32
      %add3A_27 = arith.addi %add3A, %mul3A_26 : i32
      %mul3A_28 = arith.constant 128 : i32
      %mul3A_29 = arith.muli %add3A_27, %mul3A_28 : i32
      %add3A_30 = arith.addi %mul3A_5, %mul3A_29 : i32
      "tpu.region"() ({
        %run_scoped3A = tpu.sem_alloc : memref<!tpu.dma_semaphore, #tpu.memory_space<semaphore_mem>>
        %dma_start3A = arith.constant 0 : i32
        %dma_start3A_31 = tpu.memref_slice %arg12[%add3A_30, %dma_start3A] : memref<51200x32xf32, #tpu.memory_space<vmem_shared>> -> memref<128x32xf32, #tpu.memory_space<vmem_shared>>
        %dma_start3A_32 = arith.constant 0 : i32
        %dma_start3A_33 = tpu.memref_slice %arg12[%add3A_30, %dma_start3A_32] : memref<51200x32xf32, #tpu.memory_space<vmem_shared>> -> memref<128x32xf32, #tpu.memory_space<vmem_shared>>
        tpu.enqueue_dma source(%arg11 : memref<128x32xf32, #tpu.memory_space<vmem>>) target(%dma_start3A_33 : memref<128x32xf32, #tpu.memory_space<vmem_shared>>) target_semaphore(%run_scoped3A : memref<!tpu.dma_semaphore, #tpu.memory_space<semaphore_mem>>)
        %dma_wait3A = arith.constant 0 : i32
        %dma_wait3A_34 = tpu.memref_slice %arg12[%add3A_30, %dma_wait3A] : memref<51200x32xf32, #tpu.memory_space<vmem_shared>> -> memref<128x32xf32, #tpu.memory_space<vmem_shared>>
        %dma_wait3A_35 = arith.constant 0 : i32
        %dma_wait3A_36 = tpu.memref_slice %arg12[%add3A_30, %dma_wait3A_35] : memref<51200x32xf32, #tpu.memory_space<vmem_shared>> -> memref<128x32xf32, #tpu.memory_space<vmem_shared>>
        tpu.wait_dma2 semaphore(%run_scoped3A : memref<!tpu.dma_semaphore, #tpu.memory_space<semaphore_mem>>) src(%arg11 : memref<128x32xf32, #tpu.memory_space<vmem>>) dst(%dma_wait3A_36 : memref<128x32xf32, #tpu.memory_space<vmem_shared>>)
        tpu.yield
      }) : () -> ()
    }
    %scan3A_10 = arith.constant 25 : i32
    %barrier3A = arith.constant 0 : index
    tpu.barrier barrier_id(%barrier3A)
    %mul3A_11 = arith.constant 50048 : i32
    %mul3A_12 = arith.muli %arg1, %mul3A_11 : i32
    %scan3A_13 = arith.constant 0 : i32
    %scan3A_14 = arith.constant 50048 : i32
    %scan3A_15 = arith.addi %scan3A_13, %scan3A_14 : i32
    %scan3A_16 = arith.constant 1 : i32
    scf.for %scan3A_24 = %scan3A_13 to %scan3A_15 step %scan3A_16  : i32 {
      %mul3A_25 = arith.constant 1 : i32
      %mul3A_26 = arith.muli %scan3A_24, %mul3A_25 : i32
      %add3A = arith.constant 0 : i32
      %add3A_27 = arith.addi %add3A, %mul3A_26 : i32
      %jit3A = arith.constant 128 : i32
      %div3A = arith.divsi %add3A_27, %jit3A : i32
      %sign3A = arith.constant 0 : i32
      %sign3A_28 = arith.cmpi sgt, %add3A_27, %sign3A : i32
      %sign3A_29 = arith.extui %sign3A_28 : i1 to i32
      %sign3A_30 = arith.constant 0 : i32
      %sign3A_31 = arith.cmpi slt, %add3A_27, %sign3A_30 : i32
      %sign3A_32 = arith.extui %sign3A_31 : i1 to i32
      %sign3A_33 = arith.subi %sign3A_29, %sign3A_32 : i32
      %sign3A_34 = arith.constant 0 : i32
      %sign3A_35 = arith.cmpi sgt, %jit3A, %sign3A_34 : i32
      %sign3A_36 = arith.extui %sign3A_35 : i1 to i32
      %sign3A_37 = arith.constant 0 : i32
      %sign3A_38 = arith.cmpi slt, %jit3A, %sign3A_37 : i32
      %sign3A_39 = arith.extui %sign3A_38 : i1 to i32
      %sign3A_40 = arith.subi %sign3A_36, %sign3A_39 : i32
      %ne3A = arith.cmpi ne, %sign3A_33, %sign3A_40 : i32
      %rem3A = arith.remsi %add3A_27, %jit3A : i32
      %ne3A_41 = arith.constant 0 : i32
      %ne3A_42 = arith.cmpi ne, %rem3A, %ne3A_41 : i32
      %and3A = arith.andi %ne3A, %ne3A_42 : i1
      %sub3A = arith.constant 1 : i32
      %sub3A_43 = arith.subi %div3A, %sub3A : i32
      %select_n3A = arith.select %and3A, %sub3A_43, %div3A : i32
      %jit3A_44 = arith.constant 128 : i32
      %eq3A = arith.constant 0 : i32
      %eq3A_45 = arith.cmpi eq, %jit3A_44, %eq3A : i32
      %jit3A_46 = arith.constant 1 : i32
      %select_n3A_47 = arith.select %eq3A_45, %jit3A_46, %jit3A_44 : i32
      %rem3A_48 = arith.remsi %add3A_27, %select_n3A_47 : i32
      %ne3A_49 = arith.constant 0 : i32
      %ne3A_50 = arith.cmpi ne, %rem3A_48, %ne3A_49 : i32
      %lt3A = arith.constant 0 : i32
      %lt3A_51 = arith.cmpi slt, %rem3A_48, %lt3A : i32
      %lt3A_52 = arith.constant 0 : i32
      %lt3A_53 = arith.cmpi slt, %select_n3A_47, %lt3A_52 : i32
      %ne3A_54 = arith.xori %lt3A_51, %lt3A_53 : i1
      %and3A_55 = arith.andi %ne3A_54, %ne3A_50 : i1
      %add3A_56 = arith.addi %rem3A_48, %select_n3A_47 : i32
      %select_n3A_57 = arith.select %and3A_55, %add3A_56, %rem3A_48 : i32
      %eq3A_58 = arith.constant 0 : i32
      %eq3A_59 = arith.cmpi eq, %select_n3A_57, %eq3A_58 : i32
      %convert_element_type3A = arith.extui %eq3A_59 : i1 to i32
      %cond3A = arith.constant 0 : i32
      %cond3A_60 = arith.cmpi ne, %convert_element_type3A, %cond3A : i32
      scf.if %cond3A_60 {
        %mul3A_107 = arith.constant 128 : i32
        %mul3A_108 = arith.muli %select_n3A, %mul3A_107 : i32
        %add3A_109 = arith.addi %mul3A_12, %mul3A_108 : i32
        %dma_start3A = arith.constant 0 : i32
        %dma_start3A_110 = arith.constant 0 : i32
        %dma_start3A_111 = tpu.memref_slice %arg8[%dma_start3A, %dma_start3A_110] : memref<1x128xi32, #tpu.memory_space<vmem>> -> memref<1x128xi32, #tpu.memory_space<vmem>>
        %dma_start3A_112 = tpu.memref_squeeze %dma_start3A_111 : memref<1x128xi32, #tpu.memory_space<vmem>> -> memref<128xi32, #tpu.memory_space<vmem>>
        %dma_start3A_113 = tpu.memref_slice %arg4[%add3A_109] : memref<800768xi32, #tpu.memory_space<hbm>> -> memref<128xi32, #tpu.memory_space<hbm>>
        %dma_start3A_114 = arith.constant 0 : i32
        %dma_start3A_115 = tpu.memref_slice %arg8[%dma_start3A, %dma_start3A_114] : memref<1x128xi32, #tpu.memory_space<vmem>> -> memref<1x128xi32, #tpu.memory_space<vmem>>
        %dma_start3A_116 = tpu.memref_squeeze %dma_start3A_115 : memref<1x128xi32, #tpu.memory_space<vmem>> -> memref<128xi32, #tpu.memory_space<vmem>>
        %dma_start3A_117 = tpu.memref_slice %arg4[%add3A_109] : memref<800768xi32, #tpu.memory_space<hbm>> -> memref<128xi32, #tpu.memory_space<hbm>>
        tpu.enqueue_dma source(%dma_start3A_117 : memref<128xi32, #tpu.memory_space<hbm>>) target(%dma_start3A_116 : memref<128xi32, #tpu.memory_space<vmem>>) target_semaphore(%arg14 : memref<!tpu.dma_semaphore, #tpu.memory_space<semaphore_mem>>)
        %mul3A_118 = arith.constant 800768 : i32
        %mul3A_119 = arith.muli %arg0, %mul3A_118 : i32
        %add3A_120 = arith.addi %mul3A_119, %add3A_109 : i32
        %dma_start3A_121 = arith.constant 0 : i32
        %dma_start3A_122 = tpu.memref_slice %arg5[%add3A_120, %dma_start3A_121] : memref<1601536x64xf32, #tpu.memory_space<hbm>> -> memref<128x64xf32, #tpu.memory_space<hbm>>
        %dma_start3A_123 = arith.constant 0 : i32
        %dma_start3A_124 = tpu.memref_slice %arg5[%add3A_120, %dma_start3A_123] : memref<1601536x64xf32, #tpu.memory_space<hbm>> -> memref<128x64xf32, #tpu.memory_space<hbm>>
        tpu.enqueue_dma source(%dma_start3A_124 : memref<128x64xf32, #tpu.memory_space<hbm>>) target(%arg10 : memref<128x64xf32, #tpu.memory_space<vmem>>) target_semaphore(%arg14 : memref<!tpu.dma_semaphore, #tpu.memory_space<semaphore_mem>>)
        %mul3A_125 = arith.constant 800768 : i32
        %mul3A_126 = arith.muli %arg0, %mul3A_125 : i32
        %add3A_127 = arith.addi %mul3A_126, %add3A_109 : i32
        %run_scoped3A = arith.constant 0 : i32
        "tpu.region"() ({
          %run_scoped3A_154 = tpu.sem_alloc : memref<!tpu.dma_semaphore, #tpu.memory_space<semaphore_mem>>
          %dma_start3A_155 = arith.constant 0 : i32
          %dma_start3A_156 = tpu.memref_slice %arg7[%run_scoped3A, %dma_start3A_155] : memref<1x128xi32, #tpu.memory_space<vmem>> -> memref<1x128xi32, #tpu.memory_space<vmem>>
          %dma_start3A_157 = tpu.memref_squeeze %dma_start3A_156 : memref<1x128xi32, #tpu.memory_space<vmem>> -> memref<128xi32, #tpu.memory_space<vmem>>
          %dma_start3A_158 = tpu.memref_slice %arg3[%add3A_127] : memref<1601536xi32, #tpu.memory_space<hbm>> -> memref<128xi32, #tpu.memory_space<hbm>>
          %dma_start3A_159 = arith.constant 0 : i32
          %dma_start3A_160 = tpu.memref_slice %arg7[%run_scoped3A, %dma_start3A_159] : memref<1x128xi32, #tpu.memory_space<vmem>> -> memref<1x128xi32, #tpu.memory_space<vmem>>
          %dma_start3A_161 = tpu.memref_squeeze %dma_start3A_160 : memref<1x128xi32, #tpu.memory_space<vmem>> -> memref<128xi32, #tpu.memory_space<vmem>>
          %dma_start3A_162 = tpu.memref_slice %arg3[%add3A_127] : memref<1601536xi32, #tpu.memory_space<hbm>> -> memref<128xi32, #tpu.memory_space<hbm>>
          tpu.enqueue_dma source(%dma_start3A_162 : memref<128xi32, #tpu.memory_space<hbm>>) target(%dma_start3A_161 : memref<128xi32, #tpu.memory_space<vmem>>) target_semaphore(%run_scoped3A_154 : memref<!tpu.dma_semaphore, #tpu.memory_space<semaphore_mem>>)
          %dma_wait3A_163 = arith.constant 0 : i32
          %dma_wait3A_164 = tpu.memref_slice %arg7[%run_scoped3A, %dma_wait3A_163] : memref<1x128xi32, #tpu.memory_space<vmem>> -> memref<1x128xi32, #tpu.memory_space<vmem>>
          %dma_wait3A_165 = tpu.memref_squeeze %dma_wait3A_164 : memref<1x128xi32, #tpu.memory_space<vmem>> -> memref<128xi32, #tpu.memory_space<vmem>>
          %dma_wait3A_166 = tpu.memref_slice %arg3[%add3A_127] : memref<1601536xi32, #tpu.memory_space<hbm>> -> memref<128xi32, #tpu.memory_space<hbm>>
          %dma_wait3A_167 = arith.constant 0 : i32
          %dma_wait3A_168 = tpu.memref_slice %arg7[%run_scoped3A, %dma_wait3A_167] : memref<1x128xi32, #tpu.memory_space<vmem>> -> memref<1x128xi32, #tpu.memory_space<vmem>>
          %dma_wait3A_169 = tpu.memref_squeeze %dma_wait3A_168 : memref<1x128xi32, #tpu.memory_space<vmem>> -> memref<128xi32, #tpu.memory_space<vmem>>
          %dma_wait3A_170 = tpu.memref_slice %arg3[%add3A_127] : memref<1601536xi32, #tpu.memory_space<hbm>> -> memref<128xi32, #tpu.memory_space<hbm>>
          tpu.wait_dma2 semaphore(%run_scoped3A_154 : memref<!tpu.dma_semaphore, #tpu.memory_space<semaphore_mem>>) src(%dma_wait3A_170 : memref<128xi32, #tpu.memory_space<hbm>>) dst(%dma_wait3A_169 : memref<128xi32, #tpu.memory_space<vmem>>)
          tpu.yield
        }) : () -> ()
        %dma_start3A_128 = arith.constant 0 : i32
        %dma_start3A_129 = arith.constant 0 : i32
        %dma_start3A_130 = tpu.memref_slice %arg7[%dma_start3A_128, %dma_start3A_129] : memref<1x128xi32, #tpu.memory_space<vmem>> -> memref<1x128xi32, #tpu.memory_space<vmem>>
        %dma_start3A_131 = tpu.memref_squeeze %dma_start3A_130 : memref<1x128xi32, #tpu.memory_space<vmem>> -> memref<128xi32, #tpu.memory_space<vmem>>
        %dma_start3A_132 = arith.constant 0 : i32
        %dma_start3A_133 = arith.constant 0 : i32
        %dma_start3A_134 = tpu.memref_slice %arg2[%dma_start3A_132, %dma_start3A_133] : memref<100000x32xf32, #tpu.memory_space<hbm>> -> memref<100000x32xf32, #tpu.memory_space<hbm>>
        tpu.enqueue_indirect_dma source(%dma_start3A_134 : memref<100000x32xf32, #tpu.memory_space<hbm>>) target(%arg9 : memref<128x32xf32, #tpu.memory_space<vmem>>) offsets(%dma_start3A_131 : memref<128xi32, #tpu.memory_space<vmem>>) semaphore(%arg13 : memref<!tpu.dma_semaphore, #tpu.memory_space<semaphore_mem>>)
        %dma_wait3A = arith.constant 0 : i32
        %dma_wait3A_135 = arith.constant 0 : i32
        %dma_wait3A_136 = tpu.memref_slice %arg7[%dma_wait3A, %dma_wait3A_135] : memref<1x128xi32, #tpu.memory_space<vmem>> -> memref<1x128xi32, #tpu.memory_space<vmem>>
        %dma_wait3A_137 = tpu.memref_squeeze %dma_wait3A_136 : memref<1x128xi32, #tpu.memory_space<vmem>> -> memref<128xi32, #tpu.memory_space<vmem>>
        %dma_wait3A_138 = arith.constant 0 : i32
        %dma_wait3A_139 = arith.constant 0 : i32
        %dma_wait3A_140 = tpu.memref_slice %arg2[%dma_wait3A_138, %dma_wait3A_139] : memref<100000x32xf32, #tpu.memory_space<hbm>> -> memref<100000x32xf32, #tpu.memory_space<hbm>>
        tpu.wait_indirect_dma semaphore(%arg13 : memref<!tpu.dma_semaphore, #tpu.memory_space<semaphore_mem>>) src(%dma_wait3A_140 : memref<100000x32xf32, #tpu.memory_space<hbm>>) dst(%arg9 : memref<128x32xf32, #tpu.memory_space<vmem>>)
        %dma_wait3A_141 = arith.constant 0 : i32
        %dma_wait3A_142 = arith.constant 0 : i32
        %dma_wait3A_143 = tpu.memref_slice %arg8[%dma_wait3A_141, %dma_wait3A_142] : memref<1x128xi32, #tpu.memory_space<vmem>> -> memref<1x128xi32, #tpu.memory_space<vmem>>
        %dma_wait3A_144 = tpu.memref_squeeze %dma_wait3A_143 : memref<1x128xi32, #tpu.memory_space<vmem>> -> memref<128xi32, #tpu.memory_space<vmem>>
        %dma_wait3A_145 = tpu.memref_slice %arg4[%add3A_109] : memref<800768xi32, #tpu.memory_space<hbm>> -> memref<128xi32, #tpu.memory_space<hbm>>
        %dma_wait3A_146 = arith.constant 0 : i32
        %dma_wait3A_147 = tpu.memref_slice %arg8[%dma_wait3A_141, %dma_wait3A_146] : memref<1x128xi32, #tpu.memory_space<vmem>> -> memref<1x128xi32, #tpu.memory_space<vmem>>
        %dma_wait3A_148 = tpu.memref_squeeze %dma_wait3A_147 : memref<1x128xi32, #tpu.memory_space<vmem>> -> memref<128xi32, #tpu.memory_space<vmem>>
        %dma_wait3A_149 = tpu.memref_slice %arg4[%add3A_109] : memref<800768xi32, #tpu.memory_space<hbm>> -> memref<128xi32, #tpu.memory_space<hbm>>
        tpu.wait_dma2 semaphore(%arg14 : memref<!tpu.dma_semaphore, #tpu.memory_space<semaphore_mem>>) src(%dma_wait3A_149 : memref<128xi32, #tpu.memory_space<hbm>>) dst(%dma_wait3A_148 : memref<128xi32, #tpu.memory_space<vmem>>)
        %dma_wait3A_150 = arith.constant 0 : i32
        %dma_wait3A_151 = tpu.memref_slice %arg5[%add3A_120, %dma_wait3A_150] : memref<1601536x64xf32, #tpu.memory_space<hbm>> -> memref<128x64xf32, #tpu.memory_space<hbm>>
        %dma_wait3A_152 = arith.constant 0 : i32
        %dma_wait3A_153 = tpu.memref_slice %arg5[%add3A_120, %dma_wait3A_152] : memref<1601536x64xf32, #tpu.memory_space<hbm>> -> memref<128x64xf32, #tpu.memory_space<hbm>>
        tpu.wait_dma2 semaphore(%arg14 : memref<!tpu.dma_semaphore, #tpu.memory_space<semaphore_mem>>) src(%dma_wait3A_153 : memref<128x64xf32, #tpu.memory_space<hbm>>) dst(%arg10 : memref<128x64xf32, #tpu.memory_space<vmem>>)
      } else {
      }
      %get3A = arith.index_cast %select_n3A_57 : i32 to index
      %get3A_61 = arith.constant 0 : index
      %get3A_62 = tpu.vector_load %arg9[%get3A, %get3A_61] {strides = array<i32>} : memref<128x32xf32, #tpu.memory_space<vmem>>, vector<1x16xf32>,
      %get3A_63 = vector.shape_cast %get3A_62 : vector<1x16xf32> to vector<16xf32>
      %get3A_64 = arith.index_cast %select_n3A_57 : i32 to index
      %get3A_65 = arith.constant 0 : index
      %get3A_66 = tpu.vector_load %arg10[%get3A_64, %get3A_65] {strides = array<i32>} : memref<128x64xf32, #tpu.memory_space<vmem>>, vector<1x16xf32>,
      %get3A_67 = vector.shape_cast %get3A_66 : vector<1x16xf32> to vector<16xf32>
      %add3A_68 = arith.addf %get3A_63, %get3A_67 : vector<16xf32>
      %max3A = arith.constant 0.000000e+00 : f32
      %max3A_69 = vector.broadcast %max3A : f32 to vector<16xf32>
      %max3A_70 = arith.maximumf %add3A_68, %max3A_69 : vector<16xf32>
      %get3A_71 = arith.index_cast %select_n3A_57 : i32 to index
      %get3A_72 = arith.constant 32 : index
      %get3A_73 = tpu.vector_load %arg10[%get3A_71, %get3A_72] {strides = array<i32>} : memref<128x64xf32, #tpu.memory_space<vmem>>, vector<1x16xf32>,
      %get3A_74 = vector.shape_cast %get3A_73 : vector<1x16xf32> to vector<16xf32>
      %mul3A_75 = arith.mulf %max3A_70, %get3A_74 : vector<16xf32>
      %swap3A = arith.index_cast %select_n3A_57 : i32 to index
      %swap3A_76 = arith.constant 0 : index
      %swap3A_77 = tpu.vector_load %arg9[%swap3A, %swap3A_76] {strides = array<i32>} : memref<128x32xf32, #tpu.memory_space<vmem>>, vector<1x16xf32>,
      %swap3A_78 = vector.shape_cast %swap3A_77 : vector<1x16xf32> to vector<16xf32>
      %swap3A_79 = vector.shape_cast %mul3A_75 : vector<16xf32> to vector<1x16xf32>
      tpu.vector_store %arg9[%swap3A, %swap3A_76], %swap3A_79 {strides = array<i32>} : memref<128x32xf32, #tpu.memory_space<vmem>>, vector<1x16xf32>,
      %get3A_80 = arith.index_cast %select_n3A_57 : i32 to index
      %get3A_81 = arith.constant 16 : index
      %get3A_82 = tpu.vector_load %arg9[%get3A_80, %get3A_81] {strides = array<i32>} : memref<128x32xf32, #tpu.memory_space<vmem>>, vector<1x16xf32>,
      %get3A_83 = vector.shape_cast %get3A_82 : vector<1x16xf32> to vector<16xf32>
      %get3A_84 = arith.index_cast %select_n3A_57 : i32 to index
      %get3A_85 = arith.constant 16 : index
      %get3A_86 = tpu.vector_load %arg10[%get3A_84, %get3A_85] {strides = array<i32>} : memref<128x64xf32, #tpu.memory_space<vmem>>, vector<1x16xf32>,
      %get3A_87 = vector.shape_cast %get3A_86 : vector<1x16xf32> to vector<16xf32>
      %add3A_88 = arith.addf %get3A_83, %get3A_87 : vector<16xf32>
      %max3A_89 = arith.constant 0.000000e+00 : f32
      %max3A_90 = vector.broadcast %max3A_89 : f32 to vector<16xf32>
      %max3A_91 = arith.maximumf %add3A_88, %max3A_90 : vector<16xf32>
      %get3A_92 = arith.index_cast %select_n3A_57 : i32 to index
      %get3A_93 = arith.constant 48 : index
      %get3A_94 = tpu.vector_load %arg10[%get3A_92, %get3A_93] {strides = array<i32>} : memref<128x64xf32, #tpu.memory_space<vmem>>, vector<1x16xf32>,
      %get3A_95 = vector.shape_cast %get3A_94 : vector<1x16xf32> to vector<16xf32>
      %mul3A_96 = arith.mulf %max3A_91, %get3A_95 : vector<16xf32>
      %swap3A_97 = arith.index_cast %select_n3A_57 : i32 to index
      %swap3A_98 = arith.constant 16 : index
      %swap3A_99 = tpu.vector_load %arg9[%swap3A_97, %swap3A_98] {strides = array<i32>} : memref<128x32xf32, #tpu.memory_space<vmem>>, vector<1x16xf32>,
      %swap3A_100 = vector.shape_cast %swap3A_99 : vector<1x16xf32> to vector<16xf32>
      %swap3A_101 = vector.shape_cast %mul3A_96 : vector<16xf32> to vector<1x16xf32>
      tpu.vector_store %arg9[%swap3A_97, %swap3A_98], %swap3A_101 {strides = array<i32>} : memref<128x32xf32, #tpu.memory_space<vmem>>, vector<1x16xf32>,
      %eq3A_102 = arith.constant 127 : i32
      %eq3A_103 = arith.cmpi eq, %select_n3A_57, %eq3A_102 : i32
      %convert_element_type3A_104 = arith.extui %eq3A_103 : i1 to i32
      %cond3A_105 = arith.constant 0 : i32
      %cond3A_106 = arith.cmpi ne, %convert_element_type3A_104, %cond3A_105 : i32
      scf.if %cond3A_106 {
        %run_scoped3A = arith.constant 0 : i32
        "tpu.region"() ({
          %run_scoped3A_107 = tpu.sem_alloc : memref<!tpu.dma_semaphore, #tpu.memory_space<semaphore_mem>>
          %dma_start3A = arith.constant 0 : i32
          %dma_start3A_108 = tpu.memref_slice %arg8[%run_scoped3A, %dma_start3A] : memref<1x128xi32, #tpu.memory_space<vmem>> -> memref<1x128xi32, #tpu.memory_space<vmem>>
          %dma_start3A_109 = tpu.memref_squeeze %dma_start3A_108 : memref<1x128xi32, #tpu.memory_space<vmem>> -> memref<128xi32, #tpu.memory_space<vmem>>
          %dma_start3A_110 = arith.constant 0 : i32
          %dma_start3A_111 = arith.constant 0 : i32
          %dma_start3A_112 = tpu.memref_slice %arg12[%dma_start3A_110, %dma_start3A_111] : memref<51200x32xf32, #tpu.memory_space<vmem_shared>> -> memref<51200x32xf32, #tpu.memory_space<vmem_shared>>
          tpu.enqueue_indirect_dma source(%arg9 : memref<128x32xf32, #tpu.memory_space<vmem>>) target(%dma_start3A_112 : memref<51200x32xf32, #tpu.memory_space<vmem_shared>>) offsets(%dma_start3A_109 : memref<128xi32, #tpu.memory_space<vmem>>) semaphore(%run_scoped3A_107 : memref<!tpu.dma_semaphore, #tpu.memory_space<semaphore_mem>>) {add = true}
          %dma_wait3A = arith.constant 0 : i32
          %dma_wait3A_113 = tpu.memref_slice %arg8[%run_scoped3A, %dma_wait3A] : memref<1x128xi32, #tpu.memory_space<vmem>> -> memref<1x128xi32, #tpu.memory_space<vmem>>
          %dma_wait3A_114 = tpu.memref_squeeze %dma_wait3A_113 : memref<1x128xi32, #tpu.memory_space<vmem>> -> memref<128xi32, #tpu.memory_space<vmem>>
          %dma_wait3A_115 = arith.constant 0 : i32
          %dma_wait3A_116 = arith.constant 0 : i32
          %dma_wait3A_117 = tpu.memref_slice %arg12[%dma_wait3A_115, %dma_wait3A_116] : memref<51200x32xf32, #tpu.memory_space<vmem_shared>> -> memref<51200x32xf32, #tpu.memory_space<vmem_shared>>
          tpu.wait_indirect_dma semaphore(%run_scoped3A_107 : memref<!tpu.dma_semaphore, #tpu.memory_space<semaphore_mem>>) src(%arg9 : memref<128x32xf32, #tpu.memory_space<vmem>>) dst(%dma_wait3A_117 : memref<51200x32xf32, #tpu.memory_space<vmem_shared>>)
          tpu.yield
        }) : () -> ()
      } else {
      }
    }
    %scan3A_17 = arith.constant 50048 : i32
    %barrier3A_18 = arith.constant 0 : index
    tpu.barrier barrier_id(%barrier3A_18)
    %scan3A_19 = arith.constant 0 : i32
    %scan3A_20 = arith.constant 25 : i32
    %scan3A_21 = arith.addi %scan3A_19, %scan3A_20 : i32
    %scan3A_22 = arith.constant 1 : i32
    scf.for %scan3A_24 = %scan3A_19 to %scan3A_21 step %scan3A_22  : i32 {
      %mul3A_25 = arith.constant 1 : i32
      %mul3A_26 = arith.muli %scan3A_24, %mul3A_25 : i32
      %add3A = arith.constant 0 : i32
      %add3A_27 = arith.addi %add3A, %mul3A_26 : i32
      %mul3A_28 = arith.constant 128 : i32
      %mul3A_29 = arith.muli %add3A_27, %mul3A_28 : i32
      %add3A_30 = arith.addi %mul3A_5, %mul3A_29 : i32
      %mul3A_31 = arith.constant 51200 : i32
      %mul3A_32 = arith.muli %arg0, %mul3A_31 : i32
      %add3A_33 = arith.addi %mul3A_32, %add3A_30 : i32
      "tpu.region"() ({
        %run_scoped3A = tpu.sem_alloc : memref<!tpu.dma_semaphore, #tpu.memory_space<semaphore_mem>>
        %dma_start3A = arith.constant 0 : i32
        %dma_start3A_34 = tpu.memref_slice %arg6[%add3A_33, %dma_start3A] : memref<102400x32xf32, #tpu.memory_space<hbm>> -> memref<128x32xf32, #tpu.memory_space<hbm>>
        %dma_start3A_35 = arith.constant 0 : i32
        %dma_start3A_36 = tpu.memref_slice %arg12[%add3A_30, %dma_start3A_35] : memref<51200x32xf32, #tpu.memory_space<vmem_shared>> -> memref<128x32xf32, #tpu.memory_space<vmem_shared>>
        tpu.enqueue_dma source(%dma_start3A_36 : memref<128x32xf32, #tpu.memory_space<vmem_shared>>) target(%dma_start3A_34 : memref<128x32xf32, #tpu.memory_space<hbm>>) target_semaphore(%run_scoped3A : memref<!tpu.dma_semaphore, #tpu.memory_space<semaphore_mem>>)
        %dma_wait3A = arith.constant 0 : i32
        %dma_wait3A_37 = tpu.memref_slice %arg6[%add3A_33, %dma_wait3A] : memref<102400x32xf32, #tpu.memory_space<hbm>> -> memref<128x32xf32, #tpu.memory_space<hbm>>
        %dma_wait3A_38 = arith.constant 0 : i32
        %dma_wait3A_39 = tpu.memref_slice %arg12[%add3A_30, %dma_wait3A_38] : memref<51200x32xf32, #tpu.memory_space<vmem_shared>> -> memref<128x32xf32, #tpu.memory_space<vmem_shared>>
        tpu.wait_dma2 semaphore(%run_scoped3A : memref<!tpu.dma_semaphore, #tpu.memory_space<semaphore_mem>>) src(%dma_wait3A_39 : memref<128x32xf32, #tpu.memory_space<vmem_shared>>) dst(%dma_wait3A_37 : memref<128x32xf32, #tpu.memory_space<hbm>>)
        tpu.yield
      }) : () -> ()
    }
    %scan3A_23 = arith.constant 25 : i32
    return
  }
}

#map = affine_map<(d0, d1) -> (0, 0)>
#map1 = affine_map<(d0, d1) -> (0)>
module attributes {stable_mosaic.version = 14 : i64} {
  func.func @ek(%arg0: i32, %arg1: i32, %arg2: memref<100000x32xf32, #tpu.memory_space<hbm>>, %arg3: memref<1601536xi32, #tpu.memory_space<hbm>>, %arg4: memref<800768xi32, #tpu.memory_space<hbm>>, %arg5: memref<1601536x64xf32, #tpu.memory_space<hbm>>, %arg6: memref<102400x32xf32, #tpu.memory_space<hbm>>, %arg7: memref<1x128xi32, #tpu.memory_space<vmem>>, %arg8: memref<1x128xi32, #tpu.memory_space<vmem>>, %arg9: memref<128x32xf32, #tpu.memory_space<vmem>>, %arg10: memref<128x64xf32, #tpu.memory_space<vmem>>, %arg11: memref<128x32xf32, #tpu.memory_space<vmem>>, %arg12: memref<51200x32xf32, #tpu.memory_space<vmem_shared>>, %arg13: memref<!tpu.dma_semaphore, #tpu.memory_space<semaphore_mem>>, %arg14: memref<!tpu.dma_semaphore, #tpu.memory_space<semaphore_mem>>) attributes {dimension_semantics = [#tpu.dimension_semantics<core_parallel>, #tpu.dimension_semantics<subcore_parallel>], iteration_bounds = array<i64: 2, 16>, scalar_prefetch = 0 : i64, scratch_operands = 8 : i64, tpu.core_type = #tpu.core_type<sc_vector_subcore>, window_params = [{transform_indices = #map}, {transform_indices = #map1}, {transform_indices = #map1}, {transform_indices = #map}, {transform_indices = #map}]} {
    %broadcast_in_dim3A = arith.constant 0.000000e+00 : f32
    %broadcast_in_dim3A_0 = vector.broadcast %broadcast_in_dim3A : f32 to vector<16xf32>
    %scan3A = arith.constant 0 : i32
    %scan3A_1 = arith.constant 128 : i32
    %scan3A_2 = arith.addi %scan3A, %scan3A_1 : i32
    %scan3A_3 = arith.constant 1 : i32
    scf.for %scan3A_24 = %scan3A to %scan3A_2 step %scan3A_3  : i32 {
      %mul3A_25 = arith.constant 1 : i32
      %mul3A_26 = arith.muli %scan3A_24, %mul3A_25 : i32
      %add3A = arith.constant 0 : i32
      %add3A_27 = arith.addi %add3A, %mul3A_26 : i32
      %swap3A = arith.index_cast %add3A_27 : i32 to index
      %swap3A_28 = arith.constant 0 : index
      %swap3A_29 = tpu.vector_load %arg11[%swap3A, %swap3A_28] {strides = array<i32>} : memref<128x32xf32, #tpu.memory_space<vmem>>, vector<1x16xf32>,
      %swap3A_30 = vector.shape_cast %swap3A_29 : vector<1x16xf32> to vector<16xf32>
      %swap3A_31 = vector.shape_cast %broadcast_in_dim3A_0 : vector<16xf32> to vector<1x16xf32>
      tpu.vector_store %arg11[%swap3A, %swap3A_28], %swap3A_31 {strides = array<i32>} : memref<128x32xf32, #tpu.memory_space<vmem>>, vector<1x16xf32>,
      %swap3A_32 = arith.index_cast %add3A_27 : i32 to index
      %swap3A_33 = arith.constant 16 : index
      %swap3A_34 = tpu.vector_load %arg11[%swap3A_32, %swap3A_33] {strides = array<i32>} : memref<128x32xf32, #tpu.memory_space<vmem>>, vector<1x16xf32>,
      %swap3A_35 = vector.shape_cast %swap3A_34 : vector<1x16xf32> to vector<16xf32>
      %swap3A_36 = vector.shape_cast %broadcast_in_dim3A_0 : vector<16xf32> to vector<1x16xf32>
      tpu.vector_store %arg11[%swap3A_32, %swap3A_33], %swap3A_36 {strides = array<i32>} : memref<128x32xf32, #tpu.memory_space<vmem>>, vector<1x16xf32>,
    }
    %scan3A_4 = arith.constant 128 : i32
    %mul3A = arith.constant 3200 : i32
    %mul3A_5 = arith.muli %arg1, %mul3A : i32
    %scan3A_6 = arith.constant 0 : i32
    %scan3A_7 = arith.constant 25 : i32
    %scan3A_8 = arith.addi %scan3A_6, %scan3A_7 : i32
    %scan3A_9 = arith.constant 1 : i32
    scf.for %scan3A_24 = %scan3A_6 to %scan3A_8 step %scan3A_9  : i32 {
      %mul3A_25 = arith.constant 1 : i32
      %mul3A_26 = arith.muli %scan3A_24, %mul3A_25 : i32
      %add3A = arith.constant 0 : i32
      %add3A_27 = arith.addi %add3A, %mul3A_26 : i32
      %mul3A_28 = arith.constant 128 : i32
      %mul3A_29 = arith.muli %add3A_27, %mul3A_28 : i32
      %add3A_30 = arith.addi %mul3A_5, %mul3A_29 : i32
      "tpu.region"() ({
        %run_scoped3A = tpu.sem_alloc : memref<!tpu.dma_semaphore, #tpu.memory_space<semaphore_mem>>
        %dma_start3A = arith.constant 0 : i32
        %dma_start3A_31 = tpu.memref_slice %arg12[%add3A_30, %dma_start3A] : memref<51200x32xf32, #tpu.memory_space<vmem_shared>> -> memref<128x32xf32, #tpu.memory_space<vmem_shared>>
        %dma_start3A_32 = arith.constant 0 : i32
        %dma_start3A_33 = tpu.memref_slice %arg12[%add3A_30, %dma_start3A_32] : memref<51200x32xf32, #tpu.memory_space<vmem_shared>> -> memref<128x32xf32, #tpu.memory_space<vmem_shared>>
        tpu.enqueue_dma source(%arg11 : memref<128x32xf32, #tpu.memory_space<vmem>>) target(%dma_start3A_33 : memref<128x32xf32, #tpu.memory_space<vmem_shared>>) target_semaphore(%run_scoped3A : memref<!tpu.dma_semaphore, #tpu.memory_space<semaphore_mem>>)
        %dma_wait3A = arith.constant 0 : i32
        %dma_wait3A_34 = tpu.memref_slice %arg12[%add3A_30, %dma_wait3A] : memref<51200x32xf32, #tpu.memory_space<vmem_shared>> -> memref<128x32xf32, #tpu.memory_space<vmem_shared>>
        %dma_wait3A_35 = arith.constant 0 : i32
        %dma_wait3A_36 = tpu.memref_slice %arg12[%add3A_30, %dma_wait3A_35] : memref<51200x32xf32, #tpu.memory_space<vmem_shared>> -> memref<128x32xf32, #tpu.memory_space<vmem_shared>>
        tpu.wait_dma2 semaphore(%run_scoped3A : memref<!tpu.dma_semaphore, #tpu.memory_space<semaphore_mem>>) src(%arg11 : memref<128x32xf32, #tpu.memory_space<vmem>>) dst(%dma_wait3A_36 : memref<128x32xf32, #tpu.memory_space<vmem_shared>>)
        tpu.yield
      }) : () -> ()
    }
    %scan3A_10 = arith.constant 25 : i32
    %barrier3A = arith.constant 0 : index
    tpu.barrier barrier_id(%barrier3A)
    %mul3A_11 = arith.constant 50048 : i32
    %mul3A_12 = arith.muli %arg1, %mul3A_11 : i32
    %scan3A_13 = arith.constant 0 : i32
    %scan3A_14 = arith.constant 50048 : i32
    %scan3A_15 = arith.addi %scan3A_13, %scan3A_14 : i32
    %scan3A_16 = arith.constant 1 : i32
    scf.for %scan3A_24 = %scan3A_13 to %scan3A_15 step %scan3A_16  : i32 {
      %mul3A_25 = arith.constant 1 : i32
      %mul3A_26 = arith.muli %scan3A_24, %mul3A_25 : i32
      %add3A = arith.constant 0 : i32
      %add3A_27 = arith.addi %add3A, %mul3A_26 : i32
      %jit3A = arith.constant 128 : i32
      %div3A = arith.divsi %add3A_27, %jit3A : i32
      %sign3A = arith.constant 0 : i32
      %sign3A_28 = arith.cmpi sgt, %add3A_27, %sign3A : i32
      %sign3A_29 = arith.extui %sign3A_28 : i1 to i32
      %sign3A_30 = arith.constant 0 : i32
      %sign3A_31 = arith.cmpi slt, %add3A_27, %sign3A_30 : i32
      %sign3A_32 = arith.extui %sign3A_31 : i1 to i32
      %sign3A_33 = arith.subi %sign3A_29, %sign3A_32 : i32
      %sign3A_34 = arith.constant 0 : i32
      %sign3A_35 = arith.cmpi sgt, %jit3A, %sign3A_34 : i32
      %sign3A_36 = arith.extui %sign3A_35 : i1 to i32
      %sign3A_37 = arith.constant 0 : i32
      %sign3A_38 = arith.cmpi slt, %jit3A, %sign3A_37 : i32
      %sign3A_39 = arith.extui %sign3A_38 : i1 to i32
      %sign3A_40 = arith.subi %sign3A_36, %sign3A_39 : i32
      %ne3A = arith.cmpi ne, %sign3A_33, %sign3A_40 : i32
      %rem3A = arith.remsi %add3A_27, %jit3A : i32
      %ne3A_41 = arith.constant 0 : i32
      %ne3A_42 = arith.cmpi ne, %rem3A, %ne3A_41 : i32
      %and3A = arith.andi %ne3A, %ne3A_42 : i1
      %sub3A = arith.constant 1 : i32
      %sub3A_43 = arith.subi %div3A, %sub3A : i32
      %select_n3A = arith.select %and3A, %sub3A_43, %div3A : i32
      %jit3A_44 = arith.constant 128 : i32
      %eq3A = arith.constant 0 : i32
      %eq3A_45 = arith.cmpi eq, %jit3A_44, %eq3A : i32
      %jit3A_46 = arith.constant 1 : i32
      %select_n3A_47 = arith.select %eq3A_45, %jit3A_46, %jit3A_44 : i32
      %rem3A_48 = arith.remsi %add3A_27, %select_n3A_47 : i32
      %ne3A_49 = arith.constant 0 : i32
      %ne3A_50 = arith.cmpi ne, %rem3A_48, %ne3A_49 : i32
      %lt3A = arith.constant 0 : i32
      %lt3A_51 = arith.cmpi slt, %rem3A_48, %lt3A : i32
      %lt3A_52 = arith.constant 0 : i32
      %lt3A_53 = arith.cmpi slt, %select_n3A_47, %lt3A_52 : i32
      %ne3A_54 = arith.xori %lt3A_51, %lt3A_53 : i1
      %and3A_55 = arith.andi %ne3A_54, %ne3A_50 : i1
      %add3A_56 = arith.addi %rem3A_48, %select_n3A_47 : i32
      %select_n3A_57 = arith.select %and3A_55, %add3A_56, %rem3A_48 : i32
      %eq3A_58 = arith.constant 0 : i32
      %eq3A_59 = arith.cmpi eq, %select_n3A_57, %eq3A_58 : i32
      %convert_element_type3A = arith.extui %eq3A_59 : i1 to i32
      %cond3A = arith.constant 0 : i32
      %cond3A_60 = arith.cmpi ne, %convert_element_type3A, %cond3A : i32
      scf.if %cond3A_60 {
        %mul3A_107 = arith.constant 128 : i32
        %mul3A_108 = arith.muli %select_n3A, %mul3A_107 : i32
        %add3A_109 = arith.addi %mul3A_12, %mul3A_108 : i32
        %dma_start3A = arith.constant 0 : i32
        %dma_start3A_110 = arith.constant 0 : i32
        %dma_start3A_111 = tpu.memref_slice %arg8[%dma_start3A, %dma_start3A_110] : memref<1x128xi32, #tpu.memory_space<vmem>> -> memref<1x128xi32, #tpu.memory_space<vmem>>
        %dma_start3A_112 = tpu.memref_squeeze %dma_start3A_111 : memref<1x128xi32, #tpu.memory_space<vmem>> -> memref<128xi32, #tpu.memory_space<vmem>>
        %dma_start3A_113 = tpu.memref_slice %arg4[%add3A_109] : memref<800768xi32, #tpu.memory_space<hbm>> -> memref<128xi32, #tpu.memory_space<hbm>>
        %dma_start3A_114 = arith.constant 0 : i32
        %dma_start3A_115 = tpu.memref_slice %arg8[%dma_start3A, %dma_start3A_114] : memref<1x128xi32, #tpu.memory_space<vmem>> -> memref<1x128xi32, #tpu.memory_space<vmem>>
        %dma_start3A_116 = tpu.memref_squeeze %dma_start3A_115 : memref<1x128xi32, #tpu.memory_space<vmem>> -> memref<128xi32, #tpu.memory_space<vmem>>
        %dma_start3A_117 = tpu.memref_slice %arg4[%add3A_109] : memref<800768xi32, #tpu.memory_space<hbm>> -> memref<128xi32, #tpu.memory_space<hbm>>
        tpu.enqueue_dma source(%dma_start3A_117 : memref<128xi32, #tpu.memory_space<hbm>>) target(%dma_start3A_116 : memref<128xi32, #tpu.memory_space<vmem>>) target_semaphore(%arg14 : memref<!tpu.dma_semaphore, #tpu.memory_space<semaphore_mem>>)
        %mul3A_118 = arith.constant 800768 : i32
        %mul3A_119 = arith.muli %arg0, %mul3A_118 : i32
        %add3A_120 = arith.addi %mul3A_119, %add3A_109 : i32
        %dma_start3A_121 = arith.constant 0 : i32
        %dma_start3A_122 = tpu.memref_slice %arg5[%add3A_120, %dma_start3A_121] : memref<1601536x64xf32, #tpu.memory_space<hbm>> -> memref<128x64xf32, #tpu.memory_space<hbm>>
        %dma_start3A_123 = arith.constant 0 : i32
        %dma_start3A_124 = tpu.memref_slice %arg5[%add3A_120, %dma_start3A_123] : memref<1601536x64xf32, #tpu.memory_space<hbm>> -> memref<128x64xf32, #tpu.memory_space<hbm>>
        tpu.enqueue_dma source(%dma_start3A_124 : memref<128x64xf32, #tpu.memory_space<hbm>>) target(%arg10 : memref<128x64xf32, #tpu.memory_space<vmem>>) target_semaphore(%arg14 : memref<!tpu.dma_semaphore, #tpu.memory_space<semaphore_mem>>)
        %mul3A_125 = arith.constant 800768 : i32
        %mul3A_126 = arith.muli %arg0, %mul3A_125 : i32
        %add3A_127 = arith.addi %mul3A_126, %add3A_109 : i32
        %run_scoped3A = arith.constant 0 : i32
        "tpu.region"() ({
          %run_scoped3A_154 = tpu.sem_alloc : memref<!tpu.dma_semaphore, #tpu.memory_space<semaphore_mem>>
          %dma_start3A_155 = arith.constant 0 : i32
          %dma_start3A_156 = tpu.memref_slice %arg7[%run_scoped3A, %dma_start3A_155] : memref<1x128xi32, #tpu.memory_space<vmem>> -> memref<1x128xi32, #tpu.memory_space<vmem>>
          %dma_start3A_157 = tpu.memref_squeeze %dma_start3A_156 : memref<1x128xi32, #tpu.memory_space<vmem>> -> memref<128xi32, #tpu.memory_space<vmem>>
          %dma_start3A_158 = tpu.memref_slice %arg3[%add3A_127] : memref<1601536xi32, #tpu.memory_space<hbm>> -> memref<128xi32, #tpu.memory_space<hbm>>
          %dma_start3A_159 = arith.constant 0 : i32
          %dma_start3A_160 = tpu.memref_slice %arg7[%run_scoped3A, %dma_start3A_159] : memref<1x128xi32, #tpu.memory_space<vmem>> -> memref<1x128xi32, #tpu.memory_space<vmem>>
          %dma_start3A_161 = tpu.memref_squeeze %dma_start3A_160 : memref<1x128xi32, #tpu.memory_space<vmem>> -> memref<128xi32, #tpu.memory_space<vmem>>
          %dma_start3A_162 = tpu.memref_slice %arg3[%add3A_127] : memref<1601536xi32, #tpu.memory_space<hbm>> -> memref<128xi32, #tpu.memory_space<hbm>>
          tpu.enqueue_dma source(%dma_start3A_162 : memref<128xi32, #tpu.memory_space<hbm>>) target(%dma_start3A_161 : memref<128xi32, #tpu.memory_space<vmem>>) target_semaphore(%run_scoped3A_154 : memref<!tpu.dma_semaphore, #tpu.memory_space<semaphore_mem>>)
          %dma_wait3A_163 = arith.constant 0 : i32
          %dma_wait3A_164 = tpu.memref_slice %arg7[%run_scoped3A, %dma_wait3A_163] : memref<1x128xi32, #tpu.memory_space<vmem>> -> memref<1x128xi32, #tpu.memory_space<vmem>>
          %dma_wait3A_165 = tpu.memref_squeeze %dma_wait3A_164 : memref<1x128xi32, #tpu.memory_space<vmem>> -> memref<128xi32, #tpu.memory_space<vmem>>
          %dma_wait3A_166 = tpu.memref_slice %arg3[%add3A_127] : memref<1601536xi32, #tpu.memory_space<hbm>> -> memref<128xi32, #tpu.memory_space<hbm>>
          %dma_wait3A_167 = arith.constant 0 : i32
          %dma_wait3A_168 = tpu.memref_slice %arg7[%run_scoped3A, %dma_wait3A_167] : memref<1x128xi32, #tpu.memory_space<vmem>> -> memref<1x128xi32, #tpu.memory_space<vmem>>
          %dma_wait3A_169 = tpu.memref_squeeze %dma_wait3A_168 : memref<1x128xi32, #tpu.memory_space<vmem>> -> memref<128xi32, #tpu.memory_space<vmem>>
          %dma_wait3A_170 = tpu.memref_slice %arg3[%add3A_127] : memref<1601536xi32, #tpu.memory_space<hbm>> -> memref<128xi32, #tpu.memory_space<hbm>>
          tpu.wait_dma2 semaphore(%run_scoped3A_154 : memref<!tpu.dma_semaphore, #tpu.memory_space<semaphore_mem>>) src(%dma_wait3A_170 : memref<128xi32, #tpu.memory_space<hbm>>) dst(%dma_wait3A_169 : memref<128xi32, #tpu.memory_space<vmem>>)
          tpu.yield
        }) : () -> ()
        %dma_start3A_128 = arith.constant 0 : i32
        %dma_start3A_129 = arith.constant 0 : i32
        %dma_start3A_130 = tpu.memref_slice %arg7[%dma_start3A_128, %dma_start3A_129] : memref<1x128xi32, #tpu.memory_space<vmem>> -> memref<1x128xi32, #tpu.memory_space<vmem>>
        %dma_start3A_131 = tpu.memref_squeeze %dma_start3A_130 : memref<1x128xi32, #tpu.memory_space<vmem>> -> memref<128xi32, #tpu.memory_space<vmem>>
        %dma_start3A_132 = arith.constant 0 : i32
        %dma_start3A_133 = arith.constant 0 : i32
        %dma_start3A_134 = tpu.memref_slice %arg2[%dma_start3A_132, %dma_start3A_133] : memref<100000x32xf32, #tpu.memory_space<hbm>> -> memref<100000x32xf32, #tpu.memory_space<hbm>>
        tpu.enqueue_indirect_dma source(%dma_start3A_134 : memref<100000x32xf32, #tpu.memory_space<hbm>>) target(%arg9 : memref<128x32xf32, #tpu.memory_space<vmem>>) offsets(%dma_start3A_131 : memref<128xi32, #tpu.memory_space<vmem>>) semaphore(%arg13 : memref<!tpu.dma_semaphore, #tpu.memory_space<semaphore_mem>>)
        %dma_wait3A = arith.constant 0 : i32
        %dma_wait3A_135 = arith.constant 0 : i32
        %dma_wait3A_136 = tpu.memref_slice %arg7[%dma_wait3A, %dma_wait3A_135] : memref<1x128xi32, #tpu.memory_space<vmem>> -> memref<1x128xi32, #tpu.memory_space<vmem>>
        %dma_wait3A_137 = tpu.memref_squeeze %dma_wait3A_136 : memref<1x128xi32, #tpu.memory_space<vmem>> -> memref<128xi32, #tpu.memory_space<vmem>>
        %dma_wait3A_138 = arith.constant 0 : i32
        %dma_wait3A_139 = arith.constant 0 : i32
        %dma_wait3A_140 = tpu.memref_slice %arg2[%dma_wait3A_138, %dma_wait3A_139] : memref<100000x32xf32, #tpu.memory_space<hbm>> -> memref<100000x32xf32, #tpu.memory_space<hbm>>
        tpu.wait_indirect_dma semaphore(%arg13 : memref<!tpu.dma_semaphore, #tpu.memory_space<semaphore_mem>>) src(%dma_wait3A_140 : memref<100000x32xf32, #tpu.memory_space<hbm>>) dst(%arg9 : memref<128x32xf32, #tpu.memory_space<vmem>>)
        %dma_wait3A_141 = arith.constant 0 : i32
        %dma_wait3A_142 = arith.constant 0 : i32
        %dma_wait3A_143 = tpu.memref_slice %arg8[%dma_wait3A_141, %dma_wait3A_142] : memref<1x128xi32, #tpu.memory_space<vmem>> -> memref<1x128xi32, #tpu.memory_space<vmem>>
        %dma_wait3A_144 = tpu.memref_squeeze %dma_wait3A_143 : memref<1x128xi32, #tpu.memory_space<vmem>> -> memref<128xi32, #tpu.memory_space<vmem>>
        %dma_wait3A_145 = tpu.memref_slice %arg4[%add3A_109] : memref<800768xi32, #tpu.memory_space<hbm>> -> memref<128xi32, #tpu.memory_space<hbm>>
        %dma_wait3A_146 = arith.constant 0 : i32
        %dma_wait3A_147 = tpu.memref_slice %arg8[%dma_wait3A_141, %dma_wait3A_146] : memref<1x128xi32, #tpu.memory_space<vmem>> -> memref<1x128xi32, #tpu.memory_space<vmem>>
        %dma_wait3A_148 = tpu.memref_squeeze %dma_wait3A_147 : memref<1x128xi32, #tpu.memory_space<vmem>> -> memref<128xi32, #tpu.memory_space<vmem>>
        %dma_wait3A_149 = tpu.memref_slice %arg4[%add3A_109] : memref<800768xi32, #tpu.memory_space<hbm>> -> memref<128xi32, #tpu.memory_space<hbm>>
        tpu.wait_dma2 semaphore(%arg14 : memref<!tpu.dma_semaphore, #tpu.memory_space<semaphore_mem>>) src(%dma_wait3A_149 : memref<128xi32, #tpu.memory_space<hbm>>) dst(%dma_wait3A_148 : memref<128xi32, #tpu.memory_space<vmem>>)
        %dma_wait3A_150 = arith.constant 0 : i32
        %dma_wait3A_151 = tpu.memref_slice %arg5[%add3A_120, %dma_wait3A_150] : memref<1601536x64xf32, #tpu.memory_space<hbm>> -> memref<128x64xf32, #tpu.memory_space<hbm>>
        %dma_wait3A_152 = arith.constant 0 : i32
        %dma_wait3A_153 = tpu.memref_slice %arg5[%add3A_120, %dma_wait3A_152] : memref<1601536x64xf32, #tpu.memory_space<hbm>> -> memref<128x64xf32, #tpu.memory_space<hbm>>
        tpu.wait_dma2 semaphore(%arg14 : memref<!tpu.dma_semaphore, #tpu.memory_space<semaphore_mem>>) src(%dma_wait3A_153 : memref<128x64xf32, #tpu.memory_space<hbm>>) dst(%arg10 : memref<128x64xf32, #tpu.memory_space<vmem>>)
      } else {
      }
      %get3A = arith.index_cast %select_n3A_57 : i32 to index
      %get3A_61 = arith.constant 0 : index
      %get3A_62 = tpu.vector_load %arg9[%get3A, %get3A_61] {strides = array<i32>} : memref<128x32xf32, #tpu.memory_space<vmem>>, vector<1x16xf32>,
      %get3A_63 = vector.shape_cast %get3A_62 : vector<1x16xf32> to vector<16xf32>
      %get3A_64 = arith.index_cast %select_n3A_57 : i32 to index
      %get3A_65 = arith.constant 0 : index
      %get3A_66 = tpu.vector_load %arg10[%get3A_64, %get3A_65] {strides = array<i32>} : memref<128x64xf32, #tpu.memory_space<vmem>>, vector<1x16xf32>,
      %get3A_67 = vector.shape_cast %get3A_66 : vector<1x16xf32> to vector<16xf32>
      %add3A_68 = arith.addf %get3A_63, %get3A_67 : vector<16xf32>
      %max3A = arith.constant 0.000000e+00 : f32
      %max3A_69 = vector.broadcast %max3A : f32 to vector<16xf32>
      %max3A_70 = arith.maximumf %add3A_68, %max3A_69 : vector<16xf32>
      %get3A_71 = arith.index_cast %select_n3A_57 : i32 to index
      %get3A_72 = arith.constant 32 : index
      %get3A_73 = tpu.vector_load %arg10[%get3A_71, %get3A_72] {strides = array<i32>} : memref<128x64xf32, #tpu.memory_space<vmem>>, vector<1x16xf32>,
      %get3A_74 = vector.shape_cast %get3A_73 : vector<1x16xf32> to vector<16xf32>
      %mul3A_75 = arith.mulf %max3A_70, %get3A_74 : vector<16xf32>
      %swap3A = arith.index_cast %select_n3A_57 : i32 to index
      %swap3A_76 = arith.constant 0 : index
      %swap3A_77 = tpu.vector_load %arg9[%swap3A, %swap3A_76] {strides = array<i32>} : memref<128x32xf32, #tpu.memory_space<vmem>>, vector<1x16xf32>,
      %swap3A_78 = vector.shape_cast %swap3A_77 : vector<1x16xf32> to vector<16xf32>
      %swap3A_79 = vector.shape_cast %mul3A_75 : vector<16xf32> to vector<1x16xf32>
      tpu.vector_store %arg9[%swap3A, %swap3A_76], %swap3A_79 {strides = array<i32>} : memref<128x32xf32, #tpu.memory_space<vmem>>, vector<1x16xf32>,
      %get3A_80 = arith.index_cast %select_n3A_57 : i32 to index
      %get3A_81 = arith.constant 16 : index
      %get3A_82 = tpu.vector_load %arg9[%get3A_80, %get3A_81] {strides = array<i32>} : memref<128x32xf32, #tpu.memory_space<vmem>>, vector<1x16xf32>,
      %get3A_83 = vector.shape_cast %get3A_82 : vector<1x16xf32> to vector<16xf32>
      %get3A_84 = arith.index_cast %select_n3A_57 : i32 to index
      %get3A_85 = arith.constant 16 : index
      %get3A_86 = tpu.vector_load %arg10[%get3A_84, %get3A_85] {strides = array<i32>} : memref<128x64xf32, #tpu.memory_space<vmem>>, vector<1x16xf32>,
      %get3A_87 = vector.shape_cast %get3A_86 : vector<1x16xf32> to vector<16xf32>
      %add3A_88 = arith.addf %get3A_83, %get3A_87 : vector<16xf32>
      %max3A_89 = arith.constant 0.000000e+00 : f32
      %max3A_90 = vector.broadcast %max3A_89 : f32 to vector<16xf32>
      %max3A_91 = arith.maximumf %add3A_88, %max3A_90 : vector<16xf32>
      %get3A_92 = arith.index_cast %select_n3A_57 : i32 to index
      %get3A_93 = arith.constant 48 : index
      %get3A_94 = tpu.vector_load %arg10[%get3A_92, %get3A_93] {strides = array<i32>} : memref<128x64xf32, #tpu.memory_space<vmem>>, vector<1x16xf32>,
      %get3A_95 = vector.shape_cast %get3A_94 : vector<1x16xf32> to vector<16xf32>
      %mul3A_96 = arith.mulf %max3A_91, %get3A_95 : vector<16xf32>
      %swap3A_97 = arith.index_cast %select_n3A_57 : i32 to index
      %swap3A_98 = arith.constant 16 : index
      %swap3A_99 = tpu.vector_load %arg9[%swap3A_97, %swap3A_98] {strides = array<i32>} : memref<128x32xf32, #tpu.memory_space<vmem>>, vector<1x16xf32>,
      %swap3A_100 = vector.shape_cast %swap3A_99 : vector<1x16xf32> to vector<16xf32>
      %swap3A_101 = vector.shape_cast %mul3A_96 : vector<16xf32> to vector<1x16xf32>
      tpu.vector_store %arg9[%swap3A_97, %swap3A_98], %swap3A_101 {strides = array<i32>} : memref<128x32xf32, #tpu.memory_space<vmem>>, vector<1x16xf32>,
      %eq3A_102 = arith.constant 127 : i32
      %eq3A_103 = arith.cmpi eq, %select_n3A_57, %eq3A_102 : i32
      %convert_element_type3A_104 = arith.extui %eq3A_103 : i1 to i32
      %cond3A_105 = arith.constant 0 : i32
      %cond3A_106 = arith.cmpi ne, %convert_element_type3A_104, %cond3A_105 : i32
      scf.if %cond3A_106 {
        %run_scoped3A = arith.constant 0 : i32
        "tpu.region"() ({
          %run_scoped3A_107 = tpu.sem_alloc : memref<!tpu.dma_semaphore, #tpu.memory_space<semaphore_mem>>
          %dma_start3A = arith.constant 0 : i32
          %dma_start3A_108 = tpu.memref_slice %arg8[%run_scoped3A, %dma_start3A] : memref<1x128xi32, #tpu.memory_space<vmem>> -> memref<1x128xi32, #tpu.memory_space<vmem>>
          %dma_start3A_109 = tpu.memref_squeeze %dma_start3A_108 : memref<1x128xi32, #tpu.memory_space<vmem>> -> memref<128xi32, #tpu.memory_space<vmem>>
          %dma_start3A_110 = arith.constant 0 : i32
          %dma_start3A_111 = arith.constant 0 : i32
          %dma_start3A_112 = tpu.memref_slice %arg12[%dma_start3A_110, %dma_start3A_111] : memref<51200x32xf32, #tpu.memory_space<vmem_shared>> -> memref<51200x32xf32, #tpu.memory_space<vmem_shared>>
          tpu.enqueue_indirect_dma source(%arg9 : memref<128x32xf32, #tpu.memory_space<vmem>>) target(%dma_start3A_112 : memref<51200x32xf32, #tpu.memory_space<vmem_shared>>) offsets(%dma_start3A_109 : memref<128xi32, #tpu.memory_space<vmem>>) semaphore(%run_scoped3A_107 : memref<!tpu.dma_semaphore, #tpu.memory_space<semaphore_mem>>) {add = true}
          %dma_wait3A = arith.constant 0 : i32
          %dma_wait3A_113 = tpu.memref_slice %arg8[%run_scoped3A, %dma_wait3A] : memref<1x128xi32, #tpu.memory_space<vmem>> -> memref<1x128xi32, #tpu.memory_space<vmem>>
          %dma_wait3A_114 = tpu.memref_squeeze %dma_wait3A_113 : memref<1x128xi32, #tpu.memory_space<vmem>> -> memref<128xi32, #tpu.memory_space<vmem>>
          %dma_wait3A_115 = arith.constant 0 : i32
          %dma_wait3A_116 = arith.constant 0 : i32
          %dma_wait3A_117 = tpu.memref_slice %arg12[%dma_wait3A_115, %dma_wait3A_116] : memref<51200x32xf32, #tpu.memory_space<vmem_shared>> -> memref<51200x32xf32, #tpu.memory_space<vmem_shared>>
          tpu.wait_indirect_dma semaphore(%run_scoped3A_107 : memref<!tpu.dma_semaphore, #tpu.memory_space<semaphore_mem>>) src(%arg9 : memref<128x32xf32, #tpu.memory_space<vmem>>) dst(%dma_wait3A_117 : memref<51200x32xf32, #tpu.memory_space<vmem_shared>>)
          tpu.yield
        }) : () -> ()
      } else {
      }
    }
    %scan3A_17 = arith.constant 50048 : i32
    %barrier3A_18 = arith.constant 0 : index
    tpu.barrier barrier_id(%barrier3A_18)
    %scan3A_19 = arith.constant 0 : i32
    %scan3A_20 = arith.constant 25 : i32
    %scan3A_21 = arith.addi %scan3A_19, %scan3A_20 : i32
    %scan3A_22 = arith.constant 1 : i32
    scf.for %scan3A_24 = %scan3A_19 to %scan3A_21 step %scan3A_22  : i32 {
      %mul3A_25 = arith.constant 1 : i32
      %mul3A_26 = arith.muli %scan3A_24, %mul3A_25 : i32
      %add3A = arith.constant 0 : i32
      %add3A_27 = arith.addi %add3A, %mul3A_26 : i32
      %mul3A_28 = arith.constant 128 : i32
      %mul3A_29 = arith.muli %add3A_27, %mul3A_28 : i32
      %add3A_30 = arith.addi %mul3A_5, %mul3A_29 : i32
      %mul3A_31 = arith.constant 51200 : i32
      %mul3A_32 = arith.muli %arg0, %mul3A_31 : i32
      %add3A_33 = arith.addi %mul3A_32, %add3A_30 : i32
      "tpu.region"() ({
        %run_scoped3A = tpu.sem_alloc : memref<!tpu.dma_semaphore, #tpu.memory_space<semaphore_mem>>
        %dma_start3A = arith.constant 0 : i32
        %dma_start3A_34 = tpu.memref_slice %arg6[%add3A_33, %dma_start3A] : memref<102400x32xf32, #tpu.memory_space<hbm>> -> memref<128x32xf32, #tpu.memory_space<hbm>>
        %dma_start3A_35 = arith.constant 0 : i32
        %dma_start3A_36 = tpu.memref_slice %arg12[%add3A_30, %dma_start3A_35] : memref<51200x32xf32, #tpu.memory_space<vmem_shared>> -> memref<128x32xf32, #tpu.memory_space<vmem_shared>>
        tpu.enqueue_dma source(%dma_start3A_36 : memref<128x32xf32, #tpu.memory_space<vmem_shared>>) target(%dma_start3A_34 : memref<128x32xf32, #tpu.memory_space<hbm>>) target_semaphore(%run_scoped3A : memref<!tpu.dma_semaphore, #tpu.memory_space<semaphore_mem>>)
        %dma_wait3A = arith.constant 0 : i32
        %dma_wait3A_37 = tpu.memref_slice %arg6[%add3A_33, %dma_wait3A] : memref<102400x32xf32, #tpu.memory_space<hbm>> -> memref<128x32xf32, #tpu.memory_space<hbm>>
        %dma_wait3A_38 = arith.constant 0 : i32
        %dma_wait3A_39 = tpu.memref_slice %arg12[%add3A_30, %dma_wait3A_38] : memref<51200x32xf32, #tpu.memory_space<vmem_shared>> -> memref<128x32xf32, #tpu.memory_space<vmem_shared>>
        tpu.wait_dma2 semaphore(%run_scoped3A : memref<!tpu.dma_semaphore, #tpu.memory_space<semaphore_mem>>) src(%dma_wait3A_39 : memref<128x32xf32, #tpu.memory_space<vmem_shared>>) dst(%dma_wait3A_37 : memref<128x32xf32, #tpu.memory_space<hbm>>)
        tpu.yield
      }) : () -> ()
    }
    %scan3A_23 = arith.constant 25 : i32
    return
  }
}

#map = affine_map<(d0, d1) -> (0, 0)>
#map1 = affine_map<(d0, d1) -> (0)>
module attributes {stable_mosaic.version = 14 : i64} {
  func.func @ek(%arg0: i32, %arg1: i32, %arg2: memref<100000x32xf32, #tpu.memory_space<hbm>>, %arg3: memref<1601536xi32, #tpu.memory_space<hbm>>, %arg4: memref<800768xi32, #tpu.memory_space<hbm>>, %arg5: memref<1601536x64xf32, #tpu.memory_space<hbm>>, %arg6: memref<102400x32xf32, #tpu.memory_space<hbm>>, %arg7: memref<1x128xi32, #tpu.memory_space<vmem>>, %arg8: memref<1x128xi32, #tpu.memory_space<vmem>>, %arg9: memref<128x32xf32, #tpu.memory_space<vmem>>, %arg10: memref<128x64xf32, #tpu.memory_space<vmem>>, %arg11: memref<128x32xf32, #tpu.memory_space<vmem>>, %arg12: memref<51200x32xf32, #tpu.memory_space<vmem_shared>>, %arg13: memref<!tpu.dma_semaphore, #tpu.memory_space<semaphore_mem>>, %arg14: memref<!tpu.dma_semaphore, #tpu.memory_space<semaphore_mem>>) attributes {dimension_semantics = [#tpu.dimension_semantics<core_parallel>, #tpu.dimension_semantics<subcore_parallel>], iteration_bounds = array<i64: 2, 16>, scalar_prefetch = 0 : i64, scratch_operands = 8 : i64, tpu.core_type = #tpu.core_type<sc_vector_subcore>, window_params = [{transform_indices = #map}, {transform_indices = #map1}, {transform_indices = #map1}, {transform_indices = #map}, {transform_indices = #map}]} {
    %broadcast_in_dim3A = arith.constant 0.000000e+00 : f32
    %broadcast_in_dim3A_0 = vector.broadcast %broadcast_in_dim3A : f32 to vector<16xf32>
    %scan3A = arith.constant 0 : i32
    %scan3A_1 = arith.constant 128 : i32
    %scan3A_2 = arith.addi %scan3A, %scan3A_1 : i32
    %scan3A_3 = arith.constant 1 : i32
    scf.for %scan3A_24 = %scan3A to %scan3A_2 step %scan3A_3  : i32 {
      %mul3A_25 = arith.constant 1 : i32
      %mul3A_26 = arith.muli %scan3A_24, %mul3A_25 : i32
      %add3A = arith.constant 0 : i32
      %add3A_27 = arith.addi %add3A, %mul3A_26 : i32
      %swap3A = arith.index_cast %add3A_27 : i32 to index
      %swap3A_28 = arith.constant 0 : index
      %swap3A_29 = tpu.vector_load %arg11[%swap3A, %swap3A_28] {strides = array<i32>} : memref<128x32xf32, #tpu.memory_space<vmem>>, vector<1x16xf32>,
      %swap3A_30 = vector.shape_cast %swap3A_29 : vector<1x16xf32> to vector<16xf32>
      %swap3A_31 = vector.shape_cast %broadcast_in_dim3A_0 : vector<16xf32> to vector<1x16xf32>
      tpu.vector_store %arg11[%swap3A, %swap3A_28], %swap3A_31 {strides = array<i32>} : memref<128x32xf32, #tpu.memory_space<vmem>>, vector<1x16xf32>,
      %swap3A_32 = arith.index_cast %add3A_27 : i32 to index
      %swap3A_33 = arith.constant 16 : index
      %swap3A_34 = tpu.vector_load %arg11[%swap3A_32, %swap3A_33] {strides = array<i32>} : memref<128x32xf32, #tpu.memory_space<vmem>>, vector<1x16xf32>,
      %swap3A_35 = vector.shape_cast %swap3A_34 : vector<1x16xf32> to vector<16xf32>
      %swap3A_36 = vector.shape_cast %broadcast_in_dim3A_0 : vector<16xf32> to vector<1x16xf32>
      tpu.vector_store %arg11[%swap3A_32, %swap3A_33], %swap3A_36 {strides = array<i32>} : memref<128x32xf32, #tpu.memory_space<vmem>>, vector<1x16xf32>,
    }
    %scan3A_4 = arith.constant 128 : i32
    %mul3A = arith.constant 3200 : i32
    %mul3A_5 = arith.muli %arg1, %mul3A : i32
    %scan3A_6 = arith.constant 0 : i32
    %scan3A_7 = arith.constant 25 : i32
    %scan3A_8 = arith.addi %scan3A_6, %scan3A_7 : i32
    %scan3A_9 = arith.constant 1 : i32
    scf.for %scan3A_24 = %scan3A_6 to %scan3A_8 step %scan3A_9  : i32 {
      %mul3A_25 = arith.constant 1 : i32
      %mul3A_26 = arith.muli %scan3A_24, %mul3A_25 : i32
      %add3A = arith.constant 0 : i32
      %add3A_27 = arith.addi %add3A, %mul3A_26 : i32
      %mul3A_28 = arith.constant 128 : i32
      %mul3A_29 = arith.muli %add3A_27, %mul3A_28 : i32
      %add3A_30 = arith.addi %mul3A_5, %mul3A_29 : i32
      "tpu.region"() ({
        %run_scoped3A = tpu.sem_alloc : memref<!tpu.dma_semaphore, #tpu.memory_space<semaphore_mem>>
        %dma_start3A = arith.constant 0 : i32
        %dma_start3A_31 = tpu.memref_slice %arg12[%add3A_30, %dma_start3A] : memref<51200x32xf32, #tpu.memory_space<vmem_shared>> -> memref<128x32xf32, #tpu.memory_space<vmem_shared>>
        %dma_start3A_32 = arith.constant 0 : i32
        %dma_start3A_33 = tpu.memref_slice %arg12[%add3A_30, %dma_start3A_32] : memref<51200x32xf32, #tpu.memory_space<vmem_shared>> -> memref<128x32xf32, #tpu.memory_space<vmem_shared>>
        tpu.enqueue_dma source(%arg11 : memref<128x32xf32, #tpu.memory_space<vmem>>) target(%dma_start3A_33 : memref<128x32xf32, #tpu.memory_space<vmem_shared>>) target_semaphore(%run_scoped3A : memref<!tpu.dma_semaphore, #tpu.memory_space<semaphore_mem>>)
        %dma_wait3A = arith.constant 0 : i32
        %dma_wait3A_34 = tpu.memref_slice %arg12[%add3A_30, %dma_wait3A] : memref<51200x32xf32, #tpu.memory_space<vmem_shared>> -> memref<128x32xf32, #tpu.memory_space<vmem_shared>>
        %dma_wait3A_35 = arith.constant 0 : i32
        %dma_wait3A_36 = tpu.memref_slice %arg12[%add3A_30, %dma_wait3A_35] : memref<51200x32xf32, #tpu.memory_space<vmem_shared>> -> memref<128x32xf32, #tpu.memory_space<vmem_shared>>
        tpu.wait_dma2 semaphore(%run_scoped3A : memref<!tpu.dma_semaphore, #tpu.memory_space<semaphore_mem>>) src(%arg11 : memref<128x32xf32, #tpu.memory_space<vmem>>) dst(%dma_wait3A_36 : memref<128x32xf32, #tpu.memory_space<vmem_shared>>)
        tpu.yield
      }) : () -> ()
    }
    %scan3A_10 = arith.constant 25 : i32
    %barrier3A = arith.constant 0 : index
    tpu.barrier barrier_id(%barrier3A)
    %mul3A_11 = arith.constant 50048 : i32
    %mul3A_12 = arith.muli %arg1, %mul3A_11 : i32
    %scan3A_13 = arith.constant 0 : i32
    %scan3A_14 = arith.constant 50048 : i32
    %scan3A_15 = arith.addi %scan3A_13, %scan3A_14 : i32
    %scan3A_16 = arith.constant 1 : i32
    scf.for %scan3A_24 = %scan3A_13 to %scan3A_15 step %scan3A_16  : i32 {
      %mul3A_25 = arith.constant 1 : i32
      %mul3A_26 = arith.muli %scan3A_24, %mul3A_25 : i32
      %add3A = arith.constant 0 : i32
      %add3A_27 = arith.addi %add3A, %mul3A_26 : i32
      %jit3A = arith.constant 128 : i32
      %div3A = arith.divsi %add3A_27, %jit3A : i32
      %sign3A = arith.constant 0 : i32
      %sign3A_28 = arith.cmpi sgt, %add3A_27, %sign3A : i32
      %sign3A_29 = arith.extui %sign3A_28 : i1 to i32
      %sign3A_30 = arith.constant 0 : i32
      %sign3A_31 = arith.cmpi slt, %add3A_27, %sign3A_30 : i32
      %sign3A_32 = arith.extui %sign3A_31 : i1 to i32
      %sign3A_33 = arith.subi %sign3A_29, %sign3A_32 : i32
      %sign3A_34 = arith.constant 0 : i32
      %sign3A_35 = arith.cmpi sgt, %jit3A, %sign3A_34 : i32
      %sign3A_36 = arith.extui %sign3A_35 : i1 to i32
      %sign3A_37 = arith.constant 0 : i32
      %sign3A_38 = arith.cmpi slt, %jit3A, %sign3A_37 : i32
      %sign3A_39 = arith.extui %sign3A_38 : i1 to i32
      %sign3A_40 = arith.subi %sign3A_36, %sign3A_39 : i32
      %ne3A = arith.cmpi ne, %sign3A_33, %sign3A_40 : i32
      %rem3A = arith.remsi %add3A_27, %jit3A : i32
      %ne3A_41 = arith.constant 0 : i32
      %ne3A_42 = arith.cmpi ne, %rem3A, %ne3A_41 : i32
      %and3A = arith.andi %ne3A, %ne3A_42 : i1
      %sub3A = arith.constant 1 : i32
      %sub3A_43 = arith.subi %div3A, %sub3A : i32
      %select_n3A = arith.select %and3A, %sub3A_43, %div3A : i32
      %jit3A_44 = arith.constant 128 : i32
      %eq3A = arith.constant 0 : i32
      %eq3A_45 = arith.cmpi eq, %jit3A_44, %eq3A : i32
      %jit3A_46 = arith.constant 1 : i32
      %select_n3A_47 = arith.select %eq3A_45, %jit3A_46, %jit3A_44 : i32
      %rem3A_48 = arith.remsi %add3A_27, %select_n3A_47 : i32
      %ne3A_49 = arith.constant 0 : i32
      %ne3A_50 = arith.cmpi ne, %rem3A_48, %ne3A_49 : i32
      %lt3A = arith.constant 0 : i32
      %lt3A_51 = arith.cmpi slt, %rem3A_48, %lt3A : i32
      %lt3A_52 = arith.constant 0 : i32
      %lt3A_53 = arith.cmpi slt, %select_n3A_47, %lt3A_52 : i32
      %ne3A_54 = arith.xori %lt3A_51, %lt3A_53 : i1
      %and3A_55 = arith.andi %ne3A_54, %ne3A_50 : i1
      %add3A_56 = arith.addi %rem3A_48, %select_n3A_47 : i32
      %select_n3A_57 = arith.select %and3A_55, %add3A_56, %rem3A_48 : i32
      %eq3A_58 = arith.constant 0 : i32
      %eq3A_59 = arith.cmpi eq, %select_n3A_57, %eq3A_58 : i32
      %convert_element_type3A = arith.extui %eq3A_59 : i1 to i32
      %cond3A = arith.constant 0 : i32
      %cond3A_60 = arith.cmpi ne, %convert_element_type3A, %cond3A : i32
      scf.if %cond3A_60 {
        %mul3A_107 = arith.constant 128 : i32
        %mul3A_108 = arith.muli %select_n3A, %mul3A_107 : i32
        %add3A_109 = arith.addi %mul3A_12, %mul3A_108 : i32
        %dma_start3A = arith.constant 0 : i32
        %dma_start3A_110 = arith.constant 0 : i32
        %dma_start3A_111 = tpu.memref_slice %arg8[%dma_start3A, %dma_start3A_110] : memref<1x128xi32, #tpu.memory_space<vmem>> -> memref<1x128xi32, #tpu.memory_space<vmem>>
        %dma_start3A_112 = tpu.memref_squeeze %dma_start3A_111 : memref<1x128xi32, #tpu.memory_space<vmem>> -> memref<128xi32, #tpu.memory_space<vmem>>
        %dma_start3A_113 = tpu.memref_slice %arg4[%add3A_109] : memref<800768xi32, #tpu.memory_space<hbm>> -> memref<128xi32, #tpu.memory_space<hbm>>
        %dma_start3A_114 = arith.constant 0 : i32
        %dma_start3A_115 = tpu.memref_slice %arg8[%dma_start3A, %dma_start3A_114] : memref<1x128xi32, #tpu.memory_space<vmem>> -> memref<1x128xi32, #tpu.memory_space<vmem>>
        %dma_start3A_116 = tpu.memref_squeeze %dma_start3A_115 : memref<1x128xi32, #tpu.memory_space<vmem>> -> memref<128xi32, #tpu.memory_space<vmem>>
        %dma_start3A_117 = tpu.memref_slice %arg4[%add3A_109] : memref<800768xi32, #tpu.memory_space<hbm>> -> memref<128xi32, #tpu.memory_space<hbm>>
        tpu.enqueue_dma source(%dma_start3A_117 : memref<128xi32, #tpu.memory_space<hbm>>) target(%dma_start3A_116 : memref<128xi32, #tpu.memory_space<vmem>>) target_semaphore(%arg14 : memref<!tpu.dma_semaphore, #tpu.memory_space<semaphore_mem>>)
        %mul3A_118 = arith.constant 800768 : i32
        %mul3A_119 = arith.muli %arg0, %mul3A_118 : i32
        %add3A_120 = arith.addi %mul3A_119, %add3A_109 : i32
        %dma_start3A_121 = arith.constant 0 : i32
        %dma_start3A_122 = tpu.memref_slice %arg5[%add3A_120, %dma_start3A_121] : memref<1601536x64xf32, #tpu.memory_space<hbm>> -> memref<128x64xf32, #tpu.memory_space<hbm>>
        %dma_start3A_123 = arith.constant 0 : i32
        %dma_start3A_124 = tpu.memref_slice %arg5[%add3A_120, %dma_start3A_123] : memref<1601536x64xf32, #tpu.memory_space<hbm>> -> memref<128x64xf32, #tpu.memory_space<hbm>>
        tpu.enqueue_dma source(%dma_start3A_124 : memref<128x64xf32, #tpu.memory_space<hbm>>) target(%arg10 : memref<128x64xf32, #tpu.memory_space<vmem>>) target_semaphore(%arg14 : memref<!tpu.dma_semaphore, #tpu.memory_space<semaphore_mem>>)
        %mul3A_125 = arith.constant 800768 : i32
        %mul3A_126 = arith.muli %arg0, %mul3A_125 : i32
        %add3A_127 = arith.addi %mul3A_126, %add3A_109 : i32
        %run_scoped3A = arith.constant 0 : i32
        "tpu.region"() ({
          %run_scoped3A_154 = tpu.sem_alloc : memref<!tpu.dma_semaphore, #tpu.memory_space<semaphore_mem>>
          %dma_start3A_155 = arith.constant 0 : i32
          %dma_start3A_156 = tpu.memref_slice %arg7[%run_scoped3A, %dma_start3A_155] : memref<1x128xi32, #tpu.memory_space<vmem>> -> memref<1x128xi32, #tpu.memory_space<vmem>>
          %dma_start3A_157 = tpu.memref_squeeze %dma_start3A_156 : memref<1x128xi32, #tpu.memory_space<vmem>> -> memref<128xi32, #tpu.memory_space<vmem>>
          %dma_start3A_158 = tpu.memref_slice %arg3[%add3A_127] : memref<1601536xi32, #tpu.memory_space<hbm>> -> memref<128xi32, #tpu.memory_space<hbm>>
          %dma_start3A_159 = arith.constant 0 : i32
          %dma_start3A_160 = tpu.memref_slice %arg7[%run_scoped3A, %dma_start3A_159] : memref<1x128xi32, #tpu.memory_space<vmem>> -> memref<1x128xi32, #tpu.memory_space<vmem>>
          %dma_start3A_161 = tpu.memref_squeeze %dma_start3A_160 : memref<1x128xi32, #tpu.memory_space<vmem>> -> memref<128xi32, #tpu.memory_space<vmem>>
          %dma_start3A_162 = tpu.memref_slice %arg3[%add3A_127] : memref<1601536xi32, #tpu.memory_space<hbm>> -> memref<128xi32, #tpu.memory_space<hbm>>
          tpu.enqueue_dma source(%dma_start3A_162 : memref<128xi32, #tpu.memory_space<hbm>>) target(%dma_start3A_161 : memref<128xi32, #tpu.memory_space<vmem>>) target_semaphore(%run_scoped3A_154 : memref<!tpu.dma_semaphore, #tpu.memory_space<semaphore_mem>>)
          %dma_wait3A_163 = arith.constant 0 : i32
          %dma_wait3A_164 = tpu.memref_slice %arg7[%run_scoped3A, %dma_wait3A_163] : memref<1x128xi32, #tpu.memory_space<vmem>> -> memref<1x128xi32, #tpu.memory_space<vmem>>
          %dma_wait3A_165 = tpu.memref_squeeze %dma_wait3A_164 : memref<1x128xi32, #tpu.memory_space<vmem>> -> memref<128xi32, #tpu.memory_space<vmem>>
          %dma_wait3A_166 = tpu.memref_slice %arg3[%add3A_127] : memref<1601536xi32, #tpu.memory_space<hbm>> -> memref<128xi32, #tpu.memory_space<hbm>>
          %dma_wait3A_167 = arith.constant 0 : i32
          %dma_wait3A_168 = tpu.memref_slice %arg7[%run_scoped3A, %dma_wait3A_167] : memref<1x128xi32, #tpu.memory_space<vmem>> -> memref<1x128xi32, #tpu.memory_space<vmem>>
          %dma_wait3A_169 = tpu.memref_squeeze %dma_wait3A_168 : memref<1x128xi32, #tpu.memory_space<vmem>> -> memref<128xi32, #tpu.memory_space<vmem>>
          %dma_wait3A_170 = tpu.memref_slice %arg3[%add3A_127] : memref<1601536xi32, #tpu.memory_space<hbm>> -> memref<128xi32, #tpu.memory_space<hbm>>
          tpu.wait_dma2 semaphore(%run_scoped3A_154 : memref<!tpu.dma_semaphore, #tpu.memory_space<semaphore_mem>>) src(%dma_wait3A_170 : memref<128xi32, #tpu.memory_space<hbm>>) dst(%dma_wait3A_169 : memref<128xi32, #tpu.memory_space<vmem>>)
          tpu.yield
        }) : () -> ()
        %dma_start3A_128 = arith.constant 0 : i32
        %dma_start3A_129 = arith.constant 0 : i32
        %dma_start3A_130 = tpu.memref_slice %arg7[%dma_start3A_128, %dma_start3A_129] : memref<1x128xi32, #tpu.memory_space<vmem>> -> memref<1x128xi32, #tpu.memory_space<vmem>>
        %dma_start3A_131 = tpu.memref_squeeze %dma_start3A_130 : memref<1x128xi32, #tpu.memory_space<vmem>> -> memref<128xi32, #tpu.memory_space<vmem>>
        %dma_start3A_132 = arith.constant 0 : i32
        %dma_start3A_133 = arith.constant 0 : i32
        %dma_start3A_134 = tpu.memref_slice %arg2[%dma_start3A_132, %dma_start3A_133] : memref<100000x32xf32, #tpu.memory_space<hbm>> -> memref<100000x32xf32, #tpu.memory_space<hbm>>
        tpu.enqueue_indirect_dma source(%dma_start3A_134 : memref<100000x32xf32, #tpu.memory_space<hbm>>) target(%arg9 : memref<128x32xf32, #tpu.memory_space<vmem>>) offsets(%dma_start3A_131 : memref<128xi32, #tpu.memory_space<vmem>>) semaphore(%arg13 : memref<!tpu.dma_semaphore, #tpu.memory_space<semaphore_mem>>)
        %dma_wait3A = arith.constant 0 : i32
        %dma_wait3A_135 = arith.constant 0 : i32
        %dma_wait3A_136 = tpu.memref_slice %arg7[%dma_wait3A, %dma_wait3A_135] : memref<1x128xi32, #tpu.memory_space<vmem>> -> memref<1x128xi32, #tpu.memory_space<vmem>>
        %dma_wait3A_137 = tpu.memref_squeeze %dma_wait3A_136 : memref<1x128xi32, #tpu.memory_space<vmem>> -> memref<128xi32, #tpu.memory_space<vmem>>
        %dma_wait3A_138 = arith.constant 0 : i32
        %dma_wait3A_139 = arith.constant 0 : i32
        %dma_wait3A_140 = tpu.memref_slice %arg2[%dma_wait3A_138, %dma_wait3A_139] : memref<100000x32xf32, #tpu.memory_space<hbm>> -> memref<100000x32xf32, #tpu.memory_space<hbm>>
        tpu.wait_indirect_dma semaphore(%arg13 : memref<!tpu.dma_semaphore, #tpu.memory_space<semaphore_mem>>) src(%dma_wait3A_140 : memref<100000x32xf32, #tpu.memory_space<hbm>>) dst(%arg9 : memref<128x32xf32, #tpu.memory_space<vmem>>)
        %dma_wait3A_141 = arith.constant 0 : i32
        %dma_wait3A_142 = arith.constant 0 : i32
        %dma_wait3A_143 = tpu.memref_slice %arg8[%dma_wait3A_141, %dma_wait3A_142] : memref<1x128xi32, #tpu.memory_space<vmem>> -> memref<1x128xi32, #tpu.memory_space<vmem>>
        %dma_wait3A_144 = tpu.memref_squeeze %dma_wait3A_143 : memref<1x128xi32, #tpu.memory_space<vmem>> -> memref<128xi32, #tpu.memory_space<vmem>>
        %dma_wait3A_145 = tpu.memref_slice %arg4[%add3A_109] : memref<800768xi32, #tpu.memory_space<hbm>> -> memref<128xi32, #tpu.memory_space<hbm>>
        %dma_wait3A_146 = arith.constant 0 : i32
        %dma_wait3A_147 = tpu.memref_slice %arg8[%dma_wait3A_141, %dma_wait3A_146] : memref<1x128xi32, #tpu.memory_space<vmem>> -> memref<1x128xi32, #tpu.memory_space<vmem>>
        %dma_wait3A_148 = tpu.memref_squeeze %dma_wait3A_147 : memref<1x128xi32, #tpu.memory_space<vmem>> -> memref<128xi32, #tpu.memory_space<vmem>>
        %dma_wait3A_149 = tpu.memref_slice %arg4[%add3A_109] : memref<800768xi32, #tpu.memory_space<hbm>> -> memref<128xi32, #tpu.memory_space<hbm>>
        tpu.wait_dma2 semaphore(%arg14 : memref<!tpu.dma_semaphore, #tpu.memory_space<semaphore_mem>>) src(%dma_wait3A_149 : memref<128xi32, #tpu.memory_space<hbm>>) dst(%dma_wait3A_148 : memref<128xi32, #tpu.memory_space<vmem>>)
        %dma_wait3A_150 = arith.constant 0 : i32
        %dma_wait3A_151 = tpu.memref_slice %arg5[%add3A_120, %dma_wait3A_150] : memref<1601536x64xf32, #tpu.memory_space<hbm>> -> memref<128x64xf32, #tpu.memory_space<hbm>>
        %dma_wait3A_152 = arith.constant 0 : i32
        %dma_wait3A_153 = tpu.memref_slice %arg5[%add3A_120, %dma_wait3A_152] : memref<1601536x64xf32, #tpu.memory_space<hbm>> -> memref<128x64xf32, #tpu.memory_space<hbm>>
        tpu.wait_dma2 semaphore(%arg14 : memref<!tpu.dma_semaphore, #tpu.memory_space<semaphore_mem>>) src(%dma_wait3A_153 : memref<128x64xf32, #tpu.memory_space<hbm>>) dst(%arg10 : memref<128x64xf32, #tpu.memory_space<vmem>>)
      } else {
      }
      %get3A = arith.index_cast %select_n3A_57 : i32 to index
      %get3A_61 = arith.constant 0 : index
      %get3A_62 = tpu.vector_load %arg9[%get3A, %get3A_61] {strides = array<i32>} : memref<128x32xf32, #tpu.memory_space<vmem>>, vector<1x16xf32>,
      %get3A_63 = vector.shape_cast %get3A_62 : vector<1x16xf32> to vector<16xf32>
      %get3A_64 = arith.index_cast %select_n3A_57 : i32 to index
      %get3A_65 = arith.constant 0 : index
      %get3A_66 = tpu.vector_load %arg10[%get3A_64, %get3A_65] {strides = array<i32>} : memref<128x64xf32, #tpu.memory_space<vmem>>, vector<1x16xf32>,
      %get3A_67 = vector.shape_cast %get3A_66 : vector<1x16xf32> to vector<16xf32>
      %add3A_68 = arith.addf %get3A_63, %get3A_67 : vector<16xf32>
      %max3A = arith.constant 0.000000e+00 : f32
      %max3A_69 = vector.broadcast %max3A : f32 to vector<16xf32>
      %max3A_70 = arith.maximumf %add3A_68, %max3A_69 : vector<16xf32>
      %get3A_71 = arith.index_cast %select_n3A_57 : i32 to index
      %get3A_72 = arith.constant 32 : index
      %get3A_73 = tpu.vector_load %arg10[%get3A_71, %get3A_72] {strides = array<i32>} : memref<128x64xf32, #tpu.memory_space<vmem>>, vector<1x16xf32>,
      %get3A_74 = vector.shape_cast %get3A_73 : vector<1x16xf32> to vector<16xf32>
      %mul3A_75 = arith.mulf %max3A_70, %get3A_74 : vector<16xf32>
      %swap3A = arith.index_cast %select_n3A_57 : i32 to index
      %swap3A_76 = arith.constant 0 : index
      %swap3A_77 = tpu.vector_load %arg9[%swap3A, %swap3A_76] {strides = array<i32>} : memref<128x32xf32, #tpu.memory_space<vmem>>, vector<1x16xf32>,
      %swap3A_78 = vector.shape_cast %swap3A_77 : vector<1x16xf32> to vector<16xf32>
      %swap3A_79 = vector.shape_cast %mul3A_75 : vector<16xf32> to vector<1x16xf32>
      tpu.vector_store %arg9[%swap3A, %swap3A_76], %swap3A_79 {strides = array<i32>} : memref<128x32xf32, #tpu.memory_space<vmem>>, vector<1x16xf32>,
      %get3A_80 = arith.index_cast %select_n3A_57 : i32 to index
      %get3A_81 = arith.constant 16 : index
      %get3A_82 = tpu.vector_load %arg9[%get3A_80, %get3A_81] {strides = array<i32>} : memref<128x32xf32, #tpu.memory_space<vmem>>, vector<1x16xf32>,
      %get3A_83 = vector.shape_cast %get3A_82 : vector<1x16xf32> to vector<16xf32>
      %get3A_84 = arith.index_cast %select_n3A_57 : i32 to index
      %get3A_85 = arith.constant 16 : index
      %get3A_86 = tpu.vector_load %arg10[%get3A_84, %get3A_85] {strides = array<i32>} : memref<128x64xf32, #tpu.memory_space<vmem>>, vector<1x16xf32>,
      %get3A_87 = vector.shape_cast %get3A_86 : vector<1x16xf32> to vector<16xf32>
      %add3A_88 = arith.addf %get3A_83, %get3A_87 : vector<16xf32>
      %max3A_89 = arith.constant 0.000000e+00 : f32
      %max3A_90 = vector.broadcast %max3A_89 : f32 to vector<16xf32>
      %max3A_91 = arith.maximumf %add3A_88, %max3A_90 : vector<16xf32>
      %get3A_92 = arith.index_cast %select_n3A_57 : i32 to index
      %get3A_93 = arith.constant 48 : index
      %get3A_94 = tpu.vector_load %arg10[%get3A_92, %get3A_93] {strides = array<i32>} : memref<128x64xf32, #tpu.memory_space<vmem>>, vector<1x16xf32>,
      %get3A_95 = vector.shape_cast %get3A_94 : vector<1x16xf32> to vector<16xf32>
      %mul3A_96 = arith.mulf %max3A_91, %get3A_95 : vector<16xf32>
      %swap3A_97 = arith.index_cast %select_n3A_57 : i32 to index
      %swap3A_98 = arith.constant 16 : index
      %swap3A_99 = tpu.vector_load %arg9[%swap3A_97, %swap3A_98] {strides = array<i32>} : memref<128x32xf32, #tpu.memory_space<vmem>>, vector<1x16xf32>,
      %swap3A_100 = vector.shape_cast %swap3A_99 : vector<1x16xf32> to vector<16xf32>
      %swap3A_101 = vector.shape_cast %mul3A_96 : vector<16xf32> to vector<1x16xf32>
      tpu.vector_store %arg9[%swap3A_97, %swap3A_98], %swap3A_101 {strides = array<i32>} : memref<128x32xf32, #tpu.memory_space<vmem>>, vector<1x16xf32>,
      %eq3A_102 = arith.constant 127 : i32
      %eq3A_103 = arith.cmpi eq, %select_n3A_57, %eq3A_102 : i32
      %convert_element_type3A_104 = arith.extui %eq3A_103 : i1 to i32
      %cond3A_105 = arith.constant 0 : i32
      %cond3A_106 = arith.cmpi ne, %convert_element_type3A_104, %cond3A_105 : i32
      scf.if %cond3A_106 {
        %run_scoped3A = arith.constant 0 : i32
        "tpu.region"() ({
          %run_scoped3A_107 = tpu.sem_alloc : memref<!tpu.dma_semaphore, #tpu.memory_space<semaphore_mem>>
          %dma_start3A = arith.constant 0 : i32
          %dma_start3A_108 = tpu.memref_slice %arg8[%run_scoped3A, %dma_start3A] : memref<1x128xi32, #tpu.memory_space<vmem>> -> memref<1x128xi32, #tpu.memory_space<vmem>>
          %dma_start3A_109 = tpu.memref_squeeze %dma_start3A_108 : memref<1x128xi32, #tpu.memory_space<vmem>> -> memref<128xi32, #tpu.memory_space<vmem>>
          %dma_start3A_110 = arith.constant 0 : i32
          %dma_start3A_111 = arith.constant 0 : i32
          %dma_start3A_112 = tpu.memref_slice %arg12[%dma_start3A_110, %dma_start3A_111] : memref<51200x32xf32, #tpu.memory_space<vmem_shared>> -> memref<51200x32xf32, #tpu.memory_space<vmem_shared>>
          tpu.enqueue_indirect_dma source(%arg9 : memref<128x32xf32, #tpu.memory_space<vmem>>) target(%dma_start3A_112 : memref<51200x32xf32, #tpu.memory_space<vmem_shared>>) offsets(%dma_start3A_109 : memref<128xi32, #tpu.memory_space<vmem>>) semaphore(%run_scoped3A_107 : memref<!tpu.dma_semaphore, #tpu.memory_space<semaphore_mem>>) {add = true}
          %dma_wait3A = arith.constant 0 : i32
          %dma_wait3A_113 = tpu.memref_slice %arg8[%run_scoped3A, %dma_wait3A] : memref<1x128xi32, #tpu.memory_space<vmem>> -> memref<1x128xi32, #tpu.memory_space<vmem>>
          %dma_wait3A_114 = tpu.memref_squeeze %dma_wait3A_113 : memref<1x128xi32, #tpu.memory_space<vmem>> -> memref<128xi32, #tpu.memory_space<vmem>>
          %dma_wait3A_115 = arith.constant 0 : i32
          %dma_wait3A_116 = arith.constant 0 : i32
          %dma_wait3A_117 = tpu.memref_slice %arg12[%dma_wait3A_115, %dma_wait3A_116] : memref<51200x32xf32, #tpu.memory_space<vmem_shared>> -> memref<51200x32xf32, #tpu.memory_space<vmem_shared>>
          tpu.wait_indirect_dma semaphore(%run_scoped3A_107 : memref<!tpu.dma_semaphore, #tpu.memory_space<semaphore_mem>>) src(%arg9 : memref<128x32xf32, #tpu.memory_space<vmem>>) dst(%dma_wait3A_117 : memref<51200x32xf32, #tpu.memory_space<vmem_shared>>)
          tpu.yield
        }) : () -> ()
      } else {
      }
    }
    %scan3A_17 = arith.constant 50048 : i32
    %barrier3A_18 = arith.constant 0 : index
    tpu.barrier barrier_id(%barrier3A_18)
    %scan3A_19 = arith.constant 0 : i32
    %scan3A_20 = arith.constant 25 : i32
    %scan3A_21 = arith.addi %scan3A_19, %scan3A_20 : i32
    %scan3A_22 = arith.constant 1 : i32
    scf.for %scan3A_24 = %scan3A_19 to %scan3A_21 step %scan3A_22  : i32 {
      %mul3A_25 = arith.constant 1 : i32
      %mul3A_26 = arith.muli %scan3A_24, %mul3A_25 : i32
      %add3A = arith.constant 0 : i32
      %add3A_27 = arith.addi %add3A, %mul3A_26 : i32
      %mul3A_28 = arith.constant 128 : i32
      %mul3A_29 = arith.muli %add3A_27, %mul3A_28 : i32
      %add3A_30 = arith.addi %mul3A_5, %mul3A_29 : i32
      %mul3A_31 = arith.constant 51200 : i32
      %mul3A_32 = arith.muli %arg0, %mul3A_31 : i32
      %add3A_33 = arith.addi %mul3A_32, %add3A_30 : i32
      "tpu.region"() ({
        %run_scoped3A = tpu.sem_alloc : memref<!tpu.dma_semaphore, #tpu.memory_space<semaphore_mem>>
        %dma_start3A = arith.constant 0 : i32
        %dma_start3A_34 = tpu.memref_slice %arg6[%add3A_33, %dma_start3A] : memref<102400x32xf32, #tpu.memory_space<hbm>> -> memref<128x32xf32, #tpu.memory_space<hbm>>
        %dma_start3A_35 = arith.constant 0 : i32
        %dma_start3A_36 = tpu.memref_slice %arg12[%add3A_30, %dma_start3A_35] : memref<51200x32xf32, #tpu.memory_space<vmem_shared>> -> memref<128x32xf32, #tpu.memory_space<vmem_shared>>
        tpu.enqueue_dma source(%dma_start3A_36 : memref<128x32xf32, #tpu.memory_space<vmem_shared>>) target(%dma_start3A_34 : memref<128x32xf32, #tpu.memory_space<hbm>>) target_semaphore(%run_scoped3A : memref<!tpu.dma_semaphore, #tpu.memory_space<semaphore_mem>>)
        %dma_wait3A = arith.constant 0 : i32
        %dma_wait3A_37 = tpu.memref_slice %arg6[%add3A_33, %dma_wait3A] : memref<102400x32xf32, #tpu.memory_space<hbm>> -> memref<128x32xf32, #tpu.memory_space<hbm>>
        %dma_wait3A_38 = arith.constant 0 : i32
        %dma_wait3A_39 = tpu.memref_slice %arg12[%add3A_30, %dma_wait3A_38] : memref<51200x32xf32, #tpu.memory_space<vmem_shared>> -> memref<128x32xf32, #tpu.memory_space<vmem_shared>>
        tpu.wait_dma2 semaphore(%run_scoped3A : memref<!tpu.dma_semaphore, #tpu.memory_space<semaphore_mem>>) src(%dma_wait3A_39 : memref<128x32xf32, #tpu.memory_space<vmem_shared>>) dst(%dma_wait3A_37 : memref<128x32xf32, #tpu.memory_space<hbm>>)
        tpu.yield
      }) : () -> ()
    }
    %scan3A_23 = arith.constant 25 : i32
    return
  }
}

</mosaic_0001>

<sc_bundles>
// kernel: kernel.11.cloned.1.call-start
scs
__scs_entry_jumppad:
0x0: {  	(pc) =	sbr.rel $0x88, $3  }
0x1: {  	(tag) =	ssettag $0x0;
	lr =	simm.s32 $0x1  }
0x2: {  	[smem:$0x3F77] =	sst lr;
	_ =	strace $0xD0000000  }
0x3: {  	_ = 	snop  }
0x4: {  	_ = 	snop  }
0x5: {  	_ = 	snop  }
0x6: {  	_ = 	snop  }
0x7: {  	_ = 	snop  }
__scs_overlays_trampoline_lowered:
0x8: {  	[smem:$0x3F86] =	sst s0  }
0x9: {  	[smem:$0x3F87] =	sst s1  }
0xa: {  	[smem:$0x3F88] =	sst s2  }
0xb: {  	[smem:$0x3F89] =	sst s3  }
0xc: {  	[smem:$0x3F8A] =	sst s4  }
0xd: {  	[smem:$0x3F8B] =	sst s5  }
0xe: {  	[smem:$0x3F8C] =	sst s6  }
0xf: {  	[smem:$0x3F8D] =	sst s7  }
0x10: {  	[smem:$0x3F8E] =	sst s8  }
0x11: {  	[smem:$0x3F8F] =	sst s9;
	s0 =	simm.s32 @!p0 $0x0  }
0x12: {  	s1 =	sld [smem:$0x3F75];
	s0 =	simm.s32 @p0 $0x1  }
0x13: {  	[smem:$0x3F90] =	sst s0;
	s0 =	simm.s32 @!p1 $0x0  }
0x14: {  	s2 =	sld [smem:$0x3F74];
	s0 =	simm.s32 @p1 $0x1  }
0x15: {  	[smem:$0x3F91] =	sst s0;
	s0 =	simm.s32 @!p2 $0x0  }
0x16: {  	s3 =	sld [smem:$0x3FDB];
	s0 =	simm.s32 @p2 $0x1  }
0x17: {  	s4 =	simm.s32 $0x1BF5;
	[smem:$0x3F93] =	sst s0  }
0x18: {  	s0 =	sld [smem:$0x3F76];
	_ =	swait.ge [sflag:s4], $0x0  }
0x19: {  	s7 =	sld [smem:$0x3F77]  }
0x1a: {  	s8 =	sadd.s32 $0xFFFFE003, lr  }
0x1b: {  	s9 =	sadd.s32 $0xFFFFFEF7, lr;
	s5 =	simm.s32 $0xFFFFFFFF;
	p2 =	slt.u32 s8, $0xFFFFF086  }
0x1c: {  	p1 =	slt.u32 s9, $0xF7A;
	s5 =	simm.s32 @!p2 $0x0  }
0x1d: {  	s5 =	simm.s32 @p1 $0x1;
	p0 =	seq.s32 s7, s2  }
0x1e: {  	s7 =	smul.u32 @!p0 $0xF7A, s2;
	p2 =	seq.s32 @!p0 s5, $0x0  }
0x1f: {  	s9 =	smul.u32 $0xF7A, s1;
	s8 =	simm.s32 @!p0 $0x1BF5;
	p2 =	por !p2, p0  }
0x20: {  	[sflag:s8] =	ssyncset.s32 @!p0 $0xFFFFF086;
	s6 =	sadd.s32 @!p0 s3, s7;
	s7 =	simm.s32 @!p0 $0x108  }
0x21: {  	s3 =	sadd.s32 s3, s9;
	s6 =	sadd.s32 @!p0 $0x88, s6;
	s7 =	simm.s32 @p2 $0x1082  }
0x22: {  	[simem:s7], [sflag:s8] =	dma.local @!p0 [hbm:s6], $0xF7A  }
0x23: {  	s9 =	sor.u32 $0xD0000000, s2;
	s6 =	simm.s32 $0x108;
	_ =	swait.ge @!p0 [sflag:s8], $0x0  }
0x24: {  	s3 =	sadd.s32 $0x88, s3;
	s6 =	simm.s32 @!p1 $0x1082;
	[sflag:s4] =	ssyncset.s32 $0xFFFFF086  }
0x25: {  	[simem:s6], [sflag:s4] =	dma.local [hbm:s3], $0xF7A  }
0x26: {  	[smem:$0x3F77] =	sst s1;
	(tag) =	ssettag s2;
	_ =	strace s9  }
0x27: {  	s1 =	sld [smem:$0x3F87]  }
0x28: {  	s2 =	sld [smem:$0x3F88]  }
0x29: {  	s4 =	sld [smem:$0x3F8A]  }
0x2a: {  	p0 =	seq.s32 s5, $0x0;
	s5 =	sld [smem:$0x3F8B]  }
0x2b: {  	s6 =	sld [smem:$0x3F8C]  }
0x2c: {  	s7 =	sld [smem:$0x3F8D]  }
0x2d: {  	s3 =	simm.s32 $0x108;
	s8 =	sld [smem:$0x3F8E]  }
0x2e: {  	s3 =	simm.s32 @!p0 $0x1082;
	s9 =	sld [smem:$0x3F8F]  }
0x2f: {  	lr =	sadd.s32 s0, s3;
	s0 =	sld [smem:$0x3F86]  }
0x30: {  	s3 =	sld [smem:$0x3F89]  }
0x31: {  	[smem:$0x3F92] =	sst s10  }
0x32: {  	s10 =	sld [smem:$0x3F90];
	_ =	sdelay $0x3  }
0x33: {  	p0 =	seq.s32 s10, $0x1;
	s10 =	sld [smem:$0x3F92];
	_ =	sdelay $0x3  }
0x34: {  	[smem:$0x3F92] =	sst s10  }
0x35: {  	s10 =	sld [smem:$0x3F91];
	_ =	sdelay $0x3  }
0x36: {  	p1 =	seq.s32 s10, $0x1;
	s10 =	sld [smem:$0x3F92];
	_ =	sdelay $0x3  }
0x37: {  	[smem:$0x3F92] =	sst s10  }
0x38: {  	s10 =	sld [smem:$0x3F93]  }
0x39: {  	_ = 	snop;
	(pc) =	sbr.ind lr, $3  }
0x3a: {  	_ = 	snop  }
0x3b: {  	_ = 	snop  }
0x3c: {  	p2 =	seq.s32 s10, $0x1;
	s10 =	sld [smem:$0x3F92]  }
0x3d: {  	_ =	shalt  }
0x3e: {  	_ =	shalt  }
0x3f: {  	_ =	shalt  }
0x40: {  	_ =	shalt  }
0x41: {  	_ =	shalt  }
0x42: {  	_ =	shalt  }
0x43: {  	_ =	shalt  }
0x44: {  	_ =	shalt  }
0x45: {  	_ =	shalt  }
0x46: {  	_ =	shalt  }
0x47: {  	_ =	shalt  }
0x48: {  	_ =	shalt  }
0x49: {  	_ =	shalt  }
0x4a: {  	_ =	shalt  }
0x4b: {  	_ =	shalt  }
0x4c: {  	_ =	shalt  }
0x4d: {  	_ =	shalt  }
0x4e: {  	_ =	shalt  }
0x4f: {  	_ =	shalt  }
0x50: {  	_ =	shalt  }
0x51: {  	_ =	shalt  }
0x52: {  	_ =	shalt  }
0x53: {  	_ =	shalt  }
0x54: {  	_ =	shalt  }
0x55: {  	_ =	shalt  }
0x56: {  	_ =	shalt  }
0x57: {  	_ =	shalt  }
0x58: {  	_ =	shalt  }
0x59: {  	_ =	shalt  }
0x5a: {  	_ =	shalt  }
0x5b: {  	_ =	shalt  }
0x5c: {  	_ =	shalt  }
0x5d: {  	_ =	shalt  }
0x5e: {  	_ =	shalt  }
0x5f: {  	_ =	shalt  }
0x60: {  	_ =	shalt  }
0x61: {  	_ =	shalt  }
0x62: {  	_ =	shalt  }
0x63: {  	_ =	shalt  }
0x64: {  	_ =	shalt  }
0x65: {  	_ =	shalt  }
0x66: {  	_ =	shalt  }
0x67: {  	_ =	shalt  }
0x68: {  	_ =	shalt  }
0x69: {  	_ =	shalt  }
0x6a: {  	_ =	shalt  }
0x6b: {  	_ =	shalt  }
0x6c: {  	_ =	shalt  }
0x6d: {  	_ =	shalt  }
0x6e: {  	_ =	shalt  }
0x6f: {  	_ =	shalt  }
0x70: {  	_ =	shalt  }
0x71: {  	_ =	shalt  }
0x72: {  	_ =	shalt  }
0x73: {  	_ =	shalt  }
0x74: {  	_ =	shalt  }
0x75: {  	_ =	shalt  }
0x76: {  	_ =	shalt  }
0x77: {  	_ =	shalt  }
0x78: {  	_ =	shalt  }
0x79: {  	_ =	shalt  }
0x7a: {  	_ =	shalt  }
0x7b: {  	_ =	shalt  }
0x7c: {  	_ =	shalt  }
0x7d: {  	_ =	shalt  }
0x7e: {  	_ =	shalt  }
0x7f: {  	_ =	shalt  }
0x80: {  	_ =	shalt  }
0x81: {  	_ =	shalt  }
0x82: {  	_ =	shalt  }
0x83: {  	_ =	shalt  }
0x84: {  	_ =	shalt  }
0x85: {  	_ =	shalt  }
0x86: {  	_ =	shalt  }
0x87: {  	_ =	shalt  }
.Lfunc_end0:
.L_simem_size_0:
called_computation.9_lowered:
.L_overlay_start_0:
0x88: {  	s2 =	sld [smem:$0x3FD9]  }
0x89: {  	s3 =	sld [smem:$0x3FFE];
	_ =	sdelay $0x1  }
0x8a: {  	s1 =	srdreg.scid  }
0x8b: {  	s0 =	sand.u32 $0x1, s1  }
0x8c: {  	s17 =	sshll.u32 s0, $0xA;
	s2 =	sadd.s32 s3, s2  }
0x8d: {  	s2 =	sadd.s32 s2, s17  }
0x8e: {  	[smem:$0x3F9E] =	sst s2  }
0x8f: {  	_ = 	snop  }
0x90: {  	s2 =	sld [smem:$0x3FD0];
	(tm) =	ssettm $0x1  }
0x91: {  	s18 =	sld [smem:$0x3FFB];
	_ =	sdelay $0x3  }
0x92: {  	_ =	strace s18  }
0x93: {  	s3 =	sld [smem:$0x3FFC];
	_ =	sdelay $0x3  }
0x94: {  	_ =	strace s3  }
0x95: {  	s3 =	sld [smem:$0x3FFD];
	_ =	sdelay $0x3  }
0x96: {  	_ =	strace s3  }
0x97: {  	_ =	strace $0x8FFFFFFF  }
0x98: {  	s19 =	sld [smem:$0x3FDB];
	_ =	sdelay $0x1  }
0x99: {  	s4 =	simm.s32 $_scs_section_size  }
0x9a: {  	s5 =	simm.s32 $_size__tile_overlayer_lowered;
	s6 =	simm.s32 $_tile_overlayer_lowered  }
0x9b: {  	s22 =	simm.s32 $0x1BFF;
	s21 =	sshll.u32 s6, $0x1;
	s3 =	sadd.s32 s4, s19  }
0x9c: {  	s7 =	simm.s32 $0x0;
	s20 =	sshll.u32 s5, $0x1;
	s5 =	sadd.s32 s21, s3  }
0x9d: {  	[timem:s7], [sflag:s22] =	dma.local [hbm:s5], s20  }
0x9e: {  	_ =	swait.ge [sflag:s22], s20  }
0x9f: {  	s4 =	ssub.s32 $0x0, s20;
	[sflag:s22] =	ssyncset.done $0x0  }
0xa0: {  	[sflag:s22] =	ssyncadd.s32 s4;
	_ =	sdelay $0x1  }
0xa1: {  	s23 =	simm.s32 $0x1B8B  }
0xa2: {  	_ =	swait.ge [sflag:s23], $0x1  }
0xa3: {  	[sflag:s23] =	ssyncset.done $0x0  }
0xa4: {  	s25 =	simm.s32 $0x1B8E;
	s24 =	sld [smem:$0x3FFE];
	[sflag:s23] =	ssyncadd.s32 $0xFFFFFFFF  }
0xa5: {  	s26 =	simm.s32 $execute0_lowered;
	[smem:$0x3FD2] =	sst s25  }
0xa6: {  	s5 =	sshll.u32 s26, $0x1;
	_ =	strace $0x80000061;
	[dreg:$0x1] =	wrdreg $0xFFFFFFFF  }
0xa7: {  	s28 =	simm.s32 $_size_execute0_lowered;
	s3 =	sadd.s32 s3, s5;
	[dreg:$0x0] =	wrdreg $0x0  }
0xa8: {  	s5 =	sshll.u32 s28, $0x1;
	[dreg:$0x2] =	wrdreg s3  }
0xa9: {  	[dreg:$0x3] =	wrdreg s5  }
0xaa: {  	[dreg:$0x4] =	wrdreg $0xC0  }
0xab: {  	_ =	task [dreg:s7], $0x5FFFF  }
0xac: {  	[dreg:$0x1] =	wrdreg $0xFFFFFFFF  }
0xad: {  	[dreg:$0x0] =	wrdreg $0x60  }
0xae: {  	[dreg:$0x2] =	wrdreg s2  }
0xaf: {  	[dreg:$0x3] =	wrdreg s24  }
0xb0: {  	[dreg:$0x4] =	wrdreg $0x41000  }
0xb1: {  	[dreg:$0x5] =	wrdreg $0x9  }
0xb2: {  	_ =	task.clear_ibuf [dreg:s7], $0x6FFFF;
	_ =	strace $0x90000061  }
0xb3: {  	s29 =	simm.s32 $0x9;
	_ =	strace $0x80000063  }
0xb4: {  	_ =	swait.ge [sflag:s29], $0x1  }
0xb5: {  	[sflag:s29] =	ssyncadd.s32 $0xFFFFFFFF  }
0xb6: {  	_ =	strace $0x90000063  }
0xb7: {  	_ =	sfence  }
0xb8: {  	s30 =	sld [smem:$0x0];
	_ =	sdelay $0x2  }
0xb9: {  	s31 =	sshll.u32 s1, $0xD;
	s1 =	sshrl.u32 s1, $0x2  }
0xba: {  	s3 =	sand.u32 $0x4000, s31;
	s1 =	sadd.s32 s1, s30  }
0xbb: {  	s0 =	sor.u32 s3, s0;
	s1 =	sshll.u32 s1, $0x11  }
0xbc: {  	s0 =	sor.u32 s1, s0  }
0xbd: {  	s0 =	sadd.s32 $0x8F2B, s0  }
0xbe: {  	[sflag:s0] =	ssyncadd.remote.s32 $0x1  }
0xbf: {  	_ =	sfence.sel $0xFFFF  }
0xc0: {  	[dreg:$0x0] =	wrdreg $0xFFFFFFFF;
	(pc) =	sbr.abs _section_cstart, $3  }
0xc1: {  	[dreg:$0x1] =	wrdreg $0xFFFFFFFF  }
0xc2: {  	_ =	task.clear_ibuf [dreg:s7], $0x2FFFF;
	_ =	strace $0x9FFFFFFF  }
0xc3: {  	(tm) =	ssettm $0x7FFFFFFF  }
tec
execute0_lowered:
.L_overlay_start_1:
0x0: {  	(tag) =	ssettag $0x1  }
0x1: {  	s1 =	rddreg [dreg:$0x0];
	s4 =	srdreg.scid  }
0x2: {  	s8 =	rddreg [dreg:$0x1];
	s9 =	sand.u32 $0x1, s4  }
0x3: {  	s2 =	rddreg [dreg:$0x2];
	s10 =	smul.u32 $0x61C000, s9  }
0x4: {  	s4 =	stileid.u32;
	s11 =	smul.u32 $0x32000, s9  }
0x5: {  	s0 =	rddreg [dreg:$0x3];
	s12 =	smul.u32 $0x64000, s4  }
0x6: {  	s3 =	simm.s32 $0x0;
	s5 =	sadd.s32 $0x2B00E00, s8;
	s7 =	smul.u32 $0xC380, s4  }
0x7: {  	[smem:$0x7FF] =	sst s3;
	s6 =	sadd.s32 $0x2AE6800, s8;
	s14 =	smul.u32 $0xC3800, s9  }
0x8: {  	_ =	strace $0x80000062;
	s13 =	ssub.s32 $0x2, s9;
	s28 =	smul.u32 $0x61C00, s4  }
0x9: {  	s31 =	smul.u32 $0x3200, s4;
	s26 =	sshrl.u32 s13, $0x1;
	s10 =	sadd.s32 s10, s8  }
0xa: {  	s15 =	sadd.s32 s11, s8;
	s29 =	ssub.s32 s13, s26;
	s30 =	sshrl.u32 s12, $0x2  }
0xb: {  	s11 =	sadd.s32 s14, s7;
	s13 =	simm.s32 $0x3100;
	s14 =	simm.s32 $0x3  }
0xc: {  	s8 =	sadd.s32 s30, s2;
	s10 =	sadd.s32 s28, s10;
	s12 =	sadd.s32 s31, s15  }
0xd: {  	v0 =	vimm.f32 $0.0e+00;
	s9 =	smax.u32 s29, $0x1;
	s10 =	sadd.s32 $0x118200, s10;
	s12 =	sadd.s32 $0xD50200, s12  }
.LBB2_1:
0xe: {  	s15 =	simm.s32 $0x0  }
.LBB2_2:
0xf: {  	p0 =	sne.s32 s15, $0x3F80  }
.Ltmp0:
0x10: {  	_ = 	snop;
	(pc) =	sbr.rel @p0 .LBB2_2-.Ltmp0, $4  }
0x11: {  	_ = 	snop  }
0x12: {  	s16 =	sshra.s32 s15, $0x2  }
0x13: {  	[tilespmem:s16+$0x3100] =	vst v0  }
0x14: {  	s15 =	sadd.s32 $0x80, s15;
	[tilespmem:s16+$0x3110] =	vst v0  }
0x15: {  	s15 =	sadd.s32 $0x0, s8  }
0x16: {  	[spmem:s15] =	stream.linear.scatter [tilespmem:s13], [sflag:$0x3], $0x1000, $0x38;
	[tilespmem:$0x1D100] =	vst v63  }
0x17: {  	s15 =	simm.s32 $0x4000;
	_ =	swait.ge [sflag:s14], $0x1000  }
.LBB2_4:
0x18: {  	s16 =	sshra.s32 s15, $0x2;
	[sflag:s14] =	ssyncset.done $0x0;
	p0 =	sne.s32 s15, $0x60000  }
.Ltmp1:
0x19: {  	s16 =	sadd.s32 s16, s8;
	[sflag:s14] =	ssyncadd.s32 $0xFFFFF000;
	(pc) =	sbr.rel @p0 .LBB2_4-.Ltmp1, $3  }
0x1a: {  	[spmem:s16] =	stream.linear.scatter [tilespmem:s13], [sflag:$0x3], $0x1000, $0x38;
	[tilespmem:$0x1D100] =	vst v63  }
0x1b: {  	s15 =	sadd.s32 $0x4000, s15;
	_ =	sdelay $0x1  }
0x1c: {  	_ =	swait.ge [sflag:s14], $0x1000  }
0x1d: {  	s15 =	simm.s32 $0x0  }
0x1e: {  	s15 =	sand.u32 $0x7F, s15  }
0x1f: {  	[sflag:s14] =	ssyncset.done $0x0;
	p0 =	sne.s32 s15, $0x0  }
0x20: {  	[sflag:s14] =	ssyncadd.s32 $0xFFFFF000;
	s16 =	sadd.s32 @!p0 $0x0, s7  }
0x21: {  	[bflag:$0x0] =	sbarrier.arrive $0xFFFF;
	s17 =	sadd.s32 @!p0 $0x0, s11;
	s16 =	sshrl.u32 @!p0 s16, $0x3  }
0x22: {  	s18 =	simm.s32 @!p0 $0x0;
	s19 =	simm.s32 @!p0 $0x80;
	s16 =	sadd.s32 @!p0 s6, s16  }
0x23: {  	[tilespmem:s19], [sflag:$0x2] =	stream.linear.gather @!p0 [hbm4b:s16+s18], $0x80, $0x38;
	[tilespmem:$0x1D100] =	vst v63  }
0x24: {  	s17 =	sshrl.u32 @!p0 s17, $0x3;
	s16 =	simm.s32 @!p0 $0x1100  }
0x25: {  	[tilespmem:s16], [sflag:$0x2] =	stream.linear.gather @!p0 [hbm4b:s10+s18], $0x2000, $0x38;
	[tilespmem:$0x1D100] =	vst v63  }
0x26: {  	s16 =	sadd.s32 @!p0 s5, s17;
	s17 =	simm.s32 @!p0 $0x4  }
0x27: {  	[tilespmem:s18], [sflag:$0x4] =	stream.linear.gather @!p0 [hbm4b:s16+s18], $0x80, $0x38;
	[tilespmem:$0x1D100] =	vst v63  }
0x28: {  	_ =	swait.ge @!p0 [sflag:s17], $0x80  }
0x29: {  	[sflag:s17] =	ssyncset.done @!p0 $0x0  }
0x2a: {  	s16 =	simm.s32 @!p0 $0x100;
	[sflag:s17] =	ssyncadd.s32 @!p0 $0xFFFFFF80;
	s17 =	simm.s32 @!p0 $0x1  }
0x2b: {  	[tilespmem:s16], [sflag:$0x1] =	stream.indirect.gather @!p0 [hbm4b:s1+s19], $0x20, s18, s19, $0xb8;
	[tilespmem:$0x1D100] =	vst v63  }
0x2c: {  	_ =	swait.ge @!p0 [sflag:s17], $0x1000  }
0x2d: {  	[sflag:s17] =	ssyncset.done @!p0 $0x0  }
0x2e: {  	s16 =	simm.s32 @!p0 $0x2;
	[sflag:s17] =	ssyncadd.s32 @!p0 $0xFFFFF000  }
0x2f: {  	_ =	swait.ge @!p0 [sflag:s16], $0x80  }
0x30: {  	[sflag:s16] =	ssyncset.done @!p0 $0x0  }
0x31: {  	[sflag:s16] =	ssyncadd.s32 @!p0 $0xFFFFFF80  }
0x32: {  	_ =	swait.ge @!p0 [sflag:s16], $0x2000  }
0x33: {  	[sflag:s16] =	ssyncset.done @!p0 $0x0  }
0x34: {  	s19 =	sshll.u32 s15, $0x5;
	[sflag:s16] =	ssyncadd.s32 @!p0 $0xFFFFE000  }
0x35: {  	s30 =	sshll.u32 s15, $0x6;
	v1 =	vld [tilespmem:s19+$0x100]  }
0x36: {  	v2 =	vld [tilespmem:s30+$0x1100];
	_ =	sdelay $0x2  }
0x37: {  	v3 =	vld [tilespmem:s30+$0x1120];
	_ =	sdelay $0x1  }
0x38: {  	v1 =	vadd.f32 v2, v1;
	_ =	sdelay $0x1  }
0x39: {  	v1 =	vmax.f32 v1, $0.0e+00  }
0x3a: {  	v1 =	vmul.f32 v1, v3;
	_ =	sdelay $0x1  }
0x3b: {  	[tilespmem:s19+$0x100] =	vst v1;
	v1 =	vld [tilespmem:s19+$0x110]  }
0x3c: {  	v2 =	vld [tilespmem:s30+$0x1110];
	_ =	sdelay $0x2  }
0x3d: {  	v3 =	vld [tilespmem:s30+$0x1130];
	_ =	sdelay $0x1  }
0x3e: {  	s31 =	simm.s32 $0x1;
	p2 =	sne.s32 s15, $0x7F;
	v1 =	vadd.f32 v2, v1  }
0x3f: {  	s22 =	simm.s32 @!p2 $0x80;
	s20 =	simm.s32 @!p2 $0x3;
	s15 =	sand.u32 $0x7F, s31  }
0x40: {  	s23 =	simm.s32 @!p2 $0x100;
	s17 =	simm.s32 $0x2;
	p0 =	sne.s32 s15, $0x0;
	v1 =	vmax.f32 v1, $0.0e+00  }
0x41: {  	s16 =	smov.u32 s10;
	s24 =	sadd.s32 @!p0 $0x1, s7;
	s21 =	sadd.s32 @!p0 $0x1, s11;
	v1 =	vmul.f32 v1, v3  }
.LBB2_6:
0x42: {  	s24 =	sshrl.u32 @!p0 s24, $0x3  }
0x43: {  	[tilespmem:s19+$0x110] =	vst v1;
	s16 =	sadd.s32 $0x8, s16;
	s18 =	smov.u32 s17;
	s17 =	sadd.s32 $0x1, s17  }
0x44: {  	[spmem:s2] =	stream.indirect.scatter.add.f32 @!p2 [tilespmem:s23], [sflag:$0x3], $0x20, s22, s22, $0xb8;
	[tilespmem:$0x1D100] =	vst v63  }
0x45: {  	p1 =	sne.s32 s17, $0xC380;
	s19 =	sadd.s32 @!p0 s6, s24;
	_ =	swait.ge @!p2 [sflag:s20], $0x1000  }
0x46: {  	[sflag:s20] =	ssyncset.done @!p2 $0x0  }
0x47: {  	s22 =	simm.s32 @!p0 $0x0;
	s23 =	simm.s32 @!p0 $0x80;
	[sflag:s20] =	ssyncadd.s32 @!p2 $0xFFFFF000  }
0x48: {  	[tilespmem:s23], [sflag:$0x2] =	stream.linear.gather @!p0 [hbm4b:s19+s22], $0x80, $0x38;
	[tilespmem:$0x1D100] =	vst v63  }
0x49: {  	s20 =	sshrl.u32 @!p0 s21, $0x3;
	s19 =	simm.s32 @!p0 $0x1100  }
0x4a: {  	[tilespmem:s19], [sflag:$0x2] =	stream.linear.gather @!p0 [hbm4b:s16+s22], $0x2000, $0x38;
	[tilespmem:$0x1D100] =	vst v63  }
0x4b: {  	s19 =	sadd.s32 @!p0 s5, s20;
	s20 =	simm.s32 @!p0 $0x4  }
0x4c: {  	[tilespmem:s22], [sflag:$0x4] =	stream.linear.gather @!p0 [hbm4b:s19+s22], $0x80, $0x38;
	[tilespmem:$0x1D100] =	vst v63  }
0x4d: {  	_ =	swait.ge @!p0 [sflag:s20], $0x80  }
0x4e: {  	[sflag:s20] =	ssyncset.done @!p0 $0x0  }
0x4f: {  	s19 =	simm.s32 @!p0 $0x100;
	[sflag:s20] =	ssyncadd.s32 @!p0 $0xFFFFFF80;
	s20 =	simm.s32 @!p0 $0x1  }
0x50: {  	[tilespmem:s19], [sflag:$0x1] =	stream.indirect.gather @!p0 [hbm4b:s1+s23], $0x20, s22, s23, $0xb8;
	[tilespmem:$0x1D100] =	vst v63  }
0x51: {  	_ =	swait.ge @!p0 [sflag:s20], $0x1000  }
0x52: {  	[sflag:s20] =	ssyncset.done @!p0 $0x0  }
0x53: {  	s19 =	simm.s32 @!p0 $0x2;
	[sflag:s20] =	ssyncadd.s32 @!p0 $0xFFFFF000  }
0x54: {  	_ =	swait.ge @!p0 [sflag:s19], $0x80  }
0x55: {  	[sflag:s19] =	ssyncset.done @!p0 $0x0  }
0x56: {  	[sflag:s19] =	ssyncadd.s32 @!p0 $0xFFFFFF80  }
0x57: {  	_ =	swait.ge @!p0 [sflag:s19], $0x2000  }
0x58: {  	[sflag:s19] =	ssyncset.done @!p0 $0x0  }
0x59: {  	[sflag:s19] =	ssyncadd.s32 @!p0 $0xFFFFE000;
	s19 =	sshll.u32 s15, $0x5  }
0x5a: {  	s20 =	sshll.u32 s15, $0x6;
	v1 =	vld [tilespmem:s19+$0x100]  }
0x5b: {  	v2 =	vld [tilespmem:s20+$0x1100];
	_ =	sdelay $0x2  }
0x5c: {  	v3 =	vld [tilespmem:s20+$0x1120];
	_ =	sdelay $0x1  }
0x5d: {  	v1 =	vadd.f32 v2, v1;
	_ =	sdelay $0x1  }
0x5e: {  	v1 =	vmax.f32 v1, $0.0e+00  }
0x5f: {  	v1 =	vmul.f32 v1, v3;
	_ =	sdelay $0x1  }
0x60: {  	[tilespmem:s19+$0x100] =	vst v1;
	v1 =	vld [tilespmem:s19+$0x110]  }
0x61: {  	v2 =	vld [tilespmem:s20+$0x1110];
	_ =	sdelay $0x2  }
0x62: {  	v3 =	vld [tilespmem:s20+$0x1130];
	_ =	sdelay $0x1  }
.Ltmp2:
0x63: {  	v1 =	vadd.f32 v2, v1;
	(pc) =	sbr.rel @p1 .LBB2_6-.Ltmp2, $4  }
0x64: {  	p2 =	sne.s32 s15, $0x7F  }
0x65: {  	s22 =	simm.s32 @!p2 $0x80;
	s15 =	sand.u32 $0x7F, s18;
	s20 =	simm.s32 @!p2 $0x3;
	v1 =	vmax.f32 v1, $0.0e+00  }
0x66: {  	s23 =	simm.s32 @!p2 $0x100;
	p0 =	sne.s32 s15, $0x0;
	v1 =	vmul.f32 v1, v3  }
0x67: {  	s24 =	sadd.s32 @!p0 s18, s7;
	s21 =	sadd.s32 @!p0 s18, s11  }
0x68: {  	[tilespmem:s19+$0x110] =	vst v1  }
0x69: {  	[spmem:s2] =	stream.indirect.scatter.add.f32 @!p2 [tilespmem:s23], [sflag:$0x3], $0x20, s22, s22, $0xb8;
	[tilespmem:$0x1D100] =	vst v63  }
0x6a: {  	_ =	swait.ge @!p2 [sflag:s20], $0x1000  }
0x6b: {  	s17 =	sshrl.u32 @!p0 s24, $0x3;
	s18 =	simm.s32 @!p0 $0x0;
	[sflag:s20] =	ssyncset.done @!p2 $0x0  }
0x6c: {  	s19 =	simm.s32 @!p0 $0x80;
	s17 =	sadd.s32 @!p0 s6, s17;
	[sflag:s20] =	ssyncadd.s32 @!p2 $0xFFFFF000  }
0x6d: {  	[tilespmem:s19], [sflag:$0x2] =	stream.linear.gather @!p0 [hbm4b:s17+s18], $0x80, $0x38;
	[tilespmem:$0x1D100] =	vst v63  }
0x6e: {  	s16 =	sadd.s32 $0x8, s16;
	s20 =	sshrl.u32 @!p0 s21, $0x3;
	s17 =	simm.s32 @!p0 $0x1100  }
0x6f: {  	[tilespmem:s17], [sflag:$0x2] =	stream.linear.gather @!p0 [hbm4b:s16+s18], $0x2000, $0x38;
	[tilespmem:$0x1D100] =	vst v63  }
0x70: {  	s16 =	sadd.s32 @!p0 s5, s20;
	s17 =	simm.s32 @!p0 $0x4  }
0x71: {  	[tilespmem:s18], [sflag:$0x4] =	stream.linear.gather @!p0 [hbm4b:s16+s18], $0x80, $0x38;
	[tilespmem:$0x1D100] =	vst v63  }
0x72: {  	_ =	swait.ge @!p0 [sflag:s17], $0x80  }
0x73: {  	[sflag:s17] =	ssyncset.done @!p0 $0x0  }
0x74: {  	s16 =	simm.s32 @!p0 $0x100;
	[sflag:s17] =	ssyncadd.s32 @!p0 $0xFFFFFF80;
	s17 =	simm.s32 @!p0 $0x1  }
0x75: {  	[tilespmem:s16], [sflag:$0x1] =	stream.indirect.gather @!p0 [hbm4b:s1+s19], $0x20, s18, s19, $0xb8;
	[tilespmem:$0x1D100] =	vst v63  }
0x76: {  	_ =	swait.ge @!p0 [sflag:s17], $0x1000  }
0x77: {  	[sflag:s17] =	ssyncset.done @!p0 $0x0  }
0x78: {  	s16 =	simm.s32 @!p0 $0x2;
	[sflag:s17] =	ssyncadd.s32 @!p0 $0xFFFFF000  }
0x79: {  	_ =	swait.ge @!p0 [sflag:s16], $0x80  }
0x7a: {  	[sflag:s16] =	ssyncset.done @!p0 $0x0  }
0x7b: {  	[sflag:s16] =	ssyncadd.s32 @!p0 $0xFFFFFF80  }
0x7c: {  	_ =	swait.ge @!p0 [sflag:s16], $0x2000  }
0x7d: {  	[sflag:s16] =	ssyncset.done @!p0 $0x0  }
0x7e: {  	s26 =	sshll.u32 s15, $0x5;
	[sflag:s16] =	ssyncadd.s32 @!p0 $0xFFFFE000  }
0x7f: {  	s28 =	sshll.u32 s15, $0x6;
	v1 =	vld [tilespmem:s26+$0x100]  }
0x80: {  	v2 =	vld [tilespmem:s28+$0x1100];
	_ =	sdelay $0x2  }
0x81: {  	v3 =	vld [tilespmem:s28+$0x1120];
	_ =	sdelay $0x1  }
0x82: {  	v1 =	vadd.f32 v2, v1;
	_ =	sdelay $0x1  }
0x83: {  	v1 =	vmax.f32 v1, $0.0e+00  }
0x84: {  	v1 =	vmul.f32 v1, v3;
	_ =	sdelay $0x1  }
0x85: {  	[tilespmem:s26+$0x100] =	vst v1;
	v1 =	vld [tilespmem:s26+$0x110]  }
0x86: {  	v2 =	vld [tilespmem:s28+$0x1110];
	_ =	sdelay $0x2  }
0x87: {  	v3 =	vld [tilespmem:s28+$0x1130];
	_ =	sdelay $0x1  }
0x88: {  	v1 =	vadd.f32 v2, v1;
	_ =	sdelay $0x1  }
0x89: {  	v1 =	vmax.f32 v1, $0.0e+00  }
0x8a: {  	v1 =	vmul.f32 v1, v3  }
0x8b: {  	p0 =	sne.s32 s15, $0x7F  }
0x8c: {  	s15 =	simm.s32 @!p0 $0x80;
	s17 =	simm.s32 @!p0 $0x3;
	s18 =	simm.s32 @!p0 $0x100;
	[tilespmem:s26+$0x110] =	vst v1  }
0x8d: {  	[spmem:s2] =	stream.indirect.scatter.add.f32 @!p0 [tilespmem:s18], [sflag:$0x3], $0x20, s15, s15, $0xb8;
	[tilespmem:$0x1D100] =	vst v63  }
0x8e: {  	_ =	swait.ge @!p0 [sflag:s17], $0x1000  }
0x8f: {  	[sflag:s17] =	ssyncset.done @!p0 $0x0  }
0x90: {  	s29 =	sshll.u32 s4, $0x6;
	s30 =	sadd.s32 $0x0, s12;
	[sflag:s17] =	ssyncadd.s32 @!p0 $0xFFFFF000  }
0x91: {  	s31 =	sshrl.u32 s8, $0x3;
	s15 =	sor.u32 $0x1C03, s29;
	[bflag:$0x0] =	sbarrier.arrive $0xFFFF  }
0x92: {  	[hbm:s30], [sflag:s15] =	dma.local [spmem:s31], $0x200  }
0x93: {  	s16 =	simm.s32 $0x200;
	s17 =	sadd.s32 $0x1000, s8;
	_ =	swait.ge [sflag:s14], $0x200  }
.LBB2_8:
0x94: {  	s18 =	sadd.s32 s16, s12;
	[sflag:s14] =	ssyncset.done $0x0;
	p0 =	sne.s32 s16, $0x3000  }
.Ltmp3:
0x95: {  	s19 =	sshrl.u32 s17, $0x3;
	[sflag:s14] =	ssyncadd.s32 $0xFFFFFE00;
	(pc) =	sbr.rel @p0 .LBB2_8-.Ltmp3, $3  }
0x96: {  	[hbm:s18], [sflag:s15] =	dma.local [spmem:s19], $0x200  }
0x97: {  	s16 =	sadd.s32 $0x200, s16;
	_ =	sdelay $0x1  }
0x98: {  	s17 =	sadd.s32 $0x1000, s17;
	_ =	swait.ge [sflag:s14], $0x200  }
0x99: {  	s3 =	sadd.s32 $0x1, s3  }
0x9a: {  	p0 =	sne.s32 s3, s9  }
.Ltmp4:
0x9b: {  	_ = 	snop;
	(pc) =	sbr.rel @p0 .LBB2_1-.Ltmp4, $3  }
0x9c: {  	_ =	sdelay $0x1  }
0x9d: {  	[sflag:s14] =	ssyncset.done $0x0  }
0x9e: {  	[sflag:s14] =	ssyncadd.s32 $0xFFFFFE00  }
0x9f: {  	_ =	sfence.sel $0x180000  }
0xa0: {  	[bflag:$0x0] =	sbarrier.arrive $0xFFFF  }
0xa1: {  	p0 =	sne.s32 s4, $0x0;
	_ =	strace $0x90000062  }
0xa2: {  	s0 =	sadd.s32 @!p0 $0x100000, s0;
	[bflag:$0x2] =	sbarrier.arrive $0xFFFF  }
0xa3: {  	[sflag:s0] =	ssyncadd.tile.s32 @!p0 $0x1;
	_ =	shalt  }
.Lfunc_end2:
_tile_overlayer_lowered:
.L_overlay_start_2:
0xa4: {  	(tag) =	ssettag $0x2  }
0xa5: {  	s0 =	rddreg [dreg:$0x0];
	s2 =	stileid.u32  }
0xa6: {  	s1 =	rddreg [dreg:$0x1];
	p0 =	sne.s32 s2, $0x0  }
0xa7: {  	s3 =	rddreg [dreg:$0x2];
	[bflag:$0x3] =	sbarrier.arrive $0xFFFF;
	s2 =	simm.s32 @!p0 $0x1C03  }
0xa8: {  	[timem:s3], [sflag:s2] =	dma.local @!p0 [hbm:s0], s1  }
0xa9: {  	s0 =	simm.s32 @!p0 $0x3  }
0xaa: {  	_ =	swait.ge @!p0 [sflag:s0], s1  }
0xab: {  	s1 =	ssub.s32 @!p0 $0x0, s1;
	[sflag:s0] =	ssyncset.done @!p0 $0x0  }
0xac: {  	[sflag:s0] =	ssyncadd.s32 @!p0 s1  }
0xad: {  	[bflag:$0x3] =	sbarrier.arrive $0xFFFF  }
0xae: {  	_ =	shalt  }

// kernel: kernel.5.cloned.1.call-start
scs
__scs_entry_jumppad:
0x0: {  	(pc) =	sbr.rel $0x88, $3  }
0x1: {  	(tag) =	ssettag $0x0;
	lr =	simm.s32 $0x1  }
0x2: {  	[smem:$0x3F77] =	sst lr;
	_ =	strace $0xD0000000  }
0x3: {  	_ = 	snop  }
0x4: {  	_ = 	snop  }
0x5: {  	_ = 	snop  }
0x6: {  	_ = 	snop  }
0x7: {  	_ = 	snop  }
__scs_overlays_trampoline_lowered:
0x8: {  	[smem:$0x3F86] =	sst s0  }
0x9: {  	[smem:$0x3F87] =	sst s1  }
0xa: {  	[smem:$0x3F88] =	sst s2  }
0xb: {  	[smem:$0x3F89] =	sst s3  }
0xc: {  	[smem:$0x3F8A] =	sst s4  }
0xd: {  	[smem:$0x3F8B] =	sst s5  }
0xe: {  	[smem:$0x3F8C] =	sst s6  }
0xf: {  	[smem:$0x3F8D] =	sst s7  }
0x10: {  	[smem:$0x3F8E] =	sst s8  }
0x11: {  	[smem:$0x3F8F] =	sst s9;
	s0 =	simm.s32 @!p0 $0x0  }
0x12: {  	s1 =	sld [smem:$0x3F75];
	s0 =	simm.s32 @p0 $0x1  }
0x13: {  	[smem:$0x3F90] =	sst s0;
	s0 =	simm.s32 @!p1 $0x0  }
0x14: {  	s2 =	sld [smem:$0x3F74];
	s0 =	simm.s32 @p1 $0x1  }
0x15: {  	[smem:$0x3F91] =	sst s0;
	s0 =	simm.s32 @!p2 $0x0  }
0x16: {  	s3 =	sld [smem:$0x3FDB];
	s0 =	simm.s32 @p2 $0x1  }
0x17: {  	s4 =	simm.s32 $0x1BF5;
	[smem:$0x3F93] =	sst s0  }
0x18: {  	s0 =	sld [smem:$0x3F76];
	_ =	swait.ge [sflag:s4], $0x0  }
0x19: {  	s7 =	sld [smem:$0x3F77]  }
0x1a: {  	s8 =	sadd.s32 $0xFFFFE003, lr  }
0x1b: {  	s9 =	sadd.s32 $0xFFFFFEF7, lr;
	s5 =	simm.s32 $0xFFFFFFFF;
	p2 =	slt.u32 s8, $0xFFFFF086  }
0x1c: {  	p1 =	slt.u32 s9, $0xF7A;
	s5 =	simm.s32 @!p2 $0x0  }
0x1d: {  	s5 =	simm.s32 @p1 $0x1;
	p0 =	seq.s32 s7, s2  }
0x1e: {  	s7 =	smul.u32 @!p0 $0xF7A, s2;
	p2 =	seq.s32 @!p0 s5, $0x0  }
0x1f: {  	s9 =	smul.u32 $0xF7A, s1;
	s8 =	simm.s32 @!p0 $0x1BF5;
	p2 =	por !p2, p0  }
0x20: {  	[sflag:s8] =	ssyncset.s32 @!p0 $0xFFFFF086;
	s6 =	sadd.s32 @!p0 s3, s7;
	s7 =	simm.s32 @!p0 $0x108  }
0x21: {  	s3 =	sadd.s32 s3, s9;
	s6 =	sadd.s32 @!p0 $0x88, s6;
	s7 =	simm.s32 @p2 $0x1082  }
0x22: {  	[simem:s7], [sflag:s8] =	dma.local @!p0 [hbm:s6], $0xF7A  }
0x23: {  	s9 =	sor.u32 $0xD0000000, s2;
	s6 =	simm.s32 $0x108;
	_ =	swait.ge @!p0 [sflag:s8], $0x0  }
0x24: {  	s3 =	sadd.s32 $0x88, s3;
	s6 =	simm.s32 @!p1 $0x1082;
	[sflag:s4] =	ssyncset.s32 $0xFFFFF086  }
0x25: {  	[simem:s6], [sflag:s4] =	dma.local [hbm:s3], $0xF7A  }
0x26: {  	[smem:$0x3F77] =	sst s1;
	(tag) =	ssettag s2;
	_ =	strace s9  }
0x27: {  	s1 =	sld [smem:$0x3F87]  }
0x28: {  	s2 =	sld [smem:$0x3F88]  }
0x29: {  	s4 =	sld [smem:$0x3F8A]  }
0x2a: {  	p0 =	seq.s32 s5, $0x0;
	s5 =	sld [smem:$0x3F8B]  }
0x2b: {  	s6 =	sld [smem:$0x3F8C]  }
0x2c: {  	s7 =	sld [smem:$0x3F8D]  }
0x2d: {  	s3 =	simm.s32 $0x108;
	s8 =	sld [smem:$0x3F8E]  }
0x2e: {  	s3 =	simm.s32 @!p0 $0x1082;
	s9 =	sld [smem:$0x3F8F]  }
0x2f: {  	lr =	sadd.s32 s0, s3;
	s0 =	sld [smem:$0x3F86]  }
0x30: {  	s3 =	sld [smem:$0x3F89]  }
0x31: {  	[smem:$0x3F92] =	sst s10  }
0x32: {  	s10 =	sld [smem:$0x3F90];
	_ =	sdelay $0x3  }
0x33: {  	p0 =	seq.s32 s10, $0x1;
	s10 =	sld [smem:$0x3F92];
	_ =	sdelay $0x3  }
0x34: {  	[smem:$0x3F92] =	sst s10  }
0x35: {  	s10 =	sld [smem:$0x3F91];
	_ =	sdelay $0x3  }
0x36: {  	p1 =	seq.s32 s10, $0x1;
	s10 =	sld [smem:$0x3F92];
	_ =	sdelay $0x3  }
0x37: {  	[smem:$0x3F92] =	sst s10  }
0x38: {  	s10 =	sld [smem:$0x3F93]  }
0x39: {  	_ = 	snop;
	(pc) =	sbr.ind lr, $3  }
0x3a: {  	_ = 	snop  }
0x3b: {  	_ = 	snop  }
0x3c: {  	p2 =	seq.s32 s10, $0x1;
	s10 =	sld [smem:$0x3F92]  }
0x3d: {  	_ =	shalt  }
0x3e: {  	_ =	shalt  }
0x3f: {  	_ =	shalt  }
0x40: {  	_ =	shalt  }
0x41: {  	_ =	shalt  }
0x42: {  	_ =	shalt  }
0x43: {  	_ =	shalt  }
0x44: {  	_ =	shalt  }
0x45: {  	_ =	shalt  }
0x46: {  	_ =	shalt  }
0x47: {  	_ =	shalt  }
0x48: {  	_ =	shalt  }
0x49: {  	_ =	shalt  }
0x4a: {  	_ =	shalt  }
0x4b: {  	_ =	shalt  }
0x4c: {  	_ =	shalt  }
0x4d: {  	_ =	shalt  }
0x4e: {  	_ =	shalt  }
0x4f: {  	_ =	shalt  }
0x50: {  	_ =	shalt  }
0x51: {  	_ =	shalt  }
0x52: {  	_ =	shalt  }
0x53: {  	_ =	shalt  }
0x54: {  	_ =	shalt  }
0x55: {  	_ =	shalt  }
0x56: {  	_ =	shalt  }
0x57: {  	_ =	shalt  }
0x58: {  	_ =	shalt  }
0x59: {  	_ =	shalt  }
0x5a: {  	_ =	shalt  }
0x5b: {  	_ =	shalt  }
0x5c: {  	_ =	shalt  }
0x5d: {  	_ =	shalt  }
0x5e: {  	_ =	shalt  }
0x5f: {  	_ =	shalt  }
0x60: {  	_ =	shalt  }
0x61: {  	_ =	shalt  }
0x62: {  	_ =	shalt  }
0x63: {  	_ =	shalt  }
0x64: {  	_ =	shalt  }
0x65: {  	_ =	shalt  }
0x66: {  	_ =	shalt  }
0x67: {  	_ =	shalt  }
0x68: {  	_ =	shalt  }
0x69: {  	_ =	shalt  }
0x6a: {  	_ =	shalt  }
0x6b: {  	_ =	shalt  }
0x6c: {  	_ =	shalt  }
0x6d: {  	_ =	shalt  }
0x6e: {  	_ =	shalt  }
0x6f: {  	_ =	shalt  }
0x70: {  	_ =	shalt  }
0x71: {  	_ =	shalt  }
0x72: {  	_ =	shalt  }
0x73: {  	_ =	shalt  }
0x74: {  	_ =	shalt  }
0x75: {  	_ =	shalt  }
0x76: {  	_ =	shalt  }
0x77: {  	_ =	shalt  }
0x78: {  	_ =	shalt  }
0x79: {  	_ =	shalt  }
0x7a: {  	_ =	shalt  }
0x7b: {  	_ =	shalt  }
0x7c: {  	_ =	shalt  }
0x7d: {  	_ =	shalt  }
0x7e: {  	_ =	shalt  }
0x7f: {  	_ =	shalt  }
0x80: {  	_ =	shalt  }
0x81: {  	_ =	shalt  }
0x82: {  	_ =	shalt  }
0x83: {  	_ =	shalt  }
0x84: {  	_ =	shalt  }
0x85: {  	_ =	shalt  }
0x86: {  	_ =	shalt  }
0x87: {  	_ =	shalt  }
.Lfunc_end0:
.L_simem_size_0:
called_computation.7_lowered:
.L_overlay_start_0:
0x88: {  	s2 =	sld [smem:$0x3FD9]  }
0x89: {  	s3 =	sld [smem:$0x3FFE];
	_ =	sdelay $0x1  }
0x8a: {  	s1 =	srdreg.scid  }
0x8b: {  	s0 =	sand.u32 $0x1, s1  }
0x8c: {  	s17 =	sshll.u32 s0, $0xA;
	s2 =	sadd.s32 s3, s2  }
0x8d: {  	s2 =	sadd.s32 s2, s17  }
0x8e: {  	[smem:$0x3F9E] =	sst s2  }
0x8f: {  	_ = 	snop  }
0x90: {  	s2 =	sld [smem:$0x3FD0];
	(tm) =	ssettm $0x1  }
0x91: {  	s18 =	sld [smem:$0x3FFB];
	_ =	sdelay $0x3  }
0x92: {  	_ =	strace s18  }
0x93: {  	s3 =	sld [smem:$0x3FFC];
	_ =	sdelay $0x3  }
0x94: {  	_ =	strace s3  }
0x95: {  	s3 =	sld [smem:$0x3FFD];
	_ =	sdelay $0x3  }
0x96: {  	_ =	strace s3  }
0x97: {  	_ =	strace $0x8FFFFFFF  }
0x98: {  	s19 =	sld [smem:$0x3FDB];
	_ =	sdelay $0x1  }
0x99: {  	s4 =	simm.s32 $_scs_section_size  }
0x9a: {  	s5 =	simm.s32 $_size__tile_overlayer_lowered;
	s6 =	simm.s32 $_tile_overlayer_lowered  }
0x9b: {  	s22 =	simm.s32 $0x1BFF;
	s21 =	sshll.u32 s6, $0x1;
	s3 =	sadd.s32 s4, s19  }
0x9c: {  	s7 =	simm.s32 $0x0;
	s20 =	sshll.u32 s5, $0x1;
	s5 =	sadd.s32 s21, s3  }
0x9d: {  	[timem:s7], [sflag:s22] =	dma.local [hbm:s5], s20  }
0x9e: {  	_ =	swait.ge [sflag:s22], s20  }
0x9f: {  	s4 =	ssub.s32 $0x0, s20;
	[sflag:s22] =	ssyncset.done $0x0  }
0xa0: {  	[sflag:s22] =	ssyncadd.s32 s4;
	_ =	sdelay $0x1  }
0xa1: {  	s23 =	simm.s32 $0x1B8B  }
0xa2: {  	_ =	swait.ge [sflag:s23], $0x1  }
0xa3: {  	[sflag:s23] =	ssyncset.done $0x0  }
0xa4: {  	s25 =	simm.s32 $0x1B8E;
	s24 =	sld [smem:$0x3FFE];
	[sflag:s23] =	ssyncadd.s32 $0xFFFFFFFF  }
0xa5: {  	s26 =	simm.s32 $execute0_lowered;
	[smem:$0x3FD2] =	sst s25  }
0xa6: {  	s5 =	sshll.u32 s26, $0x1;
	_ =	strace $0x80000055;
	[dreg:$0x1] =	wrdreg $0xFFFFFFFF  }
0xa7: {  	s28 =	simm.s32 $_size_execute0_lowered;
	s3 =	sadd.s32 s3, s5;
	[dreg:$0x0] =	wrdreg $0x0  }
0xa8: {  	s5 =	sshll.u32 s28, $0x1;
	[dreg:$0x2] =	wrdreg s3  }
0xa9: {  	[dreg:$0x3] =	wrdreg s5  }
0xaa: {  	[dreg:$0x4] =	wrdreg $0xC0  }
0xab: {  	_ =	task [dreg:s7], $0x5FFFF  }
0xac: {  	[dreg:$0x1] =	wrdreg $0xFFFFFFFF  }
0xad: {  	[dreg:$0x0] =	wrdreg $0x60  }
0xae: {  	[dreg:$0x2] =	wrdreg s2  }
0xaf: {  	[dreg:$0x3] =	wrdreg s24  }
0xb0: {  	[dreg:$0x4] =	wrdreg $0x41000  }
0xb1: {  	[dreg:$0x5] =	wrdreg $0x9  }
0xb2: {  	_ =	task.clear_ibuf [dreg:s7], $0x6FFFF;
	_ =	strace $0x90000055  }
0xb3: {  	s29 =	simm.s32 $0x9;
	_ =	strace $0x80000057  }
0xb4: {  	_ =	swait.ge [sflag:s29], $0x1  }
0xb5: {  	[sflag:s29] =	ssyncadd.s32 $0xFFFFFFFF  }
0xb6: {  	_ =	strace $0x90000057  }
0xb7: {  	_ =	sfence  }
0xb8: {  	s30 =	sld [smem:$0x0];
	_ =	sdelay $0x2  }
0xb9: {  	s31 =	sshll.u32 s1, $0xD;
	s1 =	sshrl.u32 s1, $0x2  }
0xba: {  	s3 =	sand.u32 $0x4000, s31;
	s1 =	sadd.s32 s1, s30  }
0xbb: {  	s0 =	sor.u32 s3, s0;
	s1 =	sshll.u32 s1, $0x11  }
0xbc: {  	s0 =	sor.u32 s1, s0  }
0xbd: {  	s0 =	sadd.s32 $0x8F2B, s0  }
0xbe: {  	[sflag:s0] =	ssyncadd.remote.s32 $0x1  }
0xbf: {  	_ =	sfence.sel $0xFFFF  }
0xc0: {  	[dreg:$0x0] =	wrdreg $0xFFFFFFFF;
	(pc) =	sbr.abs _section_cstart, $3  }
0xc1: {  	[dreg:$0x1] =	wrdreg $0xFFFFFFFF  }
0xc2: {  	_ =	task.clear_ibuf [dreg:s7], $0x2FFFF;
	_ =	strace $0x9FFFFFFF  }
0xc3: {  	(tm) =	ssettm $0x7FFFFFFF  }
tec
execute0_lowered:
.L_overlay_start_1:
0x0: {  	(tag) =	ssettag $0x1  }
0x1: {  	s1 =	rddreg [dreg:$0x0];
	s4 =	srdreg.scid  }
0x2: {  	s8 =	rddreg [dreg:$0x1];
	s9 =	sand.u32 $0x1, s4  }
0x3: {  	s2 =	rddreg [dreg:$0x2];
	s10 =	smul.u32 $0x61C000, s9  }
0x4: {  	s4 =	stileid.u32;
	s11 =	smul.u32 $0x32000, s9  }
0x5: {  	s0 =	rddreg [dreg:$0x3];
	s12 =	smul.u32 $0x64000, s4  }
0x6: {  	s3 =	simm.s32 $0x0;
	s5 =	sadd.s32 $0x2B00E00, s8;
	s7 =	smul.u32 $0xC380, s4  }
0x7: {  	[smem:$0x7FF] =	sst s3;
	s6 =	sadd.s32 $0x2AE6800, s8;
	s14 =	smul.u32 $0xC3800, s9  }
0x8: {  	_ =	strace $0x80000056;
	s13 =	ssub.s32 $0x2, s9;
	s28 =	smul.u32 $0x61C00, s4  }
0x9: {  	s31 =	smul.u32 $0x3200, s4;
	s26 =	sshrl.u32 s13, $0x1;
	s10 =	sadd.s32 s10, s8  }
0xa: {  	s15 =	sadd.s32 s11, s8;
	s29 =	ssub.s32 s13, s26;
	s30 =	sshrl.u32 s12, $0x2  }
0xb: {  	s11 =	sadd.s32 s14, s7;
	s13 =	simm.s32 $0x3100;
	s14 =	simm.s32 $0x3  }
0xc: {  	s8 =	sadd.s32 s30, s2;
	s10 =	sadd.s32 s28, s10;
	s12 =	sadd.s32 s31, s15  }
0xd: {  	v0 =	vimm.f32 $0.0e+00;
	s9 =	smax.u32 s29, $0x1;
	s10 =	sadd.s32 $0x54C00, s10;
	s12 =	sadd.s32 $0xC8CC00, s12  }
.LBB2_1:
0xe: {  	s15 =	simm.s32 $0x0  }
.LBB2_2:
0xf: {  	p0 =	sne.s32 s15, $0x3F80  }
.Ltmp0:
0x10: {  	_ = 	snop;
	(pc) =	sbr.rel @p0 .LBB2_2-.Ltmp0, $4  }
0x11: {  	_ = 	snop  }
0x12: {  	s16 =	sshra.s32 s15, $0x2  }
0x13: {  	[tilespmem:s16+$0x3100] =	vst v0  }
0x14: {  	s15 =	sadd.s32 $0x80, s15;
	[tilespmem:s16+$0x3110] =	vst v0  }
0x15: {  	s15 =	sadd.s32 $0x0, s8  }
0x16: {  	[spmem:s15] =	stream.linear.scatter [tilespmem:s13], [sflag:$0x3], $0x1000, $0x38;
	[tilespmem:$0x1D100] =	vst v63  }
0x17: {  	s15 =	simm.s32 $0x4000;
	_ =	swait.ge [sflag:s14], $0x1000  }
.LBB2_4:
0x18: {  	s16 =	sshra.s32 s15, $0x2;
	[sflag:s14] =	ssyncset.done $0x0;
	p0 =	sne.s32 s15, $0x60000  }
.Ltmp1:
0x19: {  	s16 =	sadd.s32 s16, s8;
	[sflag:s14] =	ssyncadd.s32 $0xFFFFF000;
	(pc) =	sbr.rel @p0 .LBB2_4-.Ltmp1, $3  }
0x1a: {  	[spmem:s16] =	stream.linear.scatter [tilespmem:s13], [sflag:$0x3], $0x1000, $0x38;
	[tilespmem:$0x1D100] =	vst v63  }
0x1b: {  	s15 =	sadd.s32 $0x4000, s15;
	_ =	sdelay $0x1  }
0x1c: {  	_ =	swait.ge [sflag:s14], $0x1000  }
0x1d: {  	s15 =	simm.s32 $0x0  }
0x1e: {  	s15 =	sand.u32 $0x7F, s15  }
0x1f: {  	[sflag:s14] =	ssyncset.done $0x0;
	p0 =	sne.s32 s15, $0x0  }
0x20: {  	[sflag:s14] =	ssyncadd.s32 $0xFFFFF000;
	s16 =	sadd.s32 @!p0 $0x0, s7  }
0x21: {  	[bflag:$0x0] =	sbarrier.arrive $0xFFFF;
	s17 =	sadd.s32 @!p0 $0x0, s11;
	s16 =	sshrl.u32 @!p0 s16, $0x3  }
0x22: {  	s18 =	simm.s32 @!p0 $0x0;
	s19 =	simm.s32 @!p0 $0x80;
	s16 =	sadd.s32 @!p0 s6, s16  }
0x23: {  	[tilespmem:s19], [sflag:$0x2] =	stream.linear.gather @!p0 [hbm4b:s16+s18], $0x80, $0x38;
	[tilespmem:$0x1D100] =	vst v63  }
0x24: {  	s17 =	sshrl.u32 @!p0 s17, $0x3;
	s16 =	simm.s32 @!p0 $0x1100  }
0x25: {  	[tilespmem:s16], [sflag:$0x2] =	stream.linear.gather @!p0 [hbm4b:s10+s18], $0x2000, $0x38;
	[tilespmem:$0x1D100] =	vst v63  }
0x26: {  	s16 =	sadd.s32 @!p0 s5, s17;
	s17 =	simm.s32 @!p0 $0x4  }
0x27: {  	[tilespmem:s18], [sflag:$0x4] =	stream.linear.gather @!p0 [hbm4b:s16+s18], $0x80, $0x38;
	[tilespmem:$0x1D100] =	vst v63  }
0x28: {  	_ =	swait.ge @!p0 [sflag:s17], $0x80  }
0x29: {  	[sflag:s17] =	ssyncset.done @!p0 $0x0  }
0x2a: {  	s16 =	simm.s32 @!p0 $0x100;
	[sflag:s17] =	ssyncadd.s32 @!p0 $0xFFFFFF80;
	s17 =	simm.s32 @!p0 $0x1  }
0x2b: {  	[tilespmem:s16], [sflag:$0x1] =	stream.indirect.gather @!p0 [hbm4b:s1+s19], $0x20, s18, s19, $0xb8;
	[tilespmem:$0x1D100] =	vst v63  }
0x2c: {  	_ =	swait.ge @!p0 [sflag:s17], $0x1000  }
0x2d: {  	[sflag:s17] =	ssyncset.done @!p0 $0x0  }
0x2e: {  	s16 =	simm.s32 @!p0 $0x2;
	[sflag:s17] =	ssyncadd.s32 @!p0 $0xFFFFF000  }
0x2f: {  	_ =	swait.ge @!p0 [sflag:s16], $0x80  }
0x30: {  	[sflag:s16] =	ssyncset.done @!p0 $0x0  }
0x31: {  	[sflag:s16] =	ssyncadd.s32 @!p0 $0xFFFFFF80  }
0x32: {  	_ =	swait.ge @!p0 [sflag:s16], $0x2000  }
0x33: {  	[sflag:s16] =	ssyncset.done @!p0 $0x0  }
0x34: {  	s19 =	sshll.u32 s15, $0x5;
	[sflag:s16] =	ssyncadd.s32 @!p0 $0xFFFFE000  }
0x35: {  	s30 =	sshll.u32 s15, $0x6;
	v1 =	vld [tilespmem:s19+$0x100]  }
0x36: {  	v2 =	vld [tilespmem:s30+$0x1100];
	_ =	sdelay $0x2  }
0x37: {  	v3 =	vld [tilespmem:s30+$0x1120];
	_ =	sdelay $0x1  }
0x38: {  	v1 =	vadd.f32 v2, v1;
	_ =	sdelay $0x1  }
0x39: {  	v1 =	vmax.f32 v1, $0.0e+00  }
0x3a: {  	v1 =	vmul.f32 v1, v3;
	_ =	sdelay $0x1  }
0x3b: {  	[tilespmem:s19+$0x100] =	vst v1;
	v1 =	vld [tilespmem:s19+$0x110]  }
0x3c: {  	v2 =	vld [tilespmem:s30+$0x1110];
	_ =	sdelay $0x2  }
0x3d: {  	v3 =	vld [tilespmem:s30+$0x1130];
	_ =	sdelay $0x1  }
0x3e: {  	s31 =	simm.s32 $0x1;
	p2 =	sne.s32 s15, $0x7F;
	v1 =	vadd.f32 v2, v1  }
0x3f: {  	s22 =	simm.s32 @!p2 $0x80;
	s20 =	simm.s32 @!p2 $0x3;
	s15 =	sand.u32 $0x7F, s31  }
0x40: {  	s23 =	simm.s32 @!p2 $0x100;
	s17 =	simm.s32 $0x2;
	p0 =	sne.s32 s15, $0x0;
	v1 =	vmax.f32 v1, $0.0e+00  }
0x41: {  	s16 =	smov.u32 s10;
	s24 =	sadd.s32 @!p0 $0x1, s7;
	s21 =	sadd.s32 @!p0 $0x1, s11;
	v1 =	vmul.f32 v1, v3  }
.LBB2_6:
0x42: {  	s24 =	sshrl.u32 @!p0 s24, $0x3  }
0x43: {  	[tilespmem:s19+$0x110] =	vst v1;
	s16 =	sadd.s32 $0x8, s16;
	s18 =	smov.u32 s17;
	s17 =	sadd.s32 $0x1, s17  }
0x44: {  	[spmem:s2] =	stream.indirect.scatter.add.f32 @!p2 [tilespmem:s23], [sflag:$0x3], $0x20, s22, s22, $0xb8;
	[tilespmem:$0x1D100] =	vst v63  }
0x45: {  	p1 =	sne.s32 s17, $0xC380;
	s19 =	sadd.s32 @!p0 s6, s24;
	_ =	swait.ge @!p2 [sflag:s20], $0x1000  }
0x46: {  	[sflag:s20] =	ssyncset.done @!p2 $0x0  }
0x47: {  	s22 =	simm.s32 @!p0 $0x0;
	s23 =	simm.s32 @!p0 $0x80;
	[sflag:s20] =	ssyncadd.s32 @!p2 $0xFFFFF000  }
0x48: {  	[tilespmem:s23], [sflag:$0x2] =	stream.linear.gather @!p0 [hbm4b:s19+s22], $0x80, $0x38;
	[tilespmem:$0x1D100] =	vst v63  }
0x49: {  	s20 =	sshrl.u32 @!p0 s21, $0x3;
	s19 =	simm.s32 @!p0 $0x1100  }
0x4a: {  	[tilespmem:s19], [sflag:$0x2] =	stream.linear.gather @!p0 [hbm4b:s16+s22], $0x2000, $0x38;
	[tilespmem:$0x1D100] =	vst v63  }
0x4b: {  	s19 =	sadd.s32 @!p0 s5, s20;
	s20 =	simm.s32 @!p0 $0x4  }
0x4c: {  	[tilespmem:s22], [sflag:$0x4] =	stream.linear.gather @!p0 [hbm4b:s19+s22], $0x80, $0x38;
	[tilespmem:$0x1D100] =	vst v63  }
0x4d: {  	_ =	swait.ge @!p0 [sflag:s20], $0x80  }
0x4e: {  	[sflag:s20] =	ssyncset.done @!p0 $0x0  }
0x4f: {  	s19 =	simm.s32 @!p0 $0x100;
	[sflag:s20] =	ssyncadd.s32 @!p0 $0xFFFFFF80;
	s20 =	simm.s32 @!p0 $0x1  }
0x50: {  	[tilespmem:s19], [sflag:$0x1] =	stream.indirect.gather @!p0 [hbm4b:s1+s23], $0x20, s22, s23, $0xb8;
	[tilespmem:$0x1D100] =	vst v63  }
0x51: {  	_ =	swait.ge @!p0 [sflag:s20], $0x1000  }
0x52: {  	[sflag:s20] =	ssyncset.done @!p0 $0x0  }
0x53: {  	s19 =	simm.s32 @!p0 $0x2;
	[sflag:s20] =	ssyncadd.s32 @!p0 $0xFFFFF000  }
0x54: {  	_ =	swait.ge @!p0 [sflag:s19], $0x80  }
0x55: {  	[sflag:s19] =	ssyncset.done @!p0 $0x0  }
0x56: {  	[sflag:s19] =	ssyncadd.s32 @!p0 $0xFFFFFF80  }
0x57: {  	_ =	swait.ge @!p0 [sflag:s19], $0x2000  }
0x58: {  	[sflag:s19] =	ssyncset.done @!p0 $0x0  }
0x59: {  	[sflag:s19] =	ssyncadd.s32 @!p0 $0xFFFFE000;
	s19 =	sshll.u32 s15, $0x5  }
0x5a: {  	s20 =	sshll.u32 s15, $0x6;
	v1 =	vld [tilespmem:s19+$0x100]  }
0x5b: {  	v2 =	vld [tilespmem:s20+$0x1100];
	_ =	sdelay $0x2  }
0x5c: {  	v3 =	vld [tilespmem:s20+$0x1120];
	_ =	sdelay $0x1  }
0x5d: {  	v1 =	vadd.f32 v2, v1;
	_ =	sdelay $0x1  }
0x5e: {  	v1 =	vmax.f32 v1, $0.0e+00  }
0x5f: {  	v1 =	vmul.f32 v1, v3;
	_ =	sdelay $0x1  }
0x60: {  	[tilespmem:s19+$0x100] =	vst v1;
	v1 =	vld [tilespmem:s19+$0x110]  }
0x61: {  	v2 =	vld [tilespmem:s20+$0x1110];
	_ =	sdelay $0x2  }
0x62: {  	v3 =	vld [tilespmem:s20+$0x1130];
	_ =	sdelay $0x1  }
.Ltmp2:
0x63: {  	v1 =	vadd.f32 v2, v1;
	(pc) =	sbr.rel @p1 .LBB2_6-.Ltmp2, $4  }
0x64: {  	p2 =	sne.s32 s15, $0x7F  }
0x65: {  	s22 =	simm.s32 @!p2 $0x80;
	s15 =	sand.u32 $0x7F, s18;
	s20 =	simm.s32 @!p2 $0x3;
	v1 =	vmax.f32 v1, $0.0e+00  }
0x66: {  	s23 =	simm.s32 @!p2 $0x100;
	p0 =	sne.s32 s15, $0x0;
	v1 =	vmul.f32 v1, v3  }
0x67: {  	s24 =	sadd.s32 @!p0 s18, s7;
	s21 =	sadd.s32 @!p0 s18, s11  }
0x68: {  	[tilespmem:s19+$0x110] =	vst v1  }
0x69: {  	[spmem:s2] =	stream.indirect.scatter.add.f32 @!p2 [tilespmem:s23], [sflag:$0x3], $0x20, s22, s22, $0xb8;
	[tilespmem:$0x1D100] =	vst v63  }
0x6a: {  	_ =	swait.ge @!p2 [sflag:s20], $0x1000  }
0x6b: {  	s17 =	sshrl.u32 @!p0 s24, $0x3;
	s18 =	simm.s32 @!p0 $0x0;
	[sflag:s20] =	ssyncset.done @!p2 $0x0  }
0x6c: {  	s19 =	simm.s32 @!p0 $0x80;
	s17 =	sadd.s32 @!p0 s6, s17;
	[sflag:s20] =	ssyncadd.s32 @!p2 $0xFFFFF000  }
0x6d: {  	[tilespmem:s19], [sflag:$0x2] =	stream.linear.gather @!p0 [hbm4b:s17+s18], $0x80, $0x38;
	[tilespmem:$0x1D100] =	vst v63  }
0x6e: {  	s16 =	sadd.s32 $0x8, s16;
	s20 =	sshrl.u32 @!p0 s21, $0x3;
	s17 =	simm.s32 @!p0 $0x1100  }
0x6f: {  	[tilespmem:s17], [sflag:$0x2] =	stream.linear.gather @!p0 [hbm4b:s16+s18], $0x2000, $0x38;
	[tilespmem:$0x1D100] =	vst v63  }
0x70: {  	s16 =	sadd.s32 @!p0 s5, s20;
	s17 =	simm.s32 @!p0 $0x4  }
0x71: {  	[tilespmem:s18], [sflag:$0x4] =	stream.linear.gather @!p0 [hbm4b:s16+s18], $0x80, $0x38;
	[tilespmem:$0x1D100] =	vst v63  }
0x72: {  	_ =	swait.ge @!p0 [sflag:s17], $0x80  }
0x73: {  	[sflag:s17] =	ssyncset.done @!p0 $0x0  }
0x74: {  	s16 =	simm.s32 @!p0 $0x100;
	[sflag:s17] =	ssyncadd.s32 @!p0 $0xFFFFFF80;
	s17 =	simm.s32 @!p0 $0x1  }
0x75: {  	[tilespmem:s16], [sflag:$0x1] =	stream.indirect.gather @!p0 [hbm4b:s1+s19], $0x20, s18, s19, $0xb8;
	[tilespmem:$0x1D100] =	vst v63  }
0x76: {  	_ =	swait.ge @!p0 [sflag:s17], $0x1000  }
0x77: {  	[sflag:s17] =	ssyncset.done @!p0 $0x0  }
0x78: {  	s16 =	simm.s32 @!p0 $0x2;
	[sflag:s17] =	ssyncadd.s32 @!p0 $0xFFFFF000  }
0x79: {  	_ =	swait.ge @!p0 [sflag:s16], $0x80  }
0x7a: {  	[sflag:s16] =	ssyncset.done @!p0 $0x0  }
0x7b: {  	[sflag:s16] =	ssyncadd.s32 @!p0 $0xFFFFFF80  }
0x7c: {  	_ =	swait.ge @!p0 [sflag:s16], $0x2000  }
0x7d: {  	[sflag:s16] =	ssyncset.done @!p0 $0x0  }
0x7e: {  	s26 =	sshll.u32 s15, $0x5;
	[sflag:s16] =	ssyncadd.s32 @!p0 $0xFFFFE000  }
0x7f: {  	s28 =	sshll.u32 s15, $0x6;
	v1 =	vld [tilespmem:s26+$0x100]  }
0x80: {  	v2 =	vld [tilespmem:s28+$0x1100];
	_ =	sdelay $0x2  }
0x81: {  	v3 =	vld [tilespmem:s28+$0x1120];
	_ =	sdelay $0x1  }
0x82: {  	v1 =	vadd.f32 v2, v1;
	_ =	sdelay $0x1  }
0x83: {  	v1 =	vmax.f32 v1, $0.0e+00  }
0x84: {  	v1 =	vmul.f32 v1, v3;
	_ =	sdelay $0x1  }
0x85: {  	[tilespmem:s26+$0x100] =	vst v1;
	v1 =	vld [tilespmem:s26+$0x110]  }
0x86: {  	v2 =	vld [tilespmem:s28+$0x1110];
	_ =	sdelay $0x2  }
0x87: {  	v3 =	vld [tilespmem:s28+$0x1130];
	_ =	sdelay $0x1  }
0x88: {  	v1 =	vadd.f32 v2, v1;
	_ =	sdelay $0x1  }
0x89: {  	v1 =	vmax.f32 v1, $0.0e+00  }
0x8a: {  	v1 =	vmul.f32 v1, v3  }
0x8b: {  	p0 =	sne.s32 s15, $0x7F  }
0x8c: {  	s15 =	simm.s32 @!p0 $0x80;
	s17 =	simm.s32 @!p0 $0x3;
	s18 =	simm.s32 @!p0 $0x100;
	[tilespmem:s26+$0x110] =	vst v1  }
0x8d: {  	[spmem:s2] =	stream.indirect.scatter.add.f32 @!p0 [tilespmem:s18], [sflag:$0x3], $0x20, s15, s15, $0xb8;
	[tilespmem:$0x1D100] =	vst v63  }
0x8e: {  	_ =	swait.ge @!p0 [sflag:s17], $0x1000  }
0x8f: {  	[sflag:s17] =	ssyncset.done @!p0 $0x0  }
0x90: {  	s29 =	sshll.u32 s4, $0x6;
	s30 =	sadd.s32 $0x0, s12;
	[sflag:s17] =	ssyncadd.s32 @!p0 $0xFFFFF000  }
0x91: {  	s31 =	sshrl.u32 s8, $0x3;
	s15 =	sor.u32 $0x1C03, s29;
	[bflag:$0x0] =	sbarrier.arrive $0xFFFF  }
0x92: {  	[hbm:s30], [sflag:s15] =	dma.local [spmem:s31], $0x200  }
0x93: {  	s16 =	simm.s32 $0x200;
	s17 =	sadd.s32 $0x1000, s8;
	_ =	swait.ge [sflag:s14], $0x200  }
.LBB2_8:
0x94: {  	s18 =	sadd.s32 s16, s12;
	[sflag:s14] =	ssyncset.done $0x0;
	p0 =	sne.s32 s16, $0x3000  }
.Ltmp3:
0x95: {  	s19 =	sshrl.u32 s17, $0x3;
	[sflag:s14] =	ssyncadd.s32 $0xFFFFFE00;
	(pc) =	sbr.rel @p0 .LBB2_8-.Ltmp3, $3  }
0x96: {  	[hbm:s18], [sflag:s15] =	dma.local [spmem:s19], $0x200  }
0x97: {  	s16 =	sadd.s32 $0x200, s16;
	_ =	sdelay $0x1  }
0x98: {  	s17 =	sadd.s32 $0x1000, s17;
	_ =	swait.ge [sflag:s14], $0x200  }
0x99: {  	s3 =	sadd.s32 $0x1, s3  }
0x9a: {  	p0 =	sne.s32 s3, s9  }
.Ltmp4:
0x9b: {  	_ = 	snop;
	(pc) =	sbr.rel @p0 .LBB2_1-.Ltmp4, $3  }
0x9c: {  	_ =	sdelay $0x1  }
0x9d: {  	[sflag:s14] =	ssyncset.done $0x0  }
0x9e: {  	[sflag:s14] =	ssyncadd.s32 $0xFFFFFE00  }
0x9f: {  	_ =	sfence.sel $0x180000  }
0xa0: {  	[bflag:$0x0] =	sbarrier.arrive $0xFFFF  }
0xa1: {  	p0 =	sne.s32 s4, $0x0;
	_ =	strace $0x90000056  }
0xa2: {  	s0 =	sadd.s32 @!p0 $0x100000, s0;
	[bflag:$0x2] =	sbarrier.arrive $0xFFFF  }
0xa3: {  	[sflag:s0] =	ssyncadd.tile.s32 @!p0 $0x1;
	_ =	shalt  }
.Lfunc_end2:
_tile_overlayer_lowered:
.L_overlay_start_2:
0xa4: {  	(tag) =	ssettag $0x2  }
0xa5: {  	s0 =	rddreg [dreg:$0x0];
	s2 =	stileid.u32  }
0xa6: {  	s1 =	rddreg [dreg:$0x1];
	p0 =	sne.s32 s2, $0x0  }
0xa7: {  	s3 =	rddreg [dreg:$0x2];
	[bflag:$0x3] =	sbarrier.arrive $0xFFFF;
	s2 =	simm.s32 @!p0 $0x1C03  }
0xa8: {  	[timem:s3], [sflag:s2] =	dma.local @!p0 [hbm:s0], s1  }
0xa9: {  	s0 =	simm.s32 @!p0 $0x3  }
0xaa: {  	_ =	swait.ge @!p0 [sflag:s0], s1  }
0xab: {  	s1 =	ssub.s32 @!p0 $0x0, s1;
	[sflag:s0] =	ssyncset.done @!p0 $0x0  }
0xac: {  	[sflag:s0] =	ssyncadd.s32 @!p0 s1  }
0xad: {  	[bflag:$0x3] =	sbarrier.arrive $0xFFFF  }
0xae: {  	_ =	shalt  }

// kernel: kernel.8.cloned.1.call-start
scs
__scs_entry_jumppad:
0x0: {  	(pc) =	sbr.rel $0x88, $3  }
0x1: {  	(tag) =	ssettag $0x0;
	lr =	simm.s32 $0x1  }
0x2: {  	[smem:$0x3F77] =	sst lr;
	_ =	strace $0xD0000000  }
0x3: {  	_ = 	snop  }
0x4: {  	_ = 	snop  }
0x5: {  	_ = 	snop  }
0x6: {  	_ = 	snop  }
0x7: {  	_ = 	snop  }
__scs_overlays_trampoline_lowered:
0x8: {  	[smem:$0x3F86] =	sst s0  }
0x9: {  	[smem:$0x3F87] =	sst s1  }
0xa: {  	[smem:$0x3F88] =	sst s2  }
0xb: {  	[smem:$0x3F89] =	sst s3  }
0xc: {  	[smem:$0x3F8A] =	sst s4  }
0xd: {  	[smem:$0x3F8B] =	sst s5  }
0xe: {  	[smem:$0x3F8C] =	sst s6  }
0xf: {  	[smem:$0x3F8D] =	sst s7  }
0x10: {  	[smem:$0x3F8E] =	sst s8  }
0x11: {  	[smem:$0x3F8F] =	sst s9;
	s0 =	simm.s32 @!p0 $0x0  }
0x12: {  	s1 =	sld [smem:$0x3F75];
	s0 =	simm.s32 @p0 $0x1  }
0x13: {  	[smem:$0x3F90] =	sst s0;
	s0 =	simm.s32 @!p1 $0x0  }
0x14: {  	s2 =	sld [smem:$0x3F74];
	s0 =	simm.s32 @p1 $0x1  }
0x15: {  	[smem:$0x3F91] =	sst s0;
	s0 =	simm.s32 @!p2 $0x0  }
0x16: {  	s3 =	sld [smem:$0x3FDB];
	s0 =	simm.s32 @p2 $0x1  }
0x17: {  	s4 =	simm.s32 $0x1BF5;
	[smem:$0x3F93] =	sst s0  }
0x18: {  	s0 =	sld [smem:$0x3F76];
	_ =	swait.ge [sflag:s4], $0x0  }
0x19: {  	s7 =	sld [smem:$0x3F77]  }
0x1a: {  	s8 =	sadd.s32 $0xFFFFE003, lr  }
0x1b: {  	s9 =	sadd.s32 $0xFFFFFEF7, lr;
	s5 =	simm.s32 $0xFFFFFFFF;
	p2 =	slt.u32 s8, $0xFFFFF086  }
0x1c: {  	p1 =	slt.u32 s9, $0xF7A;
	s5 =	simm.s32 @!p2 $0x0  }
0x1d: {  	s5 =	simm.s32 @p1 $0x1;
	p0 =	seq.s32 s7, s2  }
0x1e: {  	s7 =	smul.u32 @!p0 $0xF7A, s2;
	p2 =	seq.s32 @!p0 s5, $0x0  }
0x1f: {  	s9 =	smul.u32 $0xF7A, s1;
	s8 =	simm.s32 @!p0 $0x1BF5;
	p2 =	por !p2, p0  }
0x20: {  	[sflag:s8] =	ssyncset.s32 @!p0 $0xFFFFF086;
	s6 =	sadd.s32 @!p0 s3, s7;
	s7 =	simm.s32 @!p0 $0x108  }
0x21: {  	s3 =	sadd.s32 s3, s9;
	s6 =	sadd.s32 @!p0 $0x88, s6;
	s7 =	simm.s32 @p2 $0x1082  }
0x22: {  	[simem:s7], [sflag:s8] =	dma.local @!p0 [hbm:s6], $0xF7A  }
0x23: {  	s9 =	sor.u32 $0xD0000000, s2;
	s6 =	simm.s32 $0x108;
	_ =	swait.ge @!p0 [sflag:s8], $0x0  }
0x24: {  	s3 =	sadd.s32 $0x88, s3;
	s6 =	simm.s32 @!p1 $0x1082;
	[sflag:s4] =	ssyncset.s32 $0xFFFFF086  }
0x25: {  	[simem:s6], [sflag:s4] =	dma.local [hbm:s3], $0xF7A  }
0x26: {  	[smem:$0x3F77] =	sst s1;
	(tag) =	ssettag s2;
	_ =	strace s9  }
0x27: {  	s1 =	sld [smem:$0x3F87]  }
0x28: {  	s2 =	sld [smem:$0x3F88]  }
0x29: {  	s4 =	sld [smem:$0x3F8A]  }
0x2a: {  	p0 =	seq.s32 s5, $0x0;
	s5 =	sld [smem:$0x3F8B]  }
0x2b: {  	s6 =	sld [smem:$0x3F8C]  }
0x2c: {  	s7 =	sld [smem:$0x3F8D]  }
0x2d: {  	s3 =	simm.s32 $0x108;
	s8 =	sld [smem:$0x3F8E]  }
0x2e: {  	s3 =	simm.s32 @!p0 $0x1082;
	s9 =	sld [smem:$0x3F8F]  }
0x2f: {  	lr =	sadd.s32 s0, s3;
	s0 =	sld [smem:$0x3F86]  }
0x30: {  	s3 =	sld [smem:$0x3F89]  }
0x31: {  	[smem:$0x3F92] =	sst s10  }
0x32: {  	s10 =	sld [smem:$0x3F90];
	_ =	sdelay $0x3  }
0x33: {  	p0 =	seq.s32 s10, $0x1;
	s10 =	sld [smem:$0x3F92];
	_ =	sdelay $0x3  }
0x34: {  	[smem:$0x3F92] =	sst s10  }
0x35: {  	s10 =	sld [smem:$0x3F91];
	_ =	sdelay $0x3  }
0x36: {  	p1 =	seq.s32 s10, $0x1;
	s10 =	sld [smem:$0x3F92];
	_ =	sdelay $0x3  }
0x37: {  	[smem:$0x3F92] =	sst s10  }
0x38: {  	s10 =	sld [smem:$0x3F93]  }
0x39: {  	_ = 	snop;
	(pc) =	sbr.ind lr, $3  }
0x3a: {  	_ = 	snop  }
0x3b: {  	_ = 	snop  }
0x3c: {  	p2 =	seq.s32 s10, $0x1;
	s10 =	sld [smem:$0x3F92]  }
0x3d: {  	_ =	shalt  }
0x3e: {  	_ =	shalt  }
0x3f: {  	_ =	shalt  }
0x40: {  	_ =	shalt  }
0x41: {  	_ =	shalt  }
0x42: {  	_ =	shalt  }
0x43: {  	_ =	shalt  }
0x44: {  	_ =	shalt  }
0x45: {  	_ =	shalt  }
0x46: {  	_ =	shalt  }
0x47: {  	_ =	shalt  }
0x48: {  	_ =	shalt  }
0x49: {  	_ =	shalt  }
0x4a: {  	_ =	shalt  }
0x4b: {  	_ =	shalt  }
0x4c: {  	_ =	shalt  }
0x4d: {  	_ =	shalt  }
0x4e: {  	_ =	shalt  }
0x4f: {  	_ =	shalt  }
0x50: {  	_ =	shalt  }
0x51: {  	_ =	shalt  }
0x52: {  	_ =	shalt  }
0x53: {  	_ =	shalt  }
0x54: {  	_ =	shalt  }
0x55: {  	_ =	shalt  }
0x56: {  	_ =	shalt  }
0x57: {  	_ =	shalt  }
0x58: {  	_ =	shalt  }
0x59: {  	_ =	shalt  }
0x5a: {  	_ =	shalt  }
0x5b: {  	_ =	shalt  }
0x5c: {  	_ =	shalt  }
0x5d: {  	_ =	shalt  }
0x5e: {  	_ =	shalt  }
0x5f: {  	_ =	shalt  }
0x60: {  	_ =	shalt  }
0x61: {  	_ =	shalt  }
0x62: {  	_ =	shalt  }
0x63: {  	_ =	shalt  }
0x64: {  	_ =	shalt  }
0x65: {  	_ =	shalt  }
0x66: {  	_ =	shalt  }
0x67: {  	_ =	shalt  }
0x68: {  	_ =	shalt  }
0x69: {  	_ =	shalt  }
0x6a: {  	_ =	shalt  }
0x6b: {  	_ =	shalt  }
0x6c: {  	_ =	shalt  }
0x6d: {  	_ =	shalt  }
0x6e: {  	_ =	shalt  }
0x6f: {  	_ =	shalt  }
0x70: {  	_ =	shalt  }
0x71: {  	_ =	shalt  }
0x72: {  	_ =	shalt  }
0x73: {  	_ =	shalt  }
0x74: {  	_ =	shalt  }
0x75: {  	_ =	shalt  }
0x76: {  	_ =	shalt  }
0x77: {  	_ =	shalt  }
0x78: {  	_ =	shalt  }
0x79: {  	_ =	shalt  }
0x7a: {  	_ =	shalt  }
0x7b: {  	_ =	shalt  }
0x7c: {  	_ =	shalt  }
0x7d: {  	_ =	shalt  }
0x7e: {  	_ =	shalt  }
0x7f: {  	_ =	shalt  }
0x80: {  	_ =	shalt  }
0x81: {  	_ =	shalt  }
0x82: {  	_ =	shalt  }
0x83: {  	_ =	shalt  }
0x84: {  	_ =	shalt  }
0x85: {  	_ =	shalt  }
0x86: {  	_ =	shalt  }
0x87: {  	_ =	shalt  }
.Lfunc_end0:
.L_simem_size_0:
called_computation.8_lowered:
.L_overlay_start_0:
0x88: {  	s2 =	sld [smem:$0x3FD9]  }
0x89: {  	s3 =	sld [smem:$0x3FFE];
	_ =	sdelay $0x1  }
0x8a: {  	s1 =	srdreg.scid  }
0x8b: {  	s0 =	sand.u32 $0x1, s1  }
0x8c: {  	s17 =	sshll.u32 s0, $0xA;
	s2 =	sadd.s32 s3, s2  }
0x8d: {  	s2 =	sadd.s32 s2, s17  }
0x8e: {  	[smem:$0x3F9E] =	sst s2  }
0x8f: {  	_ = 	snop  }
0x90: {  	s2 =	sld [smem:$0x3FD0];
	(tm) =	ssettm $0x1  }
0x91: {  	s18 =	sld [smem:$0x3FFB];
	_ =	sdelay $0x3  }
0x92: {  	_ =	strace s18  }
0x93: {  	s3 =	sld [smem:$0x3FFC];
	_ =	sdelay $0x3  }
0x94: {  	_ =	strace s3  }
0x95: {  	s3 =	sld [smem:$0x3FFD];
	_ =	sdelay $0x3  }
0x96: {  	_ =	strace s3  }
0x97: {  	_ =	strace $0x8FFFFFFF  }
0x98: {  	s19 =	sld [smem:$0x3FDB];
	_ =	sdelay $0x1  }
0x99: {  	s4 =	simm.s32 $_scs_section_size  }
0x9a: {  	s5 =	simm.s32 $_size__tile_overlayer_lowered;
	s6 =	simm.s32 $_tile_overlayer_lowered  }
0x9b: {  	s22 =	simm.s32 $0x1BFF;
	s21 =	sshll.u32 s6, $0x1;
	s3 =	sadd.s32 s4, s19  }
0x9c: {  	s7 =	simm.s32 $0x0;
	s20 =	sshll.u32 s5, $0x1;
	s5 =	sadd.s32 s21, s3  }
0x9d: {  	[timem:s7], [sflag:s22] =	dma.local [hbm:s5], s20  }
0x9e: {  	_ =	swait.ge [sflag:s22], s20  }
0x9f: {  	s4 =	ssub.s32 $0x0, s20;
	[sflag:s22] =	ssyncset.done $0x0  }
0xa0: {  	[sflag:s22] =	ssyncadd.s32 s4;
	_ =	sdelay $0x1  }
0xa1: {  	s23 =	simm.s32 $0x1B8B  }
0xa2: {  	_ =	swait.ge [sflag:s23], $0x1  }
0xa3: {  	[sflag:s23] =	ssyncset.done $0x0  }
0xa4: {  	s25 =	simm.s32 $0x1B8E;
	s24 =	sld [smem:$0x3FFE];
	[sflag:s23] =	ssyncadd.s32 $0xFFFFFFFF  }
0xa5: {  	s26 =	simm.s32 $execute0_lowered;
	[smem:$0x3FD2] =	sst s25  }
0xa6: {  	s5 =	sshll.u32 s26, $0x1;
	_ =	strace $0x8000005B;
	[dreg:$0x1] =	wrdreg $0xFFFFFFFF  }
0xa7: {  	s28 =	simm.s32 $_size_execute0_lowered;
	s3 =	sadd.s32 s3, s5;
	[dreg:$0x0] =	wrdreg $0x0  }
0xa8: {  	s5 =	sshll.u32 s28, $0x1;
	[dreg:$0x2] =	wrdreg s3  }
0xa9: {  	[dreg:$0x3] =	wrdreg s5  }
0xaa: {  	[dreg:$0x4] =	wrdreg $0xC0  }
0xab: {  	_ =	task [dreg:s7], $0x5FFFF  }
0xac: {  	[dreg:$0x1] =	wrdreg $0xFFFFFFFF  }
0xad: {  	[dreg:$0x0] =	wrdreg $0x60  }
0xae: {  	[dreg:$0x2] =	wrdreg s2  }
0xaf: {  	[dreg:$0x3] =	wrdreg s24  }
0xb0: {  	[dreg:$0x4] =	wrdreg $0x41000  }
0xb1: {  	[dreg:$0x5] =	wrdreg $0x9  }
0xb2: {  	_ =	task.clear_ibuf [dreg:s7], $0x6FFFF;
	_ =	strace $0x9000005B  }
0xb3: {  	s29 =	simm.s32 $0x9;
	_ =	strace $0x8000005D  }
0xb4: {  	_ =	swait.ge [sflag:s29], $0x1  }
0xb5: {  	[sflag:s29] =	ssyncadd.s32 $0xFFFFFFFF  }
0xb6: {  	_ =	strace $0x9000005D  }
0xb7: {  	_ =	sfence  }
0xb8: {  	s30 =	sld [smem:$0x0];
	_ =	sdelay $0x2  }
0xb9: {  	s31 =	sshll.u32 s1, $0xD;
	s1 =	sshrl.u32 s1, $0x2  }
0xba: {  	s3 =	sand.u32 $0x4000, s31;
	s1 =	sadd.s32 s1, s30  }
0xbb: {  	s0 =	sor.u32 s3, s0;
	s1 =	sshll.u32 s1, $0x11  }
0xbc: {  	s0 =	sor.u32 s1, s0  }
0xbd: {  	s0 =	sadd.s32 $0x8F2B, s0  }
0xbe: {  	[sflag:s0] =	ssyncadd.remote.s32 $0x1  }
0xbf: {  	_ =	sfence.sel $0xFFFF  }
0xc0: {  	[dreg:$0x0] =	wrdreg $0xFFFFFFFF;
	(pc) =	sbr.abs _section_cstart, $3  }
0xc1: {  	[dreg:$0x1] =	wrdreg $0xFFFFFFFF  }
0xc2: {  	_ =	task.clear_ibuf [dreg:s7], $0x2FFFF;
	_ =	strace $0x9FFFFFFF  }
0xc3: {  	(tm) =	ssettm $0x7FFFFFFF  }
tec
execute0_lowered:
.L_overlay_start_1:
0x0: {  	(tag) =	ssettag $0x1  }
0x1: {  	s1 =	rddreg [dreg:$0x0];
	s4 =	srdreg.scid  }
0x2: {  	s8 =	rddreg [dreg:$0x1];
	s9 =	sand.u32 $0x1, s4  }
0x3: {  	s2 =	rddreg [dreg:$0x2];
	s10 =	smul.u32 $0x61C000, s9  }
0x4: {  	s4 =	stileid.u32;
	s11 =	smul.u32 $0x32000, s9  }
0x5: {  	s0 =	rddreg [dreg:$0x3];
	s12 =	smul.u32 $0x64000, s4  }
0x6: {  	s3 =	simm.s32 $0x0;
	s5 =	sadd.s32 $0x2B00E00, s8;
	s7 =	smul.u32 $0xC380, s4  }
0x7: {  	[smem:$0x7FF] =	sst s3;
	s6 =	sadd.s32 $0x2AE6800, s8;
	s14 =	smul.u32 $0xC3800, s9  }
0x8: {  	_ =	strace $0x8000005C;
	s13 =	ssub.s32 $0x2, s9;
	s28 =	smul.u32 $0x61C00, s4  }
0x9: {  	s31 =	smul.u32 $0x3200, s4;
	s26 =	sshrl.u32 s13, $0x1;
	s10 =	sadd.s32 s10, s8  }
0xa: {  	s15 =	sadd.s32 s11, s8;
	s29 =	ssub.s32 s13, s26;
	s30 =	sshrl.u32 s12, $0x2  }
0xb: {  	s11 =	sadd.s32 s14, s7;
	s13 =	simm.s32 $0x3100;
	s14 =	simm.s32 $0x3  }
0xc: {  	s8 =	sadd.s32 s30, s2;
	s10 =	sadd.s32 s28, s10;
	s12 =	sadd.s32 s31, s15  }
0xd: {  	v0 =	vimm.f32 $0.0e+00;
	s9 =	smax.u32 s29, $0x1;
	s10 =	sadd.s32 $0x118200, s10;
	s12 =	sadd.s32 $0xD50200, s12  }
.LBB2_1:
0xe: {  	s15 =	simm.s32 $0x0  }
.LBB2_2:
0xf: {  	p0 =	sne.s32 s15, $0x3F80  }
.Ltmp0:
0x10: {  	_ = 	snop;
	(pc) =	sbr.rel @p0 .LBB2_2-.Ltmp0, $4  }
0x11: {  	_ = 	snop  }
0x12: {  	s16 =	sshra.s32 s15, $0x2  }
0x13: {  	[tilespmem:s16+$0x3100] =	vst v0  }
0x14: {  	s15 =	sadd.s32 $0x80, s15;
	[tilespmem:s16+$0x3110] =	vst v0  }
0x15: {  	s15 =	sadd.s32 $0x0, s8  }
0x16: {  	[spmem:s15] =	stream.linear.scatter [tilespmem:s13], [sflag:$0x3], $0x1000, $0x38;
	[tilespmem:$0x1D100] =	vst v63  }
0x17: {  	s15 =	simm.s32 $0x4000;
	_ =	swait.ge [sflag:s14], $0x1000  }
.LBB2_4:
0x18: {  	s16 =	sshra.s32 s15, $0x2;
	[sflag:s14] =	ssyncset.done $0x0;
	p0 =	sne.s32 s15, $0x60000  }
.Ltmp1:
0x19: {  	s16 =	sadd.s32 s16, s8;
	[sflag:s14] =	ssyncadd.s32 $0xFFFFF000;
	(pc) =	sbr.rel @p0 .LBB2_4-.Ltmp1, $3  }
0x1a: {  	[spmem:s16] =	stream.linear.scatter [tilespmem:s13], [sflag:$0x3], $0x1000, $0x38;
	[tilespmem:$0x1D100] =	vst v63  }
0x1b: {  	s15 =	sadd.s32 $0x4000, s15;
	_ =	sdelay $0x1  }
0x1c: {  	_ =	swait.ge [sflag:s14], $0x1000  }
0x1d: {  	s15 =	simm.s32 $0x0  }
0x1e: {  	s15 =	sand.u32 $0x7F, s15  }
0x1f: {  	[sflag:s14] =	ssyncset.done $0x0;
	p0 =	sne.s32 s15, $0x0  }
0x20: {  	[sflag:s14] =	ssyncadd.s32 $0xFFFFF000;
	s16 =	sadd.s32 @!p0 $0x0, s7  }
0x21: {  	[bflag:$0x0] =	sbarrier.arrive $0xFFFF;
	s17 =	sadd.s32 @!p0 $0x0, s11;
	s16 =	sshrl.u32 @!p0 s16, $0x3  }
0x22: {  	s18 =	simm.s32 @!p0 $0x0;
	s19 =	simm.s32 @!p0 $0x80;
	s16 =	sadd.s32 @!p0 s6, s16  }
0x23: {  	[tilespmem:s19], [sflag:$0x2] =	stream.linear.gather @!p0 [hbm4b:s16+s18], $0x80, $0x38;
	[tilespmem:$0x1D100] =	vst v63  }
0x24: {  	s17 =	sshrl.u32 @!p0 s17, $0x3;
	s16 =	simm.s32 @!p0 $0x1100  }
0x25: {  	[tilespmem:s16], [sflag:$0x2] =	stream.linear.gather @!p0 [hbm4b:s10+s18], $0x2000, $0x38;
	[tilespmem:$0x1D100] =	vst v63  }
0x26: {  	s16 =	sadd.s32 @!p0 s5, s17;
	s17 =	simm.s32 @!p0 $0x4  }
0x27: {  	[tilespmem:s18], [sflag:$0x4] =	stream.linear.gather @!p0 [hbm4b:s16+s18], $0x80, $0x38;
	[tilespmem:$0x1D100] =	vst v63  }
0x28: {  	_ =	swait.ge @!p0 [sflag:s17], $0x80  }
0x29: {  	[sflag:s17] =	ssyncset.done @!p0 $0x0  }
0x2a: {  	s16 =	simm.s32 @!p0 $0x100;
	[sflag:s17] =	ssyncadd.s32 @!p0 $0xFFFFFF80;
	s17 =	simm.s32 @!p0 $0x1  }
0x2b: {  	[tilespmem:s16], [sflag:$0x1] =	stream.indirect.gather @!p0 [hbm4b:s1+s19], $0x20, s18, s19, $0xb8;
	[tilespmem:$0x1D100] =	vst v63  }
0x2c: {  	_ =	swait.ge @!p0 [sflag:s17], $0x1000  }
0x2d: {  	[sflag:s17] =	ssyncset.done @!p0 $0x0  }
0x2e: {  	s16 =	simm.s32 @!p0 $0x2;
	[sflag:s17] =	ssyncadd.s32 @!p0 $0xFFFFF000  }
0x2f: {  	_ =	swait.ge @!p0 [sflag:s16], $0x80  }
0x30: {  	[sflag:s16] =	ssyncset.done @!p0 $0x0  }
0x31: {  	[sflag:s16] =	ssyncadd.s32 @!p0 $0xFFFFFF80  }
0x32: {  	_ =	swait.ge @!p0 [sflag:s16], $0x2000  }
0x33: {  	[sflag:s16] =	ssyncset.done @!p0 $0x0  }
0x34: {  	s19 =	sshll.u32 s15, $0x5;
	[sflag:s16] =	ssyncadd.s32 @!p0 $0xFFFFE000  }
0x35: {  	s30 =	sshll.u32 s15, $0x6;
	v1 =	vld [tilespmem:s19+$0x100]  }
0x36: {  	v2 =	vld [tilespmem:s30+$0x1100];
	_ =	sdelay $0x2  }
0x37: {  	v3 =	vld [tilespmem:s30+$0x1120];
	_ =	sdelay $0x1  }
0x38: {  	v1 =	vadd.f32 v2, v1;
	_ =	sdelay $0x1  }
0x39: {  	v1 =	vmax.f32 v1, $0.0e+00  }
0x3a: {  	v1 =	vmul.f32 v1, v3;
	_ =	sdelay $0x1  }
0x3b: {  	[tilespmem:s19+$0x100] =	vst v1;
	v1 =	vld [tilespmem:s19+$0x110]  }
0x3c: {  	v2 =	vld [tilespmem:s30+$0x1110];
	_ =	sdelay $0x2  }
0x3d: {  	v3 =	vld [tilespmem:s30+$0x1130];
	_ =	sdelay $0x1  }
0x3e: {  	s31 =	simm.s32 $0x1;
	p2 =	sne.s32 s15, $0x7F;
	v1 =	vadd.f32 v2, v1  }
0x3f: {  	s22 =	simm.s32 @!p2 $0x80;
	s20 =	simm.s32 @!p2 $0x3;
	s15 =	sand.u32 $0x7F, s31  }
0x40: {  	s23 =	simm.s32 @!p2 $0x100;
	s17 =	simm.s32 $0x2;
	p0 =	sne.s32 s15, $0x0;
	v1 =	vmax.f32 v1, $0.0e+00  }
0x41: {  	s16 =	smov.u32 s10;
	s24 =	sadd.s32 @!p0 $0x1, s7;
	s21 =	sadd.s32 @!p0 $0x1, s11;
	v1 =	vmul.f32 v1, v3  }
.LBB2_6:
0x42: {  	s24 =	sshrl.u32 @!p0 s24, $0x3  }
0x43: {  	[tilespmem:s19+$0x110] =	vst v1;
	s16 =	sadd.s32 $0x8, s16;
	s18 =	smov.u32 s17;
	s17 =	sadd.s32 $0x1, s17  }
0x44: {  	[spmem:s2] =	stream.indirect.scatter.add.f32 @!p2 [tilespmem:s23], [sflag:$0x3], $0x20, s22, s22, $0xb8;
	[tilespmem:$0x1D100] =	vst v63  }
0x45: {  	p1 =	sne.s32 s17, $0xC380;
	s19 =	sadd.s32 @!p0 s6, s24;
	_ =	swait.ge @!p2 [sflag:s20], $0x1000  }
0x46: {  	[sflag:s20] =	ssyncset.done @!p2 $0x0  }
0x47: {  	s22 =	simm.s32 @!p0 $0x0;
	s23 =	simm.s32 @!p0 $0x80;
	[sflag:s20] =	ssyncadd.s32 @!p2 $0xFFFFF000  }
0x48: {  	[tilespmem:s23], [sflag:$0x2] =	stream.linear.gather @!p0 [hbm4b:s19+s22], $0x80, $0x38;
	[tilespmem:$0x1D100] =	vst v63  }
0x49: {  	s20 =	sshrl.u32 @!p0 s21, $0x3;
	s19 =	simm.s32 @!p0 $0x1100  }
0x4a: {  	[tilespmem:s19], [sflag:$0x2] =	stream.linear.gather @!p0 [hbm4b:s16+s22], $0x2000, $0x38;
	[tilespmem:$0x1D100] =	vst v63  }
0x4b: {  	s19 =	sadd.s32 @!p0 s5, s20;
	s20 =	simm.s32 @!p0 $0x4  }
0x4c: {  	[tilespmem:s22], [sflag:$0x4] =	stream.linear.gather @!p0 [hbm4b:s19+s22], $0x80, $0x38;
	[tilespmem:$0x1D100] =	vst v63  }
0x4d: {  	_ =	swait.ge @!p0 [sflag:s20], $0x80  }
0x4e: {  	[sflag:s20] =	ssyncset.done @!p0 $0x0  }
0x4f: {  	s19 =	simm.s32 @!p0 $0x100;
	[sflag:s20] =	ssyncadd.s32 @!p0 $0xFFFFFF80;
	s20 =	simm.s32 @!p0 $0x1  }
0x50: {  	[tilespmem:s19], [sflag:$0x1] =	stream.indirect.gather @!p0 [hbm4b:s1+s23], $0x20, s22, s23, $0xb8;
	[tilespmem:$0x1D100] =	vst v63  }
0x51: {  	_ =	swait.ge @!p0 [sflag:s20], $0x1000  }
0x52: {  	[sflag:s20] =	ssyncset.done @!p0 $0x0  }
0x53: {  	s19 =	simm.s32 @!p0 $0x2;
	[sflag:s20] =	ssyncadd.s32 @!p0 $0xFFFFF000  }
0x54: {  	_ =	swait.ge @!p0 [sflag:s19], $0x80  }
0x55: {  	[sflag:s19] =	ssyncset.done @!p0 $0x0  }
0x56: {  	[sflag:s19] =	ssyncadd.s32 @!p0 $0xFFFFFF80  }
0x57: {  	_ =	swait.ge @!p0 [sflag:s19], $0x2000  }
0x58: {  	[sflag:s19] =	ssyncset.done @!p0 $0x0  }
0x59: {  	[sflag:s19] =	ssyncadd.s32 @!p0 $0xFFFFE000;
	s19 =	sshll.u32 s15, $0x5  }
0x5a: {  	s20 =	sshll.u32 s15, $0x6;
	v1 =	vld [tilespmem:s19+$0x100]  }
0x5b: {  	v2 =	vld [tilespmem:s20+$0x1100];
	_ =	sdelay $0x2  }
0x5c: {  	v3 =	vld [tilespmem:s20+$0x1120];
	_ =	sdelay $0x1  }
0x5d: {  	v1 =	vadd.f32 v2, v1;
	_ =	sdelay $0x1  }
0x5e: {  	v1 =	vmax.f32 v1, $0.0e+00  }
0x5f: {  	v1 =	vmul.f32 v1, v3;
	_ =	sdelay $0x1  }
0x60: {  	[tilespmem:s19+$0x100] =	vst v1;
	v1 =	vld [tilespmem:s19+$0x110]  }
0x61: {  	v2 =	vld [tilespmem:s20+$0x1110];
	_ =	sdelay $0x2  }
0x62: {  	v3 =	vld [tilespmem:s20+$0x1130];
	_ =	sdelay $0x1  }
.Ltmp2:
0x63: {  	v1 =	vadd.f32 v2, v1;
	(pc) =	sbr.rel @p1 .LBB2_6-.Ltmp2, $4  }
0x64: {  	p2 =	sne.s32 s15, $0x7F  }
0x65: {  	s22 =	simm.s32 @!p2 $0x80;
	s15 =	sand.u32 $0x7F, s18;
	s20 =	simm.s32 @!p2 $0x3;
	v1 =	vmax.f32 v1, $0.0e+00  }
0x66: {  	s23 =	simm.s32 @!p2 $0x100;
	p0 =	sne.s32 s15, $0x0;
	v1 =	vmul.f32 v1, v3  }
0x67: {  	s24 =	sadd.s32 @!p0 s18, s7;
	s21 =	sadd.s32 @!p0 s18, s11  }
0x68: {  	[tilespmem:s19+$0x110] =	vst v1  }
0x69: {  	[spmem:s2] =	stream.indirect.scatter.add.f32 @!p2 [tilespmem:s23], [sflag:$0x3], $0x20, s22, s22, $0xb8;
	[tilespmem:$0x1D100] =	vst v63  }
0x6a: {  	_ =	swait.ge @!p2 [sflag:s20], $0x1000  }
0x6b: {  	s17 =	sshrl.u32 @!p0 s24, $0x3;
	s18 =	simm.s32 @!p0 $0x0;
	[sflag:s20] =	ssyncset.done @!p2 $0x0  }
0x6c: {  	s19 =	simm.s32 @!p0 $0x80;
	s17 =	sadd.s32 @!p0 s6, s17;
	[sflag:s20] =	ssyncadd.s32 @!p2 $0xFFFFF000  }
0x6d: {  	[tilespmem:s19], [sflag:$0x2] =	stream.linear.gather @!p0 [hbm4b:s17+s18], $0x80, $0x38;
	[tilespmem:$0x1D100] =	vst v63  }
0x6e: {  	s16 =	sadd.s32 $0x8, s16;
	s20 =	sshrl.u32 @!p0 s21, $0x3;
	s17 =	simm.s32 @!p0 $0x1100  }
0x6f: {  	[tilespmem:s17], [sflag:$0x2] =	stream.linear.gather @!p0 [hbm4b:s16+s18], $0x2000, $0x38;
	[tilespmem:$0x1D100] =	vst v63  }
0x70: {  	s16 =	sadd.s32 @!p0 s5, s20;
	s17 =	simm.s32 @!p0 $0x4  }
0x71: {  	[tilespmem:s18], [sflag:$0x4] =	stream.linear.gather @!p0 [hbm4b:s16+s18], $0x80, $0x38;
	[tilespmem:$0x1D100] =	vst v63  }
0x72: {  	_ =	swait.ge @!p0 [sflag:s17], $0x80  }
0x73: {  	[sflag:s17] =	ssyncset.done @!p0 $0x0  }
0x74: {  	s16 =	simm.s32 @!p0 $0x100;
	[sflag:s17] =	ssyncadd.s32 @!p0 $0xFFFFFF80;
	s17 =	simm.s32 @!p0 $0x1  }
0x75: {  	[tilespmem:s16], [sflag:$0x1] =	stream.indirect.gather @!p0 [hbm4b:s1+s19], $0x20, s18, s19, $0xb8;
	[tilespmem:$0x1D100] =	vst v63  }
0x76: {  	_ =	swait.ge @!p0 [sflag:s17], $0x1000  }
0x77: {  	[sflag:s17] =	ssyncset.done @!p0 $0x0  }
0x78: {  	s16 =	simm.s32 @!p0 $0x2;
	[sflag:s17] =	ssyncadd.s32 @!p0 $0xFFFFF000  }
0x79: {  	_ =	swait.ge @!p0 [sflag:s16], $0x80  }
0x7a: {  	[sflag:s16] =	ssyncset.done @!p0 $0x0  }
0x7b: {  	[sflag:s16] =	ssyncadd.s32 @!p0 $0xFFFFFF80  }
0x7c: {  	_ =	swait.ge @!p0 [sflag:s16], $0x2000  }
0x7d: {  	[sflag:s16] =	ssyncset.done @!p0 $0x0  }
0x7e: {  	s26 =	sshll.u32 s15, $0x5;
	[sflag:s16] =	ssyncadd.s32 @!p0 $0xFFFFE000  }
0x7f: {  	s28 =	sshll.u32 s15, $0x6;
	v1 =	vld [tilespmem:s26+$0x100]  }
0x80: {  	v2 =	vld [tilespmem:s28+$0x1100];
	_ =	sdelay $0x2  }
0x81: {  	v3 =	vld [tilespmem:s28+$0x1120];
	_ =	sdelay $0x1  }
0x82: {  	v1 =	vadd.f32 v2, v1;
	_ =	sdelay $0x1  }
0x83: {  	v1 =	vmax.f32 v1, $0.0e+00  }
0x84: {  	v1 =	vmul.f32 v1, v3;
	_ =	sdelay $0x1  }
0x85: {  	[tilespmem:s26+$0x100] =	vst v1;
	v1 =	vld [tilespmem:s26+$0x110]  }
0x86: {  	v2 =	vld [tilespmem:s28+$0x1110];
	_ =	sdelay $0x2  }
0x87: {  	v3 =	vld [tilespmem:s28+$0x1130];
	_ =	sdelay $0x1  }
0x88: {  	v1 =	vadd.f32 v2, v1;
	_ =	sdelay $0x1  }
0x89: {  	v1 =	vmax.f32 v1, $0.0e+00  }
0x8a: {  	v1 =	vmul.f32 v1, v3  }
0x8b: {  	p0 =	sne.s32 s15, $0x7F  }
0x8c: {  	s15 =	simm.s32 @!p0 $0x80;
	s17 =	simm.s32 @!p0 $0x3;
	s18 =	simm.s32 @!p0 $0x100;
	[tilespmem:s26+$0x110] =	vst v1  }
0x8d: {  	[spmem:s2] =	stream.indirect.scatter.add.f32 @!p0 [tilespmem:s18], [sflag:$0x3], $0x20, s15, s15, $0xb8;
	[tilespmem:$0x1D100] =	vst v63  }
0x8e: {  	_ =	swait.ge @!p0 [sflag:s17], $0x1000  }
0x8f: {  	[sflag:s17] =	ssyncset.done @!p0 $0x0  }
0x90: {  	s29 =	sshll.u32 s4, $0x6;
	s30 =	sadd.s32 $0x0, s12;
	[sflag:s17] =	ssyncadd.s32 @!p0 $0xFFFFF000  }
0x91: {  	s31 =	sshrl.u32 s8, $0x3;
	s15 =	sor.u32 $0x1C03, s29;
	[bflag:$0x0] =	sbarrier.arrive $0xFFFF  }
0x92: {  	[hbm:s30], [sflag:s15] =	dma.local [spmem:s31], $0x200  }
0x93: {  	s16 =	simm.s32 $0x200;
	s17 =	sadd.s32 $0x1000, s8;
	_ =	swait.ge [sflag:s14], $0x200  }
.LBB2_8:
0x94: {  	s18 =	sadd.s32 s16, s12;
	[sflag:s14] =	ssyncset.done $0x0;
	p0 =	sne.s32 s16, $0x3000  }
.Ltmp3:
0x95: {  	s19 =	sshrl.u32 s17, $0x3;
	[sflag:s14] =	ssyncadd.s32 $0xFFFFFE00;
	(pc) =	sbr.rel @p0 .LBB2_8-.Ltmp3, $3  }
0x96: {  	[hbm:s18], [sflag:s15] =	dma.local [spmem:s19], $0x200  }
0x97: {  	s16 =	sadd.s32 $0x200, s16;
	_ =	sdelay $0x1  }
0x98: {  	s17 =	sadd.s32 $0x1000, s17;
	_ =	swait.ge [sflag:s14], $0x200  }
0x99: {  	s3 =	sadd.s32 $0x1, s3  }
0x9a: {  	p0 =	sne.s32 s3, s9  }
.Ltmp4:
0x9b: {  	_ = 	snop;
	(pc) =	sbr.rel @p0 .LBB2_1-.Ltmp4, $3  }
0x9c: {  	_ =	sdelay $0x1  }
0x9d: {  	[sflag:s14] =	ssyncset.done $0x0  }
0x9e: {  	[sflag:s14] =	ssyncadd.s32 $0xFFFFFE00  }
0x9f: {  	_ =	sfence.sel $0x180000  }
0xa0: {  	[bflag:$0x0] =	sbarrier.arrive $0xFFFF  }
0xa1: {  	p0 =	sne.s32 s4, $0x0;
	_ =	strace $0x9000005C  }
0xa2: {  	s0 =	sadd.s32 @!p0 $0x100000, s0;
	[bflag:$0x2] =	sbarrier.arrive $0xFFFF  }
0xa3: {  	[sflag:s0] =	ssyncadd.tile.s32 @!p0 $0x1;
	_ =	shalt  }
.Lfunc_end2:
_tile_overlayer_lowered:
.L_overlay_start_2:
0xa4: {  	(tag) =	ssettag $0x2  }
0xa5: {  	s0 =	rddreg [dreg:$0x0];
	s2 =	stileid.u32  }
0xa6: {  	s1 =	rddreg [dreg:$0x1];
	p0 =	sne.s32 s2, $0x0  }
0xa7: {  	s3 =	rddreg [dreg:$0x2];
	[bflag:$0x3] =	sbarrier.arrive $0xFFFF;
	s2 =	simm.s32 @!p0 $0x1C03  }
0xa8: {  	[timem:s3], [sflag:s2] =	dma.local @!p0 [hbm:s0], s1  }
0xa9: {  	s0 =	simm.s32 @!p0 $0x3  }
0xaa: {  	_ =	swait.ge @!p0 [sflag:s0], s1  }
0xab: {  	s1 =	ssub.s32 @!p0 $0x0, s1;
	[sflag:s0] =	ssyncset.done @!p0 $0x0  }
0xac: {  	[sflag:s0] =	ssyncadd.s32 @!p0 s1  }
0xad: {  	[bflag:$0x3] =	sbarrier.arrive $0xFFFF  }
0xae: {  	_ =	shalt  }

// kernel: scatter_offload_async_start.1
scs
__scs_entry_jumppad:
0x0: {  	(pc) =	sbr.rel $0x88, $3  }
0x1: {  	(tag) =	ssettag $0x0;
	lr =	simm.s32 $0x1  }
0x2: {  	[smem:$0x3F77] =	sst lr;
	_ =	strace $0xD0000000  }
0x3: {  	_ = 	snop  }
0x4: {  	_ = 	snop  }
0x5: {  	_ = 	snop  }
0x6: {  	_ = 	snop  }
0x7: {  	_ = 	snop  }
__scs_overlays_trampoline_lowered:
0x8: {  	[smem:$0x3F86] =	sst s0  }
0x9: {  	[smem:$0x3F87] =	sst s1  }
0xa: {  	[smem:$0x3F88] =	sst s2  }
0xb: {  	[smem:$0x3F89] =	sst s3  }
0xc: {  	[smem:$0x3F8A] =	sst s4  }
0xd: {  	[smem:$0x3F8B] =	sst s5  }
0xe: {  	[smem:$0x3F8C] =	sst s6  }
0xf: {  	[smem:$0x3F8D] =	sst s7  }
0x10: {  	[smem:$0x3F8E] =	sst s8  }
0x11: {  	[smem:$0x3F8F] =	sst s9;
	s0 =	simm.s32 @!p0 $0x0  }
0x12: {  	s1 =	sld [smem:$0x3F75];
	s0 =	simm.s32 @p0 $0x1  }
0x13: {  	[smem:$0x3F90] =	sst s0;
	s0 =	simm.s32 @!p1 $0x0  }
0x14: {  	s2 =	sld [smem:$0x3F74];
	s0 =	simm.s32 @p1 $0x1  }
0x15: {  	[smem:$0x3F91] =	sst s0;
	s0 =	simm.s32 @!p2 $0x0  }
0x16: {  	s3 =	sld [smem:$0x3FDB];
	s0 =	simm.s32 @p2 $0x1  }
0x17: {  	s4 =	simm.s32 $0x1BF5;
	[smem:$0x3F93] =	sst s0  }
0x18: {  	s0 =	sld [smem:$0x3F76];
	_ =	swait.ge [sflag:s4], $0x0  }
0x19: {  	s7 =	sld [smem:$0x3F77]  }
0x1a: {  	s8 =	sadd.s32 $0xFFFFE003, lr  }
0x1b: {  	s9 =	sadd.s32 $0xFFFFFEF7, lr;
	s5 =	simm.s32 $0xFFFFFFFF;
	p2 =	slt.u32 s8, $0xFFFFF086  }
0x1c: {  	p1 =	slt.u32 s9, $0xF7A;
	s5 =	simm.s32 @!p2 $0x0  }
0x1d: {  	s5 =	simm.s32 @p1 $0x1;
	p0 =	seq.s32 s7, s2  }
0x1e: {  	s7 =	smul.u32 @!p0 $0xF7A, s2;
	p2 =	seq.s32 @!p0 s5, $0x0  }
0x1f: {  	s9 =	smul.u32 $0xF7A, s1;
	s8 =	simm.s32 @!p0 $0x1BF5;
	p2 =	por !p2, p0  }
0x20: {  	[sflag:s8] =	ssyncset.s32 @!p0 $0xFFFFF086;
	s6 =	sadd.s32 @!p0 s3, s7;
	s7 =	simm.s32 @!p0 $0x108  }
0x21: {  	s3 =	sadd.s32 s3, s9;
	s6 =	sadd.s32 @!p0 $0x88, s6;
	s7 =	simm.s32 @p2 $0x1082  }
0x22: {  	[simem:s7], [sflag:s8] =	dma.local @!p0 [hbm:s6], $0xF7A  }
0x23: {  	s9 =	sor.u32 $0xD0000000, s2;
	s6 =	simm.s32 $0x108;
	_ =	swait.ge @!p0 [sflag:s8], $0x0  }
0x24: {  	s3 =	sadd.s32 $0x88, s3;
	s6 =	simm.s32 @!p1 $0x1082;
	[sflag:s4] =	ssyncset.s32 $0xFFFFF086  }
0x25: {  	[simem:s6], [sflag:s4] =	dma.local [hbm:s3], $0xF7A  }
0x26: {  	[smem:$0x3F77] =	sst s1;
	(tag) =	ssettag s2;
	_ =	strace s9  }
0x27: {  	s1 =	sld [smem:$0x3F87]  }
0x28: {  	s2 =	sld [smem:$0x3F88]  }
0x29: {  	s4 =	sld [smem:$0x3F8A]  }
0x2a: {  	p0 =	seq.s32 s5, $0x0;
	s5 =	sld [smem:$0x3F8B]  }
0x2b: {  	s6 =	sld [smem:$0x3F8C]  }
0x2c: {  	s7 =	sld [smem:$0x3F8D]  }
0x2d: {  	s3 =	simm.s32 $0x108;
	s8 =	sld [smem:$0x3F8E]  }
0x2e: {  	s3 =	simm.s32 @!p0 $0x1082;
	s9 =	sld [smem:$0x3F8F]  }
0x2f: {  	lr =	sadd.s32 s0, s3;
	s0 =	sld [smem:$0x3F86]  }
0x30: {  	s3 =	sld [smem:$0x3F89]  }
0x31: {  	[smem:$0x3F92] =	sst s10  }
0x32: {  	s10 =	sld [smem:$0x3F90];
	_ =	sdelay $0x3  }
0x33: {  	p0 =	seq.s32 s10, $0x1;
	s10 =	sld [smem:$0x3F92];
	_ =	sdelay $0x3  }
0x34: {  	[smem:$0x3F92] =	sst s10  }
0x35: {  	s10 =	sld [smem:$0x3F91];
	_ =	sdelay $0x3  }
0x36: {  	p1 =	seq.s32 s10, $0x1;
	s10 =	sld [smem:$0x3F92];
	_ =	sdelay $0x3  }
0x37: {  	[smem:$0x3F92] =	sst s10  }
0x38: {  	s10 =	sld [smem:$0x3F93]  }
0x39: {  	_ = 	snop;
	(pc) =	sbr.ind lr, $3  }
0x3a: {  	_ = 	snop  }
0x3b: {  	_ = 	snop  }
0x3c: {  	p2 =	seq.s32 s10, $0x1;
	s10 =	sld [smem:$0x3F92]  }
0x3d: {  	_ =	shalt  }
0x3e: {  	_ =	shalt  }
0x3f: {  	_ =	shalt  }
0x40: {  	_ =	shalt  }
0x41: {  	_ =	shalt  }
0x42: {  	_ =	shalt  }
0x43: {  	_ =	shalt  }
0x44: {  	_ =	shalt  }
0x45: {  	_ =	shalt  }
0x46: {  	_ =	shalt  }
0x47: {  	_ =	shalt  }
0x48: {  	_ =	shalt  }
0x49: {  	_ =	shalt  }
0x4a: {  	_ =	shalt  }
0x4b: {  	_ =	shalt  }
0x4c: {  	_ =	shalt  }
0x4d: {  	_ =	shalt  }
0x4e: {  	_ =	shalt  }
0x4f: {  	_ =	shalt  }
0x50: {  	_ =	shalt  }
0x51: {  	_ =	shalt  }
0x52: {  	_ =	shalt  }
0x53: {  	_ =	shalt  }
0x54: {  	_ =	shalt  }
0x55: {  	_ =	shalt  }
0x56: {  	_ =	shalt  }
0x57: {  	_ =	shalt  }
0x58: {  	_ =	shalt  }
0x59: {  	_ =	shalt  }
0x5a: {  	_ =	shalt  }
0x5b: {  	_ =	shalt  }
0x5c: {  	_ =	shalt  }
0x5d: {  	_ =	shalt  }
0x5e: {  	_ =	shalt  }
0x5f: {  	_ =	shalt  }
0x60: {  	_ =	shalt  }
0x61: {  	_ =	shalt  }
0x62: {  	_ =	shalt  }
0x63: {  	_ =	shalt  }
0x64: {  	_ =	shalt  }
0x65: {  	_ =	shalt  }
0x66: {  	_ =	shalt  }
0x67: {  	_ =	shalt  }
0x68: {  	_ =	shalt  }
0x69: {  	_ =	shalt  }
0x6a: {  	_ =	shalt  }
0x6b: {  	_ =	shalt  }
0x6c: {  	_ =	shalt  }
0x6d: {  	_ =	shalt  }
0x6e: {  	_ =	shalt  }
0x6f: {  	_ =	shalt  }
0x70: {  	_ =	shalt  }
0x71: {  	_ =	shalt  }
0x72: {  	_ =	shalt  }
0x73: {  	_ =	shalt  }
0x74: {  	_ =	shalt  }
0x75: {  	_ =	shalt  }
0x76: {  	_ =	shalt  }
0x77: {  	_ =	shalt  }
0x78: {  	_ =	shalt  }
0x79: {  	_ =	shalt  }
0x7a: {  	_ =	shalt  }
0x7b: {  	_ =	shalt  }
0x7c: {  	_ =	shalt  }
0x7d: {  	_ =	shalt  }
0x7e: {  	_ =	shalt  }
0x7f: {  	_ =	shalt  }
0x80: {  	_ =	shalt  }
0x81: {  	_ =	shalt  }
0x82: {  	_ =	shalt  }
0x83: {  	_ =	shalt  }
0x84: {  	_ =	shalt  }
0x85: {  	_ =	shalt  }
0x86: {  	_ =	shalt  }
0x87: {  	_ =	shalt  }
.Lfunc_end0:
.L_simem_size_0:
called_computation.1_lowered:
.L_overlay_start_0:
0x88: {  	s0 =	sld [smem:$0x3FD9]  }
0x89: {  	s1 =	sld [smem:$0x3FFE];
	_ =	sdelay $0x3  }
0x8a: {  	s0 =	sadd.s32 s1, s0  }
0x8b: {  	[smem:$0x3F9E] =	sst s0  }
0x8c: {  	_ = 	snop  }
0x8d: {  	(tm) =	ssettm $0x1  }
0x8e: {  	s15 =	sld [smem:$0x3FFB];
	_ =	sdelay $0x3  }
0x8f: {  	_ =	strace s15  }
0x90: {  	s0 =	sld [smem:$0x3FFC];
	_ =	sdelay $0x3  }
0x91: {  	_ =	strace s0  }
0x92: {  	s0 =	sld [smem:$0x3FFD];
	_ =	sdelay $0x3  }
0x93: {  	_ =	strace s0  }
0x94: {  	_ =	strace $0x8FFFFFFF  }
0x95: {  	s16 =	sld [smem:$0x3FDB];
	_ =	sdelay $0x1  }
0x96: {  	s17 =	simm.s32 $_scs_section_size  }
0x97: {  	s2 =	simm.s32 $_size__tile_overlayer_lowered;
	s3 =	simm.s32 $_tile_overlayer_lowered  }
0x98: {  	s20 =	simm.s32 $0x1BFF;
	s19 =	sshll.u32 s3, $0x1;
	s0 =	sadd.s32 s17, s16  }
0x99: {  	s4 =	simm.s32 $0x0;
	s18 =	sshll.u32 s2, $0x1;
	s2 =	sadd.s32 s19, s0  }
0x9a: {  	[timem:s4], [sflag:s20] =	dma.local [hbm:s2], s18  }
0x9b: {  	_ =	swait.ge [sflag:s20], s18  }
0x9c: {  	s1 =	ssub.s32 $0x0, s18;
	[sflag:s20] =	ssyncset.done $0x0  }
0x9d: {  	[sflag:s20] =	ssyncadd.s32 s1;
	_ =	sdelay $0x1  }
0x9e: {  	s21 =	simm.s32 $0x1B8B  }
0x9f: {  	_ =	swait.ge [sflag:s21], $0x1  }
0xa0: {  	[sflag:s21] =	ssyncset.done $0x0  }
0xa1: {  	s23 =	simm.s32 $0x1B8E;
	s22 =	sld [smem:$0x3FFE];
	[sflag:s21] =	ssyncadd.s32 $0xFFFFFFFF  }
0xa2: {  	s24 =	simm.s32 $execute0_lowered;
	[smem:$0x3FD2] =	sst s23  }
0xa3: {  	s2 =	sshll.u32 s24, $0x1;
	_ =	strace $0x80000058;
	[dreg:$0x1] =	wrdreg $0xFFFFFFFF  }
0xa4: {  	s25 =	simm.s32 $_size_execute0_lowered;
	s0 =	sadd.s32 s0, s2;
	[dreg:$0x0] =	wrdreg $0x0  }
0xa5: {  	s2 =	sshll.u32 s25, $0x1;
	[dreg:$0x2] =	wrdreg s0  }
0xa6: {  	[dreg:$0x3] =	wrdreg s2  }
0xa7: {  	[dreg:$0x4] =	wrdreg $0xC0  }
0xa8: {  	_ =	task [dreg:s4], $0x5FFFF  }
0xa9: {  	[dreg:$0x1] =	wrdreg $0xFFFFFFFF  }
0xaa: {  	[dreg:$0x0] =	wrdreg $0x60  }
0xab: {  	[dreg:$0x2] =	wrdreg s22  }
0xac: {  	[dreg:$0x3] =	wrdreg $0x9  }
0xad: {  	_ =	task.clear_ibuf [dreg:s4], $0x4FFFF;
	_ =	strace $0x90000058  }
0xae: {  	s26 =	simm.s32 $0x9;
	_ =	strace $0x8000005A  }
0xaf: {  	_ =	swait.ge [sflag:s26], $0x1  }
0xb0: {  	[sflag:s26] =	ssyncadd.s32 $0xFFFFFFFF  }
0xb1: {  	_ =	strace $0x9000005A  }
0xb2: {  	_ =	sfence  }
0xb3: {  	s28 =	sld [smem:$0x0];
	_ =	sdelay $0x1  }
0xb4: {  	s29 =	srdreg.scid  }
0xb5: {  	s30 =	sshll.u32 s29, $0xD;
	s31 =	sshrl.u32 s29, $0x2  }
0xb6: {  	s1 =	sand.u32 $0x1, s29;
	s2 =	sand.u32 $0x4000, s30;
	s0 =	sadd.s32 s31, s28  }
0xb7: {  	s1 =	sor.u32 s2, s1;
	s0 =	sshll.u32 s0, $0x11  }
0xb8: {  	s0 =	sor.u32 s0, s1  }
0xb9: {  	s0 =	sadd.s32 $0x8F2B, s0  }
0xba: {  	[sflag:s0] =	ssyncadd.remote.s32 $0x1  }
0xbb: {  	_ =	sfence.sel $0xFFFF  }
0xbc: {  	[dreg:$0x0] =	wrdreg $0xFFFFFFFF;
	(pc) =	sbr.abs _section_cstart, $3  }
0xbd: {  	[dreg:$0x1] =	wrdreg $0xFFFFFFFF  }
0xbe: {  	_ =	task.clear_ibuf [dreg:s4], $0x2FFFF;
	_ =	strace $0x9FFFFFFF  }
0xbf: {  	(tm) =	ssettm $0x7FFFFFFF  }
tec
execute0_lowered:
.L_overlay_start_1:
0x0: {  	(tag) =	ssettag $0x1  }
0x1: {  	s0 =	rddreg [dreg:$0x0];
	_ =	strace $0x80000059;
	s1 =	simm.s32 $0x1  }
0x2: {  	s8 =	simm.s32 $0x88;
	v0 =	vimm.s32 $0x0;
	[sflag:s1] =	ssyncpa.u1 $0x0  }
0x3: {  	[tilespmem:s8+$0x30] =	vst v0  }
0x4: {  	s1 =	sadd.s32 $0x2AE6400, s0;
	s3 =	sadd.s32 $0x2AFF000, s0;
	[tilespmem:s8+$0x20] =	vst v0  }
0x5: {  	s4 =	sadd.s32 $0x54C00, s0;
	s5 =	sadd.s32 $0x9A00, s0;
	s0 =	simm.s32 $0x40;
	[tilespmem:s8+$0x10] =	vst v0  }
.LBB2_1:
0x6: {  	s0 =	sadd.s32 $0x40, s0  }
0x7: {  	[tilespmem:s8+$0x0] =	vst v0;
	s8 =	sadd.s32 $0x40, s8;
	p0 =	slt.u32 s0, $0x5040  }
.Ltmp0:
0x8: {  	(pc) =	sbr.rel @p0 .LBB2_1-.Ltmp0, $4  }
0x9: {  	_ = 	snop  }
0xa: {  	[tilespmem:s8+$0x30] =	vst v0  }
0xb: {  	[tilespmem:s8+$0x20] =	vst v0  }
0xc: {  	[tilespmem:s8+$0x10] =	vst v0  }
0xd: {  	s9 =	stileid.u32  }
0xe: {  	s0 =	smul.u32 $0x9, s9  }
0xf: {  	s2 =	smin.u32 s9, $0xD  }
0x10: {  	s0 =	sadd.s32 s2, s0  }
0x11: {  	p0 =	slt.u32 s9, $0xD;
	s6 =	smul.u32 $0x140, s0;
	s0 =	simm.s32 $0xC80  }
0x12: {  	s0 =	simm.s32 @!p0 $0xB40  }
0x13: {  	s0 =	sadd.s32 s0, s6  }
0x14: {  	s7 =	smin.u32 s0, $0xC350  }
0x15: {  	s0 =	ssub.s32 s7, s6  }
0x16: {  	p0 =	sgt.s32 s0, $0x0  }
0x17: {  	s0 =	simm.s32 @!p0 $0x0  }
0x18: {  	s29 =	simm.s32 $0x2;
	s10 =	simm.s32 $0x7;
	s28 =	smul.u32 $0xCCCD, s0  }
0x19: {  	s31 =	simm.s32 $0x8;
	s11 =	simm.s32 $0x1;
	s15 =	simm.s32 $0x0  }
0x1a: {  	p1 =	por $0x0, $0x0;
	s16 =	simm.s32 $0xA;
	s2 =	sshrl.u32 s28, $0x18  }
0x1b: {  	s20 =	simm.s32 $0x0;
	s17 =	simm.s32 $0x0;
	s30 =	smul.u32 $0x140, s2  }
.Ltmp1:
0x1c: {  	[tilespmem:s8+$0x0] =	vst v0;
	v0 =	vimm.s32 $0xFFFFFFFF;
	s19 =	simm.s32 $0x0;
	[sflag:s29] =	ssyncpa.u1 $0x0;
	(pc) =	sbr.rel .LBB2_3-.Ltmp1, $4  }
0x1d: {  	[tilespmem:$0xA108] =	vst v0;
	[sflag:s10] =	ssyncpa.u1 $0x0;
	p0 =	sne.s32 s0, s30;
	s0 =	simm.s32 $0x1  }
0x1e: {  	s10 =	simm.s32 $0x9;
	[sflag:s31] =	ssyncpa.u1 $0x0;
	s0 =	simm.s32 @!p0 $0x0  }
0x1f: {  	s13 =	sshll.u32 s9, $0x7;
	[sflag:s10] =	ssyncpa.u1 $0x0;
	s12 =	sadd.s32 s2, s0  }
0x20: {  	v0 =	vlaneseq.u32;
	s18 =	smov.u32 s6;
	p0 =	por $0x1, $0x1;
	s14 =	sadd.s32 $0x1, s12  }
.LBB2_24:
0x21: {  	s0 =	sshrl.u32 s29, $0x2  }
.LBB2_26:
0x22: {  	_ =	swait.ge [sflag:s16], s0  }
0x23: {  	s31 =	ssub.s32 $0x0, s0;
	v1 =	vmov s22;
	vm0 =	veq.s32 v0, $0x0;
	[sflag:s16] =	ssyncset.done $0x0  }
0x24: {  	vm15 =	veq.s32 v0, $0x2;
	v1 =	vsel vm0, s28, v1;
	[sflag:s16] =	ssyncadd.s32 s31  }
0x25: {  	v1 =	vsel vm15, s20, v1;
	[sflag:s16] =	ssyncpa.u1 $0x1  }
0x26: {  	[tilespmem:$0xA108] =	vst v1  }
.LBB2_27:
0x27: {  	s0 =	sadd.s32 $0x140, s18  }
0x28: {  	s2 =	smov.u32 s6;
	p2 =	slt.s32 s0, s7  }
0x29: {  	s2 =	smov.u32 @p2 s0;
	p2 =	sne.s32 s19, s14  }
.Ltmp2:
0x2a: {  	_ = 	snop;
	(pc) =	sbr.rel @!p2 .LBB2_28-.Ltmp2, $4  }
0x2b: {  	_ = 	snop  }
0x2c: {  	s20 =	smov.u32 s17  }
0x2d: {  	s31 =	sadd.s32 $0x1, s19;
	s17 =	smov.u32 s18;
	p0 =	por !p0, !p0  }
0x2e: {  	p1 =	por !p1, !p1;
	s19 =	smov.u32 s31;
	s18 =	smov.u32 s2  }
.LBB2_3:
0x2f: {  	p2 =	sge.u32 s19, s12  }
0x30: {  	s0 =	smulhi.u32 @!p2 $0xAAAAAAAB, s19  }
0x31: {  	s2 =	smov.u32 s18;
	p3 =	sgt.s32 @!p2 s18, $0xC210  }
0x32: {  	s8 =	sshra.s32 @!p2 s18, $0x1F;
	p3 =	por !p3, p2;
	s0 =	sshrl.u32 @!p2 s0, $0x1  }
0x33: {  	s8 =	sand.u32 @!p2 s8, s18;
	s2 =	simm.s32 @p3 $0xC210;
	s0 =	smul.u32 @!p2 $0x3, s0  }
0x34: {  	s2 =	ssub.s32 @!p2 s2, s8  }
0x35: {  	s22 =	sadd.s32 $0xFFFFFFFF, s19;
	s2 =	sadd.s32 @!p2 $0xFFFF3DF0, s2;
	s0 =	ssub.s32 @!p2 s19, s0  }
0x36: {  	s8 =	sshll.u32 @!p2 s2, $0x2;
	p3 =	sgt.s32 @!p2 s2, $0x13F;
	s0 =	smul.u32 @!p2 $0x500, s0  }
0x37: {  	s21 =	sand.u32 @!p2 $0x7, s18;
	s2 =	ssub.s32 @!p2 $0x500, s8;
	p3 =	por !p3, p2  }
0x38: {  	s8 =	sshrl.u32 @!p2 s18, $0x3;
	s2 =	sshrl.u32 @!p2 s2, $0x2;
	s0 =	sshrl.u32 @!p2 s0, $0x2  }
0x39: {  	s8 =	sadd.s32 @!p2 s5, s8;
	s2 =	simm.s32 @!p3 $0x0;
	s0 =	sadd.s32 @!p2 $0xA938, s0  }
0x3a: {  	[tilespmem:s0], [sflag:$0x8] =	stream.linear.gather @!p2 [hbm4b:s8+s21], s2, $0x38;
	[tilespmem:$0x1EF78] =	vst v63  }
0x3b: {  	p2 =	sge.u32 s22, s12  }
0x3c: {  	p3 =	sgt.s32 @!p2 s17, $0xC210  }
0x3d: {  	s0 =	smov.u32 s17;
	s2 =	sshra.s32 @!p2 s17, $0x1F;
	p3 =	por !p3, p2  }
0x3e: {  	s2 =	sand.u32 @!p2 s2, s17;
	s0 =	simm.s32 @p3 $0xC210  }
0x3f: {  	s0 =	ssub.s32 @!p2 s0, s2  }
0x40: {  	s0 =	sadd.s32 @!p2 $0xFFFF3DF0, s0  }
0x41: {  	s2 =	sshll.u32 @!p2 s0, $0x2  }
0x42: {  	p3 =	sgt.s32 @!p2 s0, $0x13F;
	s0 =	ssub.s32 @!p2 $0x500, s2  }
0x43: {  	p3 =	por !p3, p2;
	s0 =	sshrl.u32 @!p2 s0, $0x2  }
0x44: {  	s8 =	simm.s32 @!p2 $0x8;
	s2 =	sand.u32 @!p2 $0x1, s22;
	s0 =	simm.s32 @!p3 $0x0  }
0x45: {  	s2 =	smul.u32 @!p2 $0x500, s2;
	_ =	swait.ge @!p2 [sflag:s8], s0  }
0x46: {  	s21 =	ssub.s32 @!p2 $0x0, s0;
	[sflag:s8] =	ssyncset.done @!p2 $0x0  }
0x47: {  	s2 =	sshrl.u32 @!p2 s2, $0x2;
	[sflag:s8] =	ssyncadd.s32 @!p2 s21;
	s8 =	sshrl.u32 @!p2 s17, $0x3  }
0x48: {  	s2 =	sadd.s32 @!p2 $0xACF8, s2;
	s21 =	sand.u32 @!p2 $0x7, s17;
	s8 =	sadd.s32 @!p2 s3, s8  }
0x49: {  	[tilespmem:s2], [sflag:$0x9] =	stream.linear.gather @!p2 [hbm4b:s8+s21], s0, $0x38;
	[tilespmem:$0x1EF78] =	vst v63  }
0x4a: {  	s21 =	ssub.s32 @!p2 $0xC350, s17  }
0x4b: {  	p3 =	slt.s32 @!p2 s21, $0x1  }
0x4c: {  	p3 =	por p2, p3  }
.Ltmp3:
0x4d: {  	_ = 	snop;
	(pc) =	sbr.rel @p3 .LBB2_9-.Ltmp3, $1  }
0x4e: {  	_ =	sdelay $0x3  }
0x4f: {  	s0 =	smulhi.u32 $0xAAAAAAAB, s22;
	_ =	sdelay $0x1  }
0x50: {  	s0 =	sshrl.u32 s0, $0x1  }
0x51: {  	s0 =	smul.u32 $0x3, s0;
	_ =	sdelay $0x1  }
0x52: {  	s0 =	ssub.s32 s22, s0  }
0x53: {  	s2 =	simm.s32 $0x1;
	s0 =	smul.u32 $0x500, s0  }
.Ltmp4:
0x54: {  	s2 =	simm.s32 @!p0 $0x0;
	(pc) =	sbr.rel .LBB2_6-.Ltmp4, $4  }
0x55: {  	s2 =	smul.u32 $0x28000, s2  }
0x56: {  	p3 =	slt.s32 @!p2 s21, $0x140;
	s0 =	sshrl.u32 s0, $0x2  }
0x57: {  	p2 =	por !p3, p2;
	s2 =	sshrl.u32 s2, $0x2;
	s0 =	sadd.s32 $0xA938, s0  }
0x58: {  	s23 =	simm.s32 $0x0;
	s21 =	simm.s32 @p2 $0x140;
	s22 =	sadd.s32 $0xAF78, s2;
	v1 =	vmov s0  }
.LBB2_5:
0x59: {  	p2 =	sge.s32 s23, s21  }
.Ltmp5:
0x5a: {  	_ = 	snop;
	(pc) =	sbr.rel @p2 .LBB2_9-.Ltmp5, $2  }
0x5b: {  	_ =	sdelay $0x2  }
0x5c: {  	s22 =	sadd.s32 $0x800, s22  }
.LBB2_6:
0x5d: {  	p2 =	sle.s32 s21, s23  }
.Ltmp6:
0x5e: {  	_ = 	snop;
	(pc) =	sbr.rel @p2 .LBB2_5-.Ltmp6, $2  }
0x5f: {  	_ =	sdelay $0x2  }
0x60: {  	s24 =	smov.u32 s23;
	s23 =	sadd.s32 $0x10, s23  }
0x61: {  	s0 =	ssub.s32 s21, s24  }
0x62: {  	p2 =	slt.s32 s0, $0x10  }
0x63: {  	s0 =	simm.s32 @!p2 $0x10  }
0x64: {  	v2 =	vmov s0  }
0x65: {  	vm0 =	vgt.s32 v2, v0;
	_ =	sdelay $0x5  }
0x66: {  	v2 =	vld.idx.msk [tilespmem:v1+s24+$0x0 ss:$0x1], vm0;
	_ =	sdelay $0x2  }
0x67: {  	p2 =	slt.s32 s23, s21;
	s0 =	smov.u32 s21  }
0x68: {  	s2 =	smov.u32 s22;
	s25 =	simm.s32 $0x0;
	s0 =	smov.u32 @p2 s23  }
.LBB2_8:
0x69: {  	(v2sf) =	vpush v2, s25;
	_ =	sdelay $0xc  }
0x6a: {  	s25 =	sadd.s32 $0x1, s25  }
0x6b: {  	s31 =	sadd.s32 s25, s24  }
0x6c: {  	p2 =	slt.s32 s31, s0;
	s8 =	spop (v2sf)  }
.Ltmp7:
0x6d: {  	s8 =	sshll.u32 s8, $0x4;
	(pc) =	sbr.rel @p2 .LBB2_8-.Ltmp7, $4  }
0x6e: {  	s8 =	sand.u32 $0x1FFFFFF0, s8  }
0x6f: {  	s8 =	sadd.s32 s4, s8  }
0x70: {  	[tilespmem:s2], [sflag:$0x7] =	stream.linear.gather [hbm4b:s8+s15], $0x40, $0x38;
	[tilespmem:$0x1EF78] =	vst v63  }
0x71: {  	s2 =	sadd.s32 $0x80, s2  }
.Ltmp8:
0x72: {  	_ = 	snop;
	(pc) =	sbr.rel .LBB2_5-.Ltmp8, $1  }
0x73: {  	_ =	sdelay $0x3  }
.LBB2_9:
0x74: {  	p2 =	slt.u32 s19, $0x2  }
.Ltmp9:
0x75: {  	_ = 	snop;
	(pc) =	sbr.rel @p2 .LBB2_27-.Ltmp9, $1  }
0x76: {  	_ =	sdelay $0x3  }
0x77: {  	p2 =	sgt.s32 s20, $0xC210;
	s0 =	smov.u32 s20  }
0x78: {  	s2 =	sshra.s32 s20, $0x1F;
	s8 =	ssub.s32 $0xC350, s20;
	s0 =	simm.s32 @!p2 $0xC210  }
0x79: {  	s2 =	sand.u32 s2, s20;
	p2 =	slt.s32 s8, $0x140;
	s21 =	smov.u32 s8  }
0x7a: {  	s0 =	ssub.s32 s0, s2;
	s21 =	simm.s32 @!p2 $0x140  }
0x7b: {  	s0 =	sadd.s32 $0xFFFF3DF0, s0;
	s26 =	sshll.u32 s21, $0x6  }
0x7c: {  	s9 =	simm.s32 $0x7;
	s29 =	sshll.u32 s0, $0x2;
	s2 =	sand.u32 $0x3FFFFFC0, s26  }
0x7d: {  	p2 =	sgt.s32 s0, $0x13F;
	s30 =	ssub.s32 $0x500, s29;
	_ =	swait.ge [sflag:s9], s2  }
0x7e: {  	s2 =	ssub.s32 $0x0, s2;
	[sflag:s9] =	ssyncset.done $0x0;
	s0 =	sshrl.u32 s30, $0x2  }
0x7f: {  	[sflag:s9] =	ssyncadd.s32 s2;
	s0 =	simm.s32 @p2 $0x0  }
0x80: {  	_ =	swait.ge [sflag:s10], s0  }
0x81: {  	s0 =	ssub.s32 $0x0, s0;
	[sflag:s10] =	ssyncset.done $0x0  }
0x82: {  	[sflag:s10] =	ssyncadd.s32 s0  }
0x83: {  	v1 =	vld [tilespmem:$0xA108];
	_ =	sdelay $0x4  }
0x84: {  	(v2sf) =	vpush v1, $0x0  }
0x85: {  	(v2sf) =	vpush v1, $0x1  }
0x86: {  	(v2sf) =	vpush v1, $0x2;
	_ =	sdelay $0x3  }
0x87: {  	s0 =	sadd.s32 $0x140, s20  }
0x88: {  	p2 =	slt.s32 s7, s0  }
0x89: {  	s0 =	smov.u32 @p2 s7;
	p2 =	sgt.s32 s8, $0x0  }
0x8a: {  	s24 =	ssub.s32 s0, s20;
	s8 =	simm.s32 @!p2 $0x0  }
0x8b: {  	p2 =	slt.s32 s8, s24  }
0x8c: {  	s24 =	smov.u32 @p2 s8  }
0x8d: {  	s23 =	simm.s32 $0x1;
	p2 =	slt.s32 s24, $0x1  }
.Ltmp10:
0x8e: {  	s23 =	simm.s32 @!p1 $0x0;
	(pc) =	sbr.rel @p2 .LBB2_14-.Ltmp10, $4  }
0x8f: {  	s31 =	smul.u32 $0x500, s23  }
0x90: {  	s25 =	spop (v2sf)  }
0x91: {  	s0 =	sshrl.u32 s31, $0x2;
	s28 =	spop (v2sf)  }
0x92: {  	s21 =	sadd.s32 $0xACF8, s0;
	s20 =	spop (v2sf)  }
0x93: {  	s0 =	smin.u32 s24, $0x10  }
0x94: {  	v1 =	vmov s0  }
0x95: {  	p3 =	sgt.s32 s24, $0x10;
	vm1 =	vgt.u32 v1, v0  }
.Ltmp11:
0x96: {  	_ = 	snop;
	(pc) =	sbr.rel @!p3 .LBB2_13-.Ltmp11, $2  }
0x97: {  	_ =	sdelay $0x2  }
0x98: {  	s26 =	simm.s32 $0x10;
	s29 =	sadd.s32 $0xFFFFFFF0, s24;
	s22 =	smov.u32 s21;
	vm0 =	vmmov vm1  }
.LBB2_12:
0x99: {  	s0 =	smin.u32 s29, $0x10;
	s26 =	sadd.s32 $0x10, s26;
	v1 =	vld.msk [tilespmem:s22+$0x0 ss:$0x1], vm1  }
0x9a: {  	v2 =	vmov s0;
	p3 =	slt.s32 s26, s24  }
0x9b: {  	vm1 =	vgt.u32 v2, v0  }
.Ltmp12:
0x9c: {  	(pc) =	sbr.rel @p3 .LBB2_12-.Ltmp12, $3  }
0x9d: {  	_ =	sdelay $0x1  }
0x9e: {  	v1 =	vshll.u32 v1, $0x4  }
0x9f: {  	s29 =	sadd.s32 $0xFFFFFFF0, s29;
	[tilespmem:s22+$0x0] =	vst.msk vm0, v1;
	s22 =	sadd.s32 $0x10, s22;
	vm0 =	vmmov vm1  }
.LBB2_13:
0xa0: {  	_ =	sdelay $0x4  }
0xa1: {  	v1 =	vld.msk [tilespmem:s22+$0x0 ss:$0x1], vm1;
	_ =	sdelay $0x4  }
0xa2: {  	v1 =	vshll.u32 v1, $0x4  }
0xa3: {  	[tilespmem:s22+$0x0] =	vst.msk vm0, v1  }
.LBB2_14:
0xa4: {  	s0 =	sand.u32 $0x1, s19  }
0xa5: {  	s0 =	smul.u32 $0x140, s0  }
0xa6: {  	p3 =	sne.s32 s28, $0xFFFFFFFF  }
0xa7: {  	v1 =	vld.msk @!p3 [tilespmem:s0+$0xACF8], $0x1;
	_ =	sdelay $0x4  }
0xa8: {  	(v2sf) =	vpush @!p3 v1, $0x0;
	_ =	sdelay $0xc  }
.Ltmp13:
0xa9: {  	_ = 	snop;
	(pc) =	sbr.rel @p2 .LBB2_25-.Ltmp13, $4  }
0xaa: {  	_ = 	snop  }
0xab: {  	s26 =	spop @!p3 (v2sf)  }
0xac: {  	s20 =	simm.s32 @!p3 $0x0;
	s22 =	smov.u32 s26  }
0xad: {  	[sflag:s16] =	ssyncpa.u1 $0x0;
	s26 =	smov.u32 @p3 s25;
	s22 =	smov.u32 @p3 s28  }
0xae: {  	v1 =	vld.msk [tilespmem:s21+$0x0], $0x1;
	_ =	sdelay $0x4  }
0xaf: {  	(v2sf) =	vpush v1, $0x0;
	_ =	sdelay $0xe  }
0xb0: {  	s0 =	smul.u32 $0x28000, s23;
	s30 =	spop (v2sf)  }
0xb1: {  	s24 =	ssub.s32 $0x0, s24;
	p2 =	seq.s32 s26, s30  }
0xb2: {  	s28 =	sadd.s32 $0x1, s24;
	s0 =	sshrl.u32 s0, $0x2;
	p3 =	sgt.s32 @!p2 s26, $0x0  }
0xb3: {  	s23 =	sadd.s32 $0xAF98, s0;
	s0 =	smov.u32 s26;
	p3 =	por !p3, p2  }
0xb4: {  	s0 =	simm.s32 @p3 $0x0;
	p3 =	seq.s32 s28, $0x0  }
.Ltmp14:
0xb5: {  	_ = 	snop;
	(pc) =	sbr.rel @p3 .LBB2_17-.Ltmp14, $4  }
0xb6: {  	_ = 	snop  }
0xb7: {  	s25 =	simm.s32 $0x0;
	s31 =	simm.s32 @!p2 $0x1;
	s2 =	smin.u32 @!p2 s0, $0x3F8  }
0xb8: {  	s29 =	sadd.s32 $0x1, s21;
	s31 =	smov.u32 @p2 s25;
	s8 =	sand.u32 @!p2 $0x3F8, s2  }
0xb9: {  	s0 =	simm.s32 @!p2 $0x50C8;
	s2 =	sand.u32 @!p2 $0x7, s2;
	s8 =	sadd.s32 @!p2 s1, s8  }
.LBB2_16:
0xba: {  	s9 =	smov.u32 s31  }
0xbb: {  	[tilespmem:s0], [sflag:$0x2] =	stream.linear.gather @!p2 [hbm4b:s8+s2], $0x40, $0x38;
	[tilespmem:$0x1EF78] =	vst v63  }
0xbc: {  	s28 =	sadd.s32 $0x1, s28;
	s2 =	smov.u32 s30;
	v1 =	vld.msk [tilespmem:s29+$0x0], $0x1  }
0xbd: {  	p3 =	seq.s32 s28, $0x0;
	_ =	sdelay $0x3  }
0xbe: {  	(v2sf) =	vpush v1, $0x0;
	_ =	sdelay $0xe  }
0xbf: {  	s30 =	spop (v2sf)  }
0xc0: {  	p2 =	seq.s32 s2, s30  }
0xc1: {  	p4 =	sgt.s32 @!p2 s2, $0x0;
	s0 =	sshll.u32 @!p2 s31, $0x8;
	s31 =	sadd.s32 @!p2 $0x1, s31  }
.Ltmp15:
0xc2: {  	p4 =	por !p4, p2;
	s0 =	sshra.s32 @!p2 s0, $0x2;
	(pc) =	sbr.rel @!p3 .LBB2_16-.Ltmp15, $4  }
0xc3: {  	s31 =	smov.u32 @p2 s9;
	s2 =	simm.s32 @p4 $0x0;
	s0 =	sadd.s32 @!p2 $0x50C8, s0  }
0xc4: {  	s2 =	smin.u32 @!p2 s2, $0x3F8  }
0xc5: {  	s8 =	sand.u32 @!p2 $0x3F8, s2;
	s2 =	sand.u32 @!p2 $0x7, s2  }
0xc6: {  	s29 =	sadd.s32 $0x1, s29;
	s8 =	sadd.s32 @!p2 s1, s8  }
.LBB2_17:
0xc7: {  	[tilespmem:s0], [sflag:$0x2] =	stream.linear.gather @!p2 [hbm4b:s8+s2], $0x40, $0x38;
	[tilespmem:$0x1EF78] =	vst v63  }
.Ltmp16:
0xc8: {  	s30 =	sshll.u32 s31, $0x6;
	(pc) =	sbr.rel .LBB2_18-.Ltmp16, $4  }
0xc9: {  	s31 =	simm.s32 $0x2;
	s0 =	sand.u32 $0x3FFFFFC0, s30  }
0xca: {  	_ =	swait.ge [sflag:s31], s0  }
0xcb: {  	s0 =	ssub.s32 $0x0, s0;
	[sflag:s31] =	ssyncset.done $0x0  }
0xcc: {  	s29 =	simm.s32 $0x0;
	[sflag:s31] =	ssyncadd.s32 s0  }
.LBB2_19:
0xcd: {  	v1 =	vld [tilespmem:s23+$0xFFFFFFE0];
	_ =	sdelay $0x4  }
0xce: {  	[tilespmem:s30+$0x88] =	vst.add.f32.msk $0xffff, v1  }
0xcf: {  	v1 =	vld [tilespmem:s23+$0xFFFFFFF0];
	_ =	sdelay $0x4  }
0xd0: {  	[tilespmem:s30+$0x98] =	vst.add.f32.msk $0xffff, v1  }
0xd1: {  	v1 =	vld [tilespmem:s23+$0x0];
	_ =	sdelay $0x4  }
0xd2: {  	[tilespmem:s30+$0xA8] =	vst.add.f32.msk $0xffff, v1  }
0xd3: {  	v1 =	vld [tilespmem:s23+$0x10];
	_ =	sdelay $0x4  }
0xd4: {  	[tilespmem:s30+$0xB8] =	vst.add.f32.msk $0xffff, v1  }
.LBB2_23:
0xd5: {  	s24 =	sadd.s32 $0x1, s24  }
0xd6: {  	p2 =	seq.s32 s24, $0x0  }
.Ltmp17:
0xd7: {  	_ = 	snop;
	(pc) =	sbr.rel @p2 .LBB2_24-.Ltmp17, $2  }
0xd8: {  	_ =	sdelay $0x2  }
0xd9: {  	s23 =	sadd.s32 $0x80, s23;
	s21 =	sadd.s32 $0x1, s21;
	s26 =	smov.u32 s28  }
.LBB2_18:
0xda: {  	v1 =	vld.msk [tilespmem:s21+$0x0], $0x1;
	_ =	sdelay $0x4  }
0xdb: {  	(v2sf) =	vpush v1, $0x0;
	_ =	sdelay $0xe  }
0xdc: {  	s28 =	spop (v2sf)  }
0xdd: {  	p2 =	sne.s32 s26, s28  }
.Ltmp18:
0xde: {  	_ = 	snop;
	(pc) =	sbr.rel @!p2 .LBB2_19-.Ltmp18, $3  }
0xdf: {  	_ =	sdelay $0x1  }
0xe0: {  	s0 =	sshll.u32 s20, $0x8  }
0xe1: {  	s30 =	sshra.s32 s0, $0x2  }
0xe2: {  	p2 =	seq.s32 s26, s22  }
.Ltmp19:
0xe3: {  	_ = 	snop;
	(pc) =	sbr.rel @!p2 .LBB2_21-.Ltmp19, $1  }
0xe4: {  	_ =	sdelay $0x3  }
.Ltmp20:
0xe5: {  	s0 =	sadd.s32 $0x88, s30;
	(pc) =	sbr.rel .LBB2_22-.Ltmp20, $4  }
0xe6: {  	[spmem:s13] =	stream.linear.scatter [tilespmem:s0], [sflag:$0x1], $0x40, $0x38;
	[tilespmem:$0x1EF78] =	vst v63  }
0xe7: {  	_ =	swait.ge [sflag:s11], $0x40  }
0xe8: {  	[sflag:s11] =	ssyncset.done $0x0  }
0xe9: {  	[sflag:s11] =	ssyncadd.s32 $0xFFFFFFC0  }
.LBB2_21:
0xea: {  	s0 =	sshll.u32 s25, $0x8  }
0xeb: {  	s0 =	sshra.s32 s0, $0x2  }
0xec: {  	v1 =	vld [tilespmem:s0+$0x50C8];
	_ =	sdelay $0x4  }
0xed: {  	[tilespmem:s30+$0x88] =	vst.add.f32.msk $0xffff, v1  }
0xee: {  	v1 =	vld [tilespmem:s0+$0x50D8];
	_ =	sdelay $0x4  }
0xef: {  	[tilespmem:s30+$0x98] =	vst.add.f32.msk $0xffff, v1  }
0xf0: {  	v1 =	vld [tilespmem:s0+$0x50E8];
	_ =	sdelay $0x4  }
0xf1: {  	[tilespmem:s30+$0xA8] =	vst.add.f32.msk $0xffff, v1  }
0xf2: {  	v1 =	vld [tilespmem:s0+$0x50F8];
	_ =	sdelay $0x2  }
0xf3: {  	p2 =	sgt.u32 s26, $0x3F8  }
0xf4: {  	s0 =	sand.u32 @!p2 $0x3F8, s26  }
0xf5: {  	s2 =	sadd.s32 $0x88, s30;
	s8 =	sand.u32 @!p2 $0x7, s26;
	s0 =	sadd.s32 @!p2 s1, s0;
	[tilespmem:s30+$0xB8] =	vst.add.f32.msk $0xffff, v1  }
0xf6: {  	[hbm4b:s0+s8] =	stream.linear.scatter @!p2 [tilespmem:s2], [sflag:$0xA], $0x40, $0x38;
	[tilespmem:$0x1EF78] =	vst v63  }
0xf7: {  	s0 =	simm.s32 $0x0  }
0xf8: {  	s0 =	simm.s32 @!p2 $0x100  }
0xf9: {  	s29 =	sadd.s32 s0, s29  }
.LBB2_22:
0xfa: {  	s0 =	sadd.s32 $0x1, s20  }
0xfb: {  	s2 =	smulhi.u32 $0xCCCCCCCD, s0;
	_ =	sdelay $0x1  }
0xfc: {  	v1 =	vld [tilespmem:s23+$0xFFFFFFE0];
	s2 =	sshrl.u32 s2, $0x8  }
0xfd: {  	s2 =	smul.u32 $0x140, s2;
	_ =	sdelay $0x1  }
0xfe: {  	s20 =	ssub.s32 s0, s2  }
0xff: {  	s0 =	sshll.u32 s20, $0x6  }
0x100: {  	[tilespmem:s0+$0x88] =	vst v1  }
0x101: {  	v1 =	vld [tilespmem:s23+$0xFFFFFFF0];
	_ =	sdelay $0x4  }
0x102: {  	[tilespmem:s0+$0x98] =	vst v1  }
0x103: {  	v1 =	vld [tilespmem:s23+$0x0];
	_ =	sdelay $0x4  }
0x104: {  	[tilespmem:s0+$0xA8] =	vst v1  }
0x105: {  	v1 =	vld [tilespmem:s23+$0x10]  }
.Ltmp21:
0x106: {  	_ = 	snop;
	(pc) =	sbr.rel .LBB2_23-.Ltmp21, $2  }
0x107: {  	_ =	sdelay $0x2  }
0x108: {  	s25 =	sadd.s32 $0x1, s25;
	[tilespmem:s0+$0xB8] =	vst v1  }
.LBB2_25:
.Ltmp22:
0x109: {  	(pc) =	sbr.rel .LBB2_26-.Ltmp22, $4  }
0x10a: {  	_ = 	snop  }
0x10b: {  	s0 =	simm.s32 $0x2  }
0x10c: {  	_ =	swait.ge [sflag:s0], $0x0  }
0x10d: {  	s28 =	smov.u32 s26;
	[sflag:s0] =	ssyncset.done $0x0;
	s0 =	simm.s32 $0x0  }
.LBB2_28:
0x10e: {  	_ =	sfence.sel $0x180000  }
0x10f: {  	s0 =	simm.s32 $0x7;
	[bflag:$0x0] =	sbarrier.arrive $0xFFFF  }
0x110: {  	s25 =	simm.s32 $0x8;
	[sflag:s0] =	ssyncpa.u1 $0x1  }
0x111: {  	s26 =	simm.s32 $0x9;
	[sflag:s25] =	ssyncpa.u1 $0x1  }
0x112: {  	s28 =	simm.s32 $0x2;
	[sflag:s26] =	ssyncpa.u1 $0x1  }
0x113: {  	[sflag:s28] =	ssyncpa.u1 $0x1  }
0x114: {  	v0 =	vld [tilespmem:$0xA108];
	_ =	sdelay $0x4  }
0x115: {  	(v2sf) =	vpush v0, $0x0  }
0x116: {  	(v2sf) =	vpush v0, $0x1;
	_ =	sdelay $0x1  }
0x117: {  	(v2sf) =	vpush v0, $0x2;
	_ =	sdelay $0xb  }
0x118: {  	s0 =	spop (v2sf)  }
0x119: {  	s2 =	spop (v2sf)  }
0x11a: {  	s3 =	smov.u32 s0;
	p0 =	sne.s32 s0, s2  }
0x11b: {  	s4 =	spop (v2sf);
	s3 =	simm.s32 @!p0 $0xFFFFFFFF  }
0x11c: {  	v2 =	vimm.s32 $0x1;
	v3 =	vlaneseq.u32;
	p0 =	seq.s32 s4, $0xFFFFFFFF;
	v1 =	vmov s3  }
0x11d: {  	s7 =	stileid.u32;
	v0 =	vperm.xlane v0, v2;
	p1 =	sne.s32 @!p0 s0, s2;
	v1 =	vperm.xlane v1, v3  }
0x11e: {  	vm0 =	vcmask $0x3F04;
	s6 =	simm.s32 $0xA108;
	s0 =	simm.s32 @!p0 $0x1;
	p1 =	por !p1, p0  }
0x11f: {  	s3 =	sshll.u32 s7, $0x1;
	s2 =	sshll.u32 @!p0 s4, $0x8;
	s0 =	simm.s32 @p1 $0x0;
	v0 =	vsel vm0, v1, v0  }
0x120: {  	s5 =	sor.u32 $0x800, s3;
	s2 =	sshra.s32 @!p0 s2, $0x2;
	s0 =	sor.u32 @!p0 s0, s3;
	[tilespmem:$0xA108] =	vst v0  }
0x121: {  	[spmem:s5] =	stream.linear.scatter [tilespmem:s6], [sflag:$0x1], $0x2, $0x38;
	[tilespmem:$0x1EF78] =	vst v63  }
0x122: {  	s2 =	sadd.s32 @!p0 $0x88, s2;
	s0 =	sshll.u32 @!p0 s0, $0x6  }
0x123: {  	[spmem:s0] =	stream.linear.scatter @!p0 [tilespmem:s2], [sflag:$0x1], $0x40, $0x38;
	[tilespmem:$0x1EF78] =	vst v63  }
0x124: {  	s2 =	simm.s32 @!p0 $0x42  }
0x125: {  	s0 =	simm.s32 $0x1;
	s2 =	simm.s32 @p0 $0x2  }
0x126: {  	_ =	swait.ge [sflag:s0], s2  }
0x127: {  	s2 =	ssub.s32 $0x0, s2;
	[sflag:s0] =	ssyncset.done $0x0  }
0x128: {  	[sflag:s0] =	ssyncadd.s32 s2  }
0x129: {  	_ =	sfence.stream.spmem  }
0x12a: {  	s29 =	simm.s32 $0x3;
	[bflag:$0x0] =	sbarrier.arrive $0xFFFF  }
0x12b: {  	s30 =	simm.s32 $0x4;
	[sflag:s29] =	ssyncpa.u1 $0x1  }
0x12c: {  	s31 =	simm.s32 $0x3C;
	[sflag:s30] =	ssyncpa.u1 $0x1  }
0x12d: {  	p0 =	sne.s32 s7, $0x0;
	[sflag:s31] =	ssyncpa.u1 $0x1  }
0x12e: {  	_ =	sfence @p0  }
0x12f: {  	[sflag:s0] =	ssyncpa.u1 @p0 $0x1  }
0x130: {  	_ =	strace @p0 $0x90000059  }
0x131: {  	[bflag:$0x2] =	sbarrier.arrive @p0 $0xFFFF  }
0x132: {  	_ =	shalt @p0  }
.LBB2_29:
0x133: {  	_ =	sfence.stream.spmem;
	s0 =	simm.s32 $0x5  }
0x134: {  	s2 =	simm.s32 $0x800;
	s3 =	simm.s32 $0xA118;
	[sflag:s0] =	ssyncpa.u1 $0x0  }
0x135: {  	[tilespmem:s3], [sflag:$0x5] =	stream.linear.gather [spmem:s2], $0x20, $0x38;
	[tilespmem:$0x1EF78] =	vst v63  }
0x136: {  	s30 =	simm.s32 $0xA138;
	s2 =	simm.s32 $0x0  }
0x137: {  	[tilespmem:s30], [sflag:$0x5] =	stream.linear.gather [spmem:s2], $0x800, $0x38;
	[tilespmem:$0x1EF78] =	vst v63  }
.Ltmp23:
0x138: {  	_ = 	snop;
	(pc) =	sbr.rel .LBB2_30-.Ltmp23, $4  }
0x139: {  	_ =	swait.ge [sflag:s0], $0x820  }
0x13a: {  	[sflag:s0] =	ssyncset.done $0x0  }
0x13b: {  	s31 =	simm.s32 $0x6;
	[sflag:s0] =	ssyncadd.s32 $0xFFFFF7E0  }
0x13c: {  	s3 =	simm.s32 $0x0;
	[sflag:s31] =	ssyncpa.u1 $0x0  }
.LBB2_36:
0x13d: {  	p0 =	slt.u32 s4, $0x3F9  }
0x13e: {  	s0 =	sand.u32 @p0 $0x3F8, s4  }
0x13f: {  	s4 =	sand.u32 @p0 $0x7, s4;
	s5 =	simm.s32 @p0 $0xA0C8;
	s0 =	sadd.s32 @p0 s1, s0  }
0x140: {  	[tilespmem:s5], [sflag:$0x6] =	stream.linear.gather @p0 [hbm4b:s0+s4], $0x40, $0x38;
	[tilespmem:$0x1EF78] =	vst v63  }
0x141: {  	s0 =	simm.s32 @p0 $0x6  }
0x142: {  	_ =	swait.ge @p0 [sflag:s0], $0x40  }
0x143: {  	[sflag:s0] =	ssyncset.done @p0 $0x0  }
0x144: {  	[sflag:s0] =	ssyncadd.s32 @p0 $0xFFFFFFC0  }
0x145: {  	v1 =	vld @p0 [tilespmem:$0xA0C8];
	_ =	sdelay $0x2  }
0x146: {  	s0 =	sshll.u32 @p0 s3, $0x8  }
0x147: {  	s4 =	sshrl.u32 @p0 s0, $0x2  }
0x148: {  	[tilespmem:s4+$0xA138] =	vst.add.f32.msk @p0 $0xffff, v1  }
0x149: {  	v1 =	vld @p0 [tilespmem:$0xA0D8];
	_ =	sdelay $0x4  }
0x14a: {  	[tilespmem:s4+$0xA148] =	vst.add.f32.msk @p0 $0xffff, v1  }
0x14b: {  	v1 =	vld @p0 [tilespmem:$0xA0E8];
	_ =	sdelay $0x4  }
0x14c: {  	[tilespmem:s4+$0xA158] =	vst.add.f32.msk @p0 $0xffff, v1  }
0x14d: {  	v1 =	vld @p0 [tilespmem:$0xA0F8];
	_ =	sdelay $0x3  }
0x14e: {  	s5 =	sshll.u32 @!p0 s3, $0x8  }
0x14f: {  	s5 =	smov.u32 @p0 s0;
	[tilespmem:s4+$0xA168] =	vst.add.f32.msk @p0 $0xffff, v1  }
0x150: {  	s0 =	sshrl.u32 s5, $0x2;
	[tilespmem:s2+$0xA118] =	vst.msk $0x1, v0  }
0x151: {  	v0 =	vld [tilespmem:s0+$0xA138];
	_ =	sdelay $0x2  }
0x152: {  	s31 =	sshll.u32 s2, $0x8  }
0x153: {  	s4 =	sshra.s32 s31, $0x2  }
0x154: {  	[tilespmem:s4+$0xA138] =	vst v0  }
0x155: {  	v0 =	vld [tilespmem:s0+$0xA148];
	_ =	sdelay $0x4  }
0x156: {  	[tilespmem:s4+$0xA148] =	vst v0  }
0x157: {  	v0 =	vld [tilespmem:s0+$0xA158];
	_ =	sdelay $0x4  }
0x158: {  	[tilespmem:s4+$0xA158] =	vst v0  }
0x159: {  	v0 =	vld [tilespmem:s0+$0xA168];
	_ =	sdelay $0x4  }
0x15a: {  	s2 =	sadd.s32 $0x1, s2;
	[tilespmem:s4+$0xA168] =	vst v0  }
.LBB2_37:
0x15b: {  	s3 =	sadd.s32 $0x1, s3  }
0x15c: {  	p0 =	sne.s32 s3, $0x20  }
.Ltmp24:
0x15d: {  	_ = 	snop;
	(pc) =	sbr.rel @!p0 .LBB2_38-.Ltmp24, $1  }
0x15e: {  	_ =	sdelay $0x3  }
.LBB2_30:
0x15f: {  	v0 =	vld.msk [tilespmem:s3+$0xA118], $0x1;
	_ =	sdelay $0x4  }
0x160: {  	(v2sf) =	vpush v0, $0x0;
	_ =	sdelay $0xe  }
0x161: {  	s4 =	spop (v2sf)  }
0x162: {  	p0 =	seq.s32 s4, $0xFFFFFFFF  }
.Ltmp25:
0x163: {  	_ = 	snop;
	(pc) =	sbr.rel @p0 .LBB2_37-.Ltmp25, $1  }
0x164: {  	_ =	sdelay $0x3  }
0x165: {  	p0 =	slt.s32 s2, $0x1  }
.Ltmp26:
0x166: {  	_ = 	snop;
	(pc) =	sbr.rel @p0 .LBB2_36-.Ltmp26, $1  }
0x167: {  	_ =	sdelay $0x3  }
0x168: {  	s5 =	simm.s32 $0xA118;
	p0 =	por $0x0, $0x0  }
0x169: {  	v1 =	vld.msk @!p0 [tilespmem:s5+$0x0], $0x1;
	_ =	sdelay $0x4  }
0x16a: {  	(v2sf) =	vpush @!p0 v1, $0x0;
	_ =	sdelay $0xd  }
0x16b: {  	p2 =	sne.s32 s2, $0x1  }
.Ltmp27:
0x16c: {  	s0 =	spop @!p0 (v2sf);
	(pc) =	sbr.rel @!p2 .LBB2_34-.Ltmp27, $4  }
0x16d: {  	p1 =	seq.s32 @!p0 s4, s0  }
0x16e: {  	s6 =	simm.s32 $0x0;
	p1 =	por !p1, p0  }
0x16f: {  	s0 =	simm.s32 $0xFFFFFFFF;
	s6 =	simm.s32 @p1 $0xFFFFFFFF  }
0x170: {  	s7 =	simm.s32 $0x1;
	s6 =	smov.u32 @p0 s0  }
.LBB2_33:
0x171: {  	s0 =	smov.u32 s6;
	p0 =	sne.s32 s6, $0xFFFFFFFF  }
0x172: {  	s5 =	sadd.s32 $0x1, s5;
	s6 =	smov.u32 s7;
	s7 =	sadd.s32 $0x1, s7  }
0x173: {  	p1 =	sne.s32 s2, s7;
	v1 =	vld.msk @!p0 [tilespmem:s5+$0x0], $0x1;
	_ =	sdelay $0x4  }
0x174: {  	(v2sf) =	vpush @!p0 v1, $0x0;
	_ =	sdelay $0xe  }
.Ltmp28:
0x175: {  	s8 =	spop @!p0 (v2sf);
	(pc) =	sbr.rel @p1 .LBB2_33-.Ltmp28, $4  }
0x176: {  	p2 =	seq.s32 @!p0 s4, s8  }
0x177: {  	p2 =	por !p2, p0  }
0x178: {  	s6 =	simm.s32 @p2 $0xFFFFFFFF  }
0x179: {  	s6 =	smov.u32 @p0 s0  }
.LBB2_34:
0x17a: {  	p0 =	seq.s32 s6, $0xFFFFFFFF  }
.Ltmp29:
0x17b: {  	_ = 	snop;
	(pc) =	sbr.rel @p0 .LBB2_36-.Ltmp29, $1  }
0x17c: {  	_ =	sdelay $0x3  }
0x17d: {  	s0 =	sshll.u32 s3, $0x6  }
0x17e: {  	s0 =	sand.u32 $0x3FFFFFC0, s0  }
0x17f: {  	v0 =	vld [tilespmem:s0+$0xA138];
	_ =	sdelay $0x2  }
0x180: {  	s4 =	sshll.u32 s6, $0x8  }
0x181: {  	s4 =	sshra.s32 s4, $0x2  }
0x182: {  	[tilespmem:s4+$0xA138] =	vst.add.f32.msk $0xffff, v0  }
0x183: {  	v0 =	vld [tilespmem:s0+$0xA148];
	_ =	sdelay $0x4  }
0x184: {  	[tilespmem:s4+$0xA148] =	vst.add.f32.msk $0xffff, v0  }
0x185: {  	v0 =	vld [tilespmem:s0+$0xA158];
	_ =	sdelay $0x4  }
0x186: {  	[tilespmem:s4+$0xA158] =	vst.add.f32.msk $0xffff, v0  }
0x187: {  	v0 =	vld [tilespmem:s0+$0xA168]  }
.Ltmp30:
0x188: {  	_ = 	snop;
	(pc) =	sbr.rel .LBB2_37-.Ltmp30, $2  }
0x189: {  	_ =	sdelay $0x2  }
0x18a: {  	[tilespmem:s4+$0xA168] =	vst.add.f32.msk $0xffff, v0  }
.LBB2_38:
0x18b: {  	p0 =	slt.s32 s2, $0x1  }
.Ltmp31:
0x18c: {  	_ = 	snop;
	(pc) =	sbr.rel @p0 .LBB2_42-.Ltmp31, $3  }
0x18d: {  	_ =	sdelay $0x1  }
0x18e: {  	s0 =	simm.s32 $0x6  }
0x18f: {  	s3 =	simm.s32 $0x0;
	[sflag:s0] =	ssyncpa.u1 $0x1  }
0x190: {  	s0 =	simm.s32 $0xA118  }
0x191: {  	v0 =	vld.msk [tilespmem:s0+$0x0], $0x1;
	_ =	sdelay $0x4  }
0x192: {  	(v2sf) =	vpush v0, $0x0;
	_ =	sdelay $0xe  }
0x193: {  	s2 =	sadd.s32 $0xFFFFFFFF, s2;
	s0 =	spop (v2sf)  }
0x194: {  	p1 =	sne.s32 s2, $0x0;
	p0 =	sgt.u32 s0, $0x3F8  }
.Ltmp32:
0x195: {  	s5 =	sand.u32 @!p0 $0x3F8, s0;
	(pc) =	sbr.rel @!p1 .LBB2_41-.Ltmp32, $4  }
0x196: {  	s4 =	simm.s32 $0xA138;
	s0 =	sand.u32 @!p0 $0x7, s0;
	s5 =	sadd.s32 @!p0 s1, s5  }
0x197: {  	[hbm4b:s5+s0] =	stream.linear.scatter @!p0 [tilespmem:s4], [sflag:$0x5], $0x40, $0x38;
	[tilespmem:$0x1EF78] =	vst v63  }
0x198: {  	s0 =	simm.s32 $0x0  }
0x199: {  	s5 =	simm.s32 $0xA119;
	s0 =	simm.s32 @!p0 $0x100  }
.LBB2_40:
0x19a: {  	v0 =	vld.msk [tilespmem:s5+$0x0], $0x1;
	s2 =	sadd.s32 $0xFFFFFFFF, s2;
	s3 =	sadd.s32 s3, s0  }
0x19b: {  	p0 =	sne.s32 s2, $0x0;
	_ =	sdelay $0x3  }
0x19c: {  	(v2sf) =	vpush v0, $0x0;
	_ =	sdelay $0xe  }
.Ltmp33:
0x19d: {  	s6 =	spop (v2sf);
	(pc) =	sbr.rel @p0 .LBB2_40-.Ltmp33, $4  }
0x19e: {  	s0 =	simm.s32 $0x0;
	p1 =	sgt.u32 s6, $0x3F8  }
0x19f: {  	s4 =	sadd.s32 $0x40, s4;
	s0 =	simm.s32 @!p1 $0x100;
	s7 =	sand.u32 @!p1 $0x3F8, s6  }
0x1a0: {  	s5 =	sadd.s32 $0x1, s5;
	s6 =	sand.u32 @!p1 $0x7, s6;
	s7 =	sadd.s32 @!p1 s1, s7  }
0x1a1: {  	[hbm4b:s7+s6] =	stream.linear.scatter @!p1 [tilespmem:s4], [sflag:$0x5], $0x40, $0x38;
	[tilespmem:$0x1EF78] =	vst v63  }
.LBB2_41:
0x1a2: {  	s0 =	sadd.s32 s3, s0  }
0x1a3: {  	s3 =	sshrl.u32 s0, $0x2  }
.LBB2_42:
0x1a4: {  	s0 =	simm.s32 $0x5  }
0x1a5: {  	_ =	swait.ge [sflag:s0], s3  }
0x1a6: {  	s1 =	ssub.s32 $0x0, s3;
	[sflag:s0] =	ssyncset.done $0x0  }
0x1a7: {  	[sflag:s0] =	ssyncadd.s32 s1  }
0x1a8: {  	[sflag:s0] =	ssyncpa.u1 $0x1  }
0x1a9: {  	s30 =	simm.s32 $0x1;
	_ =	sfence  }
0x1aa: {  	[sflag:s30] =	ssyncpa.u1 $0x1  }
0x1ab: {  	_ =	strace $0x90000059  }
0x1ac: {  	[bflag:$0x2] =	sbarrier.arrive $0xFFFF  }
0x1ad: {  	s31 =	rddreg [dreg:$0x1]  }
0x1ae: {  	s0 =	sadd.s32 $0x100000, s31  }
0x1af: {  	[sflag:s0] =	ssyncadd.tile.s32 $0x1;
	_ =	shalt  }
.Lfunc_end2:
_tile_overlayer_lowered:
.L_overlay_start_2:
0x1b0: {  	(tag) =	ssettag $0x2  }
0x1b1: {  	s0 =	rddreg [dreg:$0x0];
	s2 =	stileid.u32  }
0x1b2: {  	s1 =	rddreg [dreg:$0x1];
	p0 =	sne.s32 s2, $0x0  }
0x1b3: {  	s3 =	rddreg [dreg:$0x2];
	[bflag:$0x3] =	sbarrier.arrive $0xFFFF;
	s2 =	simm.s32 @!p0 $0x1C01  }
0x1b4: {  	[timem:s3], [sflag:s2] =	dma.local @!p0 [hbm:s0], s1  }
0x1b5: {  	s0 =	simm.s32 @!p0 $0x1  }
0x1b6: {  	_ =	swait.ge @!p0 [sflag:s0], s1  }
0x1b7: {  	s1 =	ssub.s32 @!p0 $0x0, s1;
	[sflag:s0] =	ssyncset.done @!p0 $0x0  }
0x1b8: {  	[sflag:s0] =	ssyncadd.s32 @!p0 s1  }
0x1b9: {  	[bflag:$0x3] =	sbarrier.arrive $0xFFFF  }
0x1ba: {  	_ =	shalt  }

// kernel: scatter_offload_async_start.2
scs
__scs_entry_jumppad:
0x0: {  	(pc) =	sbr.rel $0x88, $3  }
0x1: {  	(tag) =	ssettag $0x0;
	lr =	simm.s32 $0x1  }
0x2: {  	[smem:$0x3F77] =	sst lr;
	_ =	strace $0xD0000000  }
0x3: {  	_ = 	snop  }
0x4: {  	_ = 	snop  }
0x5: {  	_ = 	snop  }
0x6: {  	_ = 	snop  }
0x7: {  	_ = 	snop  }
__scs_overlays_trampoline_lowered:
0x8: {  	[smem:$0x3F86] =	sst s0  }
0x9: {  	[smem:$0x3F87] =	sst s1  }
0xa: {  	[smem:$0x3F88] =	sst s2  }
0xb: {  	[smem:$0x3F89] =	sst s3  }
0xc: {  	[smem:$0x3F8A] =	sst s4  }
0xd: {  	[smem:$0x3F8B] =	sst s5  }
0xe: {  	[smem:$0x3F8C] =	sst s6  }
0xf: {  	[smem:$0x3F8D] =	sst s7  }
0x10: {  	[smem:$0x3F8E] =	sst s8  }
0x11: {  	[smem:$0x3F8F] =	sst s9;
	s0 =	simm.s32 @!p0 $0x0  }
0x12: {  	s1 =	sld [smem:$0x3F75];
	s0 =	simm.s32 @p0 $0x1  }
0x13: {  	[smem:$0x3F90] =	sst s0;
	s0 =	simm.s32 @!p1 $0x0  }
0x14: {  	s2 =	sld [smem:$0x3F74];
	s0 =	simm.s32 @p1 $0x1  }
0x15: {  	[smem:$0x3F91] =	sst s0;
	s0 =	simm.s32 @!p2 $0x0  }
0x16: {  	s3 =	sld [smem:$0x3FDB];
	s0 =	simm.s32 @p2 $0x1  }
0x17: {  	s4 =	simm.s32 $0x1BF5;
	[smem:$0x3F93] =	sst s0  }
0x18: {  	s0 =	sld [smem:$0x3F76];
	_ =	swait.ge [sflag:s4], $0x0  }
0x19: {  	s7 =	sld [smem:$0x3F77]  }
0x1a: {  	s8 =	sadd.s32 $0xFFFFE003, lr  }
0x1b: {  	s9 =	sadd.s32 $0xFFFFFEF7, lr;
	s5 =	simm.s32 $0xFFFFFFFF;
	p2 =	slt.u32 s8, $0xFFFFF086  }
0x1c: {  	p1 =	slt.u32 s9, $0xF7A;
	s5 =	simm.s32 @!p2 $0x0  }
0x1d: {  	s5 =	simm.s32 @p1 $0x1;
	p0 =	seq.s32 s7, s2  }
0x1e: {  	s7 =	smul.u32 @!p0 $0xF7A, s2;
	p2 =	seq.s32 @!p0 s5, $0x0  }
0x1f: {  	s9 =	smul.u32 $0xF7A, s1;
	s8 =	simm.s32 @!p0 $0x1BF5;
	p2 =	por !p2, p0  }
0x20: {  	[sflag:s8] =	ssyncset.s32 @!p0 $0xFFFFF086;
	s6 =	sadd.s32 @!p0 s3, s7;
	s7 =	simm.s32 @!p0 $0x108  }
0x21: {  	s3 =	sadd.s32 s3, s9;
	s6 =	sadd.s32 @!p0 $0x88, s6;
	s7 =	simm.s32 @p2 $0x1082  }
0x22: {  	[simem:s7], [sflag:s8] =	dma.local @!p0 [hbm:s6], $0xF7A  }
0x23: {  	s9 =	sor.u32 $0xD0000000, s2;
	s6 =	simm.s32 $0x108;
	_ =	swait.ge @!p0 [sflag:s8], $0x0  }
0x24: {  	s3 =	sadd.s32 $0x88, s3;
	s6 =	simm.s32 @!p1 $0x1082;
	[sflag:s4] =	ssyncset.s32 $0xFFFFF086  }
0x25: {  	[simem:s6], [sflag:s4] =	dma.local [hbm:s3], $0xF7A  }
0x26: {  	[smem:$0x3F77] =	sst s1;
	(tag) =	ssettag s2;
	_ =	strace s9  }
0x27: {  	s1 =	sld [smem:$0x3F87]  }
0x28: {  	s2 =	sld [smem:$0x3F88]  }
0x29: {  	s4 =	sld [smem:$0x3F8A]  }
0x2a: {  	p0 =	seq.s32 s5, $0x0;
	s5 =	sld [smem:$0x3F8B]  }
0x2b: {  	s6 =	sld [smem:$0x3F8C]  }
0x2c: {  	s7 =	sld [smem:$0x3F8D]  }
0x2d: {  	s3 =	simm.s32 $0x108;
	s8 =	sld [smem:$0x3F8E]  }
0x2e: {  	s3 =	simm.s32 @!p0 $0x1082;
	s9 =	sld [smem:$0x3F8F]  }
0x2f: {  	lr =	sadd.s32 s0, s3;
	s0 =	sld [smem:$0x3F86]  }
0x30: {  	s3 =	sld [smem:$0x3F89]  }
0x31: {  	[smem:$0x3F92] =	sst s10  }
0x32: {  	s10 =	sld [smem:$0x3F90];
	_ =	sdelay $0x3  }
0x33: {  	p0 =	seq.s32 s10, $0x1;
	s10 =	sld [smem:$0x3F92];
	_ =	sdelay $0x3  }
0x34: {  	[smem:$0x3F92] =	sst s10  }
0x35: {  	s10 =	sld [smem:$0x3F91];
	_ =	sdelay $0x3  }
0x36: {  	p1 =	seq.s32 s10, $0x1;
	s10 =	sld [smem:$0x3F92];
	_ =	sdelay $0x3  }
0x37: {  	[smem:$0x3F92] =	sst s10  }
0x38: {  	s10 =	sld [smem:$0x3F93]  }
0x39: {  	_ = 	snop;
	(pc) =	sbr.ind lr, $3  }
0x3a: {  	_ = 	snop  }
0x3b: {  	_ = 	snop  }
0x3c: {  	p2 =	seq.s32 s10, $0x1;
	s10 =	sld [smem:$0x3F92]  }
0x3d: {  	_ =	shalt  }
0x3e: {  	_ =	shalt  }
0x3f: {  	_ =	shalt  }
0x40: {  	_ =	shalt  }
0x41: {  	_ =	shalt  }
0x42: {  	_ =	shalt  }
0x43: {  	_ =	shalt  }
0x44: {  	_ =	shalt  }
0x45: {  	_ =	shalt  }
0x46: {  	_ =	shalt  }
0x47: {  	_ =	shalt  }
0x48: {  	_ =	shalt  }
0x49: {  	_ =	shalt  }
0x4a: {  	_ =	shalt  }
0x4b: {  	_ =	shalt  }
0x4c: {  	_ =	shalt  }
0x4d: {  	_ =	shalt  }
0x4e: {  	_ =	shalt  }
0x4f: {  	_ =	shalt  }
0x50: {  	_ =	shalt  }
0x51: {  	_ =	shalt  }
0x52: {  	_ =	shalt  }
0x53: {  	_ =	shalt  }
0x54: {  	_ =	shalt  }
0x55: {  	_ =	shalt  }
0x56: {  	_ =	shalt  }
0x57: {  	_ =	shalt  }
0x58: {  	_ =	shalt  }
0x59: {  	_ =	shalt  }
0x5a: {  	_ =	shalt  }
0x5b: {  	_ =	shalt  }
0x5c: {  	_ =	shalt  }
0x5d: {  	_ =	shalt  }
0x5e: {  	_ =	shalt  }
0x5f: {  	_ =	shalt  }
0x60: {  	_ =	shalt  }
0x61: {  	_ =	shalt  }
0x62: {  	_ =	shalt  }
0x63: {  	_ =	shalt  }
0x64: {  	_ =	shalt  }
0x65: {  	_ =	shalt  }
0x66: {  	_ =	shalt  }
0x67: {  	_ =	shalt  }
0x68: {  	_ =	shalt  }
0x69: {  	_ =	shalt  }
0x6a: {  	_ =	shalt  }
0x6b: {  	_ =	shalt  }
0x6c: {  	_ =	shalt  }
0x6d: {  	_ =	shalt  }
0x6e: {  	_ =	shalt  }
0x6f: {  	_ =	shalt  }
0x70: {  	_ =	shalt  }
0x71: {  	_ =	shalt  }
0x72: {  	_ =	shalt  }
0x73: {  	_ =	shalt  }
0x74: {  	_ =	shalt  }
0x75: {  	_ =	shalt  }
0x76: {  	_ =	shalt  }
0x77: {  	_ =	shalt  }
0x78: {  	_ =	shalt  }
0x79: {  	_ =	shalt  }
0x7a: {  	_ =	shalt  }
0x7b: {  	_ =	shalt  }
0x7c: {  	_ =	shalt  }
0x7d: {  	_ =	shalt  }
0x7e: {  	_ =	shalt  }
0x7f: {  	_ =	shalt  }
0x80: {  	_ =	shalt  }
0x81: {  	_ =	shalt  }
0x82: {  	_ =	shalt  }
0x83: {  	_ =	shalt  }
0x84: {  	_ =	shalt  }
0x85: {  	_ =	shalt  }
0x86: {  	_ =	shalt  }
0x87: {  	_ =	shalt  }
.Lfunc_end0:
.L_simem_size_0:
called_computation.2_lowered:
.L_overlay_start_0:
0x88: {  	s0 =	sld [smem:$0x3FD9]  }
0x89: {  	s1 =	sld [smem:$0x3FFE];
	_ =	sdelay $0x3  }
0x8a: {  	s0 =	sadd.s32 s1, s0  }
0x8b: {  	[smem:$0x3F9E] =	sst s0  }
0x8c: {  	_ = 	snop  }
0x8d: {  	(tm) =	ssettm $0x1  }
0x8e: {  	s15 =	sld [smem:$0x3FFB];
	_ =	sdelay $0x3  }
0x8f: {  	_ =	strace s15  }
0x90: {  	s0 =	sld [smem:$0x3FFC];
	_ =	sdelay $0x3  }
0x91: {  	_ =	strace s0  }
0x92: {  	s0 =	sld [smem:$0x3FFD];
	_ =	sdelay $0x3  }
0x93: {  	_ =	strace s0  }
0x94: {  	_ =	strace $0x8FFFFFFF  }
0x95: {  	s16 =	sld [smem:$0x3FDB];
	_ =	sdelay $0x1  }
0x96: {  	s17 =	simm.s32 $_scs_section_size  }
0x97: {  	s2 =	simm.s32 $_size__tile_overlayer_lowered;
	s3 =	simm.s32 $_tile_overlayer_lowered  }
0x98: {  	s20 =	simm.s32 $0x1BFF;
	s19 =	sshll.u32 s3, $0x1;
	s0 =	sadd.s32 s17, s16  }
0x99: {  	s4 =	simm.s32 $0x0;
	s18 =	sshll.u32 s2, $0x1;
	s2 =	sadd.s32 s19, s0  }
0x9a: {  	[timem:s4], [sflag:s20] =	dma.local [hbm:s2], s18  }
0x9b: {  	_ =	swait.ge [sflag:s20], s18  }
0x9c: {  	s1 =	ssub.s32 $0x0, s18;
	[sflag:s20] =	ssyncset.done $0x0  }
0x9d: {  	[sflag:s20] =	ssyncadd.s32 s1;
	_ =	sdelay $0x1  }
0x9e: {  	s21 =	simm.s32 $0x1B8B  }
0x9f: {  	_ =	swait.ge [sflag:s21], $0x1  }
0xa0: {  	[sflag:s21] =	ssyncset.done $0x0  }
0xa1: {  	s23 =	simm.s32 $0x1B8E;
	s22 =	sld [smem:$0x3FFE];
	[sflag:s21] =	ssyncadd.s32 $0xFFFFFFFF  }
0xa2: {  	s24 =	simm.s32 $execute0_lowered;
	[smem:$0x3FD2] =	sst s23  }
0xa3: {  	s2 =	sshll.u32 s24, $0x1;
	_ =	strace $0x8000005E;
	[dreg:$0x1] =	wrdreg $0xFFFFFFFF  }
0xa4: {  	s25 =	simm.s32 $_size_execute0_lowered;
	s0 =	sadd.s32 s0, s2;
	[dreg:$0x0] =	wrdreg $0x0  }
0xa5: {  	s2 =	sshll.u32 s25, $0x1;
	[dreg:$0x2] =	wrdreg s0  }
0xa6: {  	[dreg:$0x3] =	wrdreg s2  }
0xa7: {  	[dreg:$0x4] =	wrdreg $0xC0  }
0xa8: {  	_ =	task [dreg:s4], $0x5FFFF  }
0xa9: {  	[dreg:$0x1] =	wrdreg $0xFFFFFFFF  }
0xaa: {  	[dreg:$0x0] =	wrdreg $0x60  }
0xab: {  	[dreg:$0x2] =	wrdreg s22  }
0xac: {  	[dreg:$0x3] =	wrdreg $0x9  }
0xad: {  	_ =	task.clear_ibuf [dreg:s4], $0x4FFFF;
	_ =	strace $0x9000005E  }
0xae: {  	s26 =	simm.s32 $0x9;
	_ =	strace $0x80000060  }
0xaf: {  	_ =	swait.ge [sflag:s26], $0x1  }
0xb0: {  	[sflag:s26] =	ssyncadd.s32 $0xFFFFFFFF  }
0xb1: {  	_ =	strace $0x90000060  }
0xb2: {  	_ =	sfence  }
0xb3: {  	s28 =	sld [smem:$0x0];
	_ =	sdelay $0x1  }
0xb4: {  	s29 =	srdreg.scid  }
0xb5: {  	s30 =	sshll.u32 s29, $0xD;
	s31 =	sshrl.u32 s29, $0x2  }
0xb6: {  	s1 =	sand.u32 $0x1, s29;
	s2 =	sand.u32 $0x4000, s30;
	s0 =	sadd.s32 s31, s28  }
0xb7: {  	s1 =	sor.u32 s2, s1;
	s0 =	sshll.u32 s0, $0x11  }
0xb8: {  	s0 =	sor.u32 s0, s1  }
0xb9: {  	s0 =	sadd.s32 $0x8F2B, s0  }
0xba: {  	[sflag:s0] =	ssyncadd.remote.s32 $0x1  }
0xbb: {  	_ =	sfence.sel $0xFFFF  }
0xbc: {  	[dreg:$0x0] =	wrdreg $0xFFFFFFFF;
	(pc) =	sbr.abs _section_cstart, $3  }
0xbd: {  	[dreg:$0x1] =	wrdreg $0xFFFFFFFF  }
0xbe: {  	_ =	task.clear_ibuf [dreg:s4], $0x2FFFF;
	_ =	strace $0x9FFFFFFF  }
0xbf: {  	(tm) =	ssettm $0x7FFFFFFF  }
tec
execute0_lowered:
.L_overlay_start_1:
0x0: {  	(tag) =	ssettag $0x1  }
0x1: {  	s0 =	rddreg [dreg:$0x0];
	_ =	strace $0x8000005F;
	s1 =	simm.s32 $0x1  }
0x2: {  	s8 =	simm.s32 $0x88;
	v0 =	vimm.s32 $0x0;
	[sflag:s1] =	ssyncpa.u1 $0x0  }
0x3: {  	[tilespmem:s8+$0x30] =	vst v0  }
0x4: {  	s1 =	sadd.s32 $0x2AE6400, s0;
	s3 =	sadd.s32 $0x2AFF000, s0;
	[tilespmem:s8+$0x20] =	vst v0  }
0x5: {  	s4 =	sadd.s32 $0x54C00, s0;
	s5 =	sadd.s32 $0x9A00, s0;
	s0 =	simm.s32 $0x40;
	[tilespmem:s8+$0x10] =	vst v0  }
.LBB2_1:
0x6: {  	s0 =	sadd.s32 $0x40, s0  }
0x7: {  	[tilespmem:s8+$0x0] =	vst v0;
	s8 =	sadd.s32 $0x40, s8;
	p0 =	slt.u32 s0, $0x5040  }
.Ltmp0:
0x8: {  	(pc) =	sbr.rel @p0 .LBB2_1-.Ltmp0, $4  }
0x9: {  	_ = 	snop  }
0xa: {  	[tilespmem:s8+$0x30] =	vst v0  }
0xb: {  	[tilespmem:s8+$0x20] =	vst v0  }
0xc: {  	[tilespmem:s8+$0x10] =	vst v0  }
0xd: {  	s9 =	stileid.u32  }
0xe: {  	s0 =	smul.u32 $0x9, s9  }
0xf: {  	s2 =	smin.u32 s9, $0xD  }
0x10: {  	s0 =	sadd.s32 s2, s0  }
0x11: {  	p0 =	slt.u32 s9, $0xD;
	s6 =	smul.u32 $0x140, s0;
	s0 =	simm.s32 $0xC80  }
0x12: {  	s0 =	simm.s32 @!p0 $0xB40  }
0x13: {  	s0 =	sadd.s32 s0, s6  }
0x14: {  	s7 =	smin.u32 s0, $0xC350  }
0x15: {  	s0 =	ssub.s32 s7, s6  }
0x16: {  	p0 =	sgt.s32 s0, $0x0  }
0x17: {  	s0 =	simm.s32 @!p0 $0x0  }
0x18: {  	s29 =	simm.s32 $0x2;
	s10 =	simm.s32 $0x7;
	s28 =	smul.u32 $0xCCCD, s0  }
0x19: {  	s31 =	simm.s32 $0x8;
	s11 =	simm.s32 $0x1;
	s15 =	simm.s32 $0x0  }
0x1a: {  	p1 =	por $0x0, $0x0;
	s16 =	simm.s32 $0xA;
	s2 =	sshrl.u32 s28, $0x18  }
0x1b: {  	s20 =	simm.s32 $0x0;
	s17 =	simm.s32 $0x0;
	s30 =	smul.u32 $0x140, s2  }
.Ltmp1:
0x1c: {  	[tilespmem:s8+$0x0] =	vst v0;
	v0 =	vimm.s32 $0xFFFFFFFF;
	s19 =	simm.s32 $0x0;
	[sflag:s29] =	ssyncpa.u1 $0x0;
	(pc) =	sbr.rel .LBB2_3-.Ltmp1, $4  }
0x1d: {  	[tilespmem:$0xA108] =	vst v0;
	[sflag:s10] =	ssyncpa.u1 $0x0;
	p0 =	sne.s32 s0, s30;
	s0 =	simm.s32 $0x1  }
0x1e: {  	s10 =	simm.s32 $0x9;
	[sflag:s31] =	ssyncpa.u1 $0x0;
	s0 =	simm.s32 @!p0 $0x0  }
0x1f: {  	s13 =	sshll.u32 s9, $0x7;
	[sflag:s10] =	ssyncpa.u1 $0x0;
	s12 =	sadd.s32 s2, s0  }
0x20: {  	v0 =	vlaneseq.u32;
	s18 =	smov.u32 s6;
	p0 =	por $0x1, $0x1;
	s14 =	sadd.s32 $0x1, s12  }
.LBB2_24:
0x21: {  	s0 =	sshrl.u32 s29, $0x2  }
.LBB2_26:
0x22: {  	_ =	swait.ge [sflag:s16], s0  }
0x23: {  	s31 =	ssub.s32 $0x0, s0;
	v1 =	vmov s22;
	vm0 =	veq.s32 v0, $0x0;
	[sflag:s16] =	ssyncset.done $0x0  }
0x24: {  	vm15 =	veq.s32 v0, $0x2;
	v1 =	vsel vm0, s28, v1;
	[sflag:s16] =	ssyncadd.s32 s31  }
0x25: {  	v1 =	vsel vm15, s20, v1;
	[sflag:s16] =	ssyncpa.u1 $0x1  }
0x26: {  	[tilespmem:$0xA108] =	vst v1  }
.LBB2_27:
0x27: {  	s0 =	sadd.s32 $0x140, s18  }
0x28: {  	s2 =	smov.u32 s6;
	p2 =	slt.s32 s0, s7  }
0x29: {  	s2 =	smov.u32 @p2 s0;
	p2 =	sne.s32 s19, s14  }
.Ltmp2:
0x2a: {  	_ = 	snop;
	(pc) =	sbr.rel @!p2 .LBB2_28-.Ltmp2, $4  }
0x2b: {  	_ = 	snop  }
0x2c: {  	s20 =	smov.u32 s17  }
0x2d: {  	s31 =	sadd.s32 $0x1, s19;
	s17 =	smov.u32 s18;
	p0 =	por !p0, !p0  }
0x2e: {  	p1 =	por !p1, !p1;
	s19 =	smov.u32 s31;
	s18 =	smov.u32 s2  }
.LBB2_3:
0x2f: {  	p2 =	sge.u32 s19, s12  }
0x30: {  	s0 =	smulhi.u32 @!p2 $0xAAAAAAAB, s19  }
0x31: {  	s2 =	smov.u32 s18;
	p3 =	sgt.s32 @!p2 s18, $0xC210  }
0x32: {  	s8 =	sshra.s32 @!p2 s18, $0x1F;
	p3 =	por !p3, p2;
	s0 =	sshrl.u32 @!p2 s0, $0x1  }
0x33: {  	s8 =	sand.u32 @!p2 s8, s18;
	s2 =	simm.s32 @p3 $0xC210;
	s0 =	smul.u32 @!p2 $0x3, s0  }
0x34: {  	s2 =	ssub.s32 @!p2 s2, s8  }
0x35: {  	s22 =	sadd.s32 $0xFFFFFFFF, s19;
	s2 =	sadd.s32 @!p2 $0xFFFF3DF0, s2;
	s0 =	ssub.s32 @!p2 s19, s0  }
0x36: {  	s8 =	sshll.u32 @!p2 s2, $0x2;
	p3 =	sgt.s32 @!p2 s2, $0x13F;
	s0 =	smul.u32 @!p2 $0x500, s0  }
0x37: {  	s21 =	sand.u32 @!p2 $0x7, s18;
	s2 =	ssub.s32 @!p2 $0x500, s8;
	p3 =	por !p3, p2  }
0x38: {  	s8 =	sshrl.u32 @!p2 s18, $0x3;
	s2 =	sshrl.u32 @!p2 s2, $0x2;
	s0 =	sshrl.u32 @!p2 s0, $0x2  }
0x39: {  	s8 =	sadd.s32 @!p2 s5, s8;
	s2 =	simm.s32 @!p3 $0x0;
	s0 =	sadd.s32 @!p2 $0xA938, s0  }
0x3a: {  	[tilespmem:s0], [sflag:$0x8] =	stream.linear.gather @!p2 [hbm4b:s8+s21], s2, $0x38;
	[tilespmem:$0x1EF78] =	vst v63  }
0x3b: {  	p2 =	sge.u32 s22, s12  }
0x3c: {  	p3 =	sgt.s32 @!p2 s17, $0xC210  }
0x3d: {  	s0 =	smov.u32 s17;
	s2 =	sshra.s32 @!p2 s17, $0x1F;
	p3 =	por !p3, p2  }
0x3e: {  	s2 =	sand.u32 @!p2 s2, s17;
	s0 =	simm.s32 @p3 $0xC210  }
0x3f: {  	s0 =	ssub.s32 @!p2 s0, s2  }
0x40: {  	s0 =	sadd.s32 @!p2 $0xFFFF3DF0, s0  }
0x41: {  	s2 =	sshll.u32 @!p2 s0, $0x2  }
0x42: {  	p3 =	sgt.s32 @!p2 s0, $0x13F;
	s0 =	ssub.s32 @!p2 $0x500, s2  }
0x43: {  	p3 =	por !p3, p2;
	s0 =	sshrl.u32 @!p2 s0, $0x2  }
0x44: {  	s8 =	simm.s32 @!p2 $0x8;
	s2 =	sand.u32 @!p2 $0x1, s22;
	s0 =	simm.s32 @!p3 $0x0  }
0x45: {  	s2 =	smul.u32 @!p2 $0x500, s2;
	_ =	swait.ge @!p2 [sflag:s8], s0  }
0x46: {  	s21 =	ssub.s32 @!p2 $0x0, s0;
	[sflag:s8] =	ssyncset.done @!p2 $0x0  }
0x47: {  	s2 =	sshrl.u32 @!p2 s2, $0x2;
	[sflag:s8] =	ssyncadd.s32 @!p2 s21;
	s8 =	sshrl.u32 @!p2 s17, $0x3  }
0x48: {  	s2 =	sadd.s32 @!p2 $0xACF8, s2;
	s21 =	sand.u32 @!p2 $0x7, s17;
	s8 =	sadd.s32 @!p2 s3, s8  }
0x49: {  	[tilespmem:s2], [sflag:$0x9] =	stream.linear.gather @!p2 [hbm4b:s8+s21], s0, $0x38;
	[tilespmem:$0x1EF78] =	vst v63  }
0x4a: {  	s21 =	ssub.s32 @!p2 $0xC350, s17  }
0x4b: {  	p3 =	slt.s32 @!p2 s21, $0x1  }
0x4c: {  	p3 =	por p2, p3  }
.Ltmp3:
0x4d: {  	_ = 	snop;
	(pc) =	sbr.rel @p3 .LBB2_9-.Ltmp3, $1  }
0x4e: {  	_ =	sdelay $0x3  }
0x4f: {  	s0 =	smulhi.u32 $0xAAAAAAAB, s22;
	_ =	sdelay $0x1  }
0x50: {  	s0 =	sshrl.u32 s0, $0x1  }
0x51: {  	s0 =	smul.u32 $0x3, s0;
	_ =	sdelay $0x1  }
0x52: {  	s0 =	ssub.s32 s22, s0  }
0x53: {  	s2 =	simm.s32 $0x1;
	s0 =	smul.u32 $0x500, s0  }
.Ltmp4:
0x54: {  	s2 =	simm.s32 @!p0 $0x0;
	(pc) =	sbr.rel .LBB2_6-.Ltmp4, $4  }
0x55: {  	s2 =	smul.u32 $0x28000, s2  }
0x56: {  	p3 =	slt.s32 @!p2 s21, $0x140;
	s0 =	sshrl.u32 s0, $0x2  }
0x57: {  	p2 =	por !p3, p2;
	s2 =	sshrl.u32 s2, $0x2;
	s0 =	sadd.s32 $0xA938, s0  }
0x58: {  	s23 =	simm.s32 $0x0;
	s21 =	simm.s32 @p2 $0x140;
	s22 =	sadd.s32 $0xAF78, s2;
	v1 =	vmov s0  }
.LBB2_5:
0x59: {  	p2 =	sge.s32 s23, s21  }
.Ltmp5:
0x5a: {  	_ = 	snop;
	(pc) =	sbr.rel @p2 .LBB2_9-.Ltmp5, $2  }
0x5b: {  	_ =	sdelay $0x2  }
0x5c: {  	s22 =	sadd.s32 $0x800, s22  }
.LBB2_6:
0x5d: {  	p2 =	sle.s32 s21, s23  }
.Ltmp6:
0x5e: {  	_ = 	snop;
	(pc) =	sbr.rel @p2 .LBB2_5-.Ltmp6, $2  }
0x5f: {  	_ =	sdelay $0x2  }
0x60: {  	s24 =	smov.u32 s23;
	s23 =	sadd.s32 $0x10, s23  }
0x61: {  	s0 =	ssub.s32 s21, s24  }
0x62: {  	p2 =	slt.s32 s0, $0x10  }
0x63: {  	s0 =	simm.s32 @!p2 $0x10  }
0x64: {  	v2 =	vmov s0  }
0x65: {  	vm0 =	vgt.s32 v2, v0;
	_ =	sdelay $0x5  }
0x66: {  	v2 =	vld.idx.msk [tilespmem:v1+s24+$0x0 ss:$0x1], vm0;
	_ =	sdelay $0x2  }
0x67: {  	p2 =	slt.s32 s23, s21;
	s0 =	smov.u32 s21  }
0x68: {  	s2 =	smov.u32 s22;
	s25 =	simm.s32 $0x0;
	s0 =	smov.u32 @p2 s23  }
.LBB2_8:
0x69: {  	(v2sf) =	vpush v2, s25;
	_ =	sdelay $0xc  }
0x6a: {  	s25 =	sadd.s32 $0x1, s25  }
0x6b: {  	s31 =	sadd.s32 s25, s24  }
0x6c: {  	p2 =	slt.s32 s31, s0;
	s8 =	spop (v2sf)  }
.Ltmp7:
0x6d: {  	s8 =	sshll.u32 s8, $0x4;
	(pc) =	sbr.rel @p2 .LBB2_8-.Ltmp7, $4  }
0x6e: {  	s8 =	sand.u32 $0x1FFFFFF0, s8  }
0x6f: {  	s8 =	sadd.s32 s4, s8  }
0x70: {  	[tilespmem:s2], [sflag:$0x7] =	stream.linear.gather [hbm4b:s8+s15], $0x40, $0x38;
	[tilespmem:$0x1EF78] =	vst v63  }
0x71: {  	s2 =	sadd.s32 $0x80, s2  }
.Ltmp8:
0x72: {  	_ = 	snop;
	(pc) =	sbr.rel .LBB2_5-.Ltmp8, $1  }
0x73: {  	_ =	sdelay $0x3  }
.LBB2_9:
0x74: {  	p2 =	slt.u32 s19, $0x2  }
.Ltmp9:
0x75: {  	_ = 	snop;
	(pc) =	sbr.rel @p2 .LBB2_27-.Ltmp9, $1  }
0x76: {  	_ =	sdelay $0x3  }
0x77: {  	p2 =	sgt.s32 s20, $0xC210;
	s0 =	smov.u32 s20  }
0x78: {  	s2 =	sshra.s32 s20, $0x1F;
	s8 =	ssub.s32 $0xC350, s20;
	s0 =	simm.s32 @!p2 $0xC210  }
0x79: {  	s2 =	sand.u32 s2, s20;
	p2 =	slt.s32 s8, $0x140;
	s21 =	smov.u32 s8  }
0x7a: {  	s0 =	ssub.s32 s0, s2;
	s21 =	simm.s32 @!p2 $0x140  }
0x7b: {  	s0 =	sadd.s32 $0xFFFF3DF0, s0;
	s26 =	sshll.u32 s21, $0x6  }
0x7c: {  	s9 =	simm.s32 $0x7;
	s29 =	sshll.u32 s0, $0x2;
	s2 =	sand.u32 $0x3FFFFFC0, s26  }
0x7d: {  	p2 =	sgt.s32 s0, $0x13F;
	s30 =	ssub.s32 $0x500, s29;
	_ =	swait.ge [sflag:s9], s2  }
0x7e: {  	s2 =	ssub.s32 $0x0, s2;
	[sflag:s9] =	ssyncset.done $0x0;
	s0 =	sshrl.u32 s30, $0x2  }
0x7f: {  	[sflag:s9] =	ssyncadd.s32 s2;
	s0 =	simm.s32 @p2 $0x0  }
0x80: {  	_ =	swait.ge [sflag:s10], s0  }
0x81: {  	s0 =	ssub.s32 $0x0, s0;
	[sflag:s10] =	ssyncset.done $0x0  }
0x82: {  	[sflag:s10] =	ssyncadd.s32 s0  }
0x83: {  	v1 =	vld [tilespmem:$0xA108];
	_ =	sdelay $0x4  }
0x84: {  	(v2sf) =	vpush v1, $0x0  }
0x85: {  	(v2sf) =	vpush v1, $0x1  }
0x86: {  	(v2sf) =	vpush v1, $0x2;
	_ =	sdelay $0x3  }
0x87: {  	s0 =	sadd.s32 $0x140, s20  }
0x88: {  	p2 =	slt.s32 s7, s0  }
0x89: {  	s0 =	smov.u32 @p2 s7;
	p2 =	sgt.s32 s8, $0x0  }
0x8a: {  	s24 =	ssub.s32 s0, s20;
	s8 =	simm.s32 @!p2 $0x0  }
0x8b: {  	p2 =	slt.s32 s8, s24  }
0x8c: {  	s24 =	smov.u32 @p2 s8  }
0x8d: {  	s23 =	simm.s32 $0x1;
	p2 =	slt.s32 s24, $0x1  }
.Ltmp10:
0x8e: {  	s23 =	simm.s32 @!p1 $0x0;
	(pc) =	sbr.rel @p2 .LBB2_14-.Ltmp10, $4  }
0x8f: {  	s31 =	smul.u32 $0x500, s23  }
0x90: {  	s25 =	spop (v2sf)  }
0x91: {  	s0 =	sshrl.u32 s31, $0x2;
	s28 =	spop (v2sf)  }
0x92: {  	s21 =	sadd.s32 $0xACF8, s0;
	s20 =	spop (v2sf)  }
0x93: {  	s0 =	smin.u32 s24, $0x10  }
0x94: {  	v1 =	vmov s0  }
0x95: {  	p3 =	sgt.s32 s24, $0x10;
	vm1 =	vgt.u32 v1, v0  }
.Ltmp11:
0x96: {  	_ = 	snop;
	(pc) =	sbr.rel @!p3 .LBB2_13-.Ltmp11, $2  }
0x97: {  	_ =	sdelay $0x2  }
0x98: {  	s26 =	simm.s32 $0x10;
	s29 =	sadd.s32 $0xFFFFFFF0, s24;
	s22 =	smov.u32 s21;
	vm0 =	vmmov vm1  }
.LBB2_12:
0x99: {  	s0 =	smin.u32 s29, $0x10;
	s26 =	sadd.s32 $0x10, s26;
	v1 =	vld.msk [tilespmem:s22+$0x0 ss:$0x1], vm1  }
0x9a: {  	v2 =	vmov s0;
	p3 =	slt.s32 s26, s24  }
0x9b: {  	vm1 =	vgt.u32 v2, v0  }
.Ltmp12:
0x9c: {  	(pc) =	sbr.rel @p3 .LBB2_12-.Ltmp12, $3  }
0x9d: {  	_ =	sdelay $0x1  }
0x9e: {  	v1 =	vshll.u32 v1, $0x4  }
0x9f: {  	s29 =	sadd.s32 $0xFFFFFFF0, s29;
	[tilespmem:s22+$0x0] =	vst.msk vm0, v1;
	s22 =	sadd.s32 $0x10, s22;
	vm0 =	vmmov vm1  }
.LBB2_13:
0xa0: {  	_ =	sdelay $0x4  }
0xa1: {  	v1 =	vld.msk [tilespmem:s22+$0x0 ss:$0x1], vm1;
	_ =	sdelay $0x4  }
0xa2: {  	v1 =	vshll.u32 v1, $0x4  }
0xa3: {  	[tilespmem:s22+$0x0] =	vst.msk vm0, v1  }
.LBB2_14:
0xa4: {  	s0 =	sand.u32 $0x1, s19  }
0xa5: {  	s0 =	smul.u32 $0x140, s0  }
0xa6: {  	p3 =	sne.s32 s28, $0xFFFFFFFF  }
0xa7: {  	v1 =	vld.msk @!p3 [tilespmem:s0+$0xACF8], $0x1;
	_ =	sdelay $0x4  }
0xa8: {  	(v2sf) =	vpush @!p3 v1, $0x0;
	_ =	sdelay $0xc  }
.Ltmp13:
0xa9: {  	_ = 	snop;
	(pc) =	sbr.rel @p2 .LBB2_25-.Ltmp13, $4  }
0xaa: {  	_ = 	snop  }
0xab: {  	s26 =	spop @!p3 (v2sf)  }
0xac: {  	s20 =	simm.s32 @!p3 $0x0;
	s22 =	smov.u32 s26  }
0xad: {  	[sflag:s16] =	ssyncpa.u1 $0x0;
	s26 =	smov.u32 @p3 s25;
	s22 =	smov.u32 @p3 s28  }
0xae: {  	v1 =	vld.msk [tilespmem:s21+$0x0], $0x1;
	_ =	sdelay $0x4  }
0xaf: {  	(v2sf) =	vpush v1, $0x0;
	_ =	sdelay $0xe  }
0xb0: {  	s0 =	smul.u32 $0x28000, s23;
	s30 =	spop (v2sf)  }
0xb1: {  	s24 =	ssub.s32 $0x0, s24;
	p2 =	seq.s32 s26, s30  }
0xb2: {  	s28 =	sadd.s32 $0x1, s24;
	s0 =	sshrl.u32 s0, $0x2;
	p3 =	sgt.s32 @!p2 s26, $0x0  }
0xb3: {  	s23 =	sadd.s32 $0xAF98, s0;
	s0 =	smov.u32 s26;
	p3 =	por !p3, p2  }
0xb4: {  	s0 =	simm.s32 @p3 $0x0;
	p3 =	seq.s32 s28, $0x0  }
.Ltmp14:
0xb5: {  	_ = 	snop;
	(pc) =	sbr.rel @p3 .LBB2_17-.Ltmp14, $4  }
0xb6: {  	_ = 	snop  }
0xb7: {  	s25 =	simm.s32 $0x0;
	s31 =	simm.s32 @!p2 $0x1;
	s2 =	smin.u32 @!p2 s0, $0x3F8  }
0xb8: {  	s29 =	sadd.s32 $0x1, s21;
	s31 =	smov.u32 @p2 s25;
	s8 =	sand.u32 @!p2 $0x3F8, s2  }
0xb9: {  	s0 =	simm.s32 @!p2 $0x50C8;
	s2 =	sand.u32 @!p2 $0x7, s2;
	s8 =	sadd.s32 @!p2 s1, s8  }
.LBB2_16:
0xba: {  	s9 =	smov.u32 s31  }
0xbb: {  	[tilespmem:s0], [sflag:$0x2] =	stream.linear.gather @!p2 [hbm4b:s8+s2], $0x40, $0x38;
	[tilespmem:$0x1EF78] =	vst v63  }
0xbc: {  	s28 =	sadd.s32 $0x1, s28;
	s2 =	smov.u32 s30;
	v1 =	vld.msk [tilespmem:s29+$0x0], $0x1  }
0xbd: {  	p3 =	seq.s32 s28, $0x0;
	_ =	sdelay $0x3  }
0xbe: {  	(v2sf) =	vpush v1, $0x0;
	_ =	sdelay $0xe  }
0xbf: {  	s30 =	spop (v2sf)  }
0xc0: {  	p2 =	seq.s32 s2, s30  }
0xc1: {  	p4 =	sgt.s32 @!p2 s2, $0x0;
	s0 =	sshll.u32 @!p2 s31, $0x8;
	s31 =	sadd.s32 @!p2 $0x1, s31  }
.Ltmp15:
0xc2: {  	p4 =	por !p4, p2;
	s0 =	sshra.s32 @!p2 s0, $0x2;
	(pc) =	sbr.rel @!p3 .LBB2_16-.Ltmp15, $4  }
0xc3: {  	s31 =	smov.u32 @p2 s9;
	s2 =	simm.s32 @p4 $0x0;
	s0 =	sadd.s32 @!p2 $0x50C8, s0  }
0xc4: {  	s2 =	smin.u32 @!p2 s2, $0x3F8  }
0xc5: {  	s8 =	sand.u32 @!p2 $0x3F8, s2;
	s2 =	sand.u32 @!p2 $0x7, s2  }
0xc6: {  	s29 =	sadd.s32 $0x1, s29;
	s8 =	sadd.s32 @!p2 s1, s8  }
.LBB2_17:
0xc7: {  	[tilespmem:s0], [sflag:$0x2] =	stream.linear.gather @!p2 [hbm4b:s8+s2], $0x40, $0x38;
	[tilespmem:$0x1EF78] =	vst v63  }
.Ltmp16:
0xc8: {  	s30 =	sshll.u32 s31, $0x6;
	(pc) =	sbr.rel .LBB2_18-.Ltmp16, $4  }
0xc9: {  	s31 =	simm.s32 $0x2;
	s0 =	sand.u32 $0x3FFFFFC0, s30  }
0xca: {  	_ =	swait.ge [sflag:s31], s0  }
0xcb: {  	s0 =	ssub.s32 $0x0, s0;
	[sflag:s31] =	ssyncset.done $0x0  }
0xcc: {  	s29 =	simm.s32 $0x0;
	[sflag:s31] =	ssyncadd.s32 s0  }
.LBB2_19:
0xcd: {  	v1 =	vld [tilespmem:s23+$0xFFFFFFE0];
	_ =	sdelay $0x4  }
0xce: {  	[tilespmem:s30+$0x88] =	vst.add.f32.msk $0xffff, v1  }
0xcf: {  	v1 =	vld [tilespmem:s23+$0xFFFFFFF0];
	_ =	sdelay $0x4  }
0xd0: {  	[tilespmem:s30+$0x98] =	vst.add.f32.msk $0xffff, v1  }
0xd1: {  	v1 =	vld [tilespmem:s23+$0x0];
	_ =	sdelay $0x4  }
0xd2: {  	[tilespmem:s30+$0xA8] =	vst.add.f32.msk $0xffff, v1  }
0xd3: {  	v1 =	vld [tilespmem:s23+$0x10];
	_ =	sdelay $0x4  }
0xd4: {  	[tilespmem:s30+$0xB8] =	vst.add.f32.msk $0xffff, v1  }
.LBB2_23:
0xd5: {  	s24 =	sadd.s32 $0x1, s24  }
0xd6: {  	p2 =	seq.s32 s24, $0x0  }
.Ltmp17:
0xd7: {  	_ = 	snop;
	(pc) =	sbr.rel @p2 .LBB2_24-.Ltmp17, $2  }
0xd8: {  	_ =	sdelay $0x2  }
0xd9: {  	s23 =	sadd.s32 $0x80, s23;
	s21 =	sadd.s32 $0x1, s21;
	s26 =	smov.u32 s28  }
.LBB2_18:
0xda: {  	v1 =	vld.msk [tilespmem:s21+$0x0], $0x1;
	_ =	sdelay $0x4  }
0xdb: {  	(v2sf) =	vpush v1, $0x0;
	_ =	sdelay $0xe  }
0xdc: {  	s28 =	spop (v2sf)  }
0xdd: {  	p2 =	sne.s32 s26, s28  }
.Ltmp18:
0xde: {  	_ = 	snop;
	(pc) =	sbr.rel @!p2 .LBB2_19-.Ltmp18, $3  }
0xdf: {  	_ =	sdelay $0x1  }
0xe0: {  	s0 =	sshll.u32 s20, $0x8  }
0xe1: {  	s30 =	sshra.s32 s0, $0x2  }
0xe2: {  	p2 =	seq.s32 s26, s22  }
.Ltmp19:
0xe3: {  	_ = 	snop;
	(pc) =	sbr.rel @!p2 .LBB2_21-.Ltmp19, $1  }
0xe4: {  	_ =	sdelay $0x3  }
.Ltmp20:
0xe5: {  	s0 =	sadd.s32 $0x88, s30;
	(pc) =	sbr.rel .LBB2_22-.Ltmp20, $4  }
0xe6: {  	[spmem:s13] =	stream.linear.scatter [tilespmem:s0], [sflag:$0x1], $0x40, $0x38;
	[tilespmem:$0x1EF78] =	vst v63  }
0xe7: {  	_ =	swait.ge [sflag:s11], $0x40  }
0xe8: {  	[sflag:s11] =	ssyncset.done $0x0  }
0xe9: {  	[sflag:s11] =	ssyncadd.s32 $0xFFFFFFC0  }
.LBB2_21:
0xea: {  	s0 =	sshll.u32 s25, $0x8  }
0xeb: {  	s0 =	sshra.s32 s0, $0x2  }
0xec: {  	v1 =	vld [tilespmem:s0+$0x50C8];
	_ =	sdelay $0x4  }
0xed: {  	[tilespmem:s30+$0x88] =	vst.add.f32.msk $0xffff, v1  }
0xee: {  	v1 =	vld [tilespmem:s0+$0x50D8];
	_ =	sdelay $0x4  }
0xef: {  	[tilespmem:s30+$0x98] =	vst.add.f32.msk $0xffff, v1  }
0xf0: {  	v1 =	vld [tilespmem:s0+$0x50E8];
	_ =	sdelay $0x4  }
0xf1: {  	[tilespmem:s30+$0xA8] =	vst.add.f32.msk $0xffff, v1  }
0xf2: {  	v1 =	vld [tilespmem:s0+$0x50F8];
	_ =	sdelay $0x2  }
0xf3: {  	p2 =	sgt.u32 s26, $0x3F8  }
0xf4: {  	s0 =	sand.u32 @!p2 $0x3F8, s26  }
0xf5: {  	s2 =	sadd.s32 $0x88, s30;
	s8 =	sand.u32 @!p2 $0x7, s26;
	s0 =	sadd.s32 @!p2 s1, s0;
	[tilespmem:s30+$0xB8] =	vst.add.f32.msk $0xffff, v1  }
0xf6: {  	[hbm4b:s0+s8] =	stream.linear.scatter @!p2 [tilespmem:s2], [sflag:$0xA], $0x40, $0x38;
	[tilespmem:$0x1EF78] =	vst v63  }
0xf7: {  	s0 =	simm.s32 $0x0  }
0xf8: {  	s0 =	simm.s32 @!p2 $0x100  }
0xf9: {  	s29 =	sadd.s32 s0, s29  }
.LBB2_22:
0xfa: {  	s0 =	sadd.s32 $0x1, s20  }
0xfb: {  	s2 =	smulhi.u32 $0xCCCCCCCD, s0;
	_ =	sdelay $0x1  }
0xfc: {  	v1 =	vld [tilespmem:s23+$0xFFFFFFE0];
	s2 =	sshrl.u32 s2, $0x8  }
0xfd: {  	s2 =	smul.u32 $0x140, s2;
	_ =	sdelay $0x1  }
0xfe: {  	s20 =	ssub.s32 s0, s2  }
0xff: {  	s0 =	sshll.u32 s20, $0x6  }
0x100: {  	[tilespmem:s0+$0x88] =	vst v1  }
0x101: {  	v1 =	vld [tilespmem:s23+$0xFFFFFFF0];
	_ =	sdelay $0x4  }
0x102: {  	[tilespmem:s0+$0x98] =	vst v1  }
0x103: {  	v1 =	vld [tilespmem:s23+$0x0];
	_ =	sdelay $0x4  }
0x104: {  	[tilespmem:s0+$0xA8] =	vst v1  }
0x105: {  	v1 =	vld [tilespmem:s23+$0x10]  }
.Ltmp21:
0x106: {  	_ = 	snop;
	(pc) =	sbr.rel .LBB2_23-.Ltmp21, $2  }
0x107: {  	_ =	sdelay $0x2  }
0x108: {  	s25 =	sadd.s32 $0x1, s25;
	[tilespmem:s0+$0xB8] =	vst v1  }
.LBB2_25:
.Ltmp22:
0x109: {  	(pc) =	sbr.rel .LBB2_26-.Ltmp22, $4  }
0x10a: {  	_ = 	snop  }
0x10b: {  	s0 =	simm.s32 $0x2  }
0x10c: {  	_ =	swait.ge [sflag:s0], $0x0  }
0x10d: {  	s28 =	smov.u32 s26;
	[sflag:s0] =	ssyncset.done $0x0;
	s0 =	simm.s32 $0x0  }
.LBB2_28:
0x10e: {  	_ =	sfence.sel $0x180000  }
0x10f: {  	s0 =	simm.s32 $0x7;
	[bflag:$0x0] =	sbarrier.arrive $0xFFFF  }
0x110: {  	s25 =	simm.s32 $0x8;
	[sflag:s0] =	ssyncpa.u1 $0x1  }
0x111: {  	s26 =	simm.s32 $0x9;
	[sflag:s25] =	ssyncpa.u1 $0x1  }
0x112: {  	s28 =	simm.s32 $0x2;
	[sflag:s26] =	ssyncpa.u1 $0x1  }
0x113: {  	[sflag:s28] =	ssyncpa.u1 $0x1  }
0x114: {  	v0 =	vld [tilespmem:$0xA108];
	_ =	sdelay $0x4  }
0x115: {  	(v2sf) =	vpush v0, $0x0  }
0x116: {  	(v2sf) =	vpush v0, $0x1;
	_ =	sdelay $0x1  }
0x117: {  	(v2sf) =	vpush v0, $0x2;
	_ =	sdelay $0xb  }
0x118: {  	s0 =	spop (v2sf)  }
0x119: {  	s2 =	spop (v2sf)  }
0x11a: {  	s3 =	smov.u32 s0;
	p0 =	sne.s32 s0, s2  }
0x11b: {  	s4 =	spop (v2sf);
	s3 =	simm.s32 @!p0 $0xFFFFFFFF  }
0x11c: {  	v2 =	vimm.s32 $0x1;
	v3 =	vlaneseq.u32;
	p0 =	seq.s32 s4, $0xFFFFFFFF;
	v1 =	vmov s3  }
0x11d: {  	s7 =	stileid.u32;
	v0 =	vperm.xlane v0, v2;
	p1 =	sne.s32 @!p0 s0, s2;
	v1 =	vperm.xlane v1, v3  }
0x11e: {  	vm0 =	vcmask $0x3F04;
	s6 =	simm.s32 $0xA108;
	s0 =	simm.s32 @!p0 $0x1;
	p1 =	por !p1, p0  }
0x11f: {  	s3 =	sshll.u32 s7, $0x1;
	s2 =	sshll.u32 @!p0 s4, $0x8;
	s0 =	simm.s32 @p1 $0x0;
	v0 =	vsel vm0, v1, v0  }
0x120: {  	s5 =	sor.u32 $0x800, s3;
	s2 =	sshra.s32 @!p0 s2, $0x2;
	s0 =	sor.u32 @!p0 s0, s3;
	[tilespmem:$0xA108] =	vst v0  }
0x121: {  	[spmem:s5] =	stream.linear.scatter [tilespmem:s6], [sflag:$0x1], $0x2, $0x38;
	[tilespmem:$0x1EF78] =	vst v63  }
0x122: {  	s2 =	sadd.s32 @!p0 $0x88, s2;
	s0 =	sshll.u32 @!p0 s0, $0x6  }
0x123: {  	[spmem:s0] =	stream.linear.scatter @!p0 [tilespmem:s2], [sflag:$0x1], $0x40, $0x38;
	[tilespmem:$0x1EF78] =	vst v63  }
0x124: {  	s2 =	simm.s32 @!p0 $0x42  }
0x125: {  	s0 =	simm.s32 $0x1;
	s2 =	simm.s32 @p0 $0x2  }
0x126: {  	_ =	swait.ge [sflag:s0], s2  }
0x127: {  	s2 =	ssub.s32 $0x0, s2;
	[sflag:s0] =	ssyncset.done $0x0  }
0x128: {  	[sflag:s0] =	ssyncadd.s32 s2  }
0x129: {  	_ =	sfence.stream.spmem  }
0x12a: {  	s29 =	simm.s32 $0x3;
	[bflag:$0x0] =	sbarrier.arrive $0xFFFF  }
0x12b: {  	s30 =	simm.s32 $0x4;
	[sflag:s29] =	ssyncpa.u1 $0x1  }
0x12c: {  	s31 =	simm.s32 $0x3C;
	[sflag:s30] =	ssyncpa.u1 $0x1  }
0x12d: {  	p0 =	sne.s32 s7, $0x0;
	[sflag:s31] =	ssyncpa.u1 $0x1  }
0x12e: {  	_ =	sfence @p0  }
0x12f: {  	[sflag:s0] =	ssyncpa.u1 @p0 $0x1  }
0x130: {  	_ =	strace @p0 $0x9000005F  }
0x131: {  	[bflag:$0x2] =	sbarrier.arrive @p0 $0xFFFF  }
0x132: {  	_ =	shalt @p0  }
.LBB2_29:
0x133: {  	_ =	sfence.stream.spmem;
	s0 =	simm.s32 $0x5  }
0x134: {  	s2 =	simm.s32 $0x800;
	s3 =	simm.s32 $0xA118;
	[sflag:s0] =	ssyncpa.u1 $0x0  }
0x135: {  	[tilespmem:s3], [sflag:$0x5] =	stream.linear.gather [spmem:s2], $0x20, $0x38;
	[tilespmem:$0x1EF78] =	vst v63  }
0x136: {  	s30 =	simm.s32 $0xA138;
	s2 =	simm.s32 $0x0  }
0x137: {  	[tilespmem:s30], [sflag:$0x5] =	stream.linear.gather [spmem:s2], $0x800, $0x38;
	[tilespmem:$0x1EF78] =	vst v63  }
.Ltmp23:
0x138: {  	_ = 	snop;
	(pc) =	sbr.rel .LBB2_30-.Ltmp23, $4  }
0x139: {  	_ =	swait.ge [sflag:s0], $0x820  }
0x13a: {  	[sflag:s0] =	ssyncset.done $0x0  }
0x13b: {  	s31 =	simm.s32 $0x6;
	[sflag:s0] =	ssyncadd.s32 $0xFFFFF7E0  }
0x13c: {  	s3 =	simm.s32 $0x0;
	[sflag:s31] =	ssyncpa.u1 $0x0  }
.LBB2_36:
0x13d: {  	p0 =	slt.u32 s4, $0x3F9  }
0x13e: {  	s0 =	sand.u32 @p0 $0x3F8, s4  }
0x13f: {  	s4 =	sand.u32 @p0 $0x7, s4;
	s5 =	simm.s32 @p0 $0xA0C8;
	s0 =	sadd.s32 @p0 s1, s0  }
0x140: {  	[tilespmem:s5], [sflag:$0x6] =	stream.linear.gather @p0 [hbm4b:s0+s4], $0x40, $0x38;
	[tilespmem:$0x1EF78] =	vst v63  }
0x141: {  	s0 =	simm.s32 @p0 $0x6  }
0x142: {  	_ =	swait.ge @p0 [sflag:s0], $0x40  }
0x143: {  	[sflag:s0] =	ssyncset.done @p0 $0x0  }
0x144: {  	[sflag:s0] =	ssyncadd.s32 @p0 $0xFFFFFFC0  }
0x145: {  	v1 =	vld @p0 [tilespmem:$0xA0C8];
	_ =	sdelay $0x2  }
0x146: {  	s0 =	sshll.u32 @p0 s3, $0x8  }
0x147: {  	s4 =	sshrl.u32 @p0 s0, $0x2  }
0x148: {  	[tilespmem:s4+$0xA138] =	vst.add.f32.msk @p0 $0xffff, v1  }
0x149: {  	v1 =	vld @p0 [tilespmem:$0xA0D8];
	_ =	sdelay $0x4  }
0x14a: {  	[tilespmem:s4+$0xA148] =	vst.add.f32.msk @p0 $0xffff, v1  }
0x14b: {  	v1 =	vld @p0 [tilespmem:$0xA0E8];
	_ =	sdelay $0x4  }
0x14c: {  	[tilespmem:s4+$0xA158] =	vst.add.f32.msk @p0 $0xffff, v1  }
0x14d: {  	v1 =	vld @p0 [tilespmem:$0xA0F8];
	_ =	sdelay $0x3  }
0x14e: {  	s5 =	sshll.u32 @!p0 s3, $0x8  }
0x14f: {  	s5 =	smov.u32 @p0 s0;
	[tilespmem:s4+$0xA168] =	vst.add.f32.msk @p0 $0xffff, v1  }
0x150: {  	s0 =	sshrl.u32 s5, $0x2;
	[tilespmem:s2+$0xA118] =	vst.msk $0x1, v0  }
0x151: {  	v0 =	vld [tilespmem:s0+$0xA138];
	_ =	sdelay $0x2  }
0x152: {  	s31 =	sshll.u32 s2, $0x8  }
0x153: {  	s4 =	sshra.s32 s31, $0x2  }
0x154: {  	[tilespmem:s4+$0xA138] =	vst v0  }
0x155: {  	v0 =	vld [tilespmem:s0+$0xA148];
	_ =	sdelay $0x4  }
0x156: {  	[tilespmem:s4+$0xA148] =	vst v0  }
0x157: {  	v0 =	vld [tilespmem:s0+$0xA158];
	_ =	sdelay $0x4  }
0x158: {  	[tilespmem:s4+$0xA158] =	vst v0  }
0x159: {  	v0 =	vld [tilespmem:s0+$0xA168];
	_ =	sdelay $0x4  }
0x15a: {  	s2 =	sadd.s32 $0x1, s2;
	[tilespmem:s4+$0xA168] =	vst v0  }
.LBB2_37:
0x15b: {  	s3 =	sadd.s32 $0x1, s3  }
0x15c: {  	p0 =	sne.s32 s3, $0x20  }
.Ltmp24:
0x15d: {  	_ = 	snop;
	(pc) =	sbr.rel @!p0 .LBB2_38-.Ltmp24, $1  }
0x15e: {  	_ =	sdelay $0x3  }
.LBB2_30:
0x15f: {  	v0 =	vld.msk [tilespmem:s3+$0xA118], $0x1;
	_ =	sdelay $0x4  }
0x160: {  	(v2sf) =	vpush v0, $0x0;
	_ =	sdelay $0xe  }
0x161: {  	s4 =	spop (v2sf)  }
0x162: {  	p0 =	seq.s32 s4, $0xFFFFFFFF  }
.Ltmp25:
0x163: {  	_ = 	snop;
	(pc) =	sbr.rel @p0 .LBB2_37-.Ltmp25, $1  }
0x164: {  	_ =	sdelay $0x3  }
0x165: {  	p0 =	slt.s32 s2, $0x1  }
.Ltmp26:
0x166: {  	_ = 	snop;
	(pc) =	sbr.rel @p0 .LBB2_36-.Ltmp26, $1  }
0x167: {  	_ =	sdelay $0x3  }
0x168: {  	s5 =	simm.s32 $0xA118;
	p0 =	por $0x0, $0x0  }
0x169: {  	v1 =	vld.msk @!p0 [tilespmem:s5+$0x0], $0x1;
	_ =	sdelay $0x4  }
0x16a: {  	(v2sf) =	vpush @!p0 v1, $0x0;
	_ =	sdelay $0xd  }
0x16b: {  	p2 =	sne.s32 s2, $0x1  }
.Ltmp27:
0x16c: {  	s0 =	spop @!p0 (v2sf);
	(pc) =	sbr.rel @!p2 .LBB2_34-.Ltmp27, $4  }
0x16d: {  	p1 =	seq.s32 @!p0 s4, s0  }
0x16e: {  	s6 =	simm.s32 $0x0;
	p1 =	por !p1, p0  }
0x16f: {  	s0 =	simm.s32 $0xFFFFFFFF;
	s6 =	simm.s32 @p1 $0xFFFFFFFF  }
0x170: {  	s7 =	simm.s32 $0x1;
	s6 =	smov.u32 @p0 s0  }
.LBB2_33:
0x171: {  	s0 =	smov.u32 s6;
	p0 =	sne.s32 s6, $0xFFFFFFFF  }
0x172: {  	s5 =	sadd.s32 $0x1, s5;
	s6 =	smov.u32 s7;
	s7 =	sadd.s32 $0x1, s7  }
0x173: {  	p1 =	sne.s32 s2, s7;
	v1 =	vld.msk @!p0 [tilespmem:s5+$0x0], $0x1;
	_ =	sdelay $0x4  }
0x174: {  	(v2sf) =	vpush @!p0 v1, $0x0;
	_ =	sdelay $0xe  }
.Ltmp28:
0x175: {  	s8 =	spop @!p0 (v2sf);
	(pc) =	sbr.rel @p1 .LBB2_33-.Ltmp28, $4  }
0x176: {  	p2 =	seq.s32 @!p0 s4, s8  }
0x177: {  	p2 =	por !p2, p0  }
0x178: {  	s6 =	simm.s32 @p2 $0xFFFFFFFF  }
0x179: {  	s6 =	smov.u32 @p0 s0  }
.LBB2_34:
0x17a: {  	p0 =	seq.s32 s6, $0xFFFFFFFF  }
.Ltmp29:
0x17b: {  	_ = 	snop;
	(pc) =	sbr.rel @p0 .LBB2_36-.Ltmp29, $1  }
0x17c: {  	_ =	sdelay $0x3  }
0x17d: {  	s0 =	sshll.u32 s3, $0x6  }
0x17e: {  	s0 =	sand.u32 $0x3FFFFFC0, s0  }
0x17f: {  	v0 =	vld [tilespmem:s0+$0xA138];
	_ =	sdelay $0x2  }
0x180: {  	s4 =	sshll.u32 s6, $0x8  }
0x181: {  	s4 =	sshra.s32 s4, $0x2  }
0x182: {  	[tilespmem:s4+$0xA138] =	vst.add.f32.msk $0xffff, v0  }
0x183: {  	v0 =	vld [tilespmem:s0+$0xA148];
	_ =	sdelay $0x4  }
0x184: {  	[tilespmem:s4+$0xA148] =	vst.add.f32.msk $0xffff, v0  }
0x185: {  	v0 =	vld [tilespmem:s0+$0xA158];
	_ =	sdelay $0x4  }
0x186: {  	[tilespmem:s4+$0xA158] =	vst.add.f32.msk $0xffff, v0  }
0x187: {  	v0 =	vld [tilespmem:s0+$0xA168]  }
.Ltmp30:
0x188: {  	_ = 	snop;
	(pc) =	sbr.rel .LBB2_37-.Ltmp30, $2  }
0x189: {  	_ =	sdelay $0x2  }
0x18a: {  	[tilespmem:s4+$0xA168] =	vst.add.f32.msk $0xffff, v0  }
.LBB2_38:
0x18b: {  	p0 =	slt.s32 s2, $0x1  }
.Ltmp31:
0x18c: {  	_ = 	snop;
	(pc) =	sbr.rel @p0 .LBB2_42-.Ltmp31, $3  }
0x18d: {  	_ =	sdelay $0x1  }
0x18e: {  	s0 =	simm.s32 $0x6  }
0x18f: {  	s3 =	simm.s32 $0x0;
	[sflag:s0] =	ssyncpa.u1 $0x1  }
0x190: {  	s0 =	simm.s32 $0xA118  }
0x191: {  	v0 =	vld.msk [tilespmem:s0+$0x0], $0x1;
	_ =	sdelay $0x4  }
0x192: {  	(v2sf) =	vpush v0, $0x0;
	_ =	sdelay $0xe  }
0x193: {  	s2 =	sadd.s32 $0xFFFFFFFF, s2;
	s0 =	spop (v2sf)  }
0x194: {  	p1 =	sne.s32 s2, $0x0;
	p0 =	sgt.u32 s0, $0x3F8  }
.Ltmp32:
0x195: {  	s5 =	sand.u32 @!p0 $0x3F8, s0;
	(pc) =	sbr.rel @!p1 .LBB2_41-.Ltmp32, $4  }
0x196: {  	s4 =	simm.s32 $0xA138;
	s0 =	sand.u32 @!p0 $0x7, s0;
	s5 =	sadd.s32 @!p0 s1, s5  }
0x197: {  	[hbm4b:s5+s0] =	stream.linear.scatter @!p0 [tilespmem:s4], [sflag:$0x5], $0x40, $0x38;
	[tilespmem:$0x1EF78] =	vst v63  }
0x198: {  	s0 =	simm.s32 $0x0  }
0x199: {  	s5 =	simm.s32 $0xA119;
	s0 =	simm.s32 @!p0 $0x100  }
.LBB2_40:
0x19a: {  	v0 =	vld.msk [tilespmem:s5+$0x0], $0x1;
	s2 =	sadd.s32 $0xFFFFFFFF, s2;
	s3 =	sadd.s32 s3, s0  }
0x19b: {  	p0 =	sne.s32 s2, $0x0;
	_ =	sdelay $0x3  }
0x19c: {  	(v2sf) =	vpush v0, $0x0;
	_ =	sdelay $0xe  }
.Ltmp33:
0x19d: {  	s6 =	spop (v2sf);
	(pc) =	sbr.rel @p0 .LBB2_40-.Ltmp33, $4  }
0x19e: {  	s0 =	simm.s32 $0x0;
	p1 =	sgt.u32 s6, $0x3F8  }
0x19f: {  	s4 =	sadd.s32 $0x40, s4;
	s0 =	simm.s32 @!p1 $0x100;
	s7 =	sand.u32 @!p1 $0x3F8, s6  }
0x1a0: {  	s5 =	sadd.s32 $0x1, s5;
	s6 =	sand.u32 @!p1 $0x7, s6;
	s7 =	sadd.s32 @!p1 s1, s7  }
0x1a1: {  	[hbm4b:s7+s6] =	stream.linear.scatter @!p1 [tilespmem:s4], [sflag:$0x5], $0x40, $0x38;
	[tilespmem:$0x1EF78] =	vst v63  }
.LBB2_41:
0x1a2: {  	s0 =	sadd.s32 s3, s0  }
0x1a3: {  	s3 =	sshrl.u32 s0, $0x2  }
.LBB2_42:
0x1a4: {  	s0 =	simm.s32 $0x5  }
0x1a5: {  	_ =	swait.ge [sflag:s0], s3  }
0x1a6: {  	s1 =	ssub.s32 $0x0, s3;
	[sflag:s0] =	ssyncset.done $0x0  }
0x1a7: {  	[sflag:s0] =	ssyncadd.s32 s1  }
0x1a8: {  	[sflag:s0] =	ssyncpa.u1 $0x1  }
0x1a9: {  	s30 =	simm.s32 $0x1;
	_ =	sfence  }
0x1aa: {  	[sflag:s30] =	ssyncpa.u1 $0x1  }
0x1ab: {  	_ =	strace $0x9000005F  }
0x1ac: {  	[bflag:$0x2] =	sbarrier.arrive $0xFFFF  }
0x1ad: {  	s31 =	rddreg [dreg:$0x1]  }
0x1ae: {  	s0 =	sadd.s32 $0x100000, s31  }
0x1af: {  	[sflag:s0] =	ssyncadd.tile.s32 $0x1;
	_ =	shalt  }
.Lfunc_end2:
_tile_overlayer_lowered:
.L_overlay_start_2:
0x1b0: {  	(tag) =	ssettag $0x2  }
0x1b1: {  	s0 =	rddreg [dreg:$0x0];
	s2 =	stileid.u32  }
0x1b2: {  	s1 =	rddreg [dreg:$0x1];
	p0 =	sne.s32 s2, $0x0  }
0x1b3: {  	s3 =	rddreg [dreg:$0x2];
	[bflag:$0x3] =	sbarrier.arrive $0xFFFF;
	s2 =	simm.s32 @!p0 $0x1C01  }
0x1b4: {  	[timem:s3], [sflag:s2] =	dma.local @!p0 [hbm:s0], s1  }
0x1b5: {  	s0 =	simm.s32 @!p0 $0x1  }
0x1b6: {  	_ =	swait.ge @!p0 [sflag:s0], s1  }
0x1b7: {  	s1 =	ssub.s32 @!p0 $0x0, s1;
	[sflag:s0] =	ssyncset.done @!p0 $0x0  }
0x1b8: {  	[sflag:s0] =	ssyncadd.s32 @!p0 s1  }
0x1b9: {  	[bflag:$0x3] =	sbarrier.arrive $0xFFFF  }
0x1ba: {  	_ =	shalt  }

// kernel: scatter_offload_async_start
scs
__scs_entry_jumppad:
0x0: {  	(pc) =	sbr.rel $0x88, $3  }
0x1: {  	(tag) =	ssettag $0x0;
	lr =	simm.s32 $0x1  }
0x2: {  	[smem:$0x3F77] =	sst lr;
	_ =	strace $0xD0000000  }
0x3: {  	_ = 	snop  }
0x4: {  	_ = 	snop  }
0x5: {  	_ = 	snop  }
0x6: {  	_ = 	snop  }
0x7: {  	_ = 	snop  }
__scs_overlays_trampoline_lowered:
0x8: {  	[smem:$0x3F86] =	sst s0  }
0x9: {  	[smem:$0x3F87] =	sst s1  }
0xa: {  	[smem:$0x3F88] =	sst s2  }
0xb: {  	[smem:$0x3F89] =	sst s3  }
0xc: {  	[smem:$0x3F8A] =	sst s4  }
0xd: {  	[smem:$0x3F8B] =	sst s5  }
0xe: {  	[smem:$0x3F8C] =	sst s6  }
0xf: {  	[smem:$0x3F8D] =	sst s7  }
0x10: {  	[smem:$0x3F8E] =	sst s8  }
0x11: {  	[smem:$0x3F8F] =	sst s9;
	s0 =	simm.s32 @!p0 $0x0  }
0x12: {  	s1 =	sld [smem:$0x3F75];
	s0 =	simm.s32 @p0 $0x1  }
0x13: {  	[smem:$0x3F90] =	sst s0;
	s0 =	simm.s32 @!p1 $0x0  }
0x14: {  	s2 =	sld [smem:$0x3F74];
	s0 =	simm.s32 @p1 $0x1  }
0x15: {  	[smem:$0x3F91] =	sst s0;
	s0 =	simm.s32 @!p2 $0x0  }
0x16: {  	s3 =	sld [smem:$0x3FDB];
	s0 =	simm.s32 @p2 $0x1  }
0x17: {  	s4 =	simm.s32 $0x1BF5;
	[smem:$0x3F93] =	sst s0  }
0x18: {  	s0 =	sld [smem:$0x3F76];
	_ =	swait.ge [sflag:s4], $0x0  }
0x19: {  	s7 =	sld [smem:$0x3F77]  }
0x1a: {  	s8 =	sadd.s32 $0xFFFFE003, lr  }
0x1b: {  	s9 =	sadd.s32 $0xFFFFFEF7, lr;
	s5 =	simm.s32 $0xFFFFFFFF;
	p2 =	slt.u32 s8, $0xFFFFF086  }
0x1c: {  	p1 =	slt.u32 s9, $0xF7A;
	s5 =	simm.s32 @!p2 $0x0  }
0x1d: {  	s5 =	simm.s32 @p1 $0x1;
	p0 =	seq.s32 s7, s2  }
0x1e: {  	s7 =	smul.u32 @!p0 $0xF7A, s2;
	p2 =	seq.s32 @!p0 s5, $0x0  }
0x1f: {  	s9 =	smul.u32 $0xF7A, s1;
	s8 =	simm.s32 @!p0 $0x1BF5;
	p2 =	por !p2, p0  }
0x20: {  	[sflag:s8] =	ssyncset.s32 @!p0 $0xFFFFF086;
	s6 =	sadd.s32 @!p0 s3, s7;
	s7 =	simm.s32 @!p0 $0x108  }
0x21: {  	s3 =	sadd.s32 s3, s9;
	s6 =	sadd.s32 @!p0 $0x88, s6;
	s7 =	simm.s32 @p2 $0x1082  }
0x22: {  	[simem:s7], [sflag:s8] =	dma.local @!p0 [hbm:s6], $0xF7A  }
0x23: {  	s9 =	sor.u32 $0xD0000000, s2;
	s6 =	simm.s32 $0x108;
	_ =	swait.ge @!p0 [sflag:s8], $0x0  }
0x24: {  	s3 =	sadd.s32 $0x88, s3;
	s6 =	simm.s32 @!p1 $0x1082;
	[sflag:s4] =	ssyncset.s32 $0xFFFFF086  }
0x25: {  	[simem:s6], [sflag:s4] =	dma.local [hbm:s3], $0xF7A  }
0x26: {  	[smem:$0x3F77] =	sst s1;
	(tag) =	ssettag s2;
	_ =	strace s9  }
0x27: {  	s1 =	sld [smem:$0x3F87]  }
0x28: {  	s2 =	sld [smem:$0x3F88]  }
0x29: {  	s4 =	sld [smem:$0x3F8A]  }
0x2a: {  	p0 =	seq.s32 s5, $0x0;
	s5 =	sld [smem:$0x3F8B]  }
0x2b: {  	s6 =	sld [smem:$0x3F8C]  }
0x2c: {  	s7 =	sld [smem:$0x3F8D]  }
0x2d: {  	s3 =	simm.s32 $0x108;
	s8 =	sld [smem:$0x3F8E]  }
0x2e: {  	s3 =	simm.s32 @!p0 $0x1082;
	s9 =	sld [smem:$0x3F8F]  }
0x2f: {  	lr =	sadd.s32 s0, s3;
	s0 =	sld [smem:$0x3F86]  }
0x30: {  	s3 =	sld [smem:$0x3F89]  }
0x31: {  	[smem:$0x3F92] =	sst s10  }
0x32: {  	s10 =	sld [smem:$0x3F90];
	_ =	sdelay $0x3  }
0x33: {  	p0 =	seq.s32 s10, $0x1;
	s10 =	sld [smem:$0x3F92];
	_ =	sdelay $0x3  }
0x34: {  	[smem:$0x3F92] =	sst s10  }
0x35: {  	s10 =	sld [smem:$0x3F91];
	_ =	sdelay $0x3  }
0x36: {  	p1 =	seq.s32 s10, $0x1;
	s10 =	sld [smem:$0x3F92];
	_ =	sdelay $0x3  }
0x37: {  	[smem:$0x3F92] =	sst s10  }
0x38: {  	s10 =	sld [smem:$0x3F93]  }
0x39: {  	_ = 	snop;
	(pc) =	sbr.ind lr, $3  }
0x3a: {  	_ = 	snop  }
0x3b: {  	_ = 	snop  }
0x3c: {  	p2 =	seq.s32 s10, $0x1;
	s10 =	sld [smem:$0x3F92]  }
0x3d: {  	_ =	shalt  }
0x3e: {  	_ =	shalt  }
0x3f: {  	_ =	shalt  }
0x40: {  	_ =	shalt  }
0x41: {  	_ =	shalt  }
0x42: {  	_ =	shalt  }
0x43: {  	_ =	shalt  }
0x44: {  	_ =	shalt  }
0x45: {  	_ =	shalt  }
0x46: {  	_ =	shalt  }
0x47: {  	_ =	shalt  }
0x48: {  	_ =	shalt  }
0x49: {  	_ =	shalt  }
0x4a: {  	_ =	shalt  }
0x4b: {  	_ =	shalt  }
0x4c: {  	_ =	shalt  }
0x4d: {  	_ =	shalt  }
0x4e: {  	_ =	shalt  }
0x4f: {  	_ =	shalt  }
0x50: {  	_ =	shalt  }
0x51: {  	_ =	shalt  }
0x52: {  	_ =	shalt  }
0x53: {  	_ =	shalt  }
0x54: {  	_ =	shalt  }
0x55: {  	_ =	shalt  }
0x56: {  	_ =	shalt  }
0x57: {  	_ =	shalt  }
0x58: {  	_ =	shalt  }
0x59: {  	_ =	shalt  }
0x5a: {  	_ =	shalt  }
0x5b: {  	_ =	shalt  }
0x5c: {  	_ =	shalt  }
0x5d: {  	_ =	shalt  }
0x5e: {  	_ =	shalt  }
0x5f: {  	_ =	shalt  }
0x60: {  	_ =	shalt  }
0x61: {  	_ =	shalt  }
0x62: {  	_ =	shalt  }
0x63: {  	_ =	shalt  }
0x64: {  	_ =	shalt  }
0x65: {  	_ =	shalt  }
0x66: {  	_ =	shalt  }
0x67: {  	_ =	shalt  }
0x68: {  	_ =	shalt  }
0x69: {  	_ =	shalt  }
0x6a: {  	_ =	shalt  }
0x6b: {  	_ =	shalt  }
0x6c: {  	_ =	shalt  }
0x6d: {  	_ =	shalt  }
0x6e: {  	_ =	shalt  }
0x6f: {  	_ =	shalt  }
0x70: {  	_ =	shalt  }
0x71: {  	_ =	shalt  }
0x72: {  	_ =	shalt  }
0x73: {  	_ =	shalt  }
0x74: {  	_ =	shalt  }
0x75: {  	_ =	shalt  }
0x76: {  	_ =	shalt  }
0x77: {  	_ =	shalt  }
0x78: {  	_ =	shalt  }
0x79: {  	_ =	shalt  }
0x7a: {  	_ =	shalt  }
0x7b: {  	_ =	shalt  }
0x7c: {  	_ =	shalt  }
0x7d: {  	_ =	shalt  }
0x7e: {  	_ =	shalt  }
0x7f: {  	_ =	shalt  }
0x80: {  	_ =	shalt  }
0x81: {  	_ =	shalt  }
0x82: {  	_ =	shalt  }
0x83: {  	_ =	shalt  }
0x84: {  	_ =	shalt  }
0x85: {  	_ =	shalt  }
0x86: {  	_ =	shalt  }
0x87: {  	_ =	shalt  }
.Lfunc_end0:
.L_simem_size_0:
called_computation_lowered:
.L_overlay_start_0:
0x88: {  	s0 =	sld [smem:$0x3FD9]  }
0x89: {  	s1 =	sld [smem:$0x3FFE];
	_ =	sdelay $0x3  }
0x8a: {  	s0 =	sadd.s32 s1, s0  }
0x8b: {  	[smem:$0x3F9E] =	sst s0  }
0x8c: {  	_ = 	snop  }
0x8d: {  	(tm) =	ssettm $0x1  }
0x8e: {  	s15 =	sld [smem:$0x3FFB];
	_ =	sdelay $0x3  }
0x8f: {  	_ =	strace s15  }
0x90: {  	s0 =	sld [smem:$0x3FFC];
	_ =	sdelay $0x3  }
0x91: {  	_ =	strace s0  }
0x92: {  	s0 =	sld [smem:$0x3FFD];
	_ =	sdelay $0x3  }
0x93: {  	_ =	strace s0  }
0x94: {  	_ =	strace $0x8FFFFFFF  }
0x95: {  	s16 =	sld [smem:$0x3FDB];
	_ =	sdelay $0x1  }
0x96: {  	s17 =	simm.s32 $_scs_section_size  }
0x97: {  	s2 =	simm.s32 $_size__tile_overlayer_lowered;
	s3 =	simm.s32 $_tile_overlayer_lowered  }
0x98: {  	s20 =	simm.s32 $0x1BFF;
	s19 =	sshll.u32 s3, $0x1;
	s0 =	sadd.s32 s17, s16  }
0x99: {  	s4 =	simm.s32 $0x0;
	s18 =	sshll.u32 s2, $0x1;
	s2 =	sadd.s32 s19, s0  }
0x9a: {  	[timem:s4], [sflag:s20] =	dma.local [hbm:s2], s18  }
0x9b: {  	_ =	swait.ge [sflag:s20], s18  }
0x9c: {  	s1 =	ssub.s32 $0x0, s18;
	[sflag:s20] =	ssyncset.done $0x0  }
0x9d: {  	[sflag:s20] =	ssyncadd.s32 s1;
	_ =	sdelay $0x1  }
0x9e: {  	s21 =	simm.s32 $0x1B8B  }
0x9f: {  	_ =	swait.ge [sflag:s21], $0x1  }
0xa0: {  	[sflag:s21] =	ssyncset.done $0x0  }
0xa1: {  	s23 =	simm.s32 $0x1B8E;
	s22 =	sld [smem:$0x3FFE];
	[sflag:s21] =	ssyncadd.s32 $0xFFFFFFFF  }
0xa2: {  	s24 =	simm.s32 $execute0_lowered;
	[smem:$0x3FD2] =	sst s23  }
0xa3: {  	s2 =	sshll.u32 s24, $0x1;
	_ =	strace $0x80000046;
	[dreg:$0x1] =	wrdreg $0xFFFFFFFF  }
0xa4: {  	s25 =	simm.s32 $_size_execute0_lowered;
	s0 =	sadd.s32 s0, s2;
	[dreg:$0x0] =	wrdreg $0x0  }
0xa5: {  	s2 =	sshll.u32 s25, $0x1;
	[dreg:$0x2] =	wrdreg s0  }
0xa6: {  	[dreg:$0x3] =	wrdreg s2  }
0xa7: {  	[dreg:$0x4] =	wrdreg $0xC0  }
0xa8: {  	_ =	task [dreg:s4], $0x5FFFF  }
0xa9: {  	[dreg:$0x1] =	wrdreg $0xFFFFFFFF  }
0xaa: {  	[dreg:$0x0] =	wrdreg $0x60  }
0xab: {  	[dreg:$0x2] =	wrdreg s22  }
0xac: {  	[dreg:$0x3] =	wrdreg $0xC  }
0xad: {  	_ =	task.clear_ibuf [dreg:s4], $0x4FFFF;
	_ =	strace $0x90000046  }
0xae: {  	s26 =	simm.s32 $0xC;
	_ =	strace $0x80000048  }
0xaf: {  	_ =	swait.ge [sflag:s26], $0x1  }
0xb0: {  	[sflag:s26] =	ssyncadd.s32 $0xFFFFFFFF  }
0xb1: {  	_ =	strace $0x90000048  }
0xb2: {  	_ =	sfence  }
0xb3: {  	s28 =	sld [smem:$0x0];
	_ =	sdelay $0x1  }
0xb4: {  	s29 =	srdreg.scid  }
0xb5: {  	s30 =	sshll.u32 s29, $0xD;
	s31 =	sshrl.u32 s29, $0x2  }
0xb6: {  	s1 =	sand.u32 $0x1, s29;
	s2 =	sand.u32 $0x4000, s30;
	s0 =	sadd.s32 s31, s28  }
0xb7: {  	s1 =	sor.u32 s2, s1;
	s0 =	sshll.u32 s0, $0x11  }
0xb8: {  	s0 =	sor.u32 s0, s1  }
0xb9: {  	s0 =	sadd.s32 $0x8F2B, s0  }
0xba: {  	[sflag:s0] =	ssyncadd.remote.s32 $0x1  }
0xbb: {  	_ =	sfence.sel $0xFFFF  }
0xbc: {  	[dreg:$0x0] =	wrdreg $0xFFFFFFFF;
	(pc) =	sbr.abs _section_cstart, $3  }
0xbd: {  	[dreg:$0x1] =	wrdreg $0xFFFFFFFF  }
0xbe: {  	_ =	task.clear_ibuf [dreg:s4], $0x2FFFF;
	_ =	strace $0x9FFFFFFF  }
0xbf: {  	(tm) =	ssettm $0x7FFFFFFF  }
tec
execute0_lowered:
.L_overlay_start_1:
0x0: {  	(tag) =	ssettag $0x1  }
0x1: {  	s0 =	rddreg [dreg:$0x0];
	s14 =	stileid.u32  }
0x2: {  	_ =	strace $0x80000047;
	s2 =	simm.s32 $0x1;
	s1 =	smul.u32 $0x6, s14  }
0x3: {  	v1 =	vimm.s32 $0xFFFFFFFF;
	s3 =	smin.u32 s14, $0x4;
	[sflag:s2] =	ssyncpa.u1 $0x0  }
0x4: {  	[tilespmem:$0x10] =	vst v1;
	s1 =	sadd.s32 s3, s1  }
0x5: {  	v0 =	vimm.f32 $0.0e+00;
	p0 =	slt.u32 s14, $0x4;
	[tilespmem:$0x20] =	vst v1;
	s3 =	smul.u32 $0x1F40, s1;
	s1 =	simm.s32 $0xDAC0  }
0x6: {  	[tilespmem:$0x30] =	vst v0;
	s1 =	simm.s32 @!p0 $0xBB80  }
0x7: {  	[tilespmem:$0x40] =	vst v0;
	s1 =	sadd.s32 s1, s3  }
0x8: {  	[tilespmem:$0x50] =	vst v0;
	s4 =	smin.u32 s1, $0xC3500  }
0x9: {  	[tilespmem:$0x60] =	vst v1;
	s9 =	ssub.s32 s4, s3  }
0xa: {  	s7 =	simm.s32 $0x2;
	s8 =	simm.s32 $0x8;
	[tilespmem:$0x70] =	vst v1;
	p0 =	sgt.s32 s9, $0x0  }
0xb: {  	s31 =	simm.s32 $0x9;
	s16 =	simm.s32 $0x0;
	[tilespmem:$0x80] =	vst v1;
	s9 =	simm.s32 @!p0 $0x0  }
0xc: {  	s17 =	simm.s32 $0xF0;
	s18 =	simm.s32 $0xFFFFFFFF;
	v1 =	vimm.s32 $0x0;
	[tilespmem:$0xB0] =	vst v0;
	s5 =	smulhi.u32 $0x10624DD3, s9  }
0xd: {  	s19 =	simm.s32 $0xFFFFC280;
	s20 =	simm.s32 $0xFFFFFFFE;
	s21 =	simm.s32 $0xF;
	[tilespmem:$0x90] =	vst v1  }
0xe: {  	[tilespmem:$0xA0] =	vst v1;
	[sflag:s7] =	ssyncpa.u1 $0x0;
	s7 =	simm.s32 $0x7;
	s10 =	sshrl.u32 s5, $0x9  }
0xf: {  	s25 =	simm.s32 $0x0;
	[sflag:s7] =	ssyncpa.u1 $0x0;
	s11 =	smul.u32 $0x1F40, s10  }
0x10: {  	s24 =	simm.s32 $0x0;
	s6 =	sadd.s32 $0x3AA00, s0;
	[sflag:s8] =	ssyncpa.u1 $0x0  }
.Ltmp0:
0x11: {  	[sflag:s31] =	ssyncpa.u1 $0x0;
	p0 =	sne.s32 s9, s11;
	(pc) =	sbr.rel .LBB2_1-.Ltmp0, $4  }
0x12: {  	s23 =	smov.u32 s3;
	s1 =	sadd.s32 $0x53200, s0;
	s2 =	simm.s32 @!p0 $0x0  }
0x13: {  	s5 =	sadd.s32 $0x22200, s0;
	p0 =	por $0x0, $0x0;
	s9 =	sadd.s32 s2, s10  }
0x14: {  	vm0 =	vmmov $0xffff;
	v2 =	vlaneseq.u32;
	s10 =	sshll.u32 s14, $0x1;
	s14 =	sshllo.u32 s14, $0x1;
	s11 =	sadd.s32 $0x1, s9  }
0x15: {  	vm1 =	vmxor vm1, vm1;
	vm2 =	vmmov $0x1;
	vm3 =	vcmask $0x3F3C;
	s12 =	sadd.s32 $0x2, s9;
	s13 =	sor.u32 $0x81, s10;
	s15 =	sor.u32 $0x80, s10  }
.LBB2_9:
0x16: {  	p1 =	slt.u32 s24, $0x3  }
0x17: {  	s0 =	simm.s32 @!p1 $0x2  }
0x18: {  	_ =	swait.ge @!p1 [sflag:s0], $0x1F40  }
0x19: {  	[sflag:s0] =	ssyncset.done @!p1 $0x0  }
0x1a: {  	[sflag:s0] =	ssyncadd.s32 @!p1 $0xFFFFE0C0;
	s0 =	simm.s32 @!p1 $0x9  }
0x1b: {  	_ =	swait.ge @!p1 [sflag:s0], $0x10  }
0x1c: {  	[sflag:s0] =	ssyncset.done @!p1 $0x0  }
0x1d: {  	[sflag:s0] =	ssyncadd.s32 @!p1 $0xFFFFFFF0;
	p1 =	sne.s32 s24, s12  }
.Ltmp1:
0x1e: {  	s2 =	sadd.s32 $0x1F40, s23;
	(pc) =	sbr.rel @!p1 .LBB2_10-.Ltmp1, $4  }
0x1f: {  	s22 =	smov.u32 s3;
	s31 =	sadd.s32 $0x1, s24;
	s17 =	sadd.s32 $0x1F40, s17  }
0x20: {  	s18 =	sadd.s32 $0x1, s18;
	s25 =	smov.u32 s23;
	p2 =	slt.s32 s2, s4  }
0x21: {  	p0 =	por !p0, !p0;
	s19 =	sadd.s32 $0x1F40, s19;
	s22 =	smov.u32 @p2 s2  }
0x22: {  	s20 =	sadd.s32 $0x1, s20;
	s23 =	smov.u32 s22;
	s24 =	smov.u32 s31  }
.LBB2_1:
0x23: {  	p1 =	sge.u32 s24, s9  }
0x24: {  	s0 =	smulhi.u32 @!p1 $0xAAAAAAAB, s24;
	_ =	sdelay $0x1  }
0x25: {  	s0 =	sshrl.u32 @!p1 s0, $0x1  }
0x26: {  	s0 =	smul.u32 @!p1 $0x3, s0;
	_ =	sdelay $0x1  }
0x27: {  	s0 =	ssub.s32 @!p1 s24, s0  }
0x28: {  	s0 =	smul.u32 @!p1 $0x7D00, s0;
	_ =	sdelay $0x1  }
0x29: {  	s2 =	sshrl.u32 @!p1 s23, $0x3;
	s0 =	sshrl.u32 @!p1 s0, $0x2  }
0x2a: {  	s22 =	sand.u32 @!p1 $0x7, s23;
	s2 =	sadd.s32 @!p1 s5, s2;
	s0 =	sadd.s32 @!p1 $0x100, s0  }
0x2b: {  	[tilespmem:s0], [sflag:$0x7] =	stream.linear.gather @!p1 [hbm4b:s2+s22], $0x1F40, $0x38;
	[tilespmem:$0x11A60] =	vst v63  }
0x2c: {  	s0 =	sadd.s32 $0xFFFFFFFF, s24  }
0x2d: {  	p1 =	sge.u32 s0, s9  }
.Ltmp2:
0x2e: {  	_ = 	snop;
	(pc) =	sbr.rel @p1 .LBB2_5-.Ltmp2, $1  }
0x2f: {  	_ =	sdelay $0x3  }
0x30: {  	s2 =	smulhi.u32 $0xAAAAAAAB, s0;
	_ =	sdelay $0x1  }
0x31: {  	s2 =	sshrl.u32 s2, $0x1  }
0x32: {  	s2 =	smul.u32 $0x3, s2;
	_ =	sdelay $0x1  }
0x33: {  	s2 =	ssub.s32 s0, s2  }
0x34: {  	s2 =	smul.u32 $0x7D00, s2  }
0x35: {  	_ =	swait.ge [sflag:s7], $0x1F40  }
0x36: {  	[sflag:s7] =	ssyncset.done $0x0;
	s2 =	sshrl.u32 s2, $0x2  }
0x37: {  	[sflag:s7] =	ssyncadd.s32 $0xFFFFE0C0;
	(ifvalue) =	ssetifvalue $0xFFFFFFFF;
	v3 =	vld.msk [tilespmem:s2+$0x100 ss:$0x1], $0xffff;
	_ =	sdelay $0x2  }
0x38: {  	s30 =	smulhi.u32 $0xAAAAAAAB, s18;
	p1 =	sne.s32 s24, $0x1  }
0x39: {  	v4 =	vimm.s32 @!p1 $0x0  }
0x3a: {  	s2 =	sshrl.u32 s30, $0x1;
	v4 =	vperm.xlane @!p1 v3, v4  }
0x3b: {  	s22 =	sshll.u32 s24, $0x4;
	s2 =	smul.u32 $0xFFFE8900, s2;
	vm4 =	vlt.u32 v3, $0xC400  }
0x3c: {  	s22 =	sand.u32 $0x10, s22;
	v3 =	vnsel vm4, $0xFFFFFFFE, v3;
	vm4 =	vlt.u32 @!p1 v4, $0xC400  }
0x3d: {  	s2 =	sshra.s32 s2, $0x2;
	[tilespmem:s22+$0x60] =	vst v3;
	v3 =	vnsel @!p1 vm4, $0xFFFFFFFE, v4  }
0x3e: {  	s28 =	sadd.s32 s2, s17;
	[tilespmem:$0x80] =	vst @!p1 v3  }
0x3f: {  	v3 =	vld.msk [tilespmem:s28+$0x0 ss:$0x1], $0xffff;
	_ =	sdelay $0x4  }
0x40: {  	(xrf1) =	vunique.msk.u32 $0xffff, v3;
	_ =	sdelay $0xd  }
0x41: {  	v4 =	vimm.s32 $0xFFFFFFFF;
	v5, _, _ =	vpop (xrf1)  }
0x42: {  	vm5 =	vne.s32 v3, v4;
	vm4 =	veq.s32 v5, v2  }
0x43: {  	vm6 =	vlt.u32 v3, $0xC400;
	vm4 =	vmand vm5, vm4  }
0x44: {  	vm4 =	vmand vm6, vm4  }
0x45: {  	v4 =	vnsel vm4, $0xFFFFFFFF, v3  }
0x46: {  	s31 =	sand.u32 $0x1, s0  }
0x47: {  	s0 =	simm.s32 $0x1F40;
	p1 =	seq.s32 s31, $0x1  }
0x48: {  	s0 =	simm.s32 @!p1 $0x0  }
0x49: {  	s26 =	sadd.s32 $0x7DF0, s0;
	(ifvalue) =	ssetifvalue $0xFFFFFFFF  }
0x4a: {  	v3 =	vperm.xlane v3, v1;
	[tilespmem:s26], [sflag:$0x8] =	stream.indirect_vreg.gather [hbm4b:s1+s16], $0x1, v4, vm0, $0x4038;
	v4 =	vnsel vm6, $0xFFFFFFFE, v4;
	[tilespmem:$0x11A60] =	vst v63  }
0x4b: {  	s2 =	simm.s32 $0x0;
	s22 =	sadd.s32 $0xFFFFFFF0, s28;
	[tilespmem:s28+$0x0] =	vst v4  }
.LBB2_3:
0x4c: {  	v4 =	vld.msk [tilespmem:s22+$0x0 ss:$0x1], $0xffff;
	s2 =	sadd.s32 $0x10, s2;
	v5 =	vmov v3;
	s28 =	smov.u32 s22  }
0x4d: {  	p1 =	slt.u32 s2, $0x1F30;
	_ =	sdelay $0x4  }
0x4e: {  	v3 =	vperm.xlane v4, v1;
	(xrf1) =	vunique.msk.u32 $0xffff, v4;
	_ =	sdelay $0xd  }
0x4f: {  	v6, _, _ =	vpop (xrf1)  }
0x50: {  	vm5 =	vne.s32 v4, v5;
	vm4 =	veq.s32 v6, v2  }
0x51: {  	vm6 =	vlt.u32 v4, $0xC400;
	vm4 =	vmand vm5, vm4  }
0x52: {  	vm4 =	vmand vm6, vm4  }
0x53: {  	v4 =	vnsel vm4, $0xFFFFFFFF, v4  }
.Ltmp3:
0x54: {  	v5 =	vnsel vm6, $0xFFFFFFFE, v4;
	(pc) =	sbr.rel @p1 .LBB2_3-.Ltmp3, $3  }
0x55: {  	_ =	sdelay $0x1  }
0x56: {  	s22 =	sadd.s32 $0xFFFFFFF0, s22;
	s26 =	sadd.s32 $0xFFFFFFF0, s26;
	(ifvalue) =	ssetifvalue $0xFFFFFFFF  }
0x57: {  	[tilespmem:s26], [sflag:$0x8] =	stream.indirect_vreg.gather [hbm4b:s1+s16], $0x1, v4, vm0, $0x4038;
	[tilespmem:s28+$0x0] =	vst v5  }
0x58: {  	s2 =	sshrl.u32 s25, $0x3  }
0x59: {  	s0 =	sadd.s32 $0x9D40, s0;
	s2 =	sadd.s32 s6, s2  }
0x5a: {  	[tilespmem:s0], [sflag:$0x8] =	stream.linear.gather [hbm:s2], $0x1F40, $0x38;
	[tilespmem:$0x11A60] =	vst v63  }
.LBB2_5:
0x5b: {  	p1 =	slt.u32 s24, $0x2  }
0x5c: {  	p2 =	sge.u32 @!p1 s24, s12  }
0x5d: {  	p1 =	por p1, p2  }
.Ltmp4:
0x5e: {  	_ = 	snop;
	(pc) =	sbr.rel @p1 .LBB2_9-.Ltmp4, $1  }
0x5f: {  	_ =	sdelay $0x3  }
0x60: {  	s0 =	sadd.s32 $0xFFFFFFFE, s24  }
0x61: {  	s2 =	smulhi.u32 $0xAAAAAAAB, s0;
	_ =	sdelay $0x1  }
0x62: {  	s2 =	sshrl.u32 s2, $0x1  }
0x63: {  	s2 =	smul.u32 $0x3, s2;
	_ =	sdelay $0x1  }
0x64: {  	s0 =	ssub.s32 s0, s2  }
0x65: {  	_ =	swait.ge [sflag:s8], $0x3E80;
	s0 =	smul.u32 $0x1F40, s0  }
0x66: {  	p1 =	sne.s32 s24, s11;
	[sflag:s8] =	ssyncset.done $0x0  }
0x67: {  	[sflag:s8] =	ssyncadd.s32 $0xFFFFC180;
	s2 =	sadd.s32 @!p1 $0x203F, s0  }
0x68: {  	[spmem:s13] =	stream.linear.scatter @!p1 [tilespmem:s2], [sflag:$0x1], $0x1, $0x38;
	[tilespmem:$0x11A60] =	vst v63  }
0x69: {  	s2 =	simm.s32 @!p1 $0x1  }
0x6a: {  	_ =	swait.ge @!p1 [sflag:s2], $0x1  }
0x6b: {  	s22 =	sshll.u32 s24, $0x4;
	[sflag:s2] =	ssyncset.done @!p1 $0x0  }
0x6c: {  	s25 =	sand.u32 $0x10, s22;
	[sflag:s2] =	ssyncadd.s32 @!p1 $0xFFFFFFFF  }
0x6d: {  	s2 =	sxor.u32 $0x10, s25;
	v4 =	vld [tilespmem:s25+$0x10]  }
0x6e: {  	v5 =	vld [tilespmem:s2+$0x60]  }
0x6f: {  	v3 =	vld [tilespmem:$0x80];
	_ =	sdelay $0x2  }
0x70: {  	(v2sf) =	vpush v4, $0x0  }
0x71: {  	(v2sf) =	vpush v5, $0x0  }
0x72: {  	(v2sf) =	vpush v3, $0x0;
	_ =	sdelay $0xc  }
0x73: {  	s22 =	spop (v2sf)  }
0x74: {  	s26 =	spop (v2sf)  }
0x75: {  	s28 =	spop (v2sf)  }
0x76: {  	p2 =	seq.s32 s22, s26;
	p3 =	seq.s32 s28, s22  }
0x77: {  	p3 =	por p2, p3  }
0x78: {  	s26 =	sand.u32 $0x1, s24;
	v4 =	vpsel p3, $0xFFFFFFFF, v4  }
0x79: {  	s29 =	smul.u32 $0x1F40, s26;
	[tilespmem:s25+$0x10] =	vst.msk $0x1, v4  }
0x7a: {  	v4 =	vld [tilespmem:$0x30]  }
0x7b: {  	v5 =	vld [tilespmem:s29+$0x9D40]  }
0x7c: {  	v6 =	vld [tilespmem:s25+$0x40];
	_ =	sdelay $0x3  }
0x7d: {  	vm4 =	vmmov vm1;
	v5 =	vadd.f32 v5, v4  }
0x7e: {  	vm5 =	vmmov vm2;
	vm4 =	vmmov @p2 vm2;
	s22 =	sshll.u32 s26, $0x4;
	v4 =	vadd.f32 v6, v4  }
0x7f: {  	s26 =	sor.u32 $0x11A40, s22;
	vm5 =	vmmov @p3 vm1;
	[tilespmem:s29+$0x9D40] =	vst.msk vm4, v5  }
0x80: {  	[tilespmem:s26+$0x0] =	vst.msk vm5, v4  }
0x81: {  	v4 =	vld [tilespmem:s29+$0x7DF0];
	_ =	sdelay $0x3  }
0x82: {  	v5 =	vimm.f32 $0.0e+00  }
0x83: {  	v4 =	vshift.insert v4, v5, s21  }
0x84: {  	s22 =	sor.u32 $0x40, s2  }
0x85: {  	[tilespmem:s22+$0x0] =	vst.msk $0x1, v4  }
0x86: {  	[tilespmem:s29+$0x7DFF] =	vst.msk $0x1, v5  }
0x87: {  	v4 =	vld [tilespmem:s0+$0x2030];
	_ =	sdelay $0x1  }
0x88: {  	s22 =	smulhi.u32 $0xAAAAAAAB, s20;
	s0 =	simm.s32 $0x1  }
0x89: {  	s0 =	simm.s32 @!p0 $0x0  }
0x8a: {  	s22 =	sshrl.u32 s22, $0x1;
	s0 =	smul.u32 $0x7D00, s0  }
0x8b: {  	s22 =	smul.u32 $0xFFFE8900, s22;
	v4 =	vshift.insert v4, v1, s21  }
0x8c: {  	s0 =	sshrl.u32 s0, $0x2  }
0x8d: {  	s22 =	sshra.s32 s22, $0x2;
	s30 =	sadd.s32 $0x9D40, s0;
	[tilespmem:s2+$0x10] =	vst.msk $0x1, v4  }
0x8e: {  	s22 =	sadd.s32 s22, s19;
	v6 =	vld [tilespmem:s30+$0x0]  }
0x8f: {  	v7 =	vld [tilespmem:s22+$0x0];
	_ =	sdelay $0x3  }
0x90: {  	v5 =	vadd.f32 v6, v5  }
0x91: {  	vm4 =	vne.s32 v7, $0xFFFFFFFF  }
0x92: {  	(xrf2) =	vadd.seg.scan.f32 vm4, v5;
	_ =	sdelay $0x3  }
0x93: {  	s31 =	sadd.s32 $0x5EC0, s0;
	v5 =	vperm.xlane v4, v1  }
0x94: {  	v6 =	vld [tilespmem:s31+$0x0]  }
0x95: {  	vm5 =	veq.s32 v7, v3;
	vm6 =	veq.s32 v7, v5  }
0x96: {  	vm7 =	vgt.u32 v7, $0xFFFFFFFD;
	vm6 =	vmor vm6, vm5  }
0x97: {  	vm6 =	vmor vm6, vm7  }
0x98: {  	v9 =	vld [tilespmem:$0xA0];
	v7 =	vsel vm6, $0xFFFFFFFF, v7  }
0x99: {  	v10 =	vld [tilespmem:$0x90];
	v6 =	vsel vm5, $0x0, v6;
	v8, _, _ =	vpop (xrf2)  }
0x9a: {  	v6 =	vadd.f32 v8, v6  }
0x9b: {  	s0 =	sadd.s32 $0xDBC0, s0  }
0x9c: {  	vm4 =	vmand vm4, vm3;
	[tilespmem:s0+$0x0] =	vst v6;
	(ifvalue) =	ssetifvalue $0xFFFFFFFF  }
0x9d: {  	vm6 =	veq.s32 v9, $0x1;
	[hbm4b:s1+s16] =	stream.indirect_vreg.scatter [tilespmem:s0], [sflag:$0x2], $0x1, v7, vm0, $0x4038;
	v7 =	vsel vm4, $0x0, v8;
	[tilespmem:$0x11A60] =	vst v63  }
0x9e: {  	s2 =	simm.s32 $0x0;
	s22 =	sadd.s32 $0x10, s22;
	vm4 =	vmor vm6, vm5;
	v6 =	vsel vm5, v8, v10;
	v7 =	vshift.insert v7, v0, s21  }
.LBB2_7:
0x9f: {  	v8 =	vld [tilespmem:s22+$0x0];
	s30 =	sadd.s32 $0x10, s30  }
0xa0: {  	s31 =	sadd.s32 $0x10, s31;
	v9 =	vld [tilespmem:s30+$0x0]  }
0xa1: {  	s2 =	sadd.s32 $0x10, s2;
	v10 =	vld [tilespmem:s31+$0x0]  }
0xa2: {  	p2 =	slt.u32 s2, $0x1F30;
	_ =	sdelay $0x2  }
0xa3: {  	v7 =	vadd.f32 v9, v7  }
0xa4: {  	vm5 =	vne.s32 v8, $0xFFFFFFFF  }
0xa5: {  	vm6 =	vmand vm5, vm3;
	(xrf2) =	vadd.seg.scan.f32 vm5, v7;
	_ =	sdelay $0x5  }
0xa6: {  	vm7 =	veq.s32 v8, v5;
	vm5 =	veq.s32 v8, v3  }
0xa7: {  	vm8 =	vgt.u32 v8, $0xFFFFFFFD;
	vm4 =	vmor vm4, vm5;
	vm7 =	vmor vm7, vm5  }
0xa8: {  	vm7 =	vmor vm7, vm8  }
0xa9: {  	v8 =	vsel vm7, $0xFFFFFFFF, v8  }
.Ltmp5:
0xaa: {  	v7 =	vsel vm5, $0x0, v10;
	v9, _, _ =	vpop (xrf2);
	(pc) =	sbr.rel @p2 .LBB2_7-.Ltmp5, $4  }
0xab: {  	v6 =	vsel vm5, v9, v6;
	v10 =	vadd.f32 v9, v7;
	v7 =	vsel vm6, $0x0, v9  }
0xac: {  	s0 =	sadd.s32 $0x10, s0;
	v7 =	vshift.insert v7, v0, s21  }
0xad: {  	s22 =	sadd.s32 $0x10, s22;
	[tilespmem:s0+$0x0] =	vst v10;
	(ifvalue) =	ssetifvalue $0xFFFFFFFF  }
0xae: {  	[hbm4b:s1+s16] =	stream.indirect_vreg.scatter [tilespmem:s0], [sflag:$0x2], $0x1, v8, vm0, $0x4038;
	[tilespmem:$0x11A60] =	vst v63  }
0xaf: {  	v3 =	vld [tilespmem:s29+$0xFAF0];
	_ =	sdelay $0x4  }
0xb0: {  	v3 =	vshift.insert v3, v0, s21  }
0xb1: {  	s0 =	simm.s32 $0x30  }
0xb2: {  	[tilespmem:s0+$0x0] =	vst.msk $0x1, v3  }
0xb3: {  	v3 =	vsel vm4, $0x1, v1;
	[tilespmem:$0x90] =	vst v6  }
0xb4: {  	s0 =	sadd.s32 @!p1 $0xFAFF, s29;
	[tilespmem:$0xA0] =	vst v3  }
0xb5: {  	[spmem:s14] =	stream.linear.scatter @!p1 [tilespmem:s0], [sflag:$0x1], $0x1, $0x38;
	[tilespmem:$0x11A60] =	vst v63  }
0xb6: {  	s0 =	simm.s32 @!p1 $0x1  }
0xb7: {  	v3 =	vmctz.xlane @!p1 vm4;
	_ =	swait.ge @!p1 [sflag:s0], $0x1  }
0xb8: {  	(v2sf) =	vpush @!p1 v4, $0x0  }
0xb9: {  	(v2sf) =	vpush @!p1 v3, $0x0;
	_ =	sdelay $0xd  }
0xba: {  	s2 =	spop @!p1 (v2sf)  }
0xbb: {  	s22 =	spop @!p1 (v2sf)  }
0xbc: {  	p2 =	sne.s32 @!p1 s28, s2;
	p3 =	slt.s32 @!p1 s22, $0xF  }
0xbd: {  	[sflag:s0] =	ssyncset.done @!p1 $0x0;
	p2 =	por p2, p1;
	p3 =	por !p3, p1  }
0xbe: {  	[sflag:s0] =	ssyncadd.s32 @!p1 $0xFFFFFFFF;
	v3 =	vimm.s32 @!p2 $0xFFFFFFFF;
	s22 =	simm.s32 @p3 $0xF  }
0xbf: {  	[tilespmem:$0x80] =	vst @!p2 v3;
	s2 =	sadd.s32 @!p1 $0x90, s22  }
0xc0: {  	[spmem:s10] =	stream.linear.scatter @!p1 [tilespmem:s2], [sflag:$0x1], $0x1, $0x38;
	[tilespmem:$0x11A60] =	vst v63  }
0xc1: {  	_ =	swait.ge @!p1 [sflag:s0], $0x1  }
0xc2: {  	[sflag:s0] =	ssyncset.done @!p1 $0x0  }
0xc3: {  	s2 =	simm.s32 @!p1 $0x80;
	[sflag:s0] =	ssyncadd.s32 @!p1 $0xFFFFFFFF  }
0xc4: {  	[spmem:s15] =	stream.linear.scatter @!p1 [tilespmem:s2], [sflag:$0x1], $0x1, $0x38;
	[tilespmem:$0x11A60] =	vst v63  }
0xc5: {  	_ =	swait.ge @!p1 [sflag:s0], $0x1  }
0xc6: {  	[sflag:s0] =	ssyncset.done @!p1 $0x0  }
0xc7: {  	[sflag:s0] =	ssyncadd.s32 @!p1 $0xFFFFFFFF;
	(ifvalue) =	ssetifvalue $0xFFFFFFFF;
	v3 =	vld [tilespmem:s25+$0x10];
	_ =	sdelay $0x3  }
.Ltmp6:
0xc8: {  	_ = 	snop;
	(pc) =	sbr.rel .LBB2_9-.Ltmp6, $3  }
0xc9: {  	_ =	sdelay $0x1  }
0xca: {  	(ifvalue) =	ssetifvalue $0xFFFFFFFF  }
0xcb: {  	[hbm4b:s1+s16] =	stream.indirect_vreg.scatter [tilespmem:s26], [sflag:$0x9], $0x1, v3, vm0, $0x4038;
	[tilespmem:$0x11A60] =	vst v63  }
.LBB2_10:
0xcc: {  	_ =	sfence.sel $0x180000  }
0xcd: {  	s0 =	simm.s32 $0x7;
	[bflag:$0x0] =	sbarrier.arrive $0xFFFF  }
0xce: {  	s26 =	simm.s32 $0x8;
	[sflag:s0] =	ssyncpa.u1 $0x1  }
0xcf: {  	s28 =	simm.s32 $0x9;
	[sflag:s26] =	ssyncpa.u1 $0x1  }
0xd0: {  	[sflag:s28] =	ssyncpa.u1 $0x1  }
0xd1: {  	_ =	sfence.stream.spmem  }
0xd2: {  	s29 =	simm.s32 $0x3;
	[bflag:$0x0] =	sbarrier.arrive $0xFFFF  }
0xd3: {  	s30 =	simm.s32 $0x4;
	[sflag:s29] =	ssyncpa.u1 $0x1  }
0xd4: {  	s31 =	simm.s32 $0x3C;
	s2 =	stileid.u32;
	[sflag:s30] =	ssyncpa.u1 $0x1  }
0xd5: {  	p0 =	sne.s32 s2, $0x0;
	[sflag:s31] =	ssyncpa.u1 $0x1  }
0xd6: {  	s0 =	simm.s32 @p0 $0x1;
	_ =	sfence @p0  }
0xd7: {  	[sflag:s0] =	ssyncpa.u1 @p0 $0x1;
	s0 =	simm.s32 @p0 $0x2  }
0xd8: {  	[sflag:s0] =	ssyncpa.u1 @p0 $0x1  }
0xd9: {  	_ =	strace @p0 $0x90000047  }
0xda: {  	[bflag:$0x2] =	sbarrier.arrive @p0 $0xFFFF  }
0xdb: {  	_ =	shalt @p0  }
.LBB2_11:
0xdc: {  	_ =	sfence.stream.spmem;
	s0 =	simm.s32 $0x5  }
0xdd: {  	s2 =	simm.s32 $0x80;
	s3 =	simm.s32 $0xC0;
	[sflag:s0] =	ssyncpa.u1 $0x0  }
0xde: {  	[tilespmem:s3], [sflag:$0x5] =	stream.linear.gather [spmem:s2], $0x20, $0x38;
	[tilespmem:$0x11A60] =	vst v63  }
0xdf: {  	s2 =	simm.s32 $0x0;
	s3 =	simm.s32 $0xE0  }
0xe0: {  	[tilespmem:s3], [sflag:$0x5] =	stream.linear.gather [spmem:s2], $0x20, $0x38;
	[tilespmem:$0x11A60] =	vst v63  }
.Ltmp7:
0xe1: {  	_ = 	snop;
	(pc) =	sbr.rel .LBB2_12-.Ltmp7, $4  }
0xe2: {  	_ =	swait.ge [sflag:s0], $0x40  }
0xe3: {  	[sflag:s0] =	ssyncset.done $0x0  }
0xe4: {  	s31 =	simm.s32 $0x6;
	[sflag:s0] =	ssyncadd.s32 $0xFFFFFFC0  }
0xe5: {  	s4 =	simm.s32 $0x0;
	[sflag:s31] =	ssyncpa.u1 $0x0  }
.LBB2_17:
0xe6: {  	p0 =	sgt.u32 s5, $0xC3FF  }
0xe7: {  	s0 =	sshrl.u32 @!p0 s5, $0x3  }
0xe8: {  	s5 =	sand.u32 @!p0 $0x7, s5;
	s6 =	simm.s32 @!p0 $0xB0;
	s0 =	sadd.s32 @!p0 s1, s0  }
0xe9: {  	[tilespmem:s6], [sflag:$0x6] =	stream.linear.gather @!p0 [hbm4b:s0+s5], $0x1, $0x38;
	[tilespmem:$0x11A60] =	vst v63  }
0xea: {  	s0 =	simm.s32 @!p0 $0x6  }
0xeb: {  	_ =	swait.ge @!p0 [sflag:s0], $0x1  }
0xec: {  	[sflag:s0] =	ssyncset.done @!p0 $0x0  }
0xed: {  	[sflag:s0] =	ssyncadd.s32 @!p0 $0xFFFFFFFF  }
0xee: {  	v2 =	vmov @!p0 s4;
	v1 =	vld.msk @!p0 [tilespmem:$0xB0], $0x1;
	_ =	sdelay $0x3  }
0xef: {  	s0 =	simm.s32 @!p0 $0xE0  }
0xf0: {  	[tilespmem:v2+s0+$0x0], v1 =	vst.idx.ret.add.f32.msk @!p0 $0x1, v1  }
0xf1: {  	[tilespmem:s2+$0xC0] =	vst.msk $0x1, v0  }
0xf2: {  	v0 =	vld.msk [tilespmem:s4+$0xE0], $0x1;
	_ =	sdelay $0x4  }
0xf3: {  	[tilespmem:s2+$0xE0] =	vst.msk $0x1, v0;
	s2 =	sadd.s32 $0x1, s2  }
.LBB2_19:
0xf4: {  	s4 =	sadd.s32 $0x1, s4  }
0xf5: {  	p0 =	sne.s32 s4, $0x20  }
.Ltmp8:
0xf6: {  	_ = 	snop;
	(pc) =	sbr.rel @!p0 .LBB2_20-.Ltmp8, $1  }
0xf7: {  	_ =	sdelay $0x3  }
.LBB2_12:
0xf8: {  	v0 =	vld.msk [tilespmem:s4+$0xC0], $0x1;
	_ =	sdelay $0x4  }
0xf9: {  	(v2sf) =	vpush v0, $0x0;
	_ =	sdelay $0xe  }
0xfa: {  	s5 =	spop (v2sf)  }
0xfb: {  	p0 =	seq.s32 s5, $0xFFFFFFFF  }
.Ltmp9:
0xfc: {  	_ = 	snop;
	(pc) =	sbr.rel @p0 .LBB2_19-.Ltmp9, $1  }
0xfd: {  	_ =	sdelay $0x3  }
0xfe: {  	p0 =	slt.s32 s2, $0x1  }
.Ltmp10:
0xff: {  	_ = 	snop;
	(pc) =	sbr.rel @p0 .LBB2_17-.Ltmp10, $1  }
0x100: {  	_ =	sdelay $0x3  }
0x101: {  	s0 =	simm.s32 $0xC0;
	p0 =	por $0x0, $0x0  }
0x102: {  	v1 =	vld.msk @!p0 [tilespmem:s0+$0x0], $0x1;
	_ =	sdelay $0x4  }
0x103: {  	(v2sf) =	vpush @!p0 v1, $0x0;
	_ =	sdelay $0xd  }
0x104: {  	p2 =	sne.s32 s2, $0x1  }
.Ltmp11:
0x105: {  	s6 =	spop @!p0 (v2sf);
	(pc) =	sbr.rel @!p2 .LBB2_16-.Ltmp11, $4  }
0x106: {  	p1 =	seq.s32 @!p0 s5, s6  }
0x107: {  	s6 =	simm.s32 $0x0;
	p1 =	por !p1, p0  }
0x108: {  	s8 =	simm.s32 $0xFFFFFFFF;
	s6 =	simm.s32 @p1 $0xFFFFFFFF  }
0x109: {  	s7 =	simm.s32 $0x1;
	s6 =	smov.u32 @p0 s8  }
.LBB2_15:
0x10a: {  	s8 =	smov.u32 s6;
	p0 =	sne.s32 s6, $0xFFFFFFFF  }
0x10b: {  	s0 =	sadd.s32 $0x1, s0;
	s6 =	smov.u32 s7;
	s7 =	sadd.s32 $0x1, s7  }
0x10c: {  	p1 =	sne.s32 s2, s7;
	v1 =	vld.msk @!p0 [tilespmem:s0+$0x0], $0x1;
	_ =	sdelay $0x4  }
0x10d: {  	(v2sf) =	vpush @!p0 v1, $0x0;
	_ =	sdelay $0xe  }
.Ltmp12:
0x10e: {  	s9 =	spop @!p0 (v2sf);
	(pc) =	sbr.rel @p1 .LBB2_15-.Ltmp12, $4  }
0x10f: {  	p2 =	seq.s32 @!p0 s5, s9  }
0x110: {  	p2 =	por !p2, p0  }
0x111: {  	s6 =	simm.s32 @p2 $0xFFFFFFFF  }
0x112: {  	s6 =	smov.u32 @p0 s8  }
.LBB2_16:
0x113: {  	p0 =	sne.s32 s6, $0xFFFFFFFF  }
.Ltmp13:
0x114: {  	_ = 	snop;
	(pc) =	sbr.rel @!p0 .LBB2_17-.Ltmp13, $1  }
0x115: {  	_ =	sdelay $0x3  }
0x116: {  	v0 =	vld.msk [tilespmem:s4+$0xE0], $0x1;
	v1 =	vmov s6  }
.Ltmp14:
0x117: {  	_ = 	snop;
	(pc) =	sbr.rel .LBB2_19-.Ltmp14, $2  }
0x118: {  	_ =	sdelay $0x2  }
0x119: {  	[tilespmem:v1+s3+$0x0], v0 =	vst.idx.ret.add.f32.msk $0x1, v0  }
.LBB2_20:
0x11a: {  	p0 =	slt.s32 s2, $0x1  }
.Ltmp15:
0x11b: {  	_ = 	snop;
	(pc) =	sbr.rel @p0 .LBB2_24-.Ltmp15, $3  }
0x11c: {  	_ =	sdelay $0x1  }
0x11d: {  	s0 =	simm.s32 $0x6  }
0x11e: {  	s3 =	simm.s32 $0x0;
	[sflag:s0] =	ssyncpa.u1 $0x1  }
0x11f: {  	s0 =	simm.s32 $0xC0  }
0x120: {  	v0 =	vld.msk [tilespmem:s0+$0x0], $0x1;
	_ =	sdelay $0x4  }
0x121: {  	(v2sf) =	vpush v0, $0x0;
	_ =	sdelay $0xe  }
0x122: {  	s2 =	sadd.s32 $0xFFFFFFFF, s2;
	s4 =	spop (v2sf)  }
0x123: {  	p1 =	sne.s32 s2, $0x0;
	p0 =	sgt.u32 s4, $0xC3FF  }
.Ltmp16:
0x124: {  	s5 =	sshrl.u32 @!p0 s4, $0x3;
	(pc) =	sbr.rel @!p1 .LBB2_23-.Ltmp16, $4  }
0x125: {  	s0 =	simm.s32 $0xE0;
	s4 =	sand.u32 @!p0 $0x7, s4;
	s5 =	sadd.s32 @!p0 s1, s5  }
0x126: {  	[hbm4b:s5+s4] =	stream.linear.scatter @!p0 [tilespmem:s0], [sflag:$0x5], $0x1, $0x38;
	[tilespmem:$0x11A60] =	vst v63  }
0x127: {  	s5 =	simm.s32 $0x0  }
0x128: {  	s4 =	simm.s32 $0xC1;
	s5 =	simm.s32 @!p0 $0x4  }
.LBB2_22:
0x129: {  	v0 =	vld.msk [tilespmem:s4+$0x0], $0x1;
	s2 =	sadd.s32 $0xFFFFFFFF, s2;
	s3 =	sadd.s32 s3, s5  }
0x12a: {  	p0 =	sne.s32 s2, $0x0;
	_ =	sdelay $0x3  }
0x12b: {  	(v2sf) =	vpush v0, $0x0;
	_ =	sdelay $0xe  }
.Ltmp17:
0x12c: {  	s6 =	spop (v2sf);
	(pc) =	sbr.rel @p0 .LBB2_22-.Ltmp17, $4  }
0x12d: {  	s5 =	simm.s32 $0x0;
	p1 =	sgt.u32 s6, $0xC3FF  }
0x12e: {  	s0 =	sadd.s32 $0x1, s0;
	s5 =	simm.s32 @!p1 $0x4;
	s7 =	sshrl.u32 @!p1 s6, $0x3  }
0x12f: {  	s4 =	sadd.s32 $0x1, s4;
	s6 =	sand.u32 @!p1 $0x7, s6;
	s7 =	sadd.s32 @!p1 s1, s7  }
0x130: {  	[hbm4b:s7+s6] =	stream.linear.scatter @!p1 [tilespmem:s0], [sflag:$0x5], $0x1, $0x38;
	[tilespmem:$0x11A60] =	vst v63  }
.LBB2_23:
0x131: {  	s0 =	sadd.s32 s3, s5  }
0x132: {  	s3 =	sshrl.u32 s0, $0x2  }
.LBB2_24:
0x133: {  	s0 =	simm.s32 $0x5  }
0x134: {  	_ =	swait.ge [sflag:s0], s3  }
0x135: {  	s1 =	ssub.s32 $0x0, s3;
	[sflag:s0] =	ssyncset.done $0x0  }
0x136: {  	[sflag:s0] =	ssyncadd.s32 s1  }
0x137: {  	[sflag:s0] =	ssyncpa.u1 $0x1  }
0x138: {  	s29 =	simm.s32 $0x1;
	_ =	sfence  }
0x139: {  	s30 =	simm.s32 $0x2;
	[sflag:s29] =	ssyncpa.u1 $0x1  }
0x13a: {  	[sflag:s30] =	ssyncpa.u1 $0x1  }
0x13b: {  	_ =	strace $0x90000047  }
0x13c: {  	[bflag:$0x2] =	sbarrier.arrive $0xFFFF  }
0x13d: {  	s31 =	rddreg [dreg:$0x1]  }
0x13e: {  	s0 =	sadd.s32 $0x100000, s31  }
0x13f: {  	[sflag:s0] =	ssyncadd.tile.s32 $0x1;
	_ =	shalt  }
.Lfunc_end2:
_tile_overlayer_lowered:
.L_overlay_start_2:
0x140: {  	(tag) =	ssettag $0x2  }
0x141: {  	s0 =	rddreg [dreg:$0x0];
	s2 =	stileid.u32  }
0x142: {  	s1 =	rddreg [dreg:$0x1];
	p0 =	sne.s32 s2, $0x0  }
0x143: {  	s3 =	rddreg [dreg:$0x2];
	[bflag:$0x3] =	sbarrier.arrive $0xFFFF;
	s2 =	simm.s32 @!p0 $0x1C01  }
0x144: {  	[timem:s3], [sflag:s2] =	dma.local @!p0 [hbm:s0], s1  }
0x145: {  	s0 =	simm.s32 @!p0 $0x1  }
0x146: {  	_ =	swait.ge @!p0 [sflag:s0], s1  }
0x147: {  	s1 =	ssub.s32 @!p0 $0x0, s1;
	[sflag:s0] =	ssyncset.done @!p0 $0x0  }
0x148: {  	[sflag:s0] =	ssyncadd.s32 @!p0 s1  }
0x149: {  	[bflag:$0x3] =	sbarrier.arrive $0xFFFF  }
0x14a: {  	_ =	shalt  }

// kernel: sparse-core-data-format-call.1.cloned.1.call-start
scs
called_computation.4_lowered:
.L_overlay_start_0:
0x0: {  	s2 =	sld [smem:$0x3FD9]  }
0x1: {  	s3 =	sld [smem:$0x3FFE];
	_ =	sdelay $0x1  }
0x2: {  	s1 =	srdreg.scid  }
0x3: {  	s0 =	sand.u32 $0x1, s1  }
0x4: {  	s18 =	sshll.u32 s0, $0xA;
	s2 =	sadd.s32 s3, s2  }
0x5: {  	s2 =	sadd.s32 s2, s18  }
0x6: {  	[smem:$0x3F9E] =	sst s2  }
0x7: {  	_ = 	snop  }
0x8: {  	(tm) =	ssettm $0x1  }
0x9: {  	s19 =	sld [smem:$0x3FFB];
	_ =	sdelay $0x3  }
0xa: {  	_ =	strace s19  }
0xb: {  	s2 =	sld [smem:$0x3FFC];
	_ =	sdelay $0x3  }
0xc: {  	_ =	strace s2  }
0xd: {  	s2 =	sld [smem:$0x3FFD];
	_ =	sdelay $0x3  }
0xe: {  	_ =	strace s2  }
0xf: {  	_ =	strace $0x8FFFFFFF  }
0x10: {  	s20 =	sld [smem:$0x3FDB];
	_ =	sdelay $0x1  }
0x11: {  	s21 =	simm.s32 $_scs_section_size  }
0x12: {  	s4 =	simm.s32 $_size__tile_overlayer_lowered;
	s5 =	simm.s32 $_tile_overlayer_lowered  }
0x13: {  	s6 =	simm.s32 $0x1BFF;
	s22 =	sshll.u32 s5, $0x1;
	s3 =	sadd.s32 s21, s20  }
0x14: {  	s23 =	simm.s32 $0x0;
	s4 =	sshll.u32 s4, $0x1;
	s5 =	sadd.s32 s22, s3  }
0x15: {  	[timem:s23], [sflag:s6] =	dma.local [hbm:s5], s4  }
0x16: {  	_ =	swait.ge [sflag:s6], s4  }
0x17: {  	s4 =	ssub.s32 $0x0, s4;
	[sflag:s6] =	ssyncset.done $0x0  }
0x18: {  	[sflag:s6] =	ssyncadd.s32 s4;
	_ =	sdelay $0x1  }
0x19: {  	s24 =	simm.s32 $0x1B8B  }
0x1a: {  	_ =	swait.ge [sflag:s24], $0x1  }
0x1b: {  	[sflag:s24] =	ssyncset.done $0x0  }
0x1c: {  	[sflag:s24] =	ssyncadd.s32 $0xFFFFFFFF  }
0x1d: {  	s4 =	sld [smem:$0x0]  }
0x1e: {  	s5 =	sand.u32 $0xFFFFFFFE, s1  }
0x1f: {  	p0 =	sne.s32 s1, s5  }
0x20: {  	s5 =	sshll.u32 @p0 s5, $0xE  }
0x21: {  	s5 =	sadd.s32 @p0 $0x11B8D, s5;
	s6 =	sshll.u32 @p0 s4, $0x11  }
0x22: {  	s5 =	sor.u32 @p0 s6, s5  }
0x23: {  	[sflag:s5] =	ssyncadd.remote.s32 @p0 $0x1;
	_ =	sdelay $0x1  }
0x24: {  	s5 =	simm.s32 @p0 $0x1B8D  }
0x25: {  	_ =	swait.eq @p0 [sflag:s5], $0x1  }
0x26: {  	[sflag:s5] =	ssyncadd.s32 @p0 $0xFFFFFFFF  }
0x27: {  	s6 =	sshll.u32 @!p0 s1, $0xE  }
0x28: {  	s6 =	sor.u32 @!p0 $0x4000, s6;
	s5 =	simm.s32 @!p0 $0x1B8D  }
0x29: {  	s4 =	sshll.u32 @!p0 s4, $0x11;
	s6 =	sadd.s32 @!p0 $0x11B8D, s6;
	_ =	swait.eq @!p0 [sflag:s5], $0x1  }
0x2a: {  	s4 =	sor.u32 @!p0 s4, s6;
	[sflag:s5] =	ssyncadd.s32 @!p0 $0xFFFFFFFF  }
0x2b: {  	s26 =	simm.s32 $0x1B8E;
	s25 =	sld [smem:$0x3FFE];
	[sflag:s4] =	ssyncadd.remote.s32 @!p0 $0x1  }
0x2c: {  	s27 =	simm.s32 $execute0_lowered;
	[smem:$0x3FD2] =	sst s26  }
0x2d: {  	s5 =	sshll.u32 s27, $0x1;
	_ =	strace $0x80000049;
	[dreg:$0x1] =	wrdreg $0xFFFFFFFF  }
0x2e: {  	s28 =	simm.s32 $_size_execute0_lowered;
	s3 =	sadd.s32 s3, s5;
	[dreg:$0x0] =	wrdreg $0x0  }
0x2f: {  	s5 =	sshll.u32 s28, $0x1;
	[dreg:$0x2] =	wrdreg s3  }
0x30: {  	[dreg:$0x3] =	wrdreg s5  }
0x31: {  	[dreg:$0x4] =	wrdreg $0xC0  }
0x32: {  	_ =	task [dreg:s23], $0x5FFFF  }
0x33: {  	[dreg:$0x1] =	wrdreg $0xFFFFFFFF  }
0x34: {  	[dreg:$0x0] =	wrdreg $0x60  }
0x35: {  	[dreg:$0x2] =	wrdreg s25  }
0x36: {  	[dreg:$0x3] =	wrdreg $0xA  }
0x37: {  	_ =	task.clear_ibuf [dreg:s23], $0x4FFFF;
	_ =	strace $0x90000049  }
0x38: {  	s29 =	simm.s32 $0xA;
	_ =	strace $0x8000004B  }
0x39: {  	_ =	swait.ge [sflag:s29], $0x1  }
0x3a: {  	[sflag:s29] =	ssyncadd.s32 $0xFFFFFFFF  }
0x3b: {  	_ =	strace $0x9000004B  }
0x3c: {  	_ =	sfence  }
0x3d: {  	s30 =	sld [smem:$0x0];
	_ =	sdelay $0x2  }
0x3e: {  	s31 =	sshll.u32 s1, $0xD;
	s1 =	sshrl.u32 s1, $0x2  }
0x3f: {  	s4 =	sand.u32 $0x4000, s31;
	s1 =	sadd.s32 s1, s30  }
0x40: {  	s0 =	sor.u32 s4, s0;
	s1 =	sshll.u32 s1, $0x11  }
0x41: {  	s0 =	sor.u32 s1, s0  }
0x42: {  	s0 =	sadd.s32 $0x8F2B, s0  }
0x43: {  	[sflag:s0] =	ssyncadd.remote.s32 $0x1  }
0x44: {  	_ =	sfence.sel $0xFFFF  }
0x45: {  	[dreg:$0x0] =	wrdreg $0xFFFFFFFF;
	(pc) =	sbr.abs _section_cstart, $3  }
0x46: {  	[dreg:$0x1] =	wrdreg $0xFFFFFFFF  }
0x47: {  	_ =	task.clear_ibuf [dreg:s23], $0x2FFFF;
	_ =	strace $0x9FFFFFFF  }
0x48: {  	(tm) =	ssettm $0x7FFFFFFF  }
0x49: {  	_ =	shalt  }
tec
execute0_lowered:
.L_overlay_start_1:
0x0: {  	(tag) =	ssettag $0x1  }
0x1: {  	s0 =	srdreg.scid  }
0x2: {  	s6 =	rddreg [dreg:$0x0];
	s7 =	simm.s32 $0x1;
	s1 =	sshll.u32 s0, $0x4  }
0x3: {  	s8 =	simm.s32 $0x2;
	s0 =	stileid.u32;
	s1 =	sand.u32 $0x10, s1  }
0x4: {  	s13 =	simm.s32 $0x0;
	s12 =	simm.s32 $0x0;
	s1 =	sor.u32 s0, s1  }
0x5: {  	s10 =	simm.s32 $0x0;
	s3 =	sadd.s32 $0xC58A00, s6;
	s2 =	sshll.u32 s1, $0x9  }
0x6: {  	s11 =	simm.s32 $0x0;
	s6 =	sadd.s32 $0x1274A00, s6;
	s5 =	ssub.s32 $0x187000, s2  }
.Ltmp0:
0x7: {  	s1 =	rddreg [dreg:$0x1];
	s4 =	sand.u32 $0x3E00, s5;
	(pc) =	sbr.rel .LBB1_1-.Ltmp0, $4  }
0x8: {  	_ =	strace $0x8000004A;
	s9 =	smov.u32 s2;
	p0 =	sne.s32 s4, $0x0  }
0x9: {  	s5 =	sshrl.u32 s5, $0xE;
	s4 =	simm.s32 $0x1;
	s7 =	simm.s32 @!p0 $0x0  }
0xa: {  	[sflag:s4] =	ssyncpa.u1 $0x0;
	p0 =	por $0x0, $0x0;
	s5 =	sadd.s32 s7, s5  }
0xb: {  	[sflag:s8] =	ssyncpa.u1 $0x0;
	s8 =	simm.s32 $0x80;
	s7 =	sadd.s32 $0x1, s5  }
.LBB1_4:
0xc: {  	_ = 	snop  }
0xd: {  	[tilespmem:s18+$0x2D60 ss:$0x21] =	vst.msk $0xffff, v7  }
0xe: {  	[tilespmem:s18+$0x2F70 ss:$0x21] =	vst.msk $0xffff, v6  }
0xf: {  	[tilespmem:s18+$0x3390 ss:$0x21] =	vst.msk $0xffff, v3  }
0x10: {  	s21 =	sor.u32 s24, s23;
	v31 =	vld.idx.msk [tilespmem:v0+s16+$0xC70 ss:$0x1], $0xffff;
	[tilespmem:s18+$0x35A0 ss:$0x21] =	vst.msk $0xffff, v1  }
0x11: {  	[tilespmem:s18+$0x37B0 ss:$0x21] =	vst.msk $0xffff, v2;
	v43 =	vld.idx.msk [tilespmem:v0+s21+$0x410 ss:$0x1], $0xffff  }
0x12: {  	[tilespmem:s18+$0x39C0 ss:$0x21] =	vst.msk $0xffff, v4;
	v44 =	vld.idx.msk [tilespmem:v0+s21+$0x420 ss:$0x1], $0xffff  }
0x13: {  	[tilespmem:s18+$0x3BD0 ss:$0x21] =	vst.msk $0xffff, v5;
	s22 =	sand.u32 $0x3200, s21;
	v45 =	vld.idx.msk [tilespmem:v0+s21+$0x430 ss:$0x1], $0xffff  }
0x14: {  	s20 =	sand.u32 $0x180, s20;
	s25 =	sshra.s32 s19, $0x2;
	[tilespmem:s18+$0x3DE0 ss:$0x21] =	vst.msk $0xffff, v8;
	v46 =	vld.idx.msk [tilespmem:v0+s21+$0x440 ss:$0x1], $0xffff;
	s15 =	sadd.s32 s22, s15  }
0x15: {  	v47 =	vld.idx.msk [tilespmem:v0+s21+$0x450 ss:$0x1], $0xffff;
	s24 =	sadd.s32 s20, s15;
	s15 =	sadd.s32 s25, s17;
	[tilespmem:s18+$0x3FF0 ss:$0x21] =	vst.msk $0xffff, v31  }
0x16: {  	v48 =	vld.idx.msk [tilespmem:v0+s21+$0x460 ss:$0x1], $0xffff;
	[tilespmem:s15+$0x1290 ss:$0x21] =	vst.msk $0xffff, v43  }
0x17: {  	v49 =	vld.idx.msk [tilespmem:v0+s21+$0x470 ss:$0x1], $0xffff;
	[tilespmem:s15+$0x14A0 ss:$0x21] =	vst.msk $0xffff, v44  }
0x18: {  	v50 =	vld.idx.msk [tilespmem:v0+s21+$0x810 ss:$0x1], $0xffff;
	[tilespmem:s15+$0x16B0 ss:$0x21] =	vst.msk $0xffff, v45  }
0x19: {  	v51 =	vld.idx.msk [tilespmem:v0+s21+$0x820 ss:$0x1], $0xffff;
	[tilespmem:s15+$0x18C0 ss:$0x21] =	vst.msk $0xffff, v46  }
0x1a: {  	v52 =	vld.idx.msk [tilespmem:v0+s21+$0x830 ss:$0x1], $0xffff;
	[tilespmem:s15+$0x1AD0 ss:$0x21] =	vst.msk $0xffff, v47  }
0x1b: {  	v53 =	vld.idx.msk [tilespmem:v0+s21+$0x840 ss:$0x1], $0xffff;
	[tilespmem:s15+$0x1CE0 ss:$0x21] =	vst.msk $0xffff, v48  }
0x1c: {  	v54 =	vld.idx.msk [tilespmem:v0+s21+$0x850 ss:$0x1], $0xffff;
	[tilespmem:s15+$0x1EF0 ss:$0x21] =	vst.msk $0xffff, v49  }
0x1d: {  	v55 =	vld.idx.msk [tilespmem:v0+s21+$0x860 ss:$0x1], $0xffff;
	[tilespmem:s15+$0x2310 ss:$0x21] =	vst.msk $0xffff, v50  }
0x1e: {  	v56 =	vld.idx.msk [tilespmem:v0+s21+$0x870 ss:$0x1], $0xffff;
	[tilespmem:s15+$0x2520 ss:$0x21] =	vst.msk $0xffff, v51  }
0x1f: {  	v57 =	vld.idx.msk [tilespmem:v0+s21+$0xC10 ss:$0x1], $0xffff;
	[tilespmem:s15+$0x2730 ss:$0x21] =	vst.msk $0xffff, v52  }
0x20: {  	v58 =	vld.idx.msk [tilespmem:v0+s21+$0xC20 ss:$0x1], $0xffff;
	[tilespmem:s15+$0x2940 ss:$0x21] =	vst.msk $0xffff, v53  }
0x21: {  	v59 =	vld.idx.msk [tilespmem:v0+s21+$0xC30 ss:$0x1], $0xffff;
	[tilespmem:s15+$0x2B50 ss:$0x21] =	vst.msk $0xffff, v54  }
0x22: {  	v60 =	vld.idx.msk [tilespmem:v0+s21+$0xC40 ss:$0x1], $0xffff;
	[tilespmem:s15+$0x2D60 ss:$0x21] =	vst.msk $0xffff, v55  }
0x23: {  	v61 =	vld.idx.msk [tilespmem:v0+s21+$0xC50 ss:$0x1], $0xffff;
	[tilespmem:s15+$0x2F70 ss:$0x21] =	vst.msk $0xffff, v56  }
0x24: {  	v62 =	vld.idx.msk [tilespmem:v0+s21+$0xC60 ss:$0x1], $0xffff;
	[tilespmem:s15+$0x3390 ss:$0x21] =	vst.msk $0xffff, v57  }
0x25: {  	v63 =	vld.idx.msk [tilespmem:v0+s21+$0xC70 ss:$0x1], $0xffff;
	[tilespmem:s15+$0x35A0 ss:$0x21] =	vst.msk $0xffff, v58  }
0x26: {  	v32 =	vld [tilespmem:s24+$0xC00];
	[tilespmem:s15+$0x37B0 ss:$0x21] =	vst.msk $0xffff, v59  }
0x27: {  	v33 =	vld [tilespmem:s24+$0x0];
	[tilespmem:s15+$0x39C0 ss:$0x21] =	vst.msk $0xffff, v60  }
0x28: {  	v34 =	vld [tilespmem:s24+$0x10];
	[tilespmem:s15+$0x3BD0 ss:$0x21] =	vst.msk $0xffff, v61  }
0x29: {  	s13 =	sshll.u32 s13, $0x7;
	s26 =	sshll.u32 s12, $0x3;
	v35 =	vld [tilespmem:s24+$0x20];
	[tilespmem:s15+$0x3DE0 ss:$0x21] =	vst.msk $0xffff, v62  }
0x2a: {  	s27 =	sand.u32 $0xFFFFFC00, s13;
	s16 =	sand.u32 $0xFFFFFC00, s26;
	v36 =	vld [tilespmem:s24+$0x30];
	[tilespmem:s15+$0x3FF0 ss:$0x21] =	vst.msk $0xffff, v63  }
0x2b: {  	s13 =	sand.u32 $0x380, s13;
	s16 =	sadd.s32 s16, s27;
	v37 =	vld [tilespmem:s24+$0x40];
	[tilespmem:s15+$0x3180 ss:$0x21] =	vst.msk $0xffff, v32  }
0x2c: {  	s13 =	sor.u32 s13, s16;
	v38 =	vld [tilespmem:s24+$0x50];
	[tilespmem:s15+$0x0 ss:$0x21] =	vst.msk $0xffff, v33  }
0x2d: {  	v39 =	vld [tilespmem:s24+$0x60];
	s13 =	sshrl.u32 s13, $0x7;
	[tilespmem:s15+$0x210 ss:$0x21] =	vst.msk $0xffff, v34  }
0x2e: {  	v40 =	vld [tilespmem:s24+$0x70];
	s28 =	smulhi.u32 $0x29E71ED, s13;
	[tilespmem:s15+$0x420 ss:$0x21] =	vst.msk $0xffff, v35  }
0x2f: {  	v41 =	vld [tilespmem:s24+$0x400];
	[tilespmem:s15+$0x630 ss:$0x21] =	vst.msk $0xffff, v36  }
0x30: {  	v42 =	vld [tilespmem:s24+$0x800];
	s16 =	sshrl.u32 s28, $0xE;
	[tilespmem:s15+$0x840 ss:$0x21] =	vst.msk $0xffff, v37  }
0x31: {  	s16 =	smul.u32 $0x187000, s16;
	[tilespmem:s15+$0xA50 ss:$0x21] =	vst.msk $0xffff, v38  }
0x32: {  	s29 =	sshrl.u32 s12, $0x3;
	[tilespmem:s15+$0xC60 ss:$0x21] =	vst.msk $0xffff, v39  }
0x33: {  	s31 =	sand.u32 $0x7, s12;
	s30 =	sand.u32 $0xF, s29;
	[tilespmem:s15+$0xE70 ss:$0x21] =	vst.msk $0xffff, v40;
	s13 =	ssub.s32 s13, s16  }
0x34: {  	s12 =	sshll.u32 s31, $0x12;
	[tilespmem:s15+$0x1080 ss:$0x21] =	vst.msk $0xffff, v41;
	s16 =	sadd.s32 s6, s30;
	s13 =	sshll.u32 s13, $0x4  }
0x35: {  	s12 =	sor.u32 $0x20, s12;
	[tilespmem:s15+$0x2100 ss:$0x21] =	vst.msk $0xffff, v42;
	s13 =	sadd.s32 s13, s16  }
0x36: {  	[hbm4b:s13+s12] =	stream.strided.scatter [tilespmem:s14], [sflag:$0x2], $0x4000, s8, s12, $0x10;
	[tilespmem:$0x10400] =	vst v63  }
.LBB1_5:
0x37: {  	s14 =	sadd.s32 $0x4000, s9  }
0x38: {  	s12 =	sadd.s32 $0x20, s10;
	s16 =	smov.u32 s10;
	p2 =	sgt.s32 s14, $0x186FFF  }
0x39: {  	s16 =	smov.u32 @p2 s12  }
0x3a: {  	s14 =	smov.u32 @p2 s2;
	p2 =	sgt.s32 s16, $0x1F  }
0x3b: {  	s16 =	simm.s32 @p2 $0x0;
	p2 =	sne.s32 s11, s7  }
.Ltmp1:
0x3c: {  	p1 =	slt.u32 s11, $0x2;
	(pc) =	sbr.rel @!p2 .LBB1_6-.Ltmp1, $4  }
0x3d: {  	s15 =	simm.s32 @!p1 $0x2  }
0x3e: {  	s13 =	smov.u32 s9;
	p0 =	por !p0, !p0;
	_ =	swait.ge @!p1 [sflag:s15], $0x4000  }
0x3f: {  	s12 =	smov.u32 s10;
	[sflag:s15] =	ssyncset.done @!p1 $0x0;
	s9 =	smov.u32 s14  }
0x40: {  	s11 =	sadd.s32 $0x1, s11;
	[sflag:s15] =	ssyncadd.s32 @!p1 $0xFFFFC000;
	s10 =	smov.u32 s16  }
.LBB1_1:
0x41: {  	p1 =	sge.u32 s11, s5  }
0x42: {  	s14 =	sshrl.u32 @!p1 s10, $0x3  }
0x43: {  	s15 =	sshll.u32 @!p1 s9, $0x3;
	s16 =	sshll.u32 @!p1 s10, $0x7;
	s14 =	smul.u32 @!p1 $0xC38000, s14  }
0x44: {  	s17 =	sand.u32 @!p1 $0x7F, s9;
	s15 =	sand.u32 @!p1 $0xFFFFFC00, s15;
	s16 =	sand.u32 @!p1 $0x380, s16  }
0x45: {  	s14 =	sadd.s32 @!p1 s14, s15;
	s15 =	sor.u32 @!p1 s17, s16  }
0x46: {  	s15 =	sor.u32 @!p1 s14, s15  }
0x47: {  	s16 =	smulhi.u32 @!p1 $0xA79C7B17, s15;
	_ =	sdelay $0x1  }
0x48: {  	s14 =	smulhi.u32 @!p1 $0xA79C7B17, s14;
	s16 =	sshrl.u32 @!p1 s16, $0x14  }
0x49: {  	s16 =	smul.u32 @!p1 $0x187000, s16  }
0x4a: {  	s31 =	sadd.s32 $0xFFFFFFFF, s11;
	s17 =	sxor.u32 @!p1 $0xFFFFFFFF, s11;
	s14 =	sshrl.u32 @!p1 s14, $0x14  }
0x4b: {  	s17 =	sshll.u32 @!p1 s17, $0xE;
	s14 =	sand.u32 @!p1 $0x1F, s14;
	s15 =	ssub.s32 @!p1 s15, s16  }
0x4c: {  	s14 =	smul.u32 @!p1 $0x30E00, s14;
	s16 =	sshrl.u32 @!p1 s15, $0x3;
	s15 =	sand.u32 @!p1 $0x7, s15  }
0x4d: {  	s17 =	sand.u32 @!p1 $0x4000, s17;
	s16 =	sadd.s32 @!p1 s3, s16;
	s15 =	sshll.u32 @!p1 s15, $0x12  }
0x4e: {  	s14 =	sadd.s32 @!p1 s14, s16;
	s15 =	sor.u32 @!p1 $0x1000, s15;
	s16 =	simm.s32 @!p1 $0xC38000  }
0x4f: {  	[tilespmem:s17], [sflag:$0x1] =	stream.strided.gather @!p1 [hbm4b:s14+s15], $0x4000, s16, s15, $0x38;
	[tilespmem:$0x10400] =	vst v63  }
0x50: {  	p1 =	sge.u32 s31, s5  }
.Ltmp2:
0x51: {  	_ = 	snop;
	(pc) =	sbr.rel @p1 .LBB1_5-.Ltmp2, $1  }
0x52: {  	_ =	sdelay $0x3  }
0x53: {  	s17 =	simm.s32 $0x0  }
0x54: {  	s16 =	sand.u32 $0x3000, s17;
	s18 =	sand.u32 $0x380, s17  }
0x55: {  	s14 =	sand.u32 $0x1, s11;
	s16 =	sor.u32 s18, s16  }
0x56: {  	_ =	swait.ge [sflag:s4], $0x4000;
	s15 =	sshll.u32 s14, $0xE;
	s18 =	sand.u32 $0x3200, s16  }
0x57: {  	[sflag:s4] =	ssyncset.done $0x0;
	s17 =	sand.u32 $0x180, s17;
	s18 =	sadd.s32 s18, s15  }
0x58: {  	[sflag:s4] =	ssyncadd.s32 $0xFFFFC000;
	s20 =	sadd.s32 s17, s18  }
0x59: {  	v4 =	vld [tilespmem:s20+$0xC00]  }
0x5a: {  	s19 =	simm.s32 $0x1;
	v0 =	vmov s15;
	v5 =	vld [tilespmem:s20+$0x0]  }
0x5b: {  	s19 =	simm.s32 @!p0 $0x0;
	v6 =	vld [tilespmem:s20+$0x10]  }
0x5c: {  	s31 =	smul.u32 $0x10800, s19;
	v7 =	vld [tilespmem:s20+$0x20]  }
0x5d: {  	v8 =	vld [tilespmem:s20+$0x30]  }
0x5e: {  	s17 =	sshrl.u32 s31, $0x2;
	v9 =	vld [tilespmem:s20+$0x40]  }
0x5f: {  	s17 =	sor.u32 $0x8000, s17;
	v1 =	vld.idx.msk [tilespmem:v0+s16+$0x410 ss:$0x1], $0xffff  }
0x60: {  	v2 =	vld.idx.msk [tilespmem:v0+s16+$0x420 ss:$0x1], $0xffff;
	s18 =	sadd.s32 $0x0, s17  }
0x61: {  	v3 =	vld.idx.msk [tilespmem:v0+s16+$0x430 ss:$0x1], $0xffff;
	[tilespmem:s18+$0x3180 ss:$0x21] =	vst.msk $0xffff, v4  }
0x62: {  	v10 =	vld.idx.msk [tilespmem:v0+s16+$0x820 ss:$0x1], $0xffff;
	[tilespmem:s18+$0x0 ss:$0x21] =	vst.msk $0xffff, v5  }
0x63: {  	v11 =	vld.idx.msk [tilespmem:v0+s16+$0x830 ss:$0x1], $0xffff;
	[tilespmem:s18+$0x210 ss:$0x21] =	vst.msk $0xffff, v6  }
0x64: {  	v12 =	vld.idx.msk [tilespmem:v0+s16+$0x840 ss:$0x1], $0xffff;
	[tilespmem:s18+$0x420 ss:$0x21] =	vst.msk $0xffff, v7  }
0x65: {  	v13 =	vld.idx.msk [tilespmem:v0+s16+$0x850 ss:$0x1], $0xffff;
	[tilespmem:s18+$0x630 ss:$0x21] =	vst.msk $0xffff, v8  }
0x66: {  	v4 =	vld [tilespmem:s20+$0x50];
	[tilespmem:s18+$0x840 ss:$0x21] =	vst.msk $0xffff, v9  }
0x67: {  	v5 =	vld [tilespmem:s20+$0x60];
	[tilespmem:s18+$0x1290 ss:$0x21] =	vst.msk $0xffff, v1  }
0x68: {  	v6 =	vld [tilespmem:s20+$0x70];
	[tilespmem:s18+$0x14A0 ss:$0x21] =	vst.msk $0xffff, v2  }
0x69: {  	v7 =	vld [tilespmem:s20+$0x400];
	[tilespmem:s18+$0x16B0 ss:$0x21] =	vst.msk $0xffff, v3  }
0x6a: {  	v8 =	vld [tilespmem:s20+$0x800];
	[tilespmem:s18+$0x2520 ss:$0x21] =	vst.msk $0xffff, v10  }
0x6b: {  	v9 =	vld.idx.msk [tilespmem:v0+s16+$0x470 ss:$0x1], $0xffff;
	[tilespmem:s18+$0x2730 ss:$0x21] =	vst.msk $0xffff, v11  }
0x6c: {  	v3 =	vld.idx.msk [tilespmem:v0+s16+$0xC10 ss:$0x1], $0xffff;
	[tilespmem:s18+$0x2940 ss:$0x21] =	vst.msk $0xffff, v12  }
0x6d: {  	v1 =	vld.idx.msk [tilespmem:v0+s16+$0xC20 ss:$0x1], $0xffff;
	[tilespmem:s18+$0x2B50 ss:$0x21] =	vst.msk $0xffff, v13  }
0x6e: {  	v2 =	vld.idx.msk [tilespmem:v0+s16+$0xC30 ss:$0x1], $0xffff;
	[tilespmem:s18+$0xA50 ss:$0x21] =	vst.msk $0xffff, v4  }
0x6f: {  	[tilespmem:s18+$0xE70 ss:$0x21] =	vst.msk $0xffff, v6;
	v6 =	vld.idx.msk [tilespmem:v0+s16+$0x460 ss:$0x1], $0xffff  }
0x70: {  	v4 =	vld.idx.msk [tilespmem:v0+s16+$0x440 ss:$0x1], $0xffff;
	[tilespmem:s18+$0xC60 ss:$0x21] =	vst.msk $0xffff, v5  }
0x71: {  	v5 =	vld.idx.msk [tilespmem:v0+s16+$0x450 ss:$0x1], $0xffff;
	[tilespmem:s18+$0x1080 ss:$0x21] =	vst.msk $0xffff, v7  }
0x72: {  	[tilespmem:s18+$0x2100 ss:$0x21] =	vst.msk $0xffff, v8;
	v8 =	vld.idx.msk [tilespmem:v0+s16+$0x810 ss:$0x1], $0xffff  }
0x73: {  	v7 =	vld.idx.msk [tilespmem:v0+s16+$0x860 ss:$0x1], $0xffff;
	[tilespmem:s18+$0x1EF0 ss:$0x21] =	vst.msk $0xffff, v9  }
0x74: {  	s14 =	smul.u32 $0x10800, s14;
	[tilespmem:s18+$0x1CE0 ss:$0x21] =	vst.msk $0xffff, v6;
	v6 =	vld.idx.msk [tilespmem:v0+s16+$0x870 ss:$0x1], $0xffff  }
0x75: {  	s21 =	simm.s32 $0x200;
	s22 =	simm.s32 $0x8;
	[tilespmem:s18+$0x18C0 ss:$0x21] =	vst.msk $0xffff, v4;
	v4 =	vld.idx.msk [tilespmem:v0+s16+$0xC40 ss:$0x1], $0xffff  }
0x76: {  	s23 =	sand.u32 $0x3000, s21;
	s14 =	sshrl.u32 s14, $0x2;
	s20 =	simm.s32 $0x80;
	[tilespmem:s18+$0x1AD0 ss:$0x21] =	vst.msk $0xffff, v5;
	v5 =	vld.idx.msk [tilespmem:v0+s16+$0xC50 ss:$0x1], $0xffff  }
0x77: {  	s19 =	simm.s32 $0x4;
	s14 =	sor.u32 $0x8000, s14;
	s24 =	sand.u32 $0x380, s20;
	[tilespmem:s18+$0x2310 ss:$0x21] =	vst.msk $0xffff, v8;
	v8 =	vld.idx.msk [tilespmem:v0+s16+$0xC60 ss:$0x1], $0xffff  }
.LBB1_3:
0x78: {  	p1 =	sne.s32 s22, $0x7C;
	[tilespmem:s18+$0x2D60 ss:$0x21] =	vst.msk $0xffff, v7;
	v7 =	vld.idx.msk [tilespmem:v0+s16+$0xC70 ss:$0x1], $0xffff;
	s16 =	sor.u32 s24, s23  }
0x79: {  	s23 =	sand.u32 $0x3200, s16;
	v9 =	vld.idx.msk [tilespmem:v0+s16+$0x410 ss:$0x1], $0xffff;
	[tilespmem:s18+$0x2F70 ss:$0x21] =	vst.msk $0xffff, v6  }
0x7a: {  	s24 =	sand.u32 $0x180, s20;
	s23 =	sadd.s32 s23, s15;
	v6 =	vld.idx.msk [tilespmem:v0+s16+$0x420 ss:$0x1], $0xffff;
	[tilespmem:s18+$0x3390 ss:$0x21] =	vst.msk $0xffff, v3  }
0x7b: {  	s23 =	sadd.s32 s24, s23;
	v3 =	vld.idx.msk [tilespmem:v0+s16+$0x430 ss:$0x1], $0xffff;
	[tilespmem:s18+$0x35A0 ss:$0x21] =	vst.msk $0xffff, v1  }
0x7c: {  	v1 =	vld [tilespmem:s23+$0xC00];
	[tilespmem:s18+$0x37B0 ss:$0x21] =	vst.msk $0xffff, v2  }
0x7d: {  	v2 =	vld [tilespmem:s23+$0x0];
	[tilespmem:s18+$0x39C0 ss:$0x21] =	vst.msk $0xffff, v4  }
0x7e: {  	v4 =	vld [tilespmem:s23+$0x10];
	[tilespmem:s18+$0x3BD0 ss:$0x21] =	vst.msk $0xffff, v5  }
0x7f: {  	s24 =	sshra.s32 s19, $0x2;
	s19 =	smov.u32 s22;
	v5 =	vld [tilespmem:s23+$0x20];
	[tilespmem:s18+$0x3DE0 ss:$0x21] =	vst.msk $0xffff, v8  }
0x80: {  	v8 =	vld [tilespmem:s23+$0x30];
	[tilespmem:s18+$0x3FF0 ss:$0x21] =	vst.msk $0xffff, v7;
	s18 =	sadd.s32 s24, s17  }
0x81: {  	v7 =	vld [tilespmem:s23+$0x40];
	[tilespmem:s18+$0x3180 ss:$0x21] =	vst.msk $0xffff, v1  }
0x82: {  	[tilespmem:s18+$0x0 ss:$0x21] =	vst.msk $0xffff, v2;
	v1 =	vld [tilespmem:s23+$0x50]  }
0x83: {  	[tilespmem:s18+$0x210 ss:$0x21] =	vst.msk $0xffff, v4;
	v2 =	vld [tilespmem:s23+$0x60]  }
0x84: {  	[tilespmem:s18+$0x420 ss:$0x21] =	vst.msk $0xffff, v5;
	v4 =	vld [tilespmem:s23+$0x70]  }
0x85: {  	[tilespmem:s18+$0x630 ss:$0x21] =	vst.msk $0xffff, v8;
	v5 =	vld [tilespmem:s23+$0x400]  }
0x86: {  	[tilespmem:s18+$0x840 ss:$0x21] =	vst.msk $0xffff, v7;
	v7 =	vld [tilespmem:s23+$0x800]  }
0x87: {  	[tilespmem:s18+$0xA50 ss:$0x21] =	vst.msk $0xffff, v1;
	v1 =	vld.idx.msk [tilespmem:v0+s16+$0x440 ss:$0x1], $0xffff  }
0x88: {  	[tilespmem:s18+$0xC60 ss:$0x21] =	vst.msk $0xffff, v2;
	v2 =	vld.idx.msk [tilespmem:v0+s16+$0x450 ss:$0x1], $0xffff  }
0x89: {  	[tilespmem:s18+$0xE70 ss:$0x21] =	vst.msk $0xffff, v4;
	v4 =	vld.idx.msk [tilespmem:v0+s16+$0x460 ss:$0x1], $0xffff  }
0x8a: {  	[tilespmem:s18+$0x1080 ss:$0x21] =	vst.msk $0xffff, v5;
	v5 =	vld.idx.msk [tilespmem:v0+s16+$0x470 ss:$0x1], $0xffff  }
0x8b: {  	[tilespmem:s18+$0x2100 ss:$0x21] =	vst.msk $0xffff, v7;
	v8 =	vld.idx.msk [tilespmem:v0+s16+$0x810 ss:$0x1], $0xffff  }
0x8c: {  	[tilespmem:s18+$0x1290 ss:$0x21] =	vst.msk $0xffff, v9;
	v9 =	vld.idx.msk [tilespmem:v0+s16+$0x820 ss:$0x1], $0xffff  }
0x8d: {  	[tilespmem:s18+$0x14A0 ss:$0x21] =	vst.msk $0xffff, v6;
	v10 =	vld.idx.msk [tilespmem:v0+s16+$0x830 ss:$0x1], $0xffff  }
0x8e: {  	[tilespmem:s18+$0x16B0 ss:$0x21] =	vst.msk $0xffff, v3;
	v11 =	vld.idx.msk [tilespmem:v0+s16+$0x840 ss:$0x1], $0xffff  }
0x8f: {  	[tilespmem:s18+$0x18C0 ss:$0x21] =	vst.msk $0xffff, v1;
	v12 =	vld.idx.msk [tilespmem:v0+s16+$0x850 ss:$0x1], $0xffff  }
0x90: {  	[tilespmem:s18+$0x1AD0 ss:$0x21] =	vst.msk $0xffff, v2;
	v7 =	vld.idx.msk [tilespmem:v0+s16+$0x860 ss:$0x1], $0xffff  }
0x91: {  	[tilespmem:s18+$0x1CE0 ss:$0x21] =	vst.msk $0xffff, v4;
	v6 =	vld.idx.msk [tilespmem:v0+s16+$0x870 ss:$0x1], $0xffff  }
0x92: {  	[tilespmem:s18+$0x1EF0 ss:$0x21] =	vst.msk $0xffff, v5;
	v3 =	vld.idx.msk [tilespmem:v0+s16+$0xC10 ss:$0x1], $0xffff  }
.Ltmp3:
0x93: {  	[tilespmem:s18+$0x2310 ss:$0x21] =	vst.msk $0xffff, v8;
	v1 =	vld.idx.msk [tilespmem:v0+s16+$0xC20 ss:$0x1], $0xffff;
	(pc) =	sbr.rel @p1 .LBB1_3-.Ltmp3, $4  }
0x94: {  	[tilespmem:s18+$0x2520 ss:$0x21] =	vst.msk $0xffff, v9;
	v2 =	vld.idx.msk [tilespmem:v0+s16+$0xC30 ss:$0x1], $0xffff  }
0x95: {  	[tilespmem:s18+$0x2730 ss:$0x21] =	vst.msk $0xffff, v10;
	v4 =	vld.idx.msk [tilespmem:v0+s16+$0xC40 ss:$0x1], $0xffff  }
0x96: {  	s20 =	sadd.s32 $0x80, s20;
	s21 =	sadd.s32 $0x200, s21;
	[tilespmem:s18+$0x2940 ss:$0x21] =	vst.msk $0xffff, v11;
	v5 =	vld.idx.msk [tilespmem:v0+s16+$0xC50 ss:$0x1], $0xffff  }
0x97: {  	s22 =	sadd.s32 $0x4, s22;
	s24 =	sand.u32 $0x380, s20;
	s23 =	sand.u32 $0x3000, s21;
	[tilespmem:s18+$0x2B50 ss:$0x21] =	vst.msk $0xffff, v12;
	v8 =	vld.idx.msk [tilespmem:v0+s16+$0xC60 ss:$0x1], $0xffff  }
.Ltmp4:
0x98: {  	_ = 	snop;
	(pc) =	sbr.rel .LBB1_4-.Ltmp4, $1  }
0x99: {  	_ =	sdelay $0x3  }
.LBB1_6:
0x9a: {  	_ =	sfence.sel $0x180000  }
0x9b: {  	s2 =	simm.s32 $0x1;
	[bflag:$0x0] =	sbarrier.arrive $0xFFFF  }
0x9c: {  	s31 =	simm.s32 $0x2;
	[sflag:s2] =	ssyncpa.u1 $0x1  }
0x9d: {  	[sflag:s31] =	ssyncpa.u1 $0x1  }
0x9e: {  	p0 =	sne.s32 s0, $0x0;
	_ =	strace $0x9000004A  }
0x9f: {  	s0 =	sadd.s32 @!p0 $0x100000, s1;
	[bflag:$0x2] =	sbarrier.arrive $0xFFFF  }
0xa0: {  	[sflag:s0] =	ssyncadd.tile.s32 @!p0 $0x1;
	_ =	shalt  }
.Lfunc_end1:
_tile_overlayer_lowered:
.L_overlay_start_2:
0xa1: {  	(tag) =	ssettag $0x2  }
0xa2: {  	s0 =	rddreg [dreg:$0x0];
	s2 =	stileid.u32  }
0xa3: {  	s1 =	rddreg [dreg:$0x1];
	p0 =	sne.s32 s2, $0x0  }
0xa4: {  	s3 =	rddreg [dreg:$0x2];
	[bflag:$0x3] =	sbarrier.arrive $0xFFFF;
	s2 =	simm.s32 @!p0 $0x1C01  }
0xa5: {  	[timem:s3], [sflag:s2] =	dma.local @!p0 [hbm:s0], s1  }
0xa6: {  	s0 =	simm.s32 @!p0 $0x1  }
0xa7: {  	_ =	swait.ge @!p0 [sflag:s0], s1  }
0xa8: {  	s1 =	ssub.s32 @!p0 $0x0, s1;
	[sflag:s0] =	ssyncset.done @!p0 $0x0  }
0xa9: {  	[sflag:s0] =	ssyncadd.s32 @!p0 s1  }
0xaa: {  	[bflag:$0x3] =	sbarrier.arrive $0xFFFF  }
0xab: {  	_ =	shalt  }

// kernel: sparse-core-data-format-call.2.cloned.1.call-start
scs
called_computation.5_lowered:
.L_overlay_start_0:
0x0: {  	s2 =	sld [smem:$0x3FD9]  }
0x1: {  	s3 =	sld [smem:$0x3FFE];
	_ =	sdelay $0x1  }
0x2: {  	s1 =	srdreg.scid  }
0x3: {  	s0 =	sand.u32 $0x1, s1  }
0x4: {  	s18 =	sshll.u32 s0, $0xA;
	s2 =	sadd.s32 s3, s2  }
0x5: {  	s2 =	sadd.s32 s2, s18  }
0x6: {  	[smem:$0x3F9E] =	sst s2  }
0x7: {  	_ = 	snop  }
0x8: {  	(tm) =	ssettm $0x1  }
0x9: {  	s19 =	sld [smem:$0x3FFB];
	_ =	sdelay $0x3  }
0xa: {  	_ =	strace s19  }
0xb: {  	s2 =	sld [smem:$0x3FFC];
	_ =	sdelay $0x3  }
0xc: {  	_ =	strace s2  }
0xd: {  	s2 =	sld [smem:$0x3FFD];
	_ =	sdelay $0x3  }
0xe: {  	_ =	strace s2  }
0xf: {  	_ =	strace $0x8FFFFFFF  }
0x10: {  	s20 =	sld [smem:$0x3FDB];
	_ =	sdelay $0x1  }
0x11: {  	s21 =	simm.s32 $_scs_section_size  }
0x12: {  	s4 =	simm.s32 $_size__tile_overlayer_lowered;
	s5 =	simm.s32 $_tile_overlayer_lowered  }
0x13: {  	s6 =	simm.s32 $0x1BFF;
	s22 =	sshll.u32 s5, $0x1;
	s3 =	sadd.s32 s21, s20  }
0x14: {  	s23 =	simm.s32 $0x0;
	s4 =	sshll.u32 s4, $0x1;
	s5 =	sadd.s32 s22, s3  }
0x15: {  	[timem:s23], [sflag:s6] =	dma.local [hbm:s5], s4  }
0x16: {  	_ =	swait.ge [sflag:s6], s4  }
0x17: {  	s4 =	ssub.s32 $0x0, s4;
	[sflag:s6] =	ssyncset.done $0x0  }
0x18: {  	[sflag:s6] =	ssyncadd.s32 s4;
	_ =	sdelay $0x1  }
0x19: {  	s24 =	simm.s32 $0x1B8B  }
0x1a: {  	_ =	swait.ge [sflag:s24], $0x1  }
0x1b: {  	[sflag:s24] =	ssyncset.done $0x0  }
0x1c: {  	[sflag:s24] =	ssyncadd.s32 $0xFFFFFFFF  }
0x1d: {  	s4 =	sld [smem:$0x0]  }
0x1e: {  	s5 =	sand.u32 $0xFFFFFFFE, s1  }
0x1f: {  	p0 =	sne.s32 s1, s5  }
0x20: {  	s5 =	sshll.u32 @p0 s5, $0xE  }
0x21: {  	s5 =	sadd.s32 @p0 $0x11B8D, s5;
	s6 =	sshll.u32 @p0 s4, $0x11  }
0x22: {  	s5 =	sor.u32 @p0 s6, s5  }
0x23: {  	[sflag:s5] =	ssyncadd.remote.s32 @p0 $0x1;
	_ =	sdelay $0x1  }
0x24: {  	s5 =	simm.s32 @p0 $0x1B8D  }
0x25: {  	_ =	swait.eq @p0 [sflag:s5], $0x1  }
0x26: {  	[sflag:s5] =	ssyncadd.s32 @p0 $0xFFFFFFFF  }
0x27: {  	s6 =	sshll.u32 @!p0 s1, $0xE  }
0x28: {  	s6 =	sor.u32 @!p0 $0x4000, s6;
	s5 =	simm.s32 @!p0 $0x1B8D  }
0x29: {  	s4 =	sshll.u32 @!p0 s4, $0x11;
	s6 =	sadd.s32 @!p0 $0x11B8D, s6;
	_ =	swait.eq @!p0 [sflag:s5], $0x1  }
0x2a: {  	s4 =	sor.u32 @!p0 s4, s6;
	[sflag:s5] =	ssyncadd.s32 @!p0 $0xFFFFFFFF  }
0x2b: {  	s26 =	simm.s32 $0x1B8E;
	s25 =	sld [smem:$0x3FFE];
	[sflag:s4] =	ssyncadd.remote.s32 @!p0 $0x1  }
0x2c: {  	s27 =	simm.s32 $execute0_lowered;
	[smem:$0x3FD2] =	sst s26  }
0x2d: {  	s5 =	sshll.u32 s27, $0x1;
	_ =	strace $0x80000052;
	[dreg:$0x1] =	wrdreg $0xFFFFFFFF  }
0x2e: {  	s28 =	simm.s32 $_size_execute0_lowered;
	s3 =	sadd.s32 s3, s5;
	[dreg:$0x0] =	wrdreg $0x0  }
0x2f: {  	s5 =	sshll.u32 s28, $0x1;
	[dreg:$0x2] =	wrdreg s3  }
0x30: {  	[dreg:$0x3] =	wrdreg s5  }
0x31: {  	[dreg:$0x4] =	wrdreg $0xC0  }
0x32: {  	_ =	task [dreg:s23], $0x5FFFF  }
0x33: {  	[dreg:$0x1] =	wrdreg $0xFFFFFFFF  }
0x34: {  	[dreg:$0x0] =	wrdreg $0x60  }
0x35: {  	[dreg:$0x2] =	wrdreg s25  }
0x36: {  	[dreg:$0x3] =	wrdreg $0xC  }
0x37: {  	_ =	task.clear_ibuf [dreg:s23], $0x4FFFF;
	_ =	strace $0x90000052  }
0x38: {  	s29 =	simm.s32 $0xC;
	_ =	strace $0x80000054  }
0x39: {  	_ =	swait.ge [sflag:s29], $0x1  }
0x3a: {  	[sflag:s29] =	ssyncadd.s32 $0xFFFFFFFF  }
0x3b: {  	_ =	strace $0x90000054  }
0x3c: {  	_ =	sfence  }
0x3d: {  	s30 =	sld [smem:$0x0];
	_ =	sdelay $0x2  }
0x3e: {  	s31 =	sshll.u32 s1, $0xD;
	s1 =	sshrl.u32 s1, $0x2  }
0x3f: {  	s4 =	sand.u32 $0x4000, s31;
	s1 =	sadd.s32 s1, s30  }
0x40: {  	s0 =	sor.u32 s4, s0;
	s1 =	sshll.u32 s1, $0x11  }
0x41: {  	s0 =	sor.u32 s1, s0  }
0x42: {  	s0 =	sadd.s32 $0x8F2B, s0  }
0x43: {  	[sflag:s0] =	ssyncadd.remote.s32 $0x1  }
0x44: {  	_ =	sfence.sel $0xFFFF  }
0x45: {  	[dreg:$0x0] =	wrdreg $0xFFFFFFFF;
	(pc) =	sbr.abs _section_cstart, $3  }
0x46: {  	[dreg:$0x1] =	wrdreg $0xFFFFFFFF  }
0x47: {  	_ =	task.clear_ibuf [dreg:s23], $0x2FFFF;
	_ =	strace $0x9FFFFFFF  }
0x48: {  	(tm) =	ssettm $0x7FFFFFFF  }
0x49: {  	_ =	shalt  }
tec
execute0_lowered:
.L_overlay_start_1:
0x0: {  	(tag) =	ssettag $0x1  }
0x1: {  	s0 =	srdreg.scid  }
0x2: {  	s6 =	rddreg [dreg:$0x0];
	s7 =	simm.s32 $0x1;
	s1 =	sshll.u32 s0, $0x4  }
0x3: {  	s8 =	simm.s32 $0x2;
	s0 =	stileid.u32;
	s1 =	sand.u32 $0x10, s1  }
0x4: {  	s13 =	simm.s32 $0x0;
	s12 =	simm.s32 $0x0;
	s1 =	sor.u32 s0, s1  }
0x5: {  	s10 =	simm.s32 $0x0;
	s3 =	sadd.s32 $0x362C00, s6;
	s2 =	sshll.u32 s1, $0x9  }
0x6: {  	s11 =	simm.s32 $0x0;
	s6 =	sadd.s32 $0x6B0AA00, s6;
	s5 =	ssub.s32 $0x187000, s2  }
.Ltmp0:
0x7: {  	s1 =	rddreg [dreg:$0x1];
	s4 =	sand.u32 $0x3E00, s5;
	(pc) =	sbr.rel .LBB1_1-.Ltmp0, $4  }
0x8: {  	_ =	strace $0x80000053;
	s9 =	smov.u32 s2;
	p0 =	sne.s32 s4, $0x0  }
0x9: {  	s5 =	sshrl.u32 s5, $0xE;
	s4 =	simm.s32 $0x1;
	s7 =	simm.s32 @!p0 $0x0  }
0xa: {  	[sflag:s4] =	ssyncpa.u1 $0x0;
	p0 =	por $0x0, $0x0;
	s5 =	sadd.s32 s7, s5  }
0xb: {  	[sflag:s8] =	ssyncpa.u1 $0x0;
	s8 =	simm.s32 $0x80;
	s7 =	sadd.s32 $0x1, s5  }
.LBB1_4:
0xc: {  	_ = 	snop  }
0xd: {  	[tilespmem:s18+$0x2D60 ss:$0x21] =	vst.msk $0xffff, v7  }
0xe: {  	[tilespmem:s18+$0x2F70 ss:$0x21] =	vst.msk $0xffff, v6  }
0xf: {  	[tilespmem:s18+$0x3390 ss:$0x21] =	vst.msk $0xffff, v3  }
0x10: {  	s21 =	sor.u32 s24, s23;
	v31 =	vld.idx.msk [tilespmem:v0+s16+$0xC70 ss:$0x1], $0xffff;
	[tilespmem:s18+$0x35A0 ss:$0x21] =	vst.msk $0xffff, v1  }
0x11: {  	[tilespmem:s18+$0x37B0 ss:$0x21] =	vst.msk $0xffff, v2;
	v43 =	vld.idx.msk [tilespmem:v0+s21+$0x410 ss:$0x1], $0xffff  }
0x12: {  	[tilespmem:s18+$0x39C0 ss:$0x21] =	vst.msk $0xffff, v4;
	v44 =	vld.idx.msk [tilespmem:v0+s21+$0x420 ss:$0x1], $0xffff  }
0x13: {  	[tilespmem:s18+$0x3BD0 ss:$0x21] =	vst.msk $0xffff, v5;
	s22 =	sand.u32 $0x3200, s21;
	v45 =	vld.idx.msk [tilespmem:v0+s21+$0x430 ss:$0x1], $0xffff  }
0x14: {  	s20 =	sand.u32 $0x180, s20;
	s25 =	sshra.s32 s19, $0x2;
	[tilespmem:s18+$0x3DE0 ss:$0x21] =	vst.msk $0xffff, v8;
	v46 =	vld.idx.msk [tilespmem:v0+s21+$0x440 ss:$0x1], $0xffff;
	s15 =	sadd.s32 s22, s15  }
0x15: {  	v47 =	vld.idx.msk [tilespmem:v0+s21+$0x450 ss:$0x1], $0xffff;
	s24 =	sadd.s32 s20, s15;
	s15 =	sadd.s32 s25, s17;
	[tilespmem:s18+$0x3FF0 ss:$0x21] =	vst.msk $0xffff, v31  }
0x16: {  	v48 =	vld.idx.msk [tilespmem:v0+s21+$0x460 ss:$0x1], $0xffff;
	[tilespmem:s15+$0x1290 ss:$0x21] =	vst.msk $0xffff, v43  }
0x17: {  	v49 =	vld.idx.msk [tilespmem:v0+s21+$0x470 ss:$0x1], $0xffff;
	[tilespmem:s15+$0x14A0 ss:$0x21] =	vst.msk $0xffff, v44  }
0x18: {  	v50 =	vld.idx.msk [tilespmem:v0+s21+$0x810 ss:$0x1], $0xffff;
	[tilespmem:s15+$0x16B0 ss:$0x21] =	vst.msk $0xffff, v45  }
0x19: {  	v51 =	vld.idx.msk [tilespmem:v0+s21+$0x820 ss:$0x1], $0xffff;
	[tilespmem:s15+$0x18C0 ss:$0x21] =	vst.msk $0xffff, v46  }
0x1a: {  	v52 =	vld.idx.msk [tilespmem:v0+s21+$0x830 ss:$0x1], $0xffff;
	[tilespmem:s15+$0x1AD0 ss:$0x21] =	vst.msk $0xffff, v47  }
0x1b: {  	v53 =	vld.idx.msk [tilespmem:v0+s21+$0x840 ss:$0x1], $0xffff;
	[tilespmem:s15+$0x1CE0 ss:$0x21] =	vst.msk $0xffff, v48  }
0x1c: {  	v54 =	vld.idx.msk [tilespmem:v0+s21+$0x850 ss:$0x1], $0xffff;
	[tilespmem:s15+$0x1EF0 ss:$0x21] =	vst.msk $0xffff, v49  }
0x1d: {  	v55 =	vld.idx.msk [tilespmem:v0+s21+$0x860 ss:$0x1], $0xffff;
	[tilespmem:s15+$0x2310 ss:$0x21] =	vst.msk $0xffff, v50  }
0x1e: {  	v56 =	vld.idx.msk [tilespmem:v0+s21+$0x870 ss:$0x1], $0xffff;
	[tilespmem:s15+$0x2520 ss:$0x21] =	vst.msk $0xffff, v51  }
0x1f: {  	v57 =	vld.idx.msk [tilespmem:v0+s21+$0xC10 ss:$0x1], $0xffff;
	[tilespmem:s15+$0x2730 ss:$0x21] =	vst.msk $0xffff, v52  }
0x20: {  	v58 =	vld.idx.msk [tilespmem:v0+s21+$0xC20 ss:$0x1], $0xffff;
	[tilespmem:s15+$0x2940 ss:$0x21] =	vst.msk $0xffff, v53  }
0x21: {  	v59 =	vld.idx.msk [tilespmem:v0+s21+$0xC30 ss:$0x1], $0xffff;
	[tilespmem:s15+$0x2B50 ss:$0x21] =	vst.msk $0xffff, v54  }
0x22: {  	v60 =	vld.idx.msk [tilespmem:v0+s21+$0xC40 ss:$0x1], $0xffff;
	[tilespmem:s15+$0x2D60 ss:$0x21] =	vst.msk $0xffff, v55  }
0x23: {  	v61 =	vld.idx.msk [tilespmem:v0+s21+$0xC50 ss:$0x1], $0xffff;
	[tilespmem:s15+$0x2F70 ss:$0x21] =	vst.msk $0xffff, v56  }
0x24: {  	v62 =	vld.idx.msk [tilespmem:v0+s21+$0xC60 ss:$0x1], $0xffff;
	[tilespmem:s15+$0x3390 ss:$0x21] =	vst.msk $0xffff, v57  }
0x25: {  	v63 =	vld.idx.msk [tilespmem:v0+s21+$0xC70 ss:$0x1], $0xffff;
	[tilespmem:s15+$0x35A0 ss:$0x21] =	vst.msk $0xffff, v58  }
0x26: {  	v32 =	vld [tilespmem:s24+$0xC00];
	[tilespmem:s15+$0x37B0 ss:$0x21] =	vst.msk $0xffff, v59  }
0x27: {  	v33 =	vld [tilespmem:s24+$0x0];
	[tilespmem:s15+$0x39C0 ss:$0x21] =	vst.msk $0xffff, v60  }
0x28: {  	v34 =	vld [tilespmem:s24+$0x10];
	[tilespmem:s15+$0x3BD0 ss:$0x21] =	vst.msk $0xffff, v61  }
0x29: {  	s13 =	sshll.u32 s13, $0x7;
	s26 =	sshll.u32 s12, $0x3;
	v35 =	vld [tilespmem:s24+$0x20];
	[tilespmem:s15+$0x3DE0 ss:$0x21] =	vst.msk $0xffff, v62  }
0x2a: {  	s27 =	sand.u32 $0xFFFFFC00, s13;
	s16 =	sand.u32 $0xFFFFFC00, s26;
	v36 =	vld [tilespmem:s24+$0x30];
	[tilespmem:s15+$0x3FF0 ss:$0x21] =	vst.msk $0xffff, v63  }
0x2b: {  	s13 =	sand.u32 $0x380, s13;
	s16 =	sadd.s32 s16, s27;
	v37 =	vld [tilespmem:s24+$0x40];
	[tilespmem:s15+$0x3180 ss:$0x21] =	vst.msk $0xffff, v32  }
0x2c: {  	s13 =	sor.u32 s13, s16;
	v38 =	vld [tilespmem:s24+$0x50];
	[tilespmem:s15+$0x0 ss:$0x21] =	vst.msk $0xffff, v33  }
0x2d: {  	v39 =	vld [tilespmem:s24+$0x60];
	s13 =	sshrl.u32 s13, $0x7;
	[tilespmem:s15+$0x210 ss:$0x21] =	vst.msk $0xffff, v34  }
0x2e: {  	v40 =	vld [tilespmem:s24+$0x70];
	s28 =	smulhi.u32 $0x29E71ED, s13;
	[tilespmem:s15+$0x420 ss:$0x21] =	vst.msk $0xffff, v35  }
0x2f: {  	v41 =	vld [tilespmem:s24+$0x400];
	[tilespmem:s15+$0x630 ss:$0x21] =	vst.msk $0xffff, v36  }
0x30: {  	v42 =	vld [tilespmem:s24+$0x800];
	s16 =	sshrl.u32 s28, $0xE;
	[tilespmem:s15+$0x840 ss:$0x21] =	vst.msk $0xffff, v37  }
0x31: {  	s16 =	smul.u32 $0x187000, s16;
	[tilespmem:s15+$0xA50 ss:$0x21] =	vst.msk $0xffff, v38  }
0x32: {  	s29 =	sshrl.u32 s12, $0x3;
	[tilespmem:s15+$0xC60 ss:$0x21] =	vst.msk $0xffff, v39  }
0x33: {  	s31 =	sand.u32 $0x7, s12;
	s30 =	sand.u32 $0xF, s29;
	[tilespmem:s15+$0xE70 ss:$0x21] =	vst.msk $0xffff, v40;
	s13 =	ssub.s32 s13, s16  }
0x34: {  	s12 =	sshll.u32 s31, $0x12;
	[tilespmem:s15+$0x1080 ss:$0x21] =	vst.msk $0xffff, v41;
	s16 =	sadd.s32 s6, s30;
	s13 =	sshll.u32 s13, $0x4  }
0x35: {  	s12 =	sor.u32 $0x20, s12;
	[tilespmem:s15+$0x2100 ss:$0x21] =	vst.msk $0xffff, v42;
	s13 =	sadd.s32 s13, s16  }
0x36: {  	[hbm4b:s13+s12] =	stream.strided.scatter [tilespmem:s14], [sflag:$0x2], $0x4000, s8, s12, $0x10;
	[tilespmem:$0x10400] =	vst v63  }
.LBB1_5:
0x37: {  	s14 =	sadd.s32 $0x4000, s9  }
0x38: {  	s12 =	sadd.s32 $0x20, s10;
	s16 =	smov.u32 s10;
	p2 =	sgt.s32 s14, $0x186FFF  }
0x39: {  	s16 =	smov.u32 @p2 s12  }
0x3a: {  	s14 =	smov.u32 @p2 s2;
	p2 =	sgt.s32 s16, $0x1F  }
0x3b: {  	s16 =	simm.s32 @p2 $0x0;
	p2 =	sne.s32 s11, s7  }
.Ltmp1:
0x3c: {  	p1 =	slt.u32 s11, $0x2;
	(pc) =	sbr.rel @!p2 .LBB1_6-.Ltmp1, $4  }
0x3d: {  	s15 =	simm.s32 @!p1 $0x2  }
0x3e: {  	s13 =	smov.u32 s9;
	p0 =	por !p0, !p0;
	_ =	swait.ge @!p1 [sflag:s15], $0x4000  }
0x3f: {  	s12 =	smov.u32 s10;
	[sflag:s15] =	ssyncset.done @!p1 $0x0;
	s9 =	smov.u32 s14  }
0x40: {  	s11 =	sadd.s32 $0x1, s11;
	[sflag:s15] =	ssyncadd.s32 @!p1 $0xFFFFC000;
	s10 =	smov.u32 s16  }
.LBB1_1:
0x41: {  	p1 =	sge.u32 s11, s5  }
0x42: {  	s14 =	sshrl.u32 @!p1 s10, $0x3  }
0x43: {  	s15 =	sshll.u32 @!p1 s9, $0x3;
	s16 =	sshll.u32 @!p1 s10, $0x7;
	s14 =	smul.u32 @!p1 $0xC38000, s14  }
0x44: {  	s17 =	sand.u32 @!p1 $0x7F, s9;
	s15 =	sand.u32 @!p1 $0xFFFFFC00, s15;
	s16 =	sand.u32 @!p1 $0x380, s16  }
0x45: {  	s14 =	sadd.s32 @!p1 s14, s15;
	s15 =	sor.u32 @!p1 s17, s16  }
0x46: {  	s15 =	sor.u32 @!p1 s14, s15  }
0x47: {  	s16 =	smulhi.u32 @!p1 $0xA79C7B17, s15;
	_ =	sdelay $0x1  }
0x48: {  	s14 =	smulhi.u32 @!p1 $0xA79C7B17, s14;
	s16 =	sshrl.u32 @!p1 s16, $0x14  }
0x49: {  	s16 =	smul.u32 @!p1 $0x187000, s16  }
0x4a: {  	s31 =	sadd.s32 $0xFFFFFFFF, s11;
	s17 =	sxor.u32 @!p1 $0xFFFFFFFF, s11;
	s14 =	sshrl.u32 @!p1 s14, $0x14  }
0x4b: {  	s17 =	sshll.u32 @!p1 s17, $0xE;
	s14 =	sand.u32 @!p1 $0x1F, s14;
	s15 =	ssub.s32 @!p1 s15, s16  }
0x4c: {  	s14 =	smul.u32 @!p1 $0x30E00, s14;
	s16 =	sshrl.u32 @!p1 s15, $0x3;
	s15 =	sand.u32 @!p1 $0x7, s15  }
0x4d: {  	s17 =	sand.u32 @!p1 $0x4000, s17;
	s16 =	sadd.s32 @!p1 s3, s16;
	s15 =	sshll.u32 @!p1 s15, $0x12  }
0x4e: {  	s14 =	sadd.s32 @!p1 s14, s16;
	s15 =	sor.u32 @!p1 $0x1000, s15;
	s16 =	simm.s32 @!p1 $0xC38000  }
0x4f: {  	[tilespmem:s17], [sflag:$0x1] =	stream.strided.gather @!p1 [hbm4b:s14+s15], $0x4000, s16, s15, $0x38;
	[tilespmem:$0x10400] =	vst v63  }
0x50: {  	p1 =	sge.u32 s31, s5  }
.Ltmp2:
0x51: {  	_ = 	snop;
	(pc) =	sbr.rel @p1 .LBB1_5-.Ltmp2, $1  }
0x52: {  	_ =	sdelay $0x3  }
0x53: {  	s17 =	simm.s32 $0x0  }
0x54: {  	s16 =	sand.u32 $0x3000, s17;
	s18 =	sand.u32 $0x380, s17  }
0x55: {  	s14 =	sand.u32 $0x1, s11;
	s16 =	sor.u32 s18, s16  }
0x56: {  	_ =	swait.ge [sflag:s4], $0x4000;
	s15 =	sshll.u32 s14, $0xE;
	s18 =	sand.u32 $0x3200, s16  }
0x57: {  	[sflag:s4] =	ssyncset.done $0x0;
	s17 =	sand.u32 $0x180, s17;
	s18 =	sadd.s32 s18, s15  }
0x58: {  	[sflag:s4] =	ssyncadd.s32 $0xFFFFC000;
	s20 =	sadd.s32 s17, s18  }
0x59: {  	v4 =	vld [tilespmem:s20+$0xC00]  }
0x5a: {  	s19 =	simm.s32 $0x1;
	v0 =	vmov s15;
	v5 =	vld [tilespmem:s20+$0x0]  }
0x5b: {  	s19 =	simm.s32 @!p0 $0x0;
	v6 =	vld [tilespmem:s20+$0x10]  }
0x5c: {  	s31 =	smul.u32 $0x10800, s19;
	v7 =	vld [tilespmem:s20+$0x20]  }
0x5d: {  	v8 =	vld [tilespmem:s20+$0x30]  }
0x5e: {  	s17 =	sshrl.u32 s31, $0x2;
	v9 =	vld [tilespmem:s20+$0x40]  }
0x5f: {  	s17 =	sor.u32 $0x8000, s17;
	v1 =	vld.idx.msk [tilespmem:v0+s16+$0x410 ss:$0x1], $0xffff  }
0x60: {  	v2 =	vld.idx.msk [tilespmem:v0+s16+$0x420 ss:$0x1], $0xffff;
	s18 =	sadd.s32 $0x0, s17  }
0x61: {  	v3 =	vld.idx.msk [tilespmem:v0+s16+$0x430 ss:$0x1], $0xffff;
	[tilespmem:s18+$0x3180 ss:$0x21] =	vst.msk $0xffff, v4  }
0x62: {  	v10 =	vld.idx.msk [tilespmem:v0+s16+$0x820 ss:$0x1], $0xffff;
	[tilespmem:s18+$0x0 ss:$0x21] =	vst.msk $0xffff, v5  }
0x63: {  	v11 =	vld.idx.msk [tilespmem:v0+s16+$0x830 ss:$0x1], $0xffff;
	[tilespmem:s18+$0x210 ss:$0x21] =	vst.msk $0xffff, v6  }
0x64: {  	v12 =	vld.idx.msk [tilespmem:v0+s16+$0x840 ss:$0x1], $0xffff;
	[tilespmem:s18+$0x420 ss:$0x21] =	vst.msk $0xffff, v7  }
0x65: {  	v13 =	vld.idx.msk [tilespmem:v0+s16+$0x850 ss:$0x1], $0xffff;
	[tilespmem:s18+$0x630 ss:$0x21] =	vst.msk $0xffff, v8  }
0x66: {  	v4 =	vld [tilespmem:s20+$0x50];
	[tilespmem:s18+$0x840 ss:$0x21] =	vst.msk $0xffff, v9  }
0x67: {  	v5 =	vld [tilespmem:s20+$0x60];
	[tilespmem:s18+$0x1290 ss:$0x21] =	vst.msk $0xffff, v1  }
0x68: {  	v6 =	vld [tilespmem:s20+$0x70];
	[tilespmem:s18+$0x14A0 ss:$0x21] =	vst.msk $0xffff, v2  }
0x69: {  	v7 =	vld [tilespmem:s20+$0x400];
	[tilespmem:s18+$0x16B0 ss:$0x21] =	vst.msk $0xffff, v3  }
0x6a: {  	v8 =	vld [tilespmem:s20+$0x800];
	[tilespmem:s18+$0x2520 ss:$0x21] =	vst.msk $0xffff, v10  }
0x6b: {  	v9 =	vld.idx.msk [tilespmem:v0+s16+$0x470 ss:$0x1], $0xffff;
	[tilespmem:s18+$0x2730 ss:$0x21] =	vst.msk $0xffff, v11  }
0x6c: {  	v3 =	vld.idx.msk [tilespmem:v0+s16+$0xC10 ss:$0x1], $0xffff;
	[tilespmem:s18+$0x2940 ss:$0x21] =	vst.msk $0xffff, v12  }
0x6d: {  	v1 =	vld.idx.msk [tilespmem:v0+s16+$0xC20 ss:$0x1], $0xffff;
	[tilespmem:s18+$0x2B50 ss:$0x21] =	vst.msk $0xffff, v13  }
0x6e: {  	v2 =	vld.idx.msk [tilespmem:v0+s16+$0xC30 ss:$0x1], $0xffff;
	[tilespmem:s18+$0xA50 ss:$0x21] =	vst.msk $0xffff, v4  }
0x6f: {  	[tilespmem:s18+$0xE70 ss:$0x21] =	vst.msk $0xffff, v6;
	v6 =	vld.idx.msk [tilespmem:v0+s16+$0x460 ss:$0x1], $0xffff  }
0x70: {  	v4 =	vld.idx.msk [tilespmem:v0+s16+$0x440 ss:$0x1], $0xffff;
	[tilespmem:s18+$0xC60 ss:$0x21] =	vst.msk $0xffff, v5  }
0x71: {  	v5 =	vld.idx.msk [tilespmem:v0+s16+$0x450 ss:$0x1], $0xffff;
	[tilespmem:s18+$0x1080 ss:$0x21] =	vst.msk $0xffff, v7  }
0x72: {  	[tilespmem:s18+$0x2100 ss:$0x21] =	vst.msk $0xffff, v8;
	v8 =	vld.idx.msk [tilespmem:v0+s16+$0x810 ss:$0x1], $0xffff  }
0x73: {  	v7 =	vld.idx.msk [tilespmem:v0+s16+$0x860 ss:$0x1], $0xffff;
	[tilespmem:s18+$0x1EF0 ss:$0x21] =	vst.msk $0xffff, v9  }
0x74: {  	s14 =	smul.u32 $0x10800, s14;
	[tilespmem:s18+$0x1CE0 ss:$0x21] =	vst.msk $0xffff, v6;
	v6 =	vld.idx.msk [tilespmem:v0+s16+$0x870 ss:$0x1], $0xffff  }
0x75: {  	s21 =	simm.s32 $0x200;
	s22 =	simm.s32 $0x8;
	[tilespmem:s18+$0x18C0 ss:$0x21] =	vst.msk $0xffff, v4;
	v4 =	vld.idx.msk [tilespmem:v0+s16+$0xC40 ss:$0x1], $0xffff  }
0x76: {  	s23 =	sand.u32 $0x3000, s21;
	s14 =	sshrl.u32 s14, $0x2;
	s20 =	simm.s32 $0x80;
	[tilespmem:s18+$0x1AD0 ss:$0x21] =	vst.msk $0xffff, v5;
	v5 =	vld.idx.msk [tilespmem:v0+s16+$0xC50 ss:$0x1], $0xffff  }
0x77: {  	s19 =	simm.s32 $0x4;
	s14 =	sor.u32 $0x8000, s14;
	s24 =	sand.u32 $0x380, s20;
	[tilespmem:s18+$0x2310 ss:$0x21] =	vst.msk $0xffff, v8;
	v8 =	vld.idx.msk [tilespmem:v0+s16+$0xC60 ss:$0x1], $0xffff  }
.LBB1_3:
0x78: {  	p1 =	sne.s32 s22, $0x7C;
	[tilespmem:s18+$0x2D60 ss:$0x21] =	vst.msk $0xffff, v7;
	v7 =	vld.idx.msk [tilespmem:v0+s16+$0xC70 ss:$0x1], $0xffff;
	s16 =	sor.u32 s24, s23  }
0x79: {  	s23 =	sand.u32 $0x3200, s16;
	v9 =	vld.idx.msk [tilespmem:v0+s16+$0x410 ss:$0x1], $0xffff;
	[tilespmem:s18+$0x2F70 ss:$0x21] =	vst.msk $0xffff, v6  }
0x7a: {  	s24 =	sand.u32 $0x180, s20;
	s23 =	sadd.s32 s23, s15;
	v6 =	vld.idx.msk [tilespmem:v0+s16+$0x420 ss:$0x1], $0xffff;
	[tilespmem:s18+$0x3390 ss:$0x21] =	vst.msk $0xffff, v3  }
0x7b: {  	s23 =	sadd.s32 s24, s23;
	v3 =	vld.idx.msk [tilespmem:v0+s16+$0x430 ss:$0x1], $0xffff;
	[tilespmem:s18+$0x35A0 ss:$0x21] =	vst.msk $0xffff, v1  }
0x7c: {  	v1 =	vld [tilespmem:s23+$0xC00];
	[tilespmem:s18+$0x37B0 ss:$0x21] =	vst.msk $0xffff, v2  }
0x7d: {  	v2 =	vld [tilespmem:s23+$0x0];
	[tilespmem:s18+$0x39C0 ss:$0x21] =	vst.msk $0xffff, v4  }
0x7e: {  	v4 =	vld [tilespmem:s23+$0x10];
	[tilespmem:s18+$0x3BD0 ss:$0x21] =	vst.msk $0xffff, v5  }
0x7f: {  	s24 =	sshra.s32 s19, $0x2;
	s19 =	smov.u32 s22;
	v5 =	vld [tilespmem:s23+$0x20];
	[tilespmem:s18+$0x3DE0 ss:$0x21] =	vst.msk $0xffff, v8  }
0x80: {  	v8 =	vld [tilespmem:s23+$0x30];
	[tilespmem:s18+$0x3FF0 ss:$0x21] =	vst.msk $0xffff, v7;
	s18 =	sadd.s32 s24, s17  }
0x81: {  	v7 =	vld [tilespmem:s23+$0x40];
	[tilespmem:s18+$0x3180 ss:$0x21] =	vst.msk $0xffff, v1  }
0x82: {  	[tilespmem:s18+$0x0 ss:$0x21] =	vst.msk $0xffff, v2;
	v1 =	vld [tilespmem:s23+$0x50]  }
0x83: {  	[tilespmem:s18+$0x210 ss:$0x21] =	vst.msk $0xffff, v4;
	v2 =	vld [tilespmem:s23+$0x60]  }
0x84: {  	[tilespmem:s18+$0x420 ss:$0x21] =	vst.msk $0xffff, v5;
	v4 =	vld [tilespmem:s23+$0x70]  }
0x85: {  	[tilespmem:s18+$0x630 ss:$0x21] =	vst.msk $0xffff, v8;
	v5 =	vld [tilespmem:s23+$0x400]  }
0x86: {  	[tilespmem:s18+$0x840 ss:$0x21] =	vst.msk $0xffff, v7;
	v7 =	vld [tilespmem:s23+$0x800]  }
0x87: {  	[tilespmem:s18+$0xA50 ss:$0x21] =	vst.msk $0xffff, v1;
	v1 =	vld.idx.msk [tilespmem:v0+s16+$0x440 ss:$0x1], $0xffff  }
0x88: {  	[tilespmem:s18+$0xC60 ss:$0x21] =	vst.msk $0xffff, v2;
	v2 =	vld.idx.msk [tilespmem:v0+s16+$0x450 ss:$0x1], $0xffff  }
0x89: {  	[tilespmem:s18+$0xE70 ss:$0x21] =	vst.msk $0xffff, v4;
	v4 =	vld.idx.msk [tilespmem:v0+s16+$0x460 ss:$0x1], $0xffff  }
0x8a: {  	[tilespmem:s18+$0x1080 ss:$0x21] =	vst.msk $0xffff, v5;
	v5 =	vld.idx.msk [tilespmem:v0+s16+$0x470 ss:$0x1], $0xffff  }
0x8b: {  	[tilespmem:s18+$0x2100 ss:$0x21] =	vst.msk $0xffff, v7;
	v8 =	vld.idx.msk [tilespmem:v0+s16+$0x810 ss:$0x1], $0xffff  }
0x8c: {  	[tilespmem:s18+$0x1290 ss:$0x21] =	vst.msk $0xffff, v9;
	v9 =	vld.idx.msk [tilespmem:v0+s16+$0x820 ss:$0x1], $0xffff  }
0x8d: {  	[tilespmem:s18+$0x14A0 ss:$0x21] =	vst.msk $0xffff, v6;
	v10 =	vld.idx.msk [tilespmem:v0+s16+$0x830 ss:$0x1], $0xffff  }
0x8e: {  	[tilespmem:s18+$0x16B0 ss:$0x21] =	vst.msk $0xffff, v3;
	v11 =	vld.idx.msk [tilespmem:v0+s16+$0x840 ss:$0x1], $0xffff  }
0x8f: {  	[tilespmem:s18+$0x18C0 ss:$0x21] =	vst.msk $0xffff, v1;
	v12 =	vld.idx.msk [tilespmem:v0+s16+$0x850 ss:$0x1], $0xffff  }
0x90: {  	[tilespmem:s18+$0x1AD0 ss:$0x21] =	vst.msk $0xffff, v2;
	v7 =	vld.idx.msk [tilespmem:v0+s16+$0x860 ss:$0x1], $0xffff  }
0x91: {  	[tilespmem:s18+$0x1CE0 ss:$0x21] =	vst.msk $0xffff, v4;
	v6 =	vld.idx.msk [tilespmem:v0+s16+$0x870 ss:$0x1], $0xffff  }
0x92: {  	[tilespmem:s18+$0x1EF0 ss:$0x21] =	vst.msk $0xffff, v5;
	v3 =	vld.idx.msk [tilespmem:v0+s16+$0xC10 ss:$0x1], $0xffff  }
.Ltmp3:
0x93: {  	[tilespmem:s18+$0x2310 ss:$0x21] =	vst.msk $0xffff, v8;
	v1 =	vld.idx.msk [tilespmem:v0+s16+$0xC20 ss:$0x1], $0xffff;
	(pc) =	sbr.rel @p1 .LBB1_3-.Ltmp3, $4  }
0x94: {  	[tilespmem:s18+$0x2520 ss:$0x21] =	vst.msk $0xffff, v9;
	v2 =	vld.idx.msk [tilespmem:v0+s16+$0xC30 ss:$0x1], $0xffff  }
0x95: {  	[tilespmem:s18+$0x2730 ss:$0x21] =	vst.msk $0xffff, v10;
	v4 =	vld.idx.msk [tilespmem:v0+s16+$0xC40 ss:$0x1], $0xffff  }
0x96: {  	s20 =	sadd.s32 $0x80, s20;
	s21 =	sadd.s32 $0x200, s21;
	[tilespmem:s18+$0x2940 ss:$0x21] =	vst.msk $0xffff, v11;
	v5 =	vld.idx.msk [tilespmem:v0+s16+$0xC50 ss:$0x1], $0xffff  }
0x97: {  	s22 =	sadd.s32 $0x4, s22;
	s24 =	sand.u32 $0x380, s20;
	s23 =	sand.u32 $0x3000, s21;
	[tilespmem:s18+$0x2B50 ss:$0x21] =	vst.msk $0xffff, v12;
	v8 =	vld.idx.msk [tilespmem:v0+s16+$0xC60 ss:$0x1], $0xffff  }
.Ltmp4:
0x98: {  	_ = 	snop;
	(pc) =	sbr.rel .LBB1_4-.Ltmp4, $1  }
0x99: {  	_ =	sdelay $0x3  }
.LBB1_6:
0x9a: {  	_ =	sfence.sel $0x180000  }
0x9b: {  	s2 =	simm.s32 $0x1;
	[bflag:$0x0] =	sbarrier.arrive $0xFFFF  }
0x9c: {  	s31 =	simm.s32 $0x2;
	[sflag:s2] =	ssyncpa.u1 $0x1  }
0x9d: {  	[sflag:s31] =	ssyncpa.u1 $0x1  }
0x9e: {  	p0 =	sne.s32 s0, $0x0;
	_ =	strace $0x90000053  }
0x9f: {  	s0 =	sadd.s32 @!p0 $0x100000, s1;
	[bflag:$0x2] =	sbarrier.arrive $0xFFFF  }
0xa0: {  	[sflag:s0] =	ssyncadd.tile.s32 @!p0 $0x1;
	_ =	shalt  }
.Lfunc_end1:
_tile_overlayer_lowered:
.L_overlay_start_2:
0xa1: {  	(tag) =	ssettag $0x2  }
0xa2: {  	s0 =	rddreg [dreg:$0x0];
	s2 =	stileid.u32  }
0xa3: {  	s1 =	rddreg [dreg:$0x1];
	p0 =	sne.s32 s2, $0x0  }
0xa4: {  	s3 =	rddreg [dreg:$0x2];
	[bflag:$0x3] =	sbarrier.arrive $0xFFFF;
	s2 =	simm.s32 @!p0 $0x1C01  }
0xa5: {  	[timem:s3], [sflag:s2] =	dma.local @!p0 [hbm:s0], s1  }
0xa6: {  	s0 =	simm.s32 @!p0 $0x1  }
0xa7: {  	_ =	swait.ge @!p0 [sflag:s0], s1  }
0xa8: {  	s1 =	ssub.s32 @!p0 $0x0, s1;
	[sflag:s0] =	ssyncset.done @!p0 $0x0  }
0xa9: {  	[sflag:s0] =	ssyncadd.s32 @!p0 s1  }
0xaa: {  	[bflag:$0x3] =	sbarrier.arrive $0xFFFF  }
0xab: {  	_ =	shalt  }

// kernel: sparse-core-data-format-call.3.cloned.1.call-start
scs
called_computation.6_lowered:
.L_overlay_start_0:
0x0: {  	s2 =	sld [smem:$0x3FD9]  }
0x1: {  	s3 =	sld [smem:$0x3FFE];
	_ =	sdelay $0x1  }
0x2: {  	s1 =	srdreg.scid  }
0x3: {  	s0 =	sand.u32 $0x1, s1  }
0x4: {  	s18 =	sshll.u32 s0, $0xA;
	s2 =	sadd.s32 s3, s2  }
0x5: {  	s2 =	sadd.s32 s2, s18  }
0x6: {  	[smem:$0x3F9E] =	sst s2  }
0x7: {  	_ = 	snop  }
0x8: {  	(tm) =	ssettm $0x1  }
0x9: {  	s19 =	sld [smem:$0x3FFB];
	_ =	sdelay $0x3  }
0xa: {  	_ =	strace s19  }
0xb: {  	s2 =	sld [smem:$0x3FFC];
	_ =	sdelay $0x3  }
0xc: {  	_ =	strace s2  }
0xd: {  	s2 =	sld [smem:$0x3FFD];
	_ =	sdelay $0x3  }
0xe: {  	_ =	strace s2  }
0xf: {  	_ =	strace $0x8FFFFFFF  }
0x10: {  	s20 =	sld [smem:$0x3FDB];
	_ =	sdelay $0x1  }
0x11: {  	s21 =	simm.s32 $_scs_section_size  }
0x12: {  	s4 =	simm.s32 $_size__tile_overlayer_lowered;
	s5 =	simm.s32 $_tile_overlayer_lowered  }
0x13: {  	s6 =	simm.s32 $0x1BFF;
	s22 =	sshll.u32 s5, $0x1;
	s3 =	sadd.s32 s21, s20  }
0x14: {  	s23 =	simm.s32 $0x0;
	s4 =	sshll.u32 s4, $0x1;
	s5 =	sadd.s32 s22, s3  }
0x15: {  	[timem:s23], [sflag:s6] =	dma.local [hbm:s5], s4  }
0x16: {  	_ =	swait.ge [sflag:s6], s4  }
0x17: {  	s4 =	ssub.s32 $0x0, s4;
	[sflag:s6] =	ssyncset.done $0x0  }
0x18: {  	[sflag:s6] =	ssyncadd.s32 s4;
	_ =	sdelay $0x1  }
0x19: {  	s24 =	simm.s32 $0x1B8B  }
0x1a: {  	_ =	swait.ge [sflag:s24], $0x1  }
0x1b: {  	[sflag:s24] =	ssyncset.done $0x0  }
0x1c: {  	[sflag:s24] =	ssyncadd.s32 $0xFFFFFFFF  }
0x1d: {  	s4 =	sld [smem:$0x0]  }
0x1e: {  	s5 =	sand.u32 $0xFFFFFFFE, s1  }
0x1f: {  	p0 =	sne.s32 s1, s5  }
0x20: {  	s5 =	sshll.u32 @p0 s5, $0xE  }
0x21: {  	s5 =	sadd.s32 @p0 $0x11B8D, s5;
	s6 =	sshll.u32 @p0 s4, $0x11  }
0x22: {  	s5 =	sor.u32 @p0 s6, s5  }
0x23: {  	[sflag:s5] =	ssyncadd.remote.s32 @p0 $0x1;
	_ =	sdelay $0x1  }
0x24: {  	s5 =	simm.s32 @p0 $0x1B8D  }
0x25: {  	_ =	swait.eq @p0 [sflag:s5], $0x1  }
0x26: {  	[sflag:s5] =	ssyncadd.s32 @p0 $0xFFFFFFFF  }
0x27: {  	s6 =	sshll.u32 @!p0 s1, $0xE  }
0x28: {  	s6 =	sor.u32 @!p0 $0x4000, s6;
	s5 =	simm.s32 @!p0 $0x1B8D  }
0x29: {  	s4 =	sshll.u32 @!p0 s4, $0x11;
	s6 =	sadd.s32 @!p0 $0x11B8D, s6;
	_ =	swait.eq @!p0 [sflag:s5], $0x1  }
0x2a: {  	s4 =	sor.u32 @!p0 s4, s6;
	[sflag:s5] =	ssyncadd.s32 @!p0 $0xFFFFFFFF  }
0x2b: {  	s26 =	simm.s32 $0x1B8E;
	s25 =	sld [smem:$0x3FFE];
	[sflag:s4] =	ssyncadd.remote.s32 @!p0 $0x1  }
0x2c: {  	s27 =	simm.s32 $execute0_lowered;
	[smem:$0x3FD2] =	sst s26  }
0x2d: {  	s5 =	sshll.u32 s27, $0x1;
	_ =	strace $0x8000004F;
	[dreg:$0x1] =	wrdreg $0xFFFFFFFF  }
0x2e: {  	s28 =	simm.s32 $_size_execute0_lowered;
	s3 =	sadd.s32 s3, s5;
	[dreg:$0x0] =	wrdreg $0x0  }
0x2f: {  	s5 =	sshll.u32 s28, $0x1;
	[dreg:$0x2] =	wrdreg s3  }
0x30: {  	[dreg:$0x3] =	wrdreg s5  }
0x31: {  	[dreg:$0x4] =	wrdreg $0xC0  }
0x32: {  	_ =	task [dreg:s23], $0x5FFFF  }
0x33: {  	[dreg:$0x1] =	wrdreg $0xFFFFFFFF  }
0x34: {  	[dreg:$0x0] =	wrdreg $0x60  }
0x35: {  	[dreg:$0x2] =	wrdreg s25  }
0x36: {  	[dreg:$0x3] =	wrdreg $0xB  }
0x37: {  	_ =	task.clear_ibuf [dreg:s23], $0x4FFFF;
	_ =	strace $0x9000004F  }
0x38: {  	s29 =	simm.s32 $0xB;
	_ =	strace $0x80000051  }
0x39: {  	_ =	swait.ge [sflag:s29], $0x1  }
0x3a: {  	[sflag:s29] =	ssyncadd.s32 $0xFFFFFFFF  }
0x3b: {  	_ =	strace $0x90000051  }
0x3c: {  	_ =	sfence  }
0x3d: {  	s30 =	sld [smem:$0x0];
	_ =	sdelay $0x2  }
0x3e: {  	s31 =	sshll.u32 s1, $0xD;
	s1 =	sshrl.u32 s1, $0x2  }
0x3f: {  	s4 =	sand.u32 $0x4000, s31;
	s1 =	sadd.s32 s1, s30  }
0x40: {  	s0 =	sor.u32 s4, s0;
	s1 =	sshll.u32 s1, $0x11  }
0x41: {  	s0 =	sor.u32 s1, s0  }
0x42: {  	s0 =	sadd.s32 $0x8F2B, s0  }
0x43: {  	[sflag:s0] =	ssyncadd.remote.s32 $0x1  }
0x44: {  	_ =	sfence.sel $0xFFFF  }
0x45: {  	[dreg:$0x0] =	wrdreg $0xFFFFFFFF;
	(pc) =	sbr.abs _section_cstart, $3  }
0x46: {  	[dreg:$0x1] =	wrdreg $0xFFFFFFFF  }
0x47: {  	_ =	task.clear_ibuf [dreg:s23], $0x2FFFF;
	_ =	strace $0x9FFFFFFF  }
0x48: {  	(tm) =	ssettm $0x7FFFFFFF  }
0x49: {  	_ =	shalt  }
tec
execute0_lowered:
.L_overlay_start_1:
0x0: {  	(tag) =	ssettag $0x1  }
0x1: {  	s0 =	srdreg.scid  }
0x2: {  	s6 =	rddreg [dreg:$0x0];
	s7 =	simm.s32 $0x1;
	s1 =	sshll.u32 s0, $0x4  }
0x3: {  	s8 =	simm.s32 $0x2;
	s0 =	stileid.u32;
	s1 =	sand.u32 $0x10, s1  }
0x4: {  	s13 =	simm.s32 $0x0;
	s12 =	simm.s32 $0x0;
	s1 =	sor.u32 s0, s1  }
0x5: {  	s10 =	simm.s32 $0x0;
	s3 =	sadd.s32 $0x4C7EA00, s6;
	s2 =	sshll.u32 s1, $0x9  }
0x6: {  	s11 =	simm.s32 $0x0;
	s6 =	sadd.s32 $0x529AA00, s6;
	s5 =	ssub.s32 $0x187000, s2  }
.Ltmp0:
0x7: {  	s1 =	rddreg [dreg:$0x1];
	s4 =	sand.u32 $0x3E00, s5;
	(pc) =	sbr.rel .LBB1_1-.Ltmp0, $4  }
0x8: {  	_ =	strace $0x80000050;
	s9 =	smov.u32 s2;
	p0 =	sne.s32 s4, $0x0  }
0x9: {  	s5 =	sshrl.u32 s5, $0xE;
	s4 =	simm.s32 $0x1;
	s7 =	simm.s32 @!p0 $0x0  }
0xa: {  	[sflag:s4] =	ssyncpa.u1 $0x0;
	p0 =	por $0x0, $0x0;
	s5 =	sadd.s32 s7, s5  }
0xb: {  	[sflag:s8] =	ssyncpa.u1 $0x0;
	s8 =	simm.s32 $0x80;
	s7 =	sadd.s32 $0x1, s5  }
.LBB1_4:
0xc: {  	_ = 	snop  }
0xd: {  	[tilespmem:s18+$0x2D60 ss:$0x21] =	vst.msk $0xffff, v7  }
0xe: {  	[tilespmem:s18+$0x2F70 ss:$0x21] =	vst.msk $0xffff, v6  }
0xf: {  	[tilespmem:s18+$0x3390 ss:$0x21] =	vst.msk $0xffff, v3  }
0x10: {  	s21 =	sor.u32 s24, s23;
	v31 =	vld.idx.msk [tilespmem:v0+s16+$0xC70 ss:$0x1], $0xffff;
	[tilespmem:s18+$0x35A0 ss:$0x21] =	vst.msk $0xffff, v1  }
0x11: {  	[tilespmem:s18+$0x37B0 ss:$0x21] =	vst.msk $0xffff, v2;
	v43 =	vld.idx.msk [tilespmem:v0+s21+$0x410 ss:$0x1], $0xffff  }
0x12: {  	[tilespmem:s18+$0x39C0 ss:$0x21] =	vst.msk $0xffff, v4;
	v44 =	vld.idx.msk [tilespmem:v0+s21+$0x420 ss:$0x1], $0xffff  }
0x13: {  	[tilespmem:s18+$0x3BD0 ss:$0x21] =	vst.msk $0xffff, v5;
	s22 =	sand.u32 $0x3200, s21;
	v45 =	vld.idx.msk [tilespmem:v0+s21+$0x430 ss:$0x1], $0xffff  }
0x14: {  	s20 =	sand.u32 $0x180, s20;
	s25 =	sshra.s32 s19, $0x2;
	[tilespmem:s18+$0x3DE0 ss:$0x21] =	vst.msk $0xffff, v8;
	v46 =	vld.idx.msk [tilespmem:v0+s21+$0x440 ss:$0x1], $0xffff;
	s15 =	sadd.s32 s22, s15  }
0x15: {  	v47 =	vld.idx.msk [tilespmem:v0+s21+$0x450 ss:$0x1], $0xffff;
	s24 =	sadd.s32 s20, s15;
	s15 =	sadd.s32 s25, s17;
	[tilespmem:s18+$0x3FF0 ss:$0x21] =	vst.msk $0xffff, v31  }
0x16: {  	v48 =	vld.idx.msk [tilespmem:v0+s21+$0x460 ss:$0x1], $0xffff;
	[tilespmem:s15+$0x1290 ss:$0x21] =	vst.msk $0xffff, v43  }
0x17: {  	v49 =	vld.idx.msk [tilespmem:v0+s21+$0x470 ss:$0x1], $0xffff;
	[tilespmem:s15+$0x14A0 ss:$0x21] =	vst.msk $0xffff, v44  }
0x18: {  	v50 =	vld.idx.msk [tilespmem:v0+s21+$0x810 ss:$0x1], $0xffff;
	[tilespmem:s15+$0x16B0 ss:$0x21] =	vst.msk $0xffff, v45  }
0x19: {  	v51 =	vld.idx.msk [tilespmem:v0+s21+$0x820 ss:$0x1], $0xffff;
	[tilespmem:s15+$0x18C0 ss:$0x21] =	vst.msk $0xffff, v46  }
0x1a: {  	v52 =	vld.idx.msk [tilespmem:v0+s21+$0x830 ss:$0x1], $0xffff;
	[tilespmem:s15+$0x1AD0 ss:$0x21] =	vst.msk $0xffff, v47  }
0x1b: {  	v53 =	vld.idx.msk [tilespmem:v0+s21+$0x840 ss:$0x1], $0xffff;
	[tilespmem:s15+$0x1CE0 ss:$0x21] =	vst.msk $0xffff, v48  }
0x1c: {  	v54 =	vld.idx.msk [tilespmem:v0+s21+$0x850 ss:$0x1], $0xffff;
	[tilespmem:s15+$0x1EF0 ss:$0x21] =	vst.msk $0xffff, v49  }
0x1d: {  	v55 =	vld.idx.msk [tilespmem:v0+s21+$0x860 ss:$0x1], $0xffff;
	[tilespmem:s15+$0x2310 ss:$0x21] =	vst.msk $0xffff, v50  }
0x1e: {  	v56 =	vld.idx.msk [tilespmem:v0+s21+$0x870 ss:$0x1], $0xffff;
	[tilespmem:s15+$0x2520 ss:$0x21] =	vst.msk $0xffff, v51  }
0x1f: {  	v57 =	vld.idx.msk [tilespmem:v0+s21+$0xC10 ss:$0x1], $0xffff;
	[tilespmem:s15+$0x2730 ss:$0x21] =	vst.msk $0xffff, v52  }
0x20: {  	v58 =	vld.idx.msk [tilespmem:v0+s21+$0xC20 ss:$0x1], $0xffff;
	[tilespmem:s15+$0x2940 ss:$0x21] =	vst.msk $0xffff, v53  }
0x21: {  	v59 =	vld.idx.msk [tilespmem:v0+s21+$0xC30 ss:$0x1], $0xffff;
	[tilespmem:s15+$0x2B50 ss:$0x21] =	vst.msk $0xffff, v54  }
0x22: {  	v60 =	vld.idx.msk [tilespmem:v0+s21+$0xC40 ss:$0x1], $0xffff;
	[tilespmem:s15+$0x2D60 ss:$0x21] =	vst.msk $0xffff, v55  }
0x23: {  	v61 =	vld.idx.msk [tilespmem:v0+s21+$0xC50 ss:$0x1], $0xffff;
	[tilespmem:s15+$0x2F70 ss:$0x21] =	vst.msk $0xffff, v56  }
0x24: {  	v62 =	vld.idx.msk [tilespmem:v0+s21+$0xC60 ss:$0x1], $0xffff;
	[tilespmem:s15+$0x3390 ss:$0x21] =	vst.msk $0xffff, v57  }
0x25: {  	v63 =	vld.idx.msk [tilespmem:v0+s21+$0xC70 ss:$0x1], $0xffff;
	[tilespmem:s15+$0x35A0 ss:$0x21] =	vst.msk $0xffff, v58  }
0x26: {  	v32 =	vld [tilespmem:s24+$0xC00];
	[tilespmem:s15+$0x37B0 ss:$0x21] =	vst.msk $0xffff, v59  }
0x27: {  	v33 =	vld [tilespmem:s24+$0x0];
	[tilespmem:s15+$0x39C0 ss:$0x21] =	vst.msk $0xffff, v60  }
0x28: {  	v34 =	vld [tilespmem:s24+$0x10];
	[tilespmem:s15+$0x3BD0 ss:$0x21] =	vst.msk $0xffff, v61  }
0x29: {  	s13 =	sshll.u32 s13, $0x7;
	s26 =	sshll.u32 s12, $0x3;
	v35 =	vld [tilespmem:s24+$0x20];
	[tilespmem:s15+$0x3DE0 ss:$0x21] =	vst.msk $0xffff, v62  }
0x2a: {  	s27 =	sand.u32 $0xFFFFFC00, s13;
	s16 =	sand.u32 $0xFFFFFC00, s26;
	v36 =	vld [tilespmem:s24+$0x30];
	[tilespmem:s15+$0x3FF0 ss:$0x21] =	vst.msk $0xffff, v63  }
0x2b: {  	s13 =	sand.u32 $0x380, s13;
	s16 =	sadd.s32 s16, s27;
	v37 =	vld [tilespmem:s24+$0x40];
	[tilespmem:s15+$0x3180 ss:$0x21] =	vst.msk $0xffff, v32  }
0x2c: {  	s13 =	sor.u32 s13, s16;
	v38 =	vld [tilespmem:s24+$0x50];
	[tilespmem:s15+$0x0 ss:$0x21] =	vst.msk $0xffff, v33  }
0x2d: {  	v39 =	vld [tilespmem:s24+$0x60];
	s13 =	sshrl.u32 s13, $0x7;
	[tilespmem:s15+$0x210 ss:$0x21] =	vst.msk $0xffff, v34  }
0x2e: {  	v40 =	vld [tilespmem:s24+$0x70];
	s28 =	smulhi.u32 $0x29E71ED, s13;
	[tilespmem:s15+$0x420 ss:$0x21] =	vst.msk $0xffff, v35  }
0x2f: {  	v41 =	vld [tilespmem:s24+$0x400];
	[tilespmem:s15+$0x630 ss:$0x21] =	vst.msk $0xffff, v36  }
0x30: {  	v42 =	vld [tilespmem:s24+$0x800];
	s16 =	sshrl.u32 s28, $0xE;
	[tilespmem:s15+$0x840 ss:$0x21] =	vst.msk $0xffff, v37  }
0x31: {  	s16 =	smul.u32 $0x187000, s16;
	[tilespmem:s15+$0xA50 ss:$0x21] =	vst.msk $0xffff, v38  }
0x32: {  	s29 =	sshrl.u32 s12, $0x3;
	[tilespmem:s15+$0xC60 ss:$0x21] =	vst.msk $0xffff, v39  }
0x33: {  	s31 =	sand.u32 $0x7, s12;
	s30 =	sand.u32 $0xF, s29;
	[tilespmem:s15+$0xE70 ss:$0x21] =	vst.msk $0xffff, v40;
	s13 =	ssub.s32 s13, s16  }
0x34: {  	s12 =	sshll.u32 s31, $0x12;
	[tilespmem:s15+$0x1080 ss:$0x21] =	vst.msk $0xffff, v41;
	s16 =	sadd.s32 s6, s30;
	s13 =	sshll.u32 s13, $0x4  }
0x35: {  	s12 =	sor.u32 $0x20, s12;
	[tilespmem:s15+$0x2100 ss:$0x21] =	vst.msk $0xffff, v42;
	s13 =	sadd.s32 s13, s16  }
0x36: {  	[hbm4b:s13+s12] =	stream.strided.scatter [tilespmem:s14], [sflag:$0x2], $0x4000, s8, s12, $0x10;
	[tilespmem:$0x10400] =	vst v63  }
.LBB1_5:
0x37: {  	s14 =	sadd.s32 $0x4000, s9  }
0x38: {  	s12 =	sadd.s32 $0x20, s10;
	s16 =	smov.u32 s10;
	p2 =	sgt.s32 s14, $0x186FFF  }
0x39: {  	s16 =	smov.u32 @p2 s12  }
0x3a: {  	s14 =	smov.u32 @p2 s2;
	p2 =	sgt.s32 s16, $0x1F  }
0x3b: {  	s16 =	simm.s32 @p2 $0x0;
	p2 =	sne.s32 s11, s7  }
.Ltmp1:
0x3c: {  	p1 =	slt.u32 s11, $0x2;
	(pc) =	sbr.rel @!p2 .LBB1_6-.Ltmp1, $4  }
0x3d: {  	s15 =	simm.s32 @!p1 $0x2  }
0x3e: {  	s13 =	smov.u32 s9;
	p0 =	por !p0, !p0;
	_ =	swait.ge @!p1 [sflag:s15], $0x4000  }
0x3f: {  	s12 =	smov.u32 s10;
	[sflag:s15] =	ssyncset.done @!p1 $0x0;
	s9 =	smov.u32 s14  }
0x40: {  	s11 =	sadd.s32 $0x1, s11;
	[sflag:s15] =	ssyncadd.s32 @!p1 $0xFFFFC000;
	s10 =	smov.u32 s16  }
.LBB1_1:
0x41: {  	p1 =	sge.u32 s11, s5  }
0x42: {  	s14 =	sshrl.u32 @!p1 s10, $0x3  }
0x43: {  	s15 =	sshll.u32 @!p1 s9, $0x3;
	s16 =	sshll.u32 @!p1 s10, $0x7;
	s14 =	smul.u32 @!p1 $0xC38000, s14  }
0x44: {  	s17 =	sand.u32 @!p1 $0x7F, s9;
	s15 =	sand.u32 @!p1 $0xFFFFFC00, s15;
	s16 =	sand.u32 @!p1 $0x380, s16  }
0x45: {  	s14 =	sadd.s32 @!p1 s14, s15;
	s15 =	sor.u32 @!p1 s17, s16  }
0x46: {  	s15 =	sor.u32 @!p1 s14, s15  }
0x47: {  	s16 =	smulhi.u32 @!p1 $0xA79C7B17, s15;
	_ =	sdelay $0x1  }
0x48: {  	s14 =	smulhi.u32 @!p1 $0xA79C7B17, s14;
	s16 =	sshrl.u32 @!p1 s16, $0x14  }
0x49: {  	s16 =	smul.u32 @!p1 $0x187000, s16  }
0x4a: {  	s31 =	sadd.s32 $0xFFFFFFFF, s11;
	s17 =	sxor.u32 @!p1 $0xFFFFFFFF, s11;
	s14 =	sshrl.u32 @!p1 s14, $0x14  }
0x4b: {  	s17 =	sshll.u32 @!p1 s17, $0xE;
	s14 =	sand.u32 @!p1 $0x1F, s14;
	s15 =	ssub.s32 @!p1 s15, s16  }
0x4c: {  	s14 =	smul.u32 @!p1 $0x30E00, s14;
	s16 =	sshrl.u32 @!p1 s15, $0x3;
	s15 =	sand.u32 @!p1 $0x7, s15  }
0x4d: {  	s17 =	sand.u32 @!p1 $0x4000, s17;
	s16 =	sadd.s32 @!p1 s3, s16;
	s15 =	sshll.u32 @!p1 s15, $0x12  }
0x4e: {  	s14 =	sadd.s32 @!p1 s14, s16;
	s15 =	sor.u32 @!p1 $0x1000, s15;
	s16 =	simm.s32 @!p1 $0xC38000  }
0x4f: {  	[tilespmem:s17], [sflag:$0x1] =	stream.strided.gather @!p1 [hbm4b:s14+s15], $0x4000, s16, s15, $0x38;
	[tilespmem:$0x10400] =	vst v63  }
0x50: {  	p1 =	sge.u32 s31, s5  }
.Ltmp2:
0x51: {  	_ = 	snop;
	(pc) =	sbr.rel @p1 .LBB1_5-.Ltmp2, $1  }
0x52: {  	_ =	sdelay $0x3  }
0x53: {  	s17 =	simm.s32 $0x0  }
0x54: {  	s16 =	sand.u32 $0x3000, s17;
	s18 =	sand.u32 $0x380, s17  }
0x55: {  	s14 =	sand.u32 $0x1, s11;
	s16 =	sor.u32 s18, s16  }
0x56: {  	_ =	swait.ge [sflag:s4], $0x4000;
	s15 =	sshll.u32 s14, $0xE;
	s18 =	sand.u32 $0x3200, s16  }
0x57: {  	[sflag:s4] =	ssyncset.done $0x0;
	s17 =	sand.u32 $0x180, s17;
	s18 =	sadd.s32 s18, s15  }
0x58: {  	[sflag:s4] =	ssyncadd.s32 $0xFFFFC000;
	s20 =	sadd.s32 s17, s18  }
0x59: {  	v4 =	vld [tilespmem:s20+$0xC00]  }
0x5a: {  	s19 =	simm.s32 $0x1;
	v0 =	vmov s15;
	v5 =	vld [tilespmem:s20+$0x0]  }
0x5b: {  	s19 =	simm.s32 @!p0 $0x0;
	v6 =	vld [tilespmem:s20+$0x10]  }
0x5c: {  	s31 =	smul.u32 $0x10800, s19;
	v7 =	vld [tilespmem:s20+$0x20]  }
0x5d: {  	v8 =	vld [tilespmem:s20+$0x30]  }
0x5e: {  	s17 =	sshrl.u32 s31, $0x2;
	v9 =	vld [tilespmem:s20+$0x40]  }
0x5f: {  	s17 =	sor.u32 $0x8000, s17;
	v1 =	vld.idx.msk [tilespmem:v0+s16+$0x410 ss:$0x1], $0xffff  }
0x60: {  	v2 =	vld.idx.msk [tilespmem:v0+s16+$0x420 ss:$0x1], $0xffff;
	s18 =	sadd.s32 $0x0, s17  }
0x61: {  	v3 =	vld.idx.msk [tilespmem:v0+s16+$0x430 ss:$0x1], $0xffff;
	[tilespmem:s18+$0x3180 ss:$0x21] =	vst.msk $0xffff, v4  }
0x62: {  	v10 =	vld.idx.msk [tilespmem:v0+s16+$0x820 ss:$0x1], $0xffff;
	[tilespmem:s18+$0x0 ss:$0x21] =	vst.msk $0xffff, v5  }
0x63: {  	v11 =	vld.idx.msk [tilespmem:v0+s16+$0x830 ss:$0x1], $0xffff;
	[tilespmem:s18+$0x210 ss:$0x21] =	vst.msk $0xffff, v6  }
0x64: {  	v12 =	vld.idx.msk [tilespmem:v0+s16+$0x840 ss:$0x1], $0xffff;
	[tilespmem:s18+$0x420 ss:$0x21] =	vst.msk $0xffff, v7  }
0x65: {  	v13 =	vld.idx.msk [tilespmem:v0+s16+$0x850 ss:$0x1], $0xffff;
	[tilespmem:s18+$0x630 ss:$0x21] =	vst.msk $0xffff, v8  }
0x66: {  	v4 =	vld [tilespmem:s20+$0x50];
	[tilespmem:s18+$0x840 ss:$0x21] =	vst.msk $0xffff, v9  }
0x67: {  	v5 =	vld [tilespmem:s20+$0x60];
	[tilespmem:s18+$0x1290 ss:$0x21] =	vst.msk $0xffff, v1  }
0x68: {  	v6 =	vld [tilespmem:s20+$0x70];
	[tilespmem:s18+$0x14A0 ss:$0x21] =	vst.msk $0xffff, v2  }
0x69: {  	v7 =	vld [tilespmem:s20+$0x400];
	[tilespmem:s18+$0x16B0 ss:$0x21] =	vst.msk $0xffff, v3  }
0x6a: {  	v8 =	vld [tilespmem:s20+$0x800];
	[tilespmem:s18+$0x2520 ss:$0x21] =	vst.msk $0xffff, v10  }
0x6b: {  	v9 =	vld.idx.msk [tilespmem:v0+s16+$0x470 ss:$0x1], $0xffff;
	[tilespmem:s18+$0x2730 ss:$0x21] =	vst.msk $0xffff, v11  }
0x6c: {  	v3 =	vld.idx.msk [tilespmem:v0+s16+$0xC10 ss:$0x1], $0xffff;
	[tilespmem:s18+$0x2940 ss:$0x21] =	vst.msk $0xffff, v12  }
0x6d: {  	v1 =	vld.idx.msk [tilespmem:v0+s16+$0xC20 ss:$0x1], $0xffff;
	[tilespmem:s18+$0x2B50 ss:$0x21] =	vst.msk $0xffff, v13  }
0x6e: {  	v2 =	vld.idx.msk [tilespmem:v0+s16+$0xC30 ss:$0x1], $0xffff;
	[tilespmem:s18+$0xA50 ss:$0x21] =	vst.msk $0xffff, v4  }
0x6f: {  	[tilespmem:s18+$0xE70 ss:$0x21] =	vst.msk $0xffff, v6;
	v6 =	vld.idx.msk [tilespmem:v0+s16+$0x460 ss:$0x1], $0xffff  }
0x70: {  	v4 =	vld.idx.msk [tilespmem:v0+s16+$0x440 ss:$0x1], $0xffff;
	[tilespmem:s18+$0xC60 ss:$0x21] =	vst.msk $0xffff, v5  }
0x71: {  	v5 =	vld.idx.msk [tilespmem:v0+s16+$0x450 ss:$0x1], $0xffff;
	[tilespmem:s18+$0x1080 ss:$0x21] =	vst.msk $0xffff, v7  }
0x72: {  	[tilespmem:s18+$0x2100 ss:$0x21] =	vst.msk $0xffff, v8;
	v8 =	vld.idx.msk [tilespmem:v0+s16+$0x810 ss:$0x1], $0xffff  }
0x73: {  	v7 =	vld.idx.msk [tilespmem:v0+s16+$0x860 ss:$0x1], $0xffff;
	[tilespmem:s18+$0x1EF0 ss:$0x21] =	vst.msk $0xffff, v9  }
0x74: {  	s14 =	smul.u32 $0x10800, s14;
	[tilespmem:s18+$0x1CE0 ss:$0x21] =	vst.msk $0xffff, v6;
	v6 =	vld.idx.msk [tilespmem:v0+s16+$0x870 ss:$0x1], $0xffff  }
0x75: {  	s21 =	simm.s32 $0x200;
	s22 =	simm.s32 $0x8;
	[tilespmem:s18+$0x18C0 ss:$0x21] =	vst.msk $0xffff, v4;
	v4 =	vld.idx.msk [tilespmem:v0+s16+$0xC40 ss:$0x1], $0xffff  }
0x76: {  	s23 =	sand.u32 $0x3000, s21;
	s14 =	sshrl.u32 s14, $0x2;
	s20 =	simm.s32 $0x80;
	[tilespmem:s18+$0x1AD0 ss:$0x21] =	vst.msk $0xffff, v5;
	v5 =	vld.idx.msk [tilespmem:v0+s16+$0xC50 ss:$0x1], $0xffff  }
0x77: {  	s19 =	simm.s32 $0x4;
	s14 =	sor.u32 $0x8000, s14;
	s24 =	sand.u32 $0x380, s20;
	[tilespmem:s18+$0x2310 ss:$0x21] =	vst.msk $0xffff, v8;
	v8 =	vld.idx.msk [tilespmem:v0+s16+$0xC60 ss:$0x1], $0xffff  }
.LBB1_3:
0x78: {  	p1 =	sne.s32 s22, $0x7C;
	[tilespmem:s18+$0x2D60 ss:$0x21] =	vst.msk $0xffff, v7;
	v7 =	vld.idx.msk [tilespmem:v0+s16+$0xC70 ss:$0x1], $0xffff;
	s16 =	sor.u32 s24, s23  }
0x79: {  	s23 =	sand.u32 $0x3200, s16;
	v9 =	vld.idx.msk [tilespmem:v0+s16+$0x410 ss:$0x1], $0xffff;
	[tilespmem:s18+$0x2F70 ss:$0x21] =	vst.msk $0xffff, v6  }
0x7a: {  	s24 =	sand.u32 $0x180, s20;
	s23 =	sadd.s32 s23, s15;
	v6 =	vld.idx.msk [tilespmem:v0+s16+$0x420 ss:$0x1], $0xffff;
	[tilespmem:s18+$0x3390 ss:$0x21] =	vst.msk $0xffff, v3  }
0x7b: {  	s23 =	sadd.s32 s24, s23;
	v3 =	vld.idx.msk [tilespmem:v0+s16+$0x430 ss:$0x1], $0xffff;
	[tilespmem:s18+$0x35A0 ss:$0x21] =	vst.msk $0xffff, v1  }
0x7c: {  	v1 =	vld [tilespmem:s23+$0xC00];
	[tilespmem:s18+$0x37B0 ss:$0x21] =	vst.msk $0xffff, v2  }
0x7d: {  	v2 =	vld [tilespmem:s23+$0x0];
	[tilespmem:s18+$0x39C0 ss:$0x21] =	vst.msk $0xffff, v4  }
0x7e: {  	v4 =	vld [tilespmem:s23+$0x10];
	[tilespmem:s18+$0x3BD0 ss:$0x21] =	vst.msk $0xffff, v5  }
0x7f: {  	s24 =	sshra.s32 s19, $0x2;
	s19 =	smov.u32 s22;
	v5 =	vld [tilespmem:s23+$0x20];
	[tilespmem:s18+$0x3DE0 ss:$0x21] =	vst.msk $0xffff, v8  }
0x80: {  	v8 =	vld [tilespmem:s23+$0x30];
	[tilespmem:s18+$0x3FF0 ss:$0x21] =	vst.msk $0xffff, v7;
	s18 =	sadd.s32 s24, s17  }
0x81: {  	v7 =	vld [tilespmem:s23+$0x40];
	[tilespmem:s18+$0x3180 ss:$0x21] =	vst.msk $0xffff, v1  }
0x82: {  	[tilespmem:s18+$0x0 ss:$0x21] =	vst.msk $0xffff, v2;
	v1 =	vld [tilespmem:s23+$0x50]  }
0x83: {  	[tilespmem:s18+$0x210 ss:$0x21] =	vst.msk $0xffff, v4;
	v2 =	vld [tilespmem:s23+$0x60]  }
0x84: {  	[tilespmem:s18+$0x420 ss:$0x21] =	vst.msk $0xffff, v5;
	v4 =	vld [tilespmem:s23+$0x70]  }
0x85: {  	[tilespmem:s18+$0x630 ss:$0x21] =	vst.msk $0xffff, v8;
	v5 =	vld [tilespmem:s23+$0x400]  }
0x86: {  	[tilespmem:s18+$0x840 ss:$0x21] =	vst.msk $0xffff, v7;
	v7 =	vld [tilespmem:s23+$0x800]  }
0x87: {  	[tilespmem:s18+$0xA50 ss:$0x21] =	vst.msk $0xffff, v1;
	v1 =	vld.idx.msk [tilespmem:v0+s16+$0x440 ss:$0x1], $0xffff  }
0x88: {  	[tilespmem:s18+$0xC60 ss:$0x21] =	vst.msk $0xffff, v2;
	v2 =	vld.idx.msk [tilespmem:v0+s16+$0x450 ss:$0x1], $0xffff  }
0x89: {  	[tilespmem:s18+$0xE70 ss:$0x21] =	vst.msk $0xffff, v4;
	v4 =	vld.idx.msk [tilespmem:v0+s16+$0x460 ss:$0x1], $0xffff  }
0x8a: {  	[tilespmem:s18+$0x1080 ss:$0x21] =	vst.msk $0xffff, v5;
	v5 =	vld.idx.msk [tilespmem:v0+s16+$0x470 ss:$0x1], $0xffff  }
0x8b: {  	[tilespmem:s18+$0x2100 ss:$0x21] =	vst.msk $0xffff, v7;
	v8 =	vld.idx.msk [tilespmem:v0+s16+$0x810 ss:$0x1], $0xffff  }
0x8c: {  	[tilespmem:s18+$0x1290 ss:$0x21] =	vst.msk $0xffff, v9;
	v9 =	vld.idx.msk [tilespmem:v0+s16+$0x820 ss:$0x1], $0xffff  }
0x8d: {  	[tilespmem:s18+$0x14A0 ss:$0x21] =	vst.msk $0xffff, v6;
	v10 =	vld.idx.msk [tilespmem:v0+s16+$0x830 ss:$0x1], $0xffff  }
0x8e: {  	[tilespmem:s18+$0x16B0 ss:$0x21] =	vst.msk $0xffff, v3;
	v11 =	vld.idx.msk [tilespmem:v0+s16+$0x840 ss:$0x1], $0xffff  }
0x8f: {  	[tilespmem:s18+$0x18C0 ss:$0x21] =	vst.msk $0xffff, v1;
	v12 =	vld.idx.msk [tilespmem:v0+s16+$0x850 ss:$0x1], $0xffff  }
0x90: {  	[tilespmem:s18+$0x1AD0 ss:$0x21] =	vst.msk $0xffff, v2;
	v7 =	vld.idx.msk [tilespmem:v0+s16+$0x860 ss:$0x1], $0xffff  }
0x91: {  	[tilespmem:s18+$0x1CE0 ss:$0x21] =	vst.msk $0xffff, v4;
	v6 =	vld.idx.msk [tilespmem:v0+s16+$0x870 ss:$0x1], $0xffff  }
0x92: {  	[tilespmem:s18+$0x1EF0 ss:$0x21] =	vst.msk $0xffff, v5;
	v3 =	vld.idx.msk [tilespmem:v0+s16+$0xC10 ss:$0x1], $0xffff  }
.Ltmp3:
0x93: {  	[tilespmem:s18+$0x2310 ss:$0x21] =	vst.msk $0xffff, v8;
	v1 =	vld.idx.msk [tilespmem:v0+s16+$0xC20 ss:$0x1], $0xffff;
	(pc) =	sbr.rel @p1 .LBB1_3-.Ltmp3, $4  }
0x94: {  	[tilespmem:s18+$0x2520 ss:$0x21] =	vst.msk $0xffff, v9;
	v2 =	vld.idx.msk [tilespmem:v0+s16+$0xC30 ss:$0x1], $0xffff  }
0x95: {  	[tilespmem:s18+$0x2730 ss:$0x21] =	vst.msk $0xffff, v10;
	v4 =	vld.idx.msk [tilespmem:v0+s16+$0xC40 ss:$0x1], $0xffff  }
0x96: {  	s20 =	sadd.s32 $0x80, s20;
	s21 =	sadd.s32 $0x200, s21;
	[tilespmem:s18+$0x2940 ss:$0x21] =	vst.msk $0xffff, v11;
	v5 =	vld.idx.msk [tilespmem:v0+s16+$0xC50 ss:$0x1], $0xffff  }
0x97: {  	s22 =	sadd.s32 $0x4, s22;
	s24 =	sand.u32 $0x380, s20;
	s23 =	sand.u32 $0x3000, s21;
	[tilespmem:s18+$0x2B50 ss:$0x21] =	vst.msk $0xffff, v12;
	v8 =	vld.idx.msk [tilespmem:v0+s16+$0xC60 ss:$0x1], $0xffff  }
.Ltmp4:
0x98: {  	_ = 	snop;
	(pc) =	sbr.rel .LBB1_4-.Ltmp4, $1  }
0x99: {  	_ =	sdelay $0x3  }
.LBB1_6:
0x9a: {  	_ =	sfence.sel $0x180000  }
0x9b: {  	s2 =	simm.s32 $0x1;
	[bflag:$0x0] =	sbarrier.arrive $0xFFFF  }
0x9c: {  	s31 =	simm.s32 $0x2;
	[sflag:s2] =	ssyncpa.u1 $0x1  }
0x9d: {  	[sflag:s31] =	ssyncpa.u1 $0x1  }
0x9e: {  	p0 =	sne.s32 s0, $0x0;
	_ =	strace $0x90000050  }
0x9f: {  	s0 =	sadd.s32 @!p0 $0x100000, s1;
	[bflag:$0x2] =	sbarrier.arrive $0xFFFF  }
0xa0: {  	[sflag:s0] =	ssyncadd.tile.s32 @!p0 $0x1;
	_ =	shalt  }
.Lfunc_end1:
_tile_overlayer_lowered:
.L_overlay_start_2:
0xa1: {  	(tag) =	ssettag $0x2  }
0xa2: {  	s0 =	rddreg [dreg:$0x0];
	s2 =	stileid.u32  }
0xa3: {  	s1 =	rddreg [dreg:$0x1];
	p0 =	sne.s32 s2, $0x0  }
0xa4: {  	s3 =	rddreg [dreg:$0x2];
	[bflag:$0x3] =	sbarrier.arrive $0xFFFF;
	s2 =	simm.s32 @!p0 $0x1C01  }
0xa5: {  	[timem:s3], [sflag:s2] =	dma.local @!p0 [hbm:s0], s1  }
0xa6: {  	s0 =	simm.s32 @!p0 $0x1  }
0xa7: {  	_ =	swait.ge @!p0 [sflag:s0], s1  }
0xa8: {  	s1 =	ssub.s32 @!p0 $0x0, s1;
	[sflag:s0] =	ssyncset.done @!p0 $0x0  }
0xa9: {  	[sflag:s0] =	ssyncadd.s32 @!p0 s1  }
0xaa: {  	[bflag:$0x3] =	sbarrier.arrive $0xFFFF  }
0xab: {  	_ =	shalt  }

// kernel: sparse-core-data-format-call.cloned.1.call-start
scs
called_computation.3_lowered:
.L_overlay_start_0:
0x0: {  	s2 =	sld [smem:$0x3FD9]  }
0x1: {  	s3 =	sld [smem:$0x3FFE];
	_ =	sdelay $0x1  }
0x2: {  	s1 =	srdreg.scid  }
0x3: {  	s0 =	sand.u32 $0x1, s1  }
0x4: {  	s18 =	sshll.u32 s0, $0xA;
	s2 =	sadd.s32 s3, s2  }
0x5: {  	s2 =	sadd.s32 s2, s18  }
0x6: {  	[smem:$0x3F9E] =	sst s2  }
0x7: {  	_ = 	snop  }
0x8: {  	(tm) =	ssettm $0x1  }
0x9: {  	s19 =	sld [smem:$0x3FFB];
	_ =	sdelay $0x3  }
0xa: {  	_ =	strace s19  }
0xb: {  	s2 =	sld [smem:$0x3FFC];
	_ =	sdelay $0x3  }
0xc: {  	_ =	strace s2  }
0xd: {  	s2 =	sld [smem:$0x3FFD];
	_ =	sdelay $0x3  }
0xe: {  	_ =	strace s2  }
0xf: {  	_ =	strace $0x8FFFFFFF  }
0x10: {  	s20 =	sld [smem:$0x3FDB];
	_ =	sdelay $0x1  }
0x11: {  	s21 =	simm.s32 $_scs_section_size  }
0x12: {  	s4 =	simm.s32 $_size__tile_overlayer_lowered;
	s5 =	simm.s32 $_tile_overlayer_lowered  }
0x13: {  	s6 =	simm.s32 $0x1BFF;
	s22 =	sshll.u32 s5, $0x1;
	s3 =	sadd.s32 s21, s20  }
0x14: {  	s23 =	simm.s32 $0x0;
	s4 =	sshll.u32 s4, $0x1;
	s5 =	sadd.s32 s22, s3  }
0x15: {  	[timem:s23], [sflag:s6] =	dma.local [hbm:s5], s4  }
0x16: {  	_ =	swait.ge [sflag:s6], s4  }
0x17: {  	s4 =	ssub.s32 $0x0, s4;
	[sflag:s6] =	ssyncset.done $0x0  }
0x18: {  	[sflag:s6] =	ssyncadd.s32 s4;
	_ =	sdelay $0x1  }
0x19: {  	s24 =	simm.s32 $0x1B8B  }
0x1a: {  	_ =	swait.ge [sflag:s24], $0x1  }
0x1b: {  	[sflag:s24] =	ssyncset.done $0x0  }
0x1c: {  	[sflag:s24] =	ssyncadd.s32 $0xFFFFFFFF  }
0x1d: {  	s4 =	sld [smem:$0x0]  }
0x1e: {  	s5 =	sand.u32 $0xFFFFFFFE, s1  }
0x1f: {  	p0 =	sne.s32 s1, s5  }
0x20: {  	s5 =	sshll.u32 @p0 s5, $0xE  }
0x21: {  	s5 =	sadd.s32 @p0 $0x11B8D, s5;
	s6 =	sshll.u32 @p0 s4, $0x11  }
0x22: {  	s5 =	sor.u32 @p0 s6, s5  }
0x23: {  	[sflag:s5] =	ssyncadd.remote.s32 @p0 $0x1;
	_ =	sdelay $0x1  }
0x24: {  	s5 =	simm.s32 @p0 $0x1B8D  }
0x25: {  	_ =	swait.eq @p0 [sflag:s5], $0x1  }
0x26: {  	[sflag:s5] =	ssyncadd.s32 @p0 $0xFFFFFFFF  }
0x27: {  	s6 =	sshll.u32 @!p0 s1, $0xE  }
0x28: {  	s6 =	sor.u32 @!p0 $0x4000, s6;
	s5 =	simm.s32 @!p0 $0x1B8D  }
0x29: {  	s4 =	sshll.u32 @!p0 s4, $0x11;
	s6 =	sadd.s32 @!p0 $0x11B8D, s6;
	_ =	swait.eq @!p0 [sflag:s5], $0x1  }
0x2a: {  	s4 =	sor.u32 @!p0 s4, s6;
	[sflag:s5] =	ssyncadd.s32 @!p0 $0xFFFFFFFF  }
0x2b: {  	s26 =	simm.s32 $0x1B8E;
	s25 =	sld [smem:$0x3FFE];
	[sflag:s4] =	ssyncadd.remote.s32 @!p0 $0x1  }
0x2c: {  	s27 =	simm.s32 $execute0_lowered;
	[smem:$0x3FD2] =	sst s26  }
0x2d: {  	s5 =	sshll.u32 s27, $0x1;
	_ =	strace $0x8000004C;
	[dreg:$0x1] =	wrdreg $0xFFFFFFFF  }
0x2e: {  	s28 =	simm.s32 $_size_execute0_lowered;
	s3 =	sadd.s32 s3, s5;
	[dreg:$0x0] =	wrdreg $0x0  }
0x2f: {  	s5 =	sshll.u32 s28, $0x1;
	[dreg:$0x2] =	wrdreg s3  }
0x30: {  	[dreg:$0x3] =	wrdreg s5  }
0x31: {  	[dreg:$0x4] =	wrdreg $0xC0  }
0x32: {  	_ =	task [dreg:s23], $0x5FFFF  }
0x33: {  	[dreg:$0x1] =	wrdreg $0xFFFFFFFF  }
0x34: {  	[dreg:$0x0] =	wrdreg $0x60  }
0x35: {  	[dreg:$0x2] =	wrdreg s25  }
0x36: {  	[dreg:$0x3] =	wrdreg $0x9  }
0x37: {  	_ =	task.clear_ibuf [dreg:s23], $0x4FFFF;
	_ =	strace $0x9000004C  }
0x38: {  	s29 =	simm.s32 $0x9;
	_ =	strace $0x8000004E  }
0x39: {  	_ =	swait.ge [sflag:s29], $0x1  }
0x3a: {  	[sflag:s29] =	ssyncadd.s32 $0xFFFFFFFF  }
0x3b: {  	_ =	strace $0x9000004E  }
0x3c: {  	_ =	sfence  }
0x3d: {  	s30 =	sld [smem:$0x0];
	_ =	sdelay $0x2  }
0x3e: {  	s31 =	sshll.u32 s1, $0xD;
	s1 =	sshrl.u32 s1, $0x2  }
0x3f: {  	s4 =	sand.u32 $0x4000, s31;
	s1 =	sadd.s32 s1, s30  }
0x40: {  	s0 =	sor.u32 s4, s0;
	s1 =	sshll.u32 s1, $0x11  }
0x41: {  	s0 =	sor.u32 s1, s0  }
0x42: {  	s0 =	sadd.s32 $0x8F2B, s0  }
0x43: {  	[sflag:s0] =	ssyncadd.remote.s32 $0x1  }
0x44: {  	_ =	sfence.sel $0xFFFF  }
0x45: {  	[dreg:$0x0] =	wrdreg $0xFFFFFFFF;
	(pc) =	sbr.abs _section_cstart, $3  }
0x46: {  	[dreg:$0x1] =	wrdreg $0xFFFFFFFF  }
0x47: {  	_ =	task.clear_ibuf [dreg:s23], $0x2FFFF;
	_ =	strace $0x9FFFFFFF  }
0x48: {  	(tm) =	ssettm $0x7FFFFFFF  }
0x49: {  	_ =	shalt  }
tec
execute0_lowered:
.L_overlay_start_1:
0x0: {  	(tag) =	ssettag $0x1  }
0x1: {  	s0 =	srdreg.scid  }
0x2: {  	s6 =	rddreg [dreg:$0x0];
	s7 =	simm.s32 $0x1;
	s1 =	sshll.u32 s0, $0x4  }
0x3: {  	s8 =	simm.s32 $0x2;
	s0 =	stileid.u32;
	s1 =	sand.u32 $0x10, s1  }
0x4: {  	s13 =	simm.s32 $0x0;
	s12 =	simm.s32 $0x0;
	s1 =	sor.u32 s0, s1  }
0x5: {  	s10 =	simm.s32 $0x0;
	s3 =	sadd.s32 $0x2DF2A00, s6;
	s2 =	sshll.u32 s1, $0x9  }
0x6: {  	s11 =	simm.s32 $0x0;
	s6 =	sadd.s32 $0x340EA00, s6;
	s5 =	ssub.s32 $0x187000, s2  }
.Ltmp0:
0x7: {  	s1 =	rddreg [dreg:$0x1];
	s4 =	sand.u32 $0x3E00, s5;
	(pc) =	sbr.rel .LBB1_1-.Ltmp0, $4  }
0x8: {  	_ =	strace $0x8000004D;
	s9 =	smov.u32 s2;
	p0 =	sne.s32 s4, $0x0  }
0x9: {  	s5 =	sshrl.u32 s5, $0xE;
	s4 =	simm.s32 $0x1;
	s7 =	simm.s32 @!p0 $0x0  }
0xa: {  	[sflag:s4] =	ssyncpa.u1 $0x0;
	p0 =	por $0x0, $0x0;
	s5 =	sadd.s32 s7, s5  }
0xb: {  	[sflag:s8] =	ssyncpa.u1 $0x0;
	s8 =	simm.s32 $0x80;
	s7 =	sadd.s32 $0x1, s5  }
.LBB1_4:
0xc: {  	_ = 	snop  }
0xd: {  	[tilespmem:s18+$0x2D60 ss:$0x21] =	vst.msk $0xffff, v7  }
0xe: {  	[tilespmem:s18+$0x2F70 ss:$0x21] =	vst.msk $0xffff, v6  }
0xf: {  	[tilespmem:s18+$0x3390 ss:$0x21] =	vst.msk $0xffff, v3  }
0x10: {  	s21 =	sor.u32 s24, s23;
	v31 =	vld.idx.msk [tilespmem:v0+s16+$0xC70 ss:$0x1], $0xffff;
	[tilespmem:s18+$0x35A0 ss:$0x21] =	vst.msk $0xffff, v1  }
0x11: {  	[tilespmem:s18+$0x37B0 ss:$0x21] =	vst.msk $0xffff, v2;
	v43 =	vld.idx.msk [tilespmem:v0+s21+$0x410 ss:$0x1], $0xffff  }
0x12: {  	[tilespmem:s18+$0x39C0 ss:$0x21] =	vst.msk $0xffff, v4;
	v44 =	vld.idx.msk [tilespmem:v0+s21+$0x420 ss:$0x1], $0xffff  }
0x13: {  	[tilespmem:s18+$0x3BD0 ss:$0x21] =	vst.msk $0xffff, v5;
	s22 =	sand.u32 $0x3200, s21;
	v45 =	vld.idx.msk [tilespmem:v0+s21+$0x430 ss:$0x1], $0xffff  }
0x14: {  	s20 =	sand.u32 $0x180, s20;
	s25 =	sshra.s32 s19, $0x2;
	[tilespmem:s18+$0x3DE0 ss:$0x21] =	vst.msk $0xffff, v8;
	v46 =	vld.idx.msk [tilespmem:v0+s21+$0x440 ss:$0x1], $0xffff;
	s15 =	sadd.s32 s22, s15  }
0x15: {  	v47 =	vld.idx.msk [tilespmem:v0+s21+$0x450 ss:$0x1], $0xffff;
	s24 =	sadd.s32 s20, s15;
	s15 =	sadd.s32 s25, s17;
	[tilespmem:s18+$0x3FF0 ss:$0x21] =	vst.msk $0xffff, v31  }
0x16: {  	v48 =	vld.idx.msk [tilespmem:v0+s21+$0x460 ss:$0x1], $0xffff;
	[tilespmem:s15+$0x1290 ss:$0x21] =	vst.msk $0xffff, v43  }
0x17: {  	v49 =	vld.idx.msk [tilespmem:v0+s21+$0x470 ss:$0x1], $0xffff;
	[tilespmem:s15+$0x14A0 ss:$0x21] =	vst.msk $0xffff, v44  }
0x18: {  	v50 =	vld.idx.msk [tilespmem:v0+s21+$0x810 ss:$0x1], $0xffff;
	[tilespmem:s15+$0x16B0 ss:$0x21] =	vst.msk $0xffff, v45  }
0x19: {  	v51 =	vld.idx.msk [tilespmem:v0+s21+$0x820 ss:$0x1], $0xffff;
	[tilespmem:s15+$0x18C0 ss:$0x21] =	vst.msk $0xffff, v46  }
0x1a: {  	v52 =	vld.idx.msk [tilespmem:v0+s21+$0x830 ss:$0x1], $0xffff;
	[tilespmem:s15+$0x1AD0 ss:$0x21] =	vst.msk $0xffff, v47  }
0x1b: {  	v53 =	vld.idx.msk [tilespmem:v0+s21+$0x840 ss:$0x1], $0xffff;
	[tilespmem:s15+$0x1CE0 ss:$0x21] =	vst.msk $0xffff, v48  }
0x1c: {  	v54 =	vld.idx.msk [tilespmem:v0+s21+$0x850 ss:$0x1], $0xffff;
	[tilespmem:s15+$0x1EF0 ss:$0x21] =	vst.msk $0xffff, v49  }
0x1d: {  	v55 =	vld.idx.msk [tilespmem:v0+s21+$0x860 ss:$0x1], $0xffff;
	[tilespmem:s15+$0x2310 ss:$0x21] =	vst.msk $0xffff, v50  }
0x1e: {  	v56 =	vld.idx.msk [tilespmem:v0+s21+$0x870 ss:$0x1], $0xffff;
	[tilespmem:s15+$0x2520 ss:$0x21] =	vst.msk $0xffff, v51  }
0x1f: {  	v57 =	vld.idx.msk [tilespmem:v0+s21+$0xC10 ss:$0x1], $0xffff;
	[tilespmem:s15+$0x2730 ss:$0x21] =	vst.msk $0xffff, v52  }
0x20: {  	v58 =	vld.idx.msk [tilespmem:v0+s21+$0xC20 ss:$0x1], $0xffff;
	[tilespmem:s15+$0x2940 ss:$0x21] =	vst.msk $0xffff, v53  }
0x21: {  	v59 =	vld.idx.msk [tilespmem:v0+s21+$0xC30 ss:$0x1], $0xffff;
	[tilespmem:s15+$0x2B50 ss:$0x21] =	vst.msk $0xffff, v54  }
0x22: {  	v60 =	vld.idx.msk [tilespmem:v0+s21+$0xC40 ss:$0x1], $0xffff;
	[tilespmem:s15+$0x2D60 ss:$0x21] =	vst.msk $0xffff, v55  }
0x23: {  	v61 =	vld.idx.msk [tilespmem:v0+s21+$0xC50 ss:$0x1], $0xffff;
	[tilespmem:s15+$0x2F70 ss:$0x21] =	vst.msk $0xffff, v56  }
0x24: {  	v62 =	vld.idx.msk [tilespmem:v0+s21+$0xC60 ss:$0x1], $0xffff;
	[tilespmem:s15+$0x3390 ss:$0x21] =	vst.msk $0xffff, v57  }
0x25: {  	v63 =	vld.idx.msk [tilespmem:v0+s21+$0xC70 ss:$0x1], $0xffff;
	[tilespmem:s15+$0x35A0 ss:$0x21] =	vst.msk $0xffff, v58  }
0x26: {  	v32 =	vld [tilespmem:s24+$0xC00];
	[tilespmem:s15+$0x37B0 ss:$0x21] =	vst.msk $0xffff, v59  }
0x27: {  	v33 =	vld [tilespmem:s24+$0x0];
	[tilespmem:s15+$0x39C0 ss:$0x21] =	vst.msk $0xffff, v60  }
0x28: {  	v34 =	vld [tilespmem:s24+$0x10];
	[tilespmem:s15+$0x3BD0 ss:$0x21] =	vst.msk $0xffff, v61  }
0x29: {  	s13 =	sshll.u32 s13, $0x7;
	s26 =	sshll.u32 s12, $0x3;
	v35 =	vld [tilespmem:s24+$0x20];
	[tilespmem:s15+$0x3DE0 ss:$0x21] =	vst.msk $0xffff, v62  }
0x2a: {  	s27 =	sand.u32 $0xFFFFFC00, s13;
	s16 =	sand.u32 $0xFFFFFC00, s26;
	v36 =	vld [tilespmem:s24+$0x30];
	[tilespmem:s15+$0x3FF0 ss:$0x21] =	vst.msk $0xffff, v63  }
0x2b: {  	s13 =	sand.u32 $0x380, s13;
	s16 =	sadd.s32 s16, s27;
	v37 =	vld [tilespmem:s24+$0x40];
	[tilespmem:s15+$0x3180 ss:$0x21] =	vst.msk $0xffff, v32  }
0x2c: {  	s13 =	sor.u32 s13, s16;
	v38 =	vld [tilespmem:s24+$0x50];
	[tilespmem:s15+$0x0 ss:$0x21] =	vst.msk $0xffff, v33  }
0x2d: {  	v39 =	vld [tilespmem:s24+$0x60];
	s13 =	sshrl.u32 s13, $0x7;
	[tilespmem:s15+$0x210 ss:$0x21] =	vst.msk $0xffff, v34  }
0x2e: {  	v40 =	vld [tilespmem:s24+$0x70];
	s28 =	smulhi.u32 $0x29E71ED, s13;
	[tilespmem:s15+$0x420 ss:$0x21] =	vst.msk $0xffff, v35  }
0x2f: {  	v41 =	vld [tilespmem:s24+$0x400];
	[tilespmem:s15+$0x630 ss:$0x21] =	vst.msk $0xffff, v36  }
0x30: {  	v42 =	vld [tilespmem:s24+$0x800];
	s16 =	sshrl.u32 s28, $0xE;
	[tilespmem:s15+$0x840 ss:$0x21] =	vst.msk $0xffff, v37  }
0x31: {  	s16 =	smul.u32 $0x187000, s16;
	[tilespmem:s15+$0xA50 ss:$0x21] =	vst.msk $0xffff, v38  }
0x32: {  	s29 =	sshrl.u32 s12, $0x3;
	[tilespmem:s15+$0xC60 ss:$0x21] =	vst.msk $0xffff, v39  }
0x33: {  	s31 =	sand.u32 $0x7, s12;
	s30 =	sand.u32 $0xF, s29;
	[tilespmem:s15+$0xE70 ss:$0x21] =	vst.msk $0xffff, v40;
	s13 =	ssub.s32 s13, s16  }
0x34: {  	s12 =	sshll.u32 s31, $0x12;
	[tilespmem:s15+$0x1080 ss:$0x21] =	vst.msk $0xffff, v41;
	s16 =	sadd.s32 s6, s30;
	s13 =	sshll.u32 s13, $0x4  }
0x35: {  	s12 =	sor.u32 $0x20, s12;
	[tilespmem:s15+$0x2100 ss:$0x21] =	vst.msk $0xffff, v42;
	s13 =	sadd.s32 s13, s16  }
0x36: {  	[hbm4b:s13+s12] =	stream.strided.scatter [tilespmem:s14], [sflag:$0x2], $0x4000, s8, s12, $0x10;
	[tilespmem:$0x10400] =	vst v63  }
.LBB1_5:
0x37: {  	s14 =	sadd.s32 $0x4000, s9  }
0x38: {  	s12 =	sadd.s32 $0x20, s10;
	s16 =	smov.u32 s10;
	p2 =	sgt.s32 s14, $0x186FFF  }
0x39: {  	s16 =	smov.u32 @p2 s12  }
0x3a: {  	s14 =	smov.u32 @p2 s2;
	p2 =	sgt.s32 s16, $0x1F  }
0x3b: {  	s16 =	simm.s32 @p2 $0x0;
	p2 =	sne.s32 s11, s7  }
.Ltmp1:
0x3c: {  	p1 =	slt.u32 s11, $0x2;
	(pc) =	sbr.rel @!p2 .LBB1_6-.Ltmp1, $4  }
0x3d: {  	s15 =	simm.s32 @!p1 $0x2  }
0x3e: {  	s13 =	smov.u32 s9;
	p0 =	por !p0, !p0;
	_ =	swait.ge @!p1 [sflag:s15], $0x4000  }
0x3f: {  	s12 =	smov.u32 s10;
	[sflag:s15] =	ssyncset.done @!p1 $0x0;
	s9 =	smov.u32 s14  }
0x40: {  	s11 =	sadd.s32 $0x1, s11;
	[sflag:s15] =	ssyncadd.s32 @!p1 $0xFFFFC000;
	s10 =	smov.u32 s16  }
.LBB1_1:
0x41: {  	p1 =	sge.u32 s11, s5  }
0x42: {  	s14 =	sshrl.u32 @!p1 s10, $0x3  }
0x43: {  	s15 =	sshll.u32 @!p1 s9, $0x3;
	s16 =	sshll.u32 @!p1 s10, $0x7;
	s14 =	smul.u32 @!p1 $0xC38000, s14  }
0x44: {  	s17 =	sand.u32 @!p1 $0x7F, s9;
	s15 =	sand.u32 @!p1 $0xFFFFFC00, s15;
	s16 =	sand.u32 @!p1 $0x380, s16  }
0x45: {  	s14 =	sadd.s32 @!p1 s14, s15;
	s15 =	sor.u32 @!p1 s17, s16  }
0x46: {  	s15 =	sor.u32 @!p1 s14, s15  }
0x47: {  	s16 =	smulhi.u32 @!p1 $0xA79C7B17, s15;
	_ =	sdelay $0x1  }
0x48: {  	s14 =	smulhi.u32 @!p1 $0xA79C7B17, s14;
	s16 =	sshrl.u32 @!p1 s16, $0x14  }
0x49: {  	s16 =	smul.u32 @!p1 $0x187000, s16  }
0x4a: {  	s31 =	sadd.s32 $0xFFFFFFFF, s11;
	s17 =	sxor.u32 @!p1 $0xFFFFFFFF, s11;
	s14 =	sshrl.u32 @!p1 s14, $0x14  }
0x4b: {  	s17 =	sshll.u32 @!p1 s17, $0xE;
	s14 =	sand.u32 @!p1 $0x1F, s14;
	s15 =	ssub.s32 @!p1 s15, s16  }
0x4c: {  	s14 =	smul.u32 @!p1 $0x30E00, s14;
	s16 =	sshrl.u32 @!p1 s15, $0x3;
	s15 =	sand.u32 @!p1 $0x7, s15  }
0x4d: {  	s17 =	sand.u32 @!p1 $0x4000, s17;
	s16 =	sadd.s32 @!p1 s3, s16;
	s15 =	sshll.u32 @!p1 s15, $0x12  }
0x4e: {  	s14 =	sadd.s32 @!p1 s14, s16;
	s15 =	sor.u32 @!p1 $0x1000, s15;
	s16 =	simm.s32 @!p1 $0xC38000  }
0x4f: {  	[tilespmem:s17], [sflag:$0x1] =	stream.strided.gather @!p1 [hbm4b:s14+s15], $0x4000, s16, s15, $0x38;
	[tilespmem:$0x10400] =	vst v63  }
0x50: {  	p1 =	sge.u32 s31, s5  }
.Ltmp2:
0x51: {  	_ = 	snop;
	(pc) =	sbr.rel @p1 .LBB1_5-.Ltmp2, $1  }
0x52: {  	_ =	sdelay $0x3  }
0x53: {  	s17 =	simm.s32 $0x0  }
0x54: {  	s16 =	sand.u32 $0x3000, s17;
	s18 =	sand.u32 $0x380, s17  }
0x55: {  	s14 =	sand.u32 $0x1, s11;
	s16 =	sor.u32 s18, s16  }
0x56: {  	_ =	swait.ge [sflag:s4], $0x4000;
	s15 =	sshll.u32 s14, $0xE;
	s18 =	sand.u32 $0x3200, s16  }
0x57: {  	[sflag:s4] =	ssyncset.done $0x0;
	s17 =	sand.u32 $0x180, s17;
	s18 =	sadd.s32 s18, s15  }
0x58: {  	[sflag:s4] =	ssyncadd.s32 $0xFFFFC000;
	s20 =	sadd.s32 s17, s18  }
0x59: {  	v4 =	vld [tilespmem:s20+$0xC00]  }
0x5a: {  	s19 =	simm.s32 $0x1;
	v0 =	vmov s15;
	v5 =	vld [tilespmem:s20+$0x0]  }
0x5b: {  	s19 =	simm.s32 @!p0 $0x0;
	v6 =	vld [tilespmem:s20+$0x10]  }
0x5c: {  	s31 =	smul.u32 $0x10800, s19;
	v7 =	vld [tilespmem:s20+$0x20]  }
0x5d: {  	v8 =	vld [tilespmem:s20+$0x30]  }
0x5e: {  	s17 =	sshrl.u32 s31, $0x2;
	v9 =	vld [tilespmem:s20+$0x40]  }
0x5f: {  	s17 =	sor.u32 $0x8000, s17;
	v1 =	vld.idx.msk [tilespmem:v0+s16+$0x410 ss:$0x1], $0xffff  }
0x60: {  	v2 =	vld.idx.msk [tilespmem:v0+s16+$0x420 ss:$0x1], $0xffff;
	s18 =	sadd.s32 $0x0, s17  }
0x61: {  	v3 =	vld.idx.msk [tilespmem:v0+s16+$0x430 ss:$0x1], $0xffff;
	[tilespmem:s18+$0x3180 ss:$0x21] =	vst.msk $0xffff, v4  }
0x62: {  	v10 =	vld.idx.msk [tilespmem:v0+s16+$0x820 ss:$0x1], $0xffff;
	[tilespmem:s18+$0x0 ss:$0x21] =	vst.msk $0xffff, v5  }
0x63: {  	v11 =	vld.idx.msk [tilespmem:v0+s16+$0x830 ss:$0x1], $0xffff;
	[tilespmem:s18+$0x210 ss:$0x21] =	vst.msk $0xffff, v6  }
0x64: {  	v12 =	vld.idx.msk [tilespmem:v0+s16+$0x840 ss:$0x1], $0xffff;
	[tilespmem:s18+$0x420 ss:$0x21] =	vst.msk $0xffff, v7  }
0x65: {  	v13 =	vld.idx.msk [tilespmem:v0+s16+$0x850 ss:$0x1], $0xffff;
	[tilespmem:s18+$0x630 ss:$0x21] =	vst.msk $0xffff, v8  }
0x66: {  	v4 =	vld [tilespmem:s20+$0x50];
	[tilespmem:s18+$0x840 ss:$0x21] =	vst.msk $0xffff, v9  }
0x67: {  	v5 =	vld [tilespmem:s20+$0x60];
	[tilespmem:s18+$0x1290 ss:$0x21] =	vst.msk $0xffff, v1  }
0x68: {  	v6 =	vld [tilespmem:s20+$0x70];
	[tilespmem:s18+$0x14A0 ss:$0x21] =	vst.msk $0xffff, v2  }
0x69: {  	v7 =	vld [tilespmem:s20+$0x400];
	[tilespmem:s18+$0x16B0 ss:$0x21] =	vst.msk $0xffff, v3  }
0x6a: {  	v8 =	vld [tilespmem:s20+$0x800];
	[tilespmem:s18+$0x2520 ss:$0x21] =	vst.msk $0xffff, v10  }
0x6b: {  	v9 =	vld.idx.msk [tilespmem:v0+s16+$0x470 ss:$0x1], $0xffff;
	[tilespmem:s18+$0x2730 ss:$0x21] =	vst.msk $0xffff, v11  }
0x6c: {  	v3 =	vld.idx.msk [tilespmem:v0+s16+$0xC10 ss:$0x1], $0xffff;
	[tilespmem:s18+$0x2940 ss:$0x21] =	vst.msk $0xffff, v12  }
0x6d: {  	v1 =	vld.idx.msk [tilespmem:v0+s16+$0xC20 ss:$0x1], $0xffff;
	[tilespmem:s18+$0x2B50 ss:$0x21] =	vst.msk $0xffff, v13  }
0x6e: {  	v2 =	vld.idx.msk [tilespmem:v0+s16+$0xC30 ss:$0x1], $0xffff;
	[tilespmem:s18+$0xA50 ss:$0x21] =	vst.msk $0xffff, v4  }
0x6f: {  	[tilespmem:s18+$0xE70 ss:$0x21] =	vst.msk $0xffff, v6;
	v6 =	vld.idx.msk [tilespmem:v0+s16+$0x460 ss:$0x1], $0xffff  }
0x70: {  	v4 =	vld.idx.msk [tilespmem:v0+s16+$0x440 ss:$0x1], $0xffff;
	[tilespmem:s18+$0xC60 ss:$0x21] =	vst.msk $0xffff, v5  }
0x71: {  	v5 =	vld.idx.msk [tilespmem:v0+s16+$0x450 ss:$0x1], $0xffff;
	[tilespmem:s18+$0x1080 ss:$0x21] =	vst.msk $0xffff, v7  }
0x72: {  	[tilespmem:s18+$0x2100 ss:$0x21] =	vst.msk $0xffff, v8;
	v8 =	vld.idx.msk [tilespmem:v0+s16+$0x810 ss:$0x1], $0xffff  }
0x73: {  	v7 =	vld.idx.msk [tilespmem:v0+s16+$0x860 ss:$0x1], $0xffff;
	[tilespmem:s18+$0x1EF0 ss:$0x21] =	vst.msk $0xffff, v9  }
0x74: {  	s14 =	smul.u32 $0x10800, s14;
	[tilespmem:s18+$0x1CE0 ss:$0x21] =	vst.msk $0xffff, v6;
	v6 =	vld.idx.msk [tilespmem:v0+s16+$0x870 ss:$0x1], $0xffff  }
0x75: {  	s21 =	simm.s32 $0x200;
	s22 =	simm.s32 $0x8;
	[tilespmem:s18+$0x18C0 ss:$0x21] =	vst.msk $0xffff, v4;
	v4 =	vld.idx.msk [tilespmem:v0+s16+$0xC40 ss:$0x1], $0xffff  }
0x76: {  	s23 =	sand.u32 $0x3000, s21;
	s14 =	sshrl.u32 s14, $0x2;
	s20 =	simm.s32 $0x80;
	[tilespmem:s18+$0x1AD0 ss:$0x21] =	vst.msk $0xffff, v5;
	v5 =	vld.idx.msk [tilespmem:v0+s16+$0xC50 ss:$0x1], $0xffff  }
0x77: {  	s19 =	simm.s32 $0x4;
	s14 =	sor.u32 $0x8000, s14;
	s24 =	sand.u32 $0x380, s20;
	[tilespmem:s18+$0x2310 ss:$0x21] =	vst.msk $0xffff, v8;
	v8 =	vld.idx.msk [tilespmem:v0+s16+$0xC60 ss:$0x1], $0xffff  }
.LBB1_3:
0x78: {  	p1 =	sne.s32 s22, $0x7C;
	[tilespmem:s18+$0x2D60 ss:$0x21] =	vst.msk $0xffff, v7;
	v7 =	vld.idx.msk [tilespmem:v0+s16+$0xC70 ss:$0x1], $0xffff;
	s16 =	sor.u32 s24, s23  }
0x79: {  	s23 =	sand.u32 $0x3200, s16;
	v9 =	vld.idx.msk [tilespmem:v0+s16+$0x410 ss:$0x1], $0xffff;
	[tilespmem:s18+$0x2F70 ss:$0x21] =	vst.msk $0xffff, v6  }
0x7a: {  	s24 =	sand.u32 $0x180, s20;
	s23 =	sadd.s32 s23, s15;
	v6 =	vld.idx.msk [tilespmem:v0+s16+$0x420 ss:$0x1], $0xffff;
	[tilespmem:s18+$0x3390 ss:$0x21] =	vst.msk $0xffff, v3  }
0x7b: {  	s23 =	sadd.s32 s24, s23;
	v3 =	vld.idx.msk [tilespmem:v0+s16+$0x430 ss:$0x1], $0xffff;
	[tilespmem:s18+$0x35A0 ss:$0x21] =	vst.msk $0xffff, v1  }
0x7c: {  	v1 =	vld [tilespmem:s23+$0xC00];
	[tilespmem:s18+$0x37B0 ss:$0x21] =	vst.msk $0xffff, v2  }
0x7d: {  	v2 =	vld [tilespmem:s23+$0x0];
	[tilespmem:s18+$0x39C0 ss:$0x21] =	vst.msk $0xffff, v4  }
0x7e: {  	v4 =	vld [tilespmem:s23+$0x10];
	[tilespmem:s18+$0x3BD0 ss:$0x21] =	vst.msk $0xffff, v5  }
0x7f: {  	s24 =	sshra.s32 s19, $0x2;
	s19 =	smov.u32 s22;
	v5 =	vld [tilespmem:s23+$0x20];
	[tilespmem:s18+$0x3DE0 ss:$0x21] =	vst.msk $0xffff, v8  }
0x80: {  	v8 =	vld [tilespmem:s23+$0x30];
	[tilespmem:s18+$0x3FF0 ss:$0x21] =	vst.msk $0xffff, v7;
	s18 =	sadd.s32 s24, s17  }
0x81: {  	v7 =	vld [tilespmem:s23+$0x40];
	[tilespmem:s18+$0x3180 ss:$0x21] =	vst.msk $0xffff, v1  }
0x82: {  	[tilespmem:s18+$0x0 ss:$0x21] =	vst.msk $0xffff, v2;
	v1 =	vld [tilespmem:s23+$0x50]  }
0x83: {  	[tilespmem:s18+$0x210 ss:$0x21] =	vst.msk $0xffff, v4;
	v2 =	vld [tilespmem:s23+$0x60]  }
0x84: {  	[tilespmem:s18+$0x420 ss:$0x21] =	vst.msk $0xffff, v5;
	v4 =	vld [tilespmem:s23+$0x70]  }
0x85: {  	[tilespmem:s18+$0x630 ss:$0x21] =	vst.msk $0xffff, v8;
	v5 =	vld [tilespmem:s23+$0x400]  }
0x86: {  	[tilespmem:s18+$0x840 ss:$0x21] =	vst.msk $0xffff, v7;
	v7 =	vld [tilespmem:s23+$0x800]  }
0x87: {  	[tilespmem:s18+$0xA50 ss:$0x21] =	vst.msk $0xffff, v1;
	v1 =	vld.idx.msk [tilespmem:v0+s16+$0x440 ss:$0x1], $0xffff  }
0x88: {  	[tilespmem:s18+$0xC60 ss:$0x21] =	vst.msk $0xffff, v2;
	v2 =	vld.idx.msk [tilespmem:v0+s16+$0x450 ss:$0x1], $0xffff  }
0x89: {  	[tilespmem:s18+$0xE70 ss:$0x21] =	vst.msk $0xffff, v4;
	v4 =	vld.idx.msk [tilespmem:v0+s16+$0x460 ss:$0x1], $0xffff  }
0x8a: {  	[tilespmem:s18+$0x1080 ss:$0x21] =	vst.msk $0xffff, v5;
	v5 =	vld.idx.msk [tilespmem:v0+s16+$0x470 ss:$0x1], $0xffff  }
0x8b: {  	[tilespmem:s18+$0x2100 ss:$0x21] =	vst.msk $0xffff, v7;
	v8 =	vld.idx.msk [tilespmem:v0+s16+$0x810 ss:$0x1], $0xffff  }
0x8c: {  	[tilespmem:s18+$0x1290 ss:$0x21] =	vst.msk $0xffff, v9;
	v9 =	vld.idx.msk [tilespmem:v0+s16+$0x820 ss:$0x1], $0xffff  }
0x8d: {  	[tilespmem:s18+$0x14A0 ss:$0x21] =	vst.msk $0xffff, v6;
	v10 =	vld.idx.msk [tilespmem:v0+s16+$0x830 ss:$0x1], $0xffff  }
0x8e: {  	[tilespmem:s18+$0x16B0 ss:$0x21] =	vst.msk $0xffff, v3;
	v11 =	vld.idx.msk [tilespmem:v0+s16+$0x840 ss:$0x1], $0xffff  }
0x8f: {  	[tilespmem:s18+$0x18C0 ss:$0x21] =	vst.msk $0xffff, v1;
	v12 =	vld.idx.msk [tilespmem:v0+s16+$0x850 ss:$0x1], $0xffff  }
0x90: {  	[tilespmem:s18+$0x1AD0 ss:$0x21] =	vst.msk $0xffff, v2;
	v7 =	vld.idx.msk [tilespmem:v0+s16+$0x860 ss:$0x1], $0xffff  }
0x91: {  	[tilespmem:s18+$0x1CE0 ss:$0x21] =	vst.msk $0xffff, v4;
	v6 =	vld.idx.msk [tilespmem:v0+s16+$0x870 ss:$0x1], $0xffff  }
0x92: {  	[tilespmem:s18+$0x1EF0 ss:$0x21] =	vst.msk $0xffff, v5;
	v3 =	vld.idx.msk [tilespmem:v0+s16+$0xC10 ss:$0x1], $0xffff  }
.Ltmp3:
0x93: {  	[tilespmem:s18+$0x2310 ss:$0x21] =	vst.msk $0xffff, v8;
	v1 =	vld.idx.msk [tilespmem:v0+s16+$0xC20 ss:$0x1], $0xffff;
	(pc) =	sbr.rel @p1 .LBB1_3-.Ltmp3, $4  }
0x94: {  	[tilespmem:s18+$0x2520 ss:$0x21] =	vst.msk $0xffff, v9;
	v2 =	vld.idx.msk [tilespmem:v0+s16+$0xC30 ss:$0x1], $0xffff  }
0x95: {  	[tilespmem:s18+$0x2730 ss:$0x21] =	vst.msk $0xffff, v10;
	v4 =	vld.idx.msk [tilespmem:v0+s16+$0xC40 ss:$0x1], $0xffff  }
0x96: {  	s20 =	sadd.s32 $0x80, s20;
	s21 =	sadd.s32 $0x200, s21;
	[tilespmem:s18+$0x2940 ss:$0x21] =	vst.msk $0xffff, v11;
	v5 =	vld.idx.msk [tilespmem:v0+s16+$0xC50 ss:$0x1], $0xffff  }
0x97: {  	s22 =	sadd.s32 $0x4, s22;
	s24 =	sand.u32 $0x380, s20;
	s23 =	sand.u32 $0x3000, s21;
	[tilespmem:s18+$0x2B50 ss:$0x21] =	vst.msk $0xffff, v12;
	v8 =	vld.idx.msk [tilespmem:v0+s16+$0xC60 ss:$0x1], $0xffff  }
.Ltmp4:
0x98: {  	_ = 	snop;
	(pc) =	sbr.rel .LBB1_4-.Ltmp4, $1  }
0x99: {  	_ =	sdelay $0x3  }
.LBB1_6:
0x9a: {  	_ =	sfence.sel $0x180000  }
0x9b: {  	s2 =	simm.s32 $0x1;
	[bflag:$0x0] =	sbarrier.arrive $0xFFFF  }
0x9c: {  	s31 =	simm.s32 $0x2;
	[sflag:s2] =	ssyncpa.u1 $0x1  }
0x9d: {  	[sflag:s31] =	ssyncpa.u1 $0x1  }
0x9e: {  	p0 =	sne.s32 s0, $0x0;
	_ =	strace $0x9000004D  }
0x9f: {  	s0 =	sadd.s32 @!p0 $0x100000, s1;
	[bflag:$0x2] =	sbarrier.arrive $0xFFFF  }
0xa0: {  	[sflag:s0] =	ssyncadd.tile.s32 @!p0 $0x1;
	_ =	shalt  }
.Lfunc_end1:
_tile_overlayer_lowered:
.L_overlay_start_2:
0xa1: {  	(tag) =	ssettag $0x2  }
0xa2: {  	s0 =	rddreg [dreg:$0x0];
	s2 =	stileid.u32  }
0xa3: {  	s1 =	rddreg [dreg:$0x1];
	p0 =	sne.s32 s2, $0x0  }
0xa4: {  	s3 =	rddreg [dreg:$0x2];
	[bflag:$0x3] =	sbarrier.arrive $0xFFFF;
	s2 =	simm.s32 @!p0 $0x1C01  }
0xa5: {  	[timem:s3], [sflag:s2] =	dma.local @!p0 [hbm:s0], s1  }
0xa6: {  	s0 =	simm.s32 @!p0 $0x1  }
0xa7: {  	_ =	swait.ge @!p0 [sflag:s0], s1  }
0xa8: {  	s1 =	ssub.s32 @!p0 $0x0, s1;
	[sflag:s0] =	ssyncset.done @!p0 $0x0  }
0xa9: {  	[sflag:s0] =	ssyncadd.s32 @!p0 s1  }
0xaa: {  	[bflag:$0x3] =	sbarrier.arrive $0xFFFF  }
0xab: {  	_ =	shalt  }

</sc_bundles>
